<compile_context>
chip_gen: v7x
topology: tpu7x:2x2x1
jax: 0.10.2.dev20260603
libtpu: 0.0.44.dev20260713+nightly
codegen_flags: <defaults>
</compile_context>

<pallas_src>
import functools

import jax
import jax.numpy as jnp
from jax import lax
from jax.experimental import pallas as pl
from jax.experimental.pallas import tpu as pltpu
from jax.experimental.pallas import tpu_sc as plsc

B = 16384
D = 64
V = 100000
L = 16
NC = 2
NS = 16
NW = NC * NS
CPW = D // NW
CHUNK = 2048
NCH = B // CHUNK
GR = CHUNK // L


def _make_sc_kernel():
    mesh = plsc.VectorSubcoreMesh(core_axis_name="c", subcore_axis_name="s")

    @functools.partial(
        pl.kernel,
        mesh=mesh,
        out_type=jax.ShapeDtypeStruct((D, B), jnp.float32),
        compiler_params=pltpu.CompilerParams(needs_layout_passes=False,
                                             use_tc_tiling_on_sc=True),
        scratch_types=[
            pltpu.VMEM((V,), jnp.float32),
            pltpu.VMEM((B,), jnp.float32),
            pltpu.VMEM((2, CHUNK), jnp.int32),
            pltpu.SemaphoreType.DMA,
            pltpu.SemaphoreType.DMA,
            pltpu.SemaphoreType.DMA,
            pltpu.SemaphoreType.DMA,
        ],
    )
    def sc_body(ut_hbm, it_hbm, uix_hbm, iix_hbm, out_hbm,
                col_v, val_v, ixc_v, semc, semi0, semi1, semo):
        wid = lax.axis_index("s") * NC + lax.axis_index("c")
        semi = (semi0, semi1)
        out_cp = None

        for r in range(CPW):
            c = wid * CPW + r

            for tbl in range(2):
                table = ut_hbm if tbl == 0 else it_hbm
                ix_hbm = uix_hbm if tbl == 0 else iix_hbm
                ccp = pltpu.async_copy(table.at[c], col_v, semc)
                cps = {0: pltpu.async_copy(ix_hbm.at[pl.ds(0, CHUNK)],
                                           ixc_v.at[0], semi[0])}
                ccp.wait()
                if tbl == 0 and out_cp is not None:
                    out_cp.wait()
                for k in range(NCH):
                    if k + 1 < NCH:
                        nb = (k + 1) % 2
                        cps[k + 1] = pltpu.async_copy(
                            ix_hbm.at[pl.ds((k + 1) * CHUNK, CHUNK)],
                            ixc_v.at[nb], semi[nb])
                    cps[k].wait()
                    base = k * CHUNK
                    buf = k % 2

                    if tbl == 0:
                        @plsc.parallel_loop(0, GR, unroll=8)
                        def ubody(g, base=base, buf=buf):
                            off = pl.multiple_of(g * L, L)
                            ix = ixc_v[buf, pl.ds(off, L)]
                            val_v[pl.ds(base + off, L)] = (
                                plsc.load_gather(col_v, [ix]))
                    else:
                        @plsc.parallel_loop(0, GR, unroll=8)
                        def ibody(g, base=base, buf=buf):
                            off = pl.multiple_of(g * L, L)
                            pos = base + off
                            ix = ixc_v[buf, pl.ds(off, L)]
                            iv = plsc.load_gather(col_v, [ix])
                            val_v[pl.ds(pos, L)] = val_v[pl.ds(pos, L)] * iv

            out_cp = pltpu.async_copy(val_v, out_hbm.at[c], semo)

        out_cp.wait()

    return sc_body


_sc_kernel = _make_sc_kernel()


def kernel(inputs, user_embedding, item_embedding):
    prods = _sc_kernel(user_embedding.T, item_embedding.T,
                       inputs[:, 0], inputs[:, 1])
    return jnp.sum(prods, axis=0)

# --- scband reference (transcript-rebuilt; emitter-appended) ---
"""Pipeline reference for scband-recommender-25288767439509 (READ-ONLY COPY).

The authoritative reference and input builder live on the scoring server;
editing this copy changes nothing except your own understanding.
"""

import jax, jax.numpy as jnp
import numpy as np

NUM_USERS = 100000
NUM_ITEMS = 100000
EMBED_DIM = 64
BATCH = 16384


def setup_inputs(seed: int = 0) -> dict:
    key = jax.random.key(seed)
    k1, k2, k3 = jax.random.split(key, 3)
    inputs = jax.random.randint(k1, (BATCH, 2), 0, NUM_USERS, dtype=jnp.int32)
    user_embedding = jax.random.normal(k2, (NUM_USERS, EMBED_DIM), dtype=jnp.float32) * 0.05
    item_embedding = jax.random.normal(k3, (NUM_ITEMS, EMBED_DIM), dtype=jnp.float32) * 0.05
    return {"inputs": inputs, "user_embedding": user_embedding, "item_embedding": item_embedding}


def reference(inputs, user_embedding, item_embedding):
    # Faithful translation of Recommender.call
    user_vec = jnp.take(user_embedding, inputs[:, 0], axis=0)   # [B, D] embedding gather
    item_vec = jnp.take(item_embedding, inputs[:, 1], axis=0)   # [B, D] embedding gather
    return jnp.sum(user_vec * item_vec, axis=1)                 # [B] dot-product score

if __name__ == "__main__":
    import jax
    _d = setup_inputs()
    print(jax.jit(kernel)(*tuple(_d.values())))

</pallas_src>

<mosaic_0001>
#map = affine_map<(d0, d1) -> (0, 0)>
#map1 = affine_map<(d0, d1) -> (0)>
module attributes {stable_mosaic.version = 14 : i64} {
  func.func @sc_body(%arg0: i32, %arg1: i32, %arg2: memref<64x100000xf32, #tpu.memory_space<hbm>>, %arg3: memref<64x100000xf32, #tpu.memory_space<hbm>>, %arg4: memref<16384xi32, #tpu.memory_space<hbm>>, %arg5: memref<16384xi32, #tpu.memory_space<hbm>>, %arg6: memref<64x16384xf32, #tpu.memory_space<hbm>>, %arg7: memref<100000xf32, #tpu.memory_space<vmem>>, %arg8: memref<16384xf32, #tpu.memory_space<vmem>>, %arg9: memref<2x2048xi32, #tpu.memory_space<vmem>>, %arg10: memref<!tpu.dma_semaphore, #tpu.memory_space<semaphore_mem>>, %arg11: memref<!tpu.dma_semaphore, #tpu.memory_space<semaphore_mem>>, %arg12: memref<!tpu.dma_semaphore, #tpu.memory_space<semaphore_mem>>, %arg13: memref<!tpu.dma_semaphore, #tpu.memory_space<semaphore_mem>>) attributes {dimension_semantics = [#tpu.dimension_semantics<core_parallel>, #tpu.dimension_semantics<subcore_parallel>], iteration_bounds = array<i64: 2, 16>, scalar_prefetch = 0 : i64, scratch_operands = 7 : i64, tpu.core_type = #tpu.core_type<sc_vector_subcore>, window_params = [{transform_indices = #map}, {transform_indices = #map}, {transform_indices = #map1}, {transform_indices = #map1}, {transform_indices = #map}]} {
    %mul3A = arith.constant 2 : i32
    %mul3A_0 = arith.muli %arg1, %mul3A : i32
    %add3A = arith.addi %mul3A_0, %arg0 : i32
    %mul3A_1 = arith.constant 2 : i32
    %mul3A_2 = arith.muli %add3A, %mul3A_1 : i32
    %add3A_3 = arith.constant 0 : i32
    %add3A_4 = arith.addi %mul3A_2, %add3A_3 : i32
    %dma_start3A = arith.constant 0 : i32
    %dma_start3A_5 = tpu.memref_slice %arg2[%add3A_4, %dma_start3A] : memref<64x100000xf32, #tpu.memory_space<hbm>> -> memref<1x100000xf32, #tpu.memory_space<hbm>>
    %dma_start3A_6 = tpu.memref_squeeze %dma_start3A_5 : memref<1x100000xf32, #tpu.memory_space<hbm>> -> memref<100000xf32, #tpu.memory_space<hbm>>
    %dma_start3A_7 = arith.constant 0 : i32
    %dma_start3A_8 = tpu.memref_slice %arg2[%add3A_4, %dma_start3A_7] : memref<64x100000xf32, #tpu.memory_space<hbm>> -> memref<1x100000xf32, #tpu.memory_space<hbm>>
    %dma_start3A_9 = tpu.memref_squeeze %dma_start3A_8 : memref<1x100000xf32, #tpu.memory_space<hbm>> -> memref<100000xf32, #tpu.memory_space<hbm>>
    tpu.enqueue_dma source(%dma_start3A_9 : memref<100000xf32, #tpu.memory_space<hbm>>) target(%arg7 : memref<100000xf32, #tpu.memory_space<vmem>>) target_semaphore(%arg10 : memref<!tpu.dma_semaphore, #tpu.memory_space<semaphore_mem>>)
    %dma_start3A_10 = arith.constant 0 : i32
    %dma_start3A_11 = arith.constant 0 : i32
    %dma_start3A_12 = tpu.memref_slice %arg9[%dma_start3A_10, %dma_start3A_11] : memref<2x2048xi32, #tpu.memory_space<vmem>> -> memref<1x2048xi32, #tpu.memory_space<vmem>>
    %dma_start3A_13 = tpu.memref_squeeze %dma_start3A_12 : memref<1x2048xi32, #tpu.memory_space<vmem>> -> memref<2048xi32, #tpu.memory_space<vmem>>
    %dma_start3A_14 = arith.constant 0 : i32
    %dma_start3A_15 = tpu.memref_slice %arg4[%dma_start3A_14] : memref<16384xi32, #tpu.memory_space<hbm>> -> memref<2048xi32, #tpu.memory_space<hbm>>
    %dma_start3A_16 = arith.constant 0 : i32
    %dma_start3A_17 = tpu.memref_slice %arg9[%dma_start3A_10, %dma_start3A_16] : memref<2x2048xi32, #tpu.memory_space<vmem>> -> memref<1x2048xi32, #tpu.memory_space<vmem>>
    %dma_start3A_18 = tpu.memref_squeeze %dma_start3A_17 : memref<1x2048xi32, #tpu.memory_space<vmem>> -> memref<2048xi32, #tpu.memory_space<vmem>>
    %dma_start3A_19 = arith.constant 0 : i32
    %dma_start3A_20 = tpu.memref_slice %arg4[%dma_start3A_19] : memref<16384xi32, #tpu.memory_space<hbm>> -> memref<2048xi32, #tpu.memory_space<hbm>>
    tpu.enqueue_dma source(%dma_start3A_20 : memref<2048xi32, #tpu.memory_space<hbm>>) target(%dma_start3A_18 : memref<2048xi32, #tpu.memory_space<vmem>>) target_semaphore(%arg11 : memref<!tpu.dma_semaphore, #tpu.memory_space<semaphore_mem>>)
    %dma_wait3A = arith.constant 0 : i32
    %dma_wait3A_21 = tpu.memref_slice %arg2[%add3A_4, %dma_wait3A] : memref<64x100000xf32, #tpu.memory_space<hbm>> -> memref<1x100000xf32, #tpu.memory_space<hbm>>
    %dma_wait3A_22 = tpu.memref_squeeze %dma_wait3A_21 : memref<1x100000xf32, #tpu.memory_space<hbm>> -> memref<100000xf32, #tpu.memory_space<hbm>>
    %dma_wait3A_23 = arith.constant 0 : i32
    %dma_wait3A_24 = tpu.memref_slice %arg2[%add3A_4, %dma_wait3A_23] : memref<64x100000xf32, #tpu.memory_space<hbm>> -> memref<1x100000xf32, #tpu.memory_space<hbm>>
    %dma_wait3A_25 = tpu.memref_squeeze %dma_wait3A_24 : memref<1x100000xf32, #tpu.memory_space<hbm>> -> memref<100000xf32, #tpu.memory_space<hbm>>
    tpu.wait_dma2 semaphore(%arg10 : memref<!tpu.dma_semaphore, #tpu.memory_space<semaphore_mem>>) src(%dma_wait3A_25 : memref<100000xf32, #tpu.memory_space<hbm>>) dst(%arg7 : memref<100000xf32, #tpu.memory_space<vmem>>)
    %dma_start3A_26 = arith.constant 1 : i32
    %dma_start3A_27 = arith.constant 0 : i32
    %dma_start3A_28 = tpu.memref_slice %arg9[%dma_start3A_26, %dma_start3A_27] : memref<2x2048xi32, #tpu.memory_space<vmem>> -> memref<1x2048xi32, #tpu.memory_space<vmem>>
    %dma_start3A_29 = tpu.memref_squeeze %dma_start3A_28 : memref<1x2048xi32, #tpu.memory_space<vmem>> -> memref<2048xi32, #tpu.memory_space<vmem>>
    %dma_start3A_30 = arith.constant 2048 : i32
    %dma_start3A_31 = tpu.memref_slice %arg4[%dma_start3A_30] : memref<16384xi32, #tpu.memory_space<hbm>> -> memref<2048xi32, #tpu.memory_space<hbm>>
    %dma_start3A_32 = arith.constant 0 : i32
    %dma_start3A_33 = tpu.memref_slice %arg9[%dma_start3A_26, %dma_start3A_32] : memref<2x2048xi32, #tpu.memory_space<vmem>> -> memref<1x2048xi32, #tpu.memory_space<vmem>>
    %dma_start3A_34 = tpu.memref_squeeze %dma_start3A_33 : memref<1x2048xi32, #tpu.memory_space<vmem>> -> memref<2048xi32, #tpu.memory_space<vmem>>
    %dma_start3A_35 = arith.constant 2048 : i32
    %dma_start3A_36 = tpu.memref_slice %arg4[%dma_start3A_35] : memref<16384xi32, #tpu.memory_space<hbm>> -> memref<2048xi32, #tpu.memory_space<hbm>>
    tpu.enqueue_dma source(%dma_start3A_36 : memref<2048xi32, #tpu.memory_space<hbm>>) target(%dma_start3A_34 : memref<2048xi32, #tpu.memory_space<vmem>>) target_semaphore(%arg12 : memref<!tpu.dma_semaphore, #tpu.memory_space<semaphore_mem>>)
    %dma_wait3A_37 = arith.constant 0 : i32
    %dma_wait3A_38 = arith.constant 0 : i32
    %dma_wait3A_39 = tpu.memref_slice %arg9[%dma_wait3A_37, %dma_wait3A_38] : memref<2x2048xi32, #tpu.memory_space<vmem>> -> memref<1x2048xi32, #tpu.memory_space<vmem>>
    %dma_wait3A_40 = tpu.memref_squeeze %dma_wait3A_39 : memref<1x2048xi32, #tpu.memory_space<vmem>> -> memref<2048xi32, #tpu.memory_space<vmem>>
    %dma_wait3A_41 = arith.constant 0 : i32
    %dma_wait3A_42 = tpu.memref_slice %arg4[%dma_wait3A_41] : memref<16384xi32, #tpu.memory_space<hbm>> -> memref<2048xi32, #tpu.memory_space<hbm>>
    %dma_wait3A_43 = arith.constant 0 : i32
    %dma_wait3A_44 = tpu.memref_slice %arg9[%dma_wait3A_37, %dma_wait3A_43] : memref<2x2048xi32, #tpu.memory_space<vmem>> -> memref<1x2048xi32, #tpu.memory_space<vmem>>
    %dma_wait3A_45 = tpu.memref_squeeze %dma_wait3A_44 : memref<1x2048xi32, #tpu.memory_space<vmem>> -> memref<2048xi32, #tpu.memory_space<vmem>>
    %dma_wait3A_46 = arith.constant 0 : i32
    %dma_wait3A_47 = tpu.memref_slice %arg4[%dma_wait3A_46] : memref<16384xi32, #tpu.memory_space<hbm>> -> memref<2048xi32, #tpu.memory_space<hbm>>
    tpu.wait_dma2 semaphore(%arg11 : memref<!tpu.dma_semaphore, #tpu.memory_space<semaphore_mem>>) src(%dma_wait3A_47 : memref<2048xi32, #tpu.memory_space<hbm>>) dst(%dma_wait3A_45 : memref<2048xi32, #tpu.memory_space<vmem>>)
    %parallel_loop3A = arith.constant 0 : i32
    %parallel_loop3A_48 = arith.constant 128 : i32
    %parallel_loop3A_49 = arith.constant 1 : i32
    scf.for %parallel_loop3A_878 = %parallel_loop3A to %parallel_loop3A_48 step %parallel_loop3A_49  : i32 {
      %parallel_loop3A_879 = arith.constant 16 : i32
      %parallel_loop3A_880 = arith.muli %parallel_loop3A_878, %parallel_loop3A_879 : i32
      %parallel_loop3A_881 = tpu.assume_multiple %parallel_loop3A_880, 16 : i32
      %parallel_loop3A_882 = arith.constant 0 : i32
      %parallel_loop3A_883 = arith.index_cast %parallel_loop3A_882 : i32 to index
      %parallel_loop3A_884 = arith.index_cast %parallel_loop3A_881 : i32 to index
      %parallel_loop3A_885 = tpu.vector_load %arg9[%parallel_loop3A_883, %parallel_loop3A_884] {strides = array<i32>} : memref<2x2048xi32, #tpu.memory_space<vmem>>, vector<16xi32>,
      %parallel_loop3A_886 = tpu.vector_load_idx %arg7[%parallel_loop3A_885] : memref<100000xf32, #tpu.memory_space<vmem>>[vector<16xi32>], vector<16xf32>,
      %parallel_loop3A_887 = arith.constant 0 : i32
      %parallel_loop3A_888 = arith.addi %parallel_loop3A_887, %parallel_loop3A_881 : i32
      %parallel_loop3A_889 = arith.index_cast %parallel_loop3A_888 : i32 to index
      %parallel_loop3A_890 = tpu.vector_load %arg8[%parallel_loop3A_889] {strides = array<i32>} : memref<16384xf32, #tpu.memory_space<vmem>>, vector<16xf32>,
      tpu.vector_store %arg8[%parallel_loop3A_889], %parallel_loop3A_886 {strides = array<i32>} : memref<16384xf32, #tpu.memory_space<vmem>>, vector<16xf32>,
    } {sc.loop_unroll_factor = 8 : i64, sc.parallel_access}
    %dma_start3A_50 = arith.constant 0 : i32
    %dma_start3A_51 = arith.constant 0 : i32
    %dma_start3A_52 = tpu.memref_slice %arg9[%dma_start3A_50, %dma_start3A_51] : memref<2x2048xi32, #tpu.memory_space<vmem>> -> memref<1x2048xi32, #tpu.memory_space<vmem>>
    %dma_start3A_53 = tpu.memref_squeeze %dma_start3A_52 : memref<1x2048xi32, #tpu.memory_space<vmem>> -> memref<2048xi32, #tpu.memory_space<vmem>>
    %dma_start3A_54 = arith.constant 4096 : i32
    %dma_start3A_55 = tpu.memref_slice %arg4[%dma_start3A_54] : memref<16384xi32, #tpu.memory_space<hbm>> -> memref<2048xi32, #tpu.memory_space<hbm>>
    %dma_start3A_56 = arith.constant 0 : i32
    %dma_start3A_57 = tpu.memref_slice %arg9[%dma_start3A_50, %dma_start3A_56] : memref<2x2048xi32, #tpu.memory_space<vmem>> -> memref<1x2048xi32, #tpu.memory_space<vmem>>
    %dma_start3A_58 = tpu.memref_squeeze %dma_start3A_57 : memref<1x2048xi32, #tpu.memory_space<vmem>> -> memref<2048xi32, #tpu.memory_space<vmem>>
    %dma_start3A_59 = arith.constant 4096 : i32
    %dma_start3A_60 = tpu.memref_slice %arg4[%dma_start3A_59] : memref<16384xi32, #tpu.memory_space<hbm>> -> memref<2048xi32, #tpu.memory_space<hbm>>
    tpu.enqueue_dma source(%dma_start3A_60 : memref<2048xi32, #tpu.memory_space<hbm>>) target(%dma_start3A_58 : memref<2048xi32, #tpu.memory_space<vmem>>) target_semaphore(%arg11 : memref<!tpu.dma_semaphore, #tpu.memory_space<semaphore_mem>>)
    %dma_wait3A_61 = arith.constant 1 : i32
    %dma_wait3A_62 = arith.constant 0 : i32
    %dma_wait3A_63 = tpu.memref_slice %arg9[%dma_wait3A_61, %dma_wait3A_62] : memref<2x2048xi32, #tpu.memory_space<vmem>> -> memref<1x2048xi32, #tpu.memory_space<vmem>>
    %dma_wait3A_64 = tpu.memref_squeeze %dma_wait3A_63 : memref<1x2048xi32, #tpu.memory_space<vmem>> -> memref<2048xi32, #tpu.memory_space<vmem>>
    %dma_wait3A_65 = arith.constant 2048 : i32
    %dma_wait3A_66 = tpu.memref_slice %arg4[%dma_wait3A_65] : memref<16384xi32, #tpu.memory_space<hbm>> -> memref<2048xi32, #tpu.memory_space<hbm>>
    %dma_wait3A_67 = arith.constant 0 : i32
    %dma_wait3A_68 = tpu.memref_slice %arg9[%dma_wait3A_61, %dma_wait3A_67] : memref<2x2048xi32, #tpu.memory_space<vmem>> -> memref<1x2048xi32, #tpu.memory_space<vmem>>
    %dma_wait3A_69 = tpu.memref_squeeze %dma_wait3A_68 : memref<1x2048xi32, #tpu.memory_space<vmem>> -> memref<2048xi32, #tpu.memory_space<vmem>>
    %dma_wait3A_70 = arith.constant 2048 : i32
    %dma_wait3A_71 = tpu.memref_slice %arg4[%dma_wait3A_70] : memref<16384xi32, #tpu.memory_space<hbm>> -> memref<2048xi32, #tpu.memory_space<hbm>>
    tpu.wait_dma2 semaphore(%arg12 : memref<!tpu.dma_semaphore, #tpu.memory_space<semaphore_mem>>) src(%dma_wait3A_71 : memref<2048xi32, #tpu.memory_space<hbm>>) dst(%dma_wait3A_69 : memref<2048xi32, #tpu.memory_space<vmem>>)
    %parallel_loop3A_72 = arith.constant 0 : i32
    %parallel_loop3A_73 = arith.constant 128 : i32
    %parallel_loop3A_74 = arith.constant 1 : i32
    scf.for %parallel_loop3A_878 = %parallel_loop3A_72 to %parallel_loop3A_73 step %parallel_loop3A_74  : i32 {
      %parallel_loop3A_879 = arith.constant 16 : i32
      %parallel_loop3A_880 = arith.muli %parallel_loop3A_878, %parallel_loop3A_879 : i32
      %parallel_loop3A_881 = tpu.assume_multiple %parallel_loop3A_880, 16 : i32
      %parallel_loop3A_882 = arith.constant 1 : i32
      %parallel_loop3A_883 = arith.index_cast %parallel_loop3A_882 : i32 to index
      %parallel_loop3A_884 = arith.index_cast %parallel_loop3A_881 : i32 to index
      %parallel_loop3A_885 = tpu.vector_load %arg9[%parallel_loop3A_883, %parallel_loop3A_884] {strides = array<i32>} : memref<2x2048xi32, #tpu.memory_space<vmem>>, vector<16xi32>,
      %parallel_loop3A_886 = tpu.vector_load_idx %arg7[%parallel_loop3A_885] : memref<100000xf32, #tpu.memory_space<vmem>>[vector<16xi32>], vector<16xf32>,
      %parallel_loop3A_887 = arith.constant 2048 : i32
      %parallel_loop3A_888 = arith.addi %parallel_loop3A_887, %parallel_loop3A_881 : i32
      %parallel_loop3A_889 = arith.index_cast %parallel_loop3A_888 : i32 to index
      %parallel_loop3A_890 = tpu.vector_load %arg8[%parallel_loop3A_889] {strides = array<i32>} : memref<16384xf32, #tpu.memory_space<vmem>>, vector<16xf32>,
      tpu.vector_store %arg8[%parallel_loop3A_889], %parallel_loop3A_886 {strides = array<i32>} : memref<16384xf32, #tpu.memory_space<vmem>>, vector<16xf32>,
    } {sc.loop_unroll_factor = 8 : i64, sc.parallel_access}
    %dma_start3A_75 = arith.constant 1 : i32
    %dma_start3A_76 = arith.constant 0 : i32
    %dma_start3A_77 = tpu.memref_slice %arg9[%dma_start3A_75, %dma_start3A_76] : memref<2x2048xi32, #tpu.memory_space<vmem>> -> memref<1x2048xi32, #tpu.memory_space<vmem>>
    %dma_start3A_78 = tpu.memref_squeeze %dma_start3A_77 : memref<1x2048xi32, #tpu.memory_space<vmem>> -> memref<2048xi32, #tpu.memory_space<vmem>>
    %dma_start3A_79 = arith.constant 6144 : i32
    %dma_start3A_80 = tpu.memref_slice %arg4[%dma_start3A_79] : memref<16384xi32, #tpu.memory_space<hbm>> -> memref<2048xi32, #tpu.memory_space<hbm>>
    %dma_start3A_81 = arith.constant 0 : i32
    %dma_start3A_82 = tpu.memref_slice %arg9[%dma_start3A_75, %dma_start3A_81] : memref<2x2048xi32, #tpu.memory_space<vmem>> -> memref<1x2048xi32, #tpu.memory_space<vmem>>
    %dma_start3A_83 = tpu.memref_squeeze %dma_start3A_82 : memref<1x2048xi32, #tpu.memory_space<vmem>> -> memref<2048xi32, #tpu.memory_space<vmem>>
    %dma_start3A_84 = arith.constant 6144 : i32
    %dma_start3A_85 = tpu.memref_slice %arg4[%dma_start3A_84] : memref<16384xi32, #tpu.memory_space<hbm>> -> memref<2048xi32, #tpu.memory_space<hbm>>
    tpu.enqueue_dma source(%dma_start3A_85 : memref<2048xi32, #tpu.memory_space<hbm>>) target(%dma_start3A_83 : memref<2048xi32, #tpu.memory_space<vmem>>) target_semaphore(%arg12 : memref<!tpu.dma_semaphore, #tpu.memory_space<semaphore_mem>>)
    %dma_wait3A_86 = arith.constant 0 : i32
    %dma_wait3A_87 = arith.constant 0 : i32
    %dma_wait3A_88 = tpu.memref_slice %arg9[%dma_wait3A_86, %dma_wait3A_87] : memref<2x2048xi32, #tpu.memory_space<vmem>> -> memref<1x2048xi32, #tpu.memory_space<vmem>>
    %dma_wait3A_89 = tpu.memref_squeeze %dma_wait3A_88 : memref<1x2048xi32, #tpu.memory_space<vmem>> -> memref<2048xi32, #tpu.memory_space<vmem>>
    %dma_wait3A_90 = arith.constant 4096 : i32
    %dma_wait3A_91 = tpu.memref_slice %arg4[%dma_wait3A_90] : memref<16384xi32, #tpu.memory_space<hbm>> -> memref<2048xi32, #tpu.memory_space<hbm>>
    %dma_wait3A_92 = arith.constant 0 : i32
    %dma_wait3A_93 = tpu.memref_slice %arg9[%dma_wait3A_86, %dma_wait3A_92] : memref<2x2048xi32, #tpu.memory_space<vmem>> -> memref<1x2048xi32, #tpu.memory_space<vmem>>
    %dma_wait3A_94 = tpu.memref_squeeze %dma_wait3A_93 : memref<1x2048xi32, #tpu.memory_space<vmem>> -> memref<2048xi32, #tpu.memory_space<vmem>>
    %dma_wait3A_95 = arith.constant 4096 : i32
    %dma_wait3A_96 = tpu.memref_slice %arg4[%dma_wait3A_95] : memref<16384xi32, #tpu.memory_space<hbm>> -> memref<2048xi32, #tpu.memory_space<hbm>>
    tpu.wait_dma2 semaphore(%arg11 : memref<!tpu.dma_semaphore, #tpu.memory_space<semaphore_mem>>) src(%dma_wait3A_96 : memref<2048xi32, #tpu.memory_space<hbm>>) dst(%dma_wait3A_94 : memref<2048xi32, #tpu.memory_space<vmem>>)
    %parallel_loop3A_97 = arith.constant 0 : i32
    %parallel_loop3A_98 = arith.constant 128 : i32
    %parallel_loop3A_99 = arith.constant 1 : i32
    scf.for %parallel_loop3A_878 = %parallel_loop3A_97 to %parallel_loop3A_98 step %parallel_loop3A_99  : i32 {
      %parallel_loop3A_879 = arith.constant 16 : i32
      %parallel_loop3A_880 = arith.muli %parallel_loop3A_878, %parallel_loop3A_879 : i32
      %parallel_loop3A_881 = tpu.assume_multiple %parallel_loop3A_880, 16 : i32
      %parallel_loop3A_882 = arith.constant 0 : i32
      %parallel_loop3A_883 = arith.index_cast %parallel_loop3A_882 : i32 to index
      %parallel_loop3A_884 = arith.index_cast %parallel_loop3A_881 : i32 to index
      %parallel_loop3A_885 = tpu.vector_load %arg9[%parallel_loop3A_883, %parallel_loop3A_884] {strides = array<i32>} : memref<2x2048xi32, #tpu.memory_space<vmem>>, vector<16xi32>,
      %parallel_loop3A_886 = tpu.vector_load_idx %arg7[%parallel_loop3A_885] : memref<100000xf32, #tpu.memory_space<vmem>>[vector<16xi32>], vector<16xf32>,
      %parallel_loop3A_887 = arith.constant 4096 : i32
      %parallel_loop3A_888 = arith.addi %parallel_loop3A_887, %parallel_loop3A_881 : i32
      %parallel_loop3A_889 = arith.index_cast %parallel_loop3A_888 : i32 to index
      %parallel_loop3A_890 = tpu.vector_load %arg8[%parallel_loop3A_889] {strides = array<i32>} : memref<16384xf32, #tpu.memory_space<vmem>>, vector<16xf32>,
      tpu.vector_store %arg8[%parallel_loop3A_889], %parallel_loop3A_886 {strides = array<i32>} : memref<16384xf32, #tpu.memory_space<vmem>>, vector<16xf32>,
    } {sc.loop_unroll_factor = 8 : i64, sc.parallel_access}
    %dma_start3A_100 = arith.constant 0 : i32
    %dma_start3A_101 = arith.constant 0 : i32
    %dma_start3A_102 = tpu.memref_slice %arg9[%dma_start3A_100, %dma_start3A_101] : memref<2x2048xi32, #tpu.memory_space<vmem>> -> memref<1x2048xi32, #tpu.memory_space<vmem>>
    %dma_start3A_103 = tpu.memref_squeeze %dma_start3A_102 : memref<1x2048xi32, #tpu.memory_space<vmem>> -> memref<2048xi32, #tpu.memory_space<vmem>>
    %dma_start3A_104 = arith.constant 8192 : i32
    %dma_start3A_105 = tpu.memref_slice %arg4[%dma_start3A_104] : memref<16384xi32, #tpu.memory_space<hbm>> -> memref<2048xi32, #tpu.memory_space<hbm>>
    %dma_start3A_106 = arith.constant 0 : i32
    %dma_start3A_107 = tpu.memref_slice %arg9[%dma_start3A_100, %dma_start3A_106] : memref<2x2048xi32, #tpu.memory_space<vmem>> -> memref<1x2048xi32, #tpu.memory_space<vmem>>
    %dma_start3A_108 = tpu.memref_squeeze %dma_start3A_107 : memref<1x2048xi32, #tpu.memory_space<vmem>> -> memref<2048xi32, #tpu.memory_space<vmem>>
    %dma_start3A_109 = arith.constant 8192 : i32
    %dma_start3A_110 = tpu.memref_slice %arg4[%dma_start3A_109] : memref<16384xi32, #tpu.memory_space<hbm>> -> memref<2048xi32, #tpu.memory_space<hbm>>
    tpu.enqueue_dma source(%dma_start3A_110 : memref<2048xi32, #tpu.memory_space<hbm>>) target(%dma_start3A_108 : memref<2048xi32, #tpu.memory_space<vmem>>) target_semaphore(%arg11 : memref<!tpu.dma_semaphore, #tpu.memory_space<semaphore_mem>>)
    %dma_wait3A_111 = arith.constant 1 : i32
    %dma_wait3A_112 = arith.constant 0 : i32
    %dma_wait3A_113 = tpu.memref_slice %arg9[%dma_wait3A_111, %dma_wait3A_112] : memref<2x2048xi32, #tpu.memory_space<vmem>> -> memref<1x2048xi32, #tpu.memory_space<vmem>>
    %dma_wait3A_114 = tpu.memref_squeeze %dma_wait3A_113 : memref<1x2048xi32, #tpu.memory_space<vmem>> -> memref<2048xi32, #tpu.memory_space<vmem>>
    %dma_wait3A_115 = arith.constant 6144 : i32
    %dma_wait3A_116 = tpu.memref_slice %arg4[%dma_wait3A_115] : memref<16384xi32, #tpu.memory_space<hbm>> -> memref<2048xi32, #tpu.memory_space<hbm>>
    %dma_wait3A_117 = arith.constant 0 : i32
    %dma_wait3A_118 = tpu.memref_slice %arg9[%dma_wait3A_111, %dma_wait3A_117] : memref<2x2048xi32, #tpu.memory_space<vmem>> -> memref<1x2048xi32, #tpu.memory_space<vmem>>
    %dma_wait3A_119 = tpu.memref_squeeze %dma_wait3A_118 : memref<1x2048xi32, #tpu.memory_space<vmem>> -> memref<2048xi32, #tpu.memory_space<vmem>>
    %dma_wait3A_120 = arith.constant 6144 : i32
    %dma_wait3A_121 = tpu.memref_slice %arg4[%dma_wait3A_120] : memref<16384xi32, #tpu.memory_space<hbm>> -> memref<2048xi32, #tpu.memory_space<hbm>>
    tpu.wait_dma2 semaphore(%arg12 : memref<!tpu.dma_semaphore, #tpu.memory_space<semaphore_mem>>) src(%dma_wait3A_121 : memref<2048xi32, #tpu.memory_space<hbm>>) dst(%dma_wait3A_119 : memref<2048xi32, #tpu.memory_space<vmem>>)
    %parallel_loop3A_122 = arith.constant 0 : i32
    %parallel_loop3A_123 = arith.constant 128 : i32
    %parallel_loop3A_124 = arith.constant 1 : i32
    scf.for %parallel_loop3A_878 = %parallel_loop3A_122 to %parallel_loop3A_123 step %parallel_loop3A_124  : i32 {
      %parallel_loop3A_879 = arith.constant 16 : i32
      %parallel_loop3A_880 = arith.muli %parallel_loop3A_878, %parallel_loop3A_879 : i32
      %parallel_loop3A_881 = tpu.assume_multiple %parallel_loop3A_880, 16 : i32
      %parallel_loop3A_882 = arith.constant 1 : i32
      %parallel_loop3A_883 = arith.index_cast %parallel_loop3A_882 : i32 to index
      %parallel_loop3A_884 = arith.index_cast %parallel_loop3A_881 : i32 to index
      %parallel_loop3A_885 = tpu.vector_load %arg9[%parallel_loop3A_883, %parallel_loop3A_884] {strides = array<i32>} : memref<2x2048xi32, #tpu.memory_space<vmem>>, vector<16xi32>,
      %parallel_loop3A_886 = tpu.vector_load_idx %arg7[%parallel_loop3A_885] : memref<100000xf32, #tpu.memory_space<vmem>>[vector<16xi32>], vector<16xf32>,
      %parallel_loop3A_887 = arith.constant 6144 : i32
      %parallel_loop3A_888 = arith.addi %parallel_loop3A_887, %parallel_loop3A_881 : i32
      %parallel_loop3A_889 = arith.index_cast %parallel_loop3A_888 : i32 to index
      %parallel_loop3A_890 = tpu.vector_load %arg8[%parallel_loop3A_889] {strides = array<i32>} : memref<16384xf32, #tpu.memory_space<vmem>>, vector<16xf32>,
      tpu.vector_store %arg8[%parallel_loop3A_889], %parallel_loop3A_886 {strides = array<i32>} : memref<16384xf32, #tpu.memory_space<vmem>>, vector<16xf32>,
    } {sc.loop_unroll_factor = 8 : i64, sc.parallel_access}
    %dma_start3A_125 = arith.constant 1 : i32
    %dma_start3A_126 = arith.constant 0 : i32
    %dma_start3A_127 = tpu.memref_slice %arg9[%dma_start3A_125, %dma_start3A_126] : memref<2x2048xi32, #tpu.memory_space<vmem>> -> memref<1x2048xi32, #tpu.memory_space<vmem>>
    %dma_start3A_128 = tpu.memref_squeeze %dma_start3A_127 : memref<1x2048xi32, #tpu.memory_space<vmem>> -> memref<2048xi32, #tpu.memory_space<vmem>>
    %dma_start3A_129 = arith.constant 10240 : i32
    %dma_start3A_130 = tpu.memref_slice %arg4[%dma_start3A_129] : memref<16384xi32, #tpu.memory_space<hbm>> -> memref<2048xi32, #tpu.memory_space<hbm>>
    %dma_start3A_131 = arith.constant 0 : i32
    %dma_start3A_132 = tpu.memref_slice %arg9[%dma_start3A_125, %dma_start3A_131] : memref<2x2048xi32, #tpu.memory_space<vmem>> -> memref<1x2048xi32, #tpu.memory_space<vmem>>
    %dma_start3A_133 = tpu.memref_squeeze %dma_start3A_132 : memref<1x2048xi32, #tpu.memory_space<vmem>> -> memref<2048xi32, #tpu.memory_space<vmem>>
    %dma_start3A_134 = arith.constant 10240 : i32
    %dma_start3A_135 = tpu.memref_slice %arg4[%dma_start3A_134] : memref<16384xi32, #tpu.memory_space<hbm>> -> memref<2048xi32, #tpu.memory_space<hbm>>
    tpu.enqueue_dma source(%dma_start3A_135 : memref<2048xi32, #tpu.memory_space<hbm>>) target(%dma_start3A_133 : memref<2048xi32, #tpu.memory_space<vmem>>) target_semaphore(%arg12 : memref<!tpu.dma_semaphore, #tpu.memory_space<semaphore_mem>>)
    %dma_wait3A_136 = arith.constant 0 : i32
    %dma_wait3A_137 = arith.constant 0 : i32
    %dma_wait3A_138 = tpu.memref_slice %arg9[%dma_wait3A_136, %dma_wait3A_137] : memref<2x2048xi32, #tpu.memory_space<vmem>> -> memref<1x2048xi32, #tpu.memory_space<vmem>>
    %dma_wait3A_139 = tpu.memref_squeeze %dma_wait3A_138 : memref<1x2048xi32, #tpu.memory_space<vmem>> -> memref<2048xi32, #tpu.memory_space<vmem>>
    %dma_wait3A_140 = arith.constant 8192 : i32
    %dma_wait3A_141 = tpu.memref_slice %arg4[%dma_wait3A_140] : memref<16384xi32, #tpu.memory_space<hbm>> -> memref<2048xi32, #tpu.memory_space<hbm>>
    %dma_wait3A_142 = arith.constant 0 : i32
    %dma_wait3A_143 = tpu.memref_slice %arg9[%dma_wait3A_136, %dma_wait3A_142] : memref<2x2048xi32, #tpu.memory_space<vmem>> -> memref<1x2048xi32, #tpu.memory_space<vmem>>
    %dma_wait3A_144 = tpu.memref_squeeze %dma_wait3A_143 : memref<1x2048xi32, #tpu.memory_space<vmem>> -> memref<2048xi32, #tpu.memory_space<vmem>>
    %dma_wait3A_145 = arith.constant 8192 : i32
    %dma_wait3A_146 = tpu.memref_slice %arg4[%dma_wait3A_145] : memref<16384xi32, #tpu.memory_space<hbm>> -> memref<2048xi32, #tpu.memory_space<hbm>>
    tpu.wait_dma2 semaphore(%arg11 : memref<!tpu.dma_semaphore, #tpu.memory_space<semaphore_mem>>) src(%dma_wait3A_146 : memref<2048xi32, #tpu.memory_space<hbm>>) dst(%dma_wait3A_144 : memref<2048xi32, #tpu.memory_space<vmem>>)
    %parallel_loop3A_147 = arith.constant 0 : i32
    %parallel_loop3A_148 = arith.constant 128 : i32
    %parallel_loop3A_149 = arith.constant 1 : i32
    scf.for %parallel_loop3A_878 = %parallel_loop3A_147 to %parallel_loop3A_148 step %parallel_loop3A_149  : i32 {
      %parallel_loop3A_879 = arith.constant 16 : i32
      %parallel_loop3A_880 = arith.muli %parallel_loop3A_878, %parallel_loop3A_879 : i32
      %parallel_loop3A_881 = tpu.assume_multiple %parallel_loop3A_880, 16 : i32
      %parallel_loop3A_882 = arith.constant 0 : i32
      %parallel_loop3A_883 = arith.index_cast %parallel_loop3A_882 : i32 to index
      %parallel_loop3A_884 = arith.index_cast %parallel_loop3A_881 : i32 to index
      %parallel_loop3A_885 = tpu.vector_load %arg9[%parallel_loop3A_883, %parallel_loop3A_884] {strides = array<i32>} : memref<2x2048xi32, #tpu.memory_space<vmem>>, vector<16xi32>,
      %parallel_loop3A_886 = tpu.vector_load_idx %arg7[%parallel_loop3A_885] : memref<100000xf32, #tpu.memory_space<vmem>>[vector<16xi32>], vector<16xf32>,
      %parallel_loop3A_887 = arith.constant 8192 : i32
      %parallel_loop3A_888 = arith.addi %parallel_loop3A_887, %parallel_loop3A_881 : i32
      %parallel_loop3A_889 = arith.index_cast %parallel_loop3A_888 : i32 to index
      %parallel_loop3A_890 = tpu.vector_load %arg8[%parallel_loop3A_889] {strides = array<i32>} : memref<16384xf32, #tpu.memory_space<vmem>>, vector<16xf32>,
      tpu.vector_store %arg8[%parallel_loop3A_889], %parallel_loop3A_886 {strides = array<i32>} : memref<16384xf32, #tpu.memory_space<vmem>>, vector<16xf32>,
    } {sc.loop_unroll_factor = 8 : i64, sc.parallel_access}
    %dma_start3A_150 = arith.constant 0 : i32
    %dma_start3A_151 = arith.constant 0 : i32
    %dma_start3A_152 = tpu.memref_slice %arg9[%dma_start3A_150, %dma_start3A_151] : memref<2x2048xi32, #tpu.memory_space<vmem>> -> memref<1x2048xi32, #tpu.memory_space<vmem>>
    %dma_start3A_153 = tpu.memref_squeeze %dma_start3A_152 : memref<1x2048xi32, #tpu.memory_space<vmem>> -> memref<2048xi32, #tpu.memory_space<vmem>>
    %dma_start3A_154 = arith.constant 12288 : i32
    %dma_start3A_155 = tpu.memref_slice %arg4[%dma_start3A_154] : memref<16384xi32, #tpu.memory_space<hbm>> -> memref<2048xi32, #tpu.memory_space<hbm>>
    %dma_start3A_156 = arith.constant 0 : i32
    %dma_start3A_157 = tpu.memref_slice %arg9[%dma_start3A_150, %dma_start3A_156] : memref<2x2048xi32, #tpu.memory_space<vmem>> -> memref<1x2048xi32, #tpu.memory_space<vmem>>
    %dma_start3A_158 = tpu.memref_squeeze %dma_start3A_157 : memref<1x2048xi32, #tpu.memory_space<vmem>> -> memref<2048xi32, #tpu.memory_space<vmem>>
    %dma_start3A_159 = arith.constant 12288 : i32
    %dma_start3A_160 = tpu.memref_slice %arg4[%dma_start3A_159] : memref<16384xi32, #tpu.memory_space<hbm>> -> memref<2048xi32, #tpu.memory_space<hbm>>
    tpu.enqueue_dma source(%dma_start3A_160 : memref<2048xi32, #tpu.memory_space<hbm>>) target(%dma_start3A_158 : memref<2048xi32, #tpu.memory_space<vmem>>) target_semaphore(%arg11 : memref<!tpu.dma_semaphore, #tpu.memory_space<semaphore_mem>>)
    %dma_wait3A_161 = arith.constant 1 : i32
    %dma_wait3A_162 = arith.constant 0 : i32
    %dma_wait3A_163 = tpu.memref_slice %arg9[%dma_wait3A_161, %dma_wait3A_162] : memref<2x2048xi32, #tpu.memory_space<vmem>> -> memref<1x2048xi32, #tpu.memory_space<vmem>>
    %dma_wait3A_164 = tpu.memref_squeeze %dma_wait3A_163 : memref<1x2048xi32, #tpu.memory_space<vmem>> -> memref<2048xi32, #tpu.memory_space<vmem>>
    %dma_wait3A_165 = arith.constant 10240 : i32
    %dma_wait3A_166 = tpu.memref_slice %arg4[%dma_wait3A_165] : memref<16384xi32, #tpu.memory_space<hbm>> -> memref<2048xi32, #tpu.memory_space<hbm>>
    %dma_wait3A_167 = arith.constant 0 : i32
    %dma_wait3A_168 = tpu.memref_slice %arg9[%dma_wait3A_161, %dma_wait3A_167] : memref<2x2048xi32, #tpu.memory_space<vmem>> -> memref<1x2048xi32, #tpu.memory_space<vmem>>
    %dma_wait3A_169 = tpu.memref_squeeze %dma_wait3A_168 : memref<1x2048xi32, #tpu.memory_space<vmem>> -> memref<2048xi32, #tpu.memory_space<vmem>>
    %dma_wait3A_170 = arith.constant 10240 : i32
    %dma_wait3A_171 = tpu.memref_slice %arg4[%dma_wait3A_170] : memref<16384xi32, #tpu.memory_space<hbm>> -> memref<2048xi32, #tpu.memory_space<hbm>>
    tpu.wait_dma2 semaphore(%arg12 : memref<!tpu.dma_semaphore, #tpu.memory_space<semaphore_mem>>) src(%dma_wait3A_171 : memref<2048xi32, #tpu.memory_space<hbm>>) dst(%dma_wait3A_169 : memref<2048xi32, #tpu.memory_space<vmem>>)
    %parallel_loop3A_172 = arith.constant 0 : i32
    %parallel_loop3A_173 = arith.constant 128 : i32
    %parallel_loop3A_174 = arith.constant 1 : i32
    scf.for %parallel_loop3A_878 = %parallel_loop3A_172 to %parallel_loop3A_173 step %parallel_loop3A_174  : i32 {
      %parallel_loop3A_879 = arith.constant 16 : i32
      %parallel_loop3A_880 = arith.muli %parallel_loop3A_878, %parallel_loop3A_879 : i32
      %parallel_loop3A_881 = tpu.assume_multiple %parallel_loop3A_880, 16 : i32
      %parallel_loop3A_882 = arith.constant 1 : i32
      %parallel_loop3A_883 = arith.index_cast %parallel_loop3A_882 : i32 to index
      %parallel_loop3A_884 = arith.index_cast %parallel_loop3A_881 : i32 to index
      %parallel_loop3A_885 = tpu.vector_load %arg9[%parallel_loop3A_883, %parallel_loop3A_884] {strides = array<i32>} : memref<2x2048xi32, #tpu.memory_space<vmem>>, vector<16xi32>,
      %parallel_loop3A_886 = tpu.vector_load_idx %arg7[%parallel_loop3A_885] : memref<100000xf32, #tpu.memory_space<vmem>>[vector<16xi32>], vector<16xf32>,
      %parallel_loop3A_887 = arith.constant 10240 : i32
      %parallel_loop3A_888 = arith.addi %parallel_loop3A_887, %parallel_loop3A_881 : i32
      %parallel_loop3A_889 = arith.index_cast %parallel_loop3A_888 : i32 to index
      %parallel_loop3A_890 = tpu.vector_load %arg8[%parallel_loop3A_889] {strides = array<i32>} : memref<16384xf32, #tpu.memory_space<vmem>>, vector<16xf32>,
      tpu.vector_store %arg8[%parallel_loop3A_889], %parallel_loop3A_886 {strides = array<i32>} : memref<16384xf32, #tpu.memory_space<vmem>>, vector<16xf32>,
    } {sc.loop_unroll_factor = 8 : i64, sc.parallel_access}
    %dma_start3A_175 = arith.constant 1 : i32
    %dma_start3A_176 = arith.constant 0 : i32
    %dma_start3A_177 = tpu.memref_slice %arg9[%dma_start3A_175, %dma_start3A_176] : memref<2x2048xi32, #tpu.memory_space<vmem>> -> memref<1x2048xi32, #tpu.memory_space<vmem>>
    %dma_start3A_178 = tpu.memref_squeeze %dma_start3A_177 : memref<1x2048xi32, #tpu.memory_space<vmem>> -> memref<2048xi32, #tpu.memory_space<vmem>>
    %dma_start3A_179 = arith.constant 14336 : i32
    %dma_start3A_180 = tpu.memref_slice %arg4[%dma_start3A_179] : memref<16384xi32, #tpu.memory_space<hbm>> -> memref<2048xi32, #tpu.memory_space<hbm>>
    %dma_start3A_181 = arith.constant 0 : i32
    %dma_start3A_182 = tpu.memref_slice %arg9[%dma_start3A_175, %dma_start3A_181] : memref<2x2048xi32, #tpu.memory_space<vmem>> -> memref<1x2048xi32, #tpu.memory_space<vmem>>
    %dma_start3A_183 = tpu.memref_squeeze %dma_start3A_182 : memref<1x2048xi32, #tpu.memory_space<vmem>> -> memref<2048xi32, #tpu.memory_space<vmem>>
    %dma_start3A_184 = arith.constant 14336 : i32
    %dma_start3A_185 = tpu.memref_slice %arg4[%dma_start3A_184] : memref<16384xi32, #tpu.memory_space<hbm>> -> memref<2048xi32, #tpu.memory_space<hbm>>
    tpu.enqueue_dma source(%dma_start3A_185 : memref<2048xi32, #tpu.memory_space<hbm>>) target(%dma_start3A_183 : memref<2048xi32, #tpu.memory_space<vmem>>) target_semaphore(%arg12 : memref<!tpu.dma_semaphore, #tpu.memory_space<semaphore_mem>>)
    %dma_wait3A_186 = arith.constant 0 : i32
    %dma_wait3A_187 = arith.constant 0 : i32
    %dma_wait3A_188 = tpu.memref_slice %arg9[%dma_wait3A_186, %dma_wait3A_187] : memref<2x2048xi32, #tpu.memory_space<vmem>> -> memref<1x2048xi32, #tpu.memory_space<vmem>>
    %dma_wait3A_189 = tpu.memref_squeeze %dma_wait3A_188 : memref<1x2048xi32, #tpu.memory_space<vmem>> -> memref<2048xi32, #tpu.memory_space<vmem>>
    %dma_wait3A_190 = arith.constant 12288 : i32
    %dma_wait3A_191 = tpu.memref_slice %arg4[%dma_wait3A_190] : memref<16384xi32, #tpu.memory_space<hbm>> -> memref<2048xi32, #tpu.memory_space<hbm>>
    %dma_wait3A_192 = arith.constant 0 : i32
    %dma_wait3A_193 = tpu.memref_slice %arg9[%dma_wait3A_186, %dma_wait3A_192] : memref<2x2048xi32, #tpu.memory_space<vmem>> -> memref<1x2048xi32, #tpu.memory_space<vmem>>
    %dma_wait3A_194 = tpu.memref_squeeze %dma_wait3A_193 : memref<1x2048xi32, #tpu.memory_space<vmem>> -> memref<2048xi32, #tpu.memory_space<vmem>>
    %dma_wait3A_195 = arith.constant 12288 : i32
    %dma_wait3A_196 = tpu.memref_slice %arg4[%dma_wait3A_195] : memref<16384xi32, #tpu.memory_space<hbm>> -> memref<2048xi32, #tpu.memory_space<hbm>>
    tpu.wait_dma2 semaphore(%arg11 : memref<!tpu.dma_semaphore, #tpu.memory_space<semaphore_mem>>) src(%dma_wait3A_196 : memref<2048xi32, #tpu.memory_space<hbm>>) dst(%dma_wait3A_194 : memref<2048xi32, #tpu.memory_space<vmem>>)
    %parallel_loop3A_197 = arith.constant 0 : i32
    %parallel_loop3A_198 = arith.constant 128 : i32
    %parallel_loop3A_199 = arith.constant 1 : i32
    scf.for %parallel_loop3A_878 = %parallel_loop3A_197 to %parallel_loop3A_198 step %parallel_loop3A_199  : i32 {
      %parallel_loop3A_879 = arith.constant 16 : i32
      %parallel_loop3A_880 = arith.muli %parallel_loop3A_878, %parallel_loop3A_879 : i32
      %parallel_loop3A_881 = tpu.assume_multiple %parallel_loop3A_880, 16 : i32
      %parallel_loop3A_882 = arith.constant 0 : i32
      %parallel_loop3A_883 = arith.index_cast %parallel_loop3A_882 : i32 to index
      %parallel_loop3A_884 = arith.index_cast %parallel_loop3A_881 : i32 to index
      %parallel_loop3A_885 = tpu.vector_load %arg9[%parallel_loop3A_883, %parallel_loop3A_884] {strides = array<i32>} : memref<2x2048xi32, #tpu.memory_space<vmem>>, vector<16xi32>,
      %parallel_loop3A_886 = tpu.vector_load_idx %arg7[%parallel_loop3A_885] : memref<100000xf32, #tpu.memory_space<vmem>>[vector<16xi32>], vector<16xf32>,
      %parallel_loop3A_887 = arith.constant 12288 : i32
      %parallel_loop3A_888 = arith.addi %parallel_loop3A_887, %parallel_loop3A_881 : i32
      %parallel_loop3A_889 = arith.index_cast %parallel_loop3A_888 : i32 to index
      %parallel_loop3A_890 = tpu.vector_load %arg8[%parallel_loop3A_889] {strides = array<i32>} : memref<16384xf32, #tpu.memory_space<vmem>>, vector<16xf32>,
      tpu.vector_store %arg8[%parallel_loop3A_889], %parallel_loop3A_886 {strides = array<i32>} : memref<16384xf32, #tpu.memory_space<vmem>>, vector<16xf32>,
    } {sc.loop_unroll_factor = 8 : i64, sc.parallel_access}
    %dma_wait3A_200 = arith.constant 1 : i32
    %dma_wait3A_201 = arith.constant 0 : i32
    %dma_wait3A_202 = tpu.memref_slice %arg9[%dma_wait3A_200, %dma_wait3A_201] : memref<2x2048xi32, #tpu.memory_space<vmem>> -> memref<1x2048xi32, #tpu.memory_space<vmem>>
    %dma_wait3A_203 = tpu.memref_squeeze %dma_wait3A_202 : memref<1x2048xi32, #tpu.memory_space<vmem>> -> memref<2048xi32, #tpu.memory_space<vmem>>
    %dma_wait3A_204 = arith.constant 14336 : i32
    %dma_wait3A_205 = tpu.memref_slice %arg4[%dma_wait3A_204] : memref<16384xi32, #tpu.memory_space<hbm>> -> memref<2048xi32, #tpu.memory_space<hbm>>
    %dma_wait3A_206 = arith.constant 0 : i32
    %dma_wait3A_207 = tpu.memref_slice %arg9[%dma_wait3A_200, %dma_wait3A_206] : memref<2x2048xi32, #tpu.memory_space<vmem>> -> memref<1x2048xi32, #tpu.memory_space<vmem>>
    %dma_wait3A_208 = tpu.memref_squeeze %dma_wait3A_207 : memref<1x2048xi32, #tpu.memory_space<vmem>> -> memref<2048xi32, #tpu.memory_space<vmem>>
    %dma_wait3A_209 = arith.constant 14336 : i32
    %dma_wait3A_210 = tpu.memref_slice %arg4[%dma_wait3A_209] : memref<16384xi32, #tpu.memory_space<hbm>> -> memref<2048xi32, #tpu.memory_space<hbm>>
    tpu.wait_dma2 semaphore(%arg12 : memref<!tpu.dma_semaphore, #tpu.memory_space<semaphore_mem>>) src(%dma_wait3A_210 : memref<2048xi32, #tpu.memory_space<hbm>>) dst(%dma_wait3A_208 : memref<2048xi32, #tpu.memory_space<vmem>>)
    %parallel_loop3A_211 = arith.constant 0 : i32
    %parallel_loop3A_212 = arith.constant 128 : i32
    %parallel_loop3A_213 = arith.constant 1 : i32
    scf.for %parallel_loop3A_878 = %parallel_loop3A_211 to %parallel_loop3A_212 step %parallel_loop3A_213  : i32 {
      %parallel_loop3A_879 = arith.constant 16 : i32
      %parallel_loop3A_880 = arith.muli %parallel_loop3A_878, %parallel_loop3A_879 : i32
      %parallel_loop3A_881 = tpu.assume_multiple %parallel_loop3A_880, 16 : i32
      %parallel_loop3A_882 = arith.constant 1 : i32
      %parallel_loop3A_883 = arith.index_cast %parallel_loop3A_882 : i32 to index
      %parallel_loop3A_884 = arith.index_cast %parallel_loop3A_881 : i32 to index
      %parallel_loop3A_885 = tpu.vector_load %arg9[%parallel_loop3A_883, %parallel_loop3A_884] {strides = array<i32>} : memref<2x2048xi32, #tpu.memory_space<vmem>>, vector<16xi32>,
      %parallel_loop3A_886 = tpu.vector_load_idx %arg7[%parallel_loop3A_885] : memref<100000xf32, #tpu.memory_space<vmem>>[vector<16xi32>], vector<16xf32>,
      %parallel_loop3A_887 = arith.constant 14336 : i32
      %parallel_loop3A_888 = arith.addi %parallel_loop3A_887, %parallel_loop3A_881 : i32
      %parallel_loop3A_889 = arith.index_cast %parallel_loop3A_888 : i32 to index
      %parallel_loop3A_890 = tpu.vector_load %arg8[%parallel_loop3A_889] {strides = array<i32>} : memref<16384xf32, #tpu.memory_space<vmem>>, vector<16xf32>,
      tpu.vector_store %arg8[%parallel_loop3A_889], %parallel_loop3A_886 {strides = array<i32>} : memref<16384xf32, #tpu.memory_space<vmem>>, vector<16xf32>,
    } {sc.loop_unroll_factor = 8 : i64, sc.parallel_access}
    %dma_start3A_214 = arith.constant 0 : i32
    %dma_start3A_215 = tpu.memref_slice %arg3[%add3A_4, %dma_start3A_214] : memref<64x100000xf32, #tpu.memory_space<hbm>> -> memref<1x100000xf32, #tpu.memory_space<hbm>>
    %dma_start3A_216 = tpu.memref_squeeze %dma_start3A_215 : memref<1x100000xf32, #tpu.memory_space<hbm>> -> memref<100000xf32, #tpu.memory_space<hbm>>
    %dma_start3A_217 = arith.constant 0 : i32
    %dma_start3A_218 = tpu.memref_slice %arg3[%add3A_4, %dma_start3A_217] : memref<64x100000xf32, #tpu.memory_space<hbm>> -> memref<1x100000xf32, #tpu.memory_space<hbm>>
    %dma_start3A_219 = tpu.memref_squeeze %dma_start3A_218 : memref<1x100000xf32, #tpu.memory_space<hbm>> -> memref<100000xf32, #tpu.memory_space<hbm>>
    tpu.enqueue_dma source(%dma_start3A_219 : memref<100000xf32, #tpu.memory_space<hbm>>) target(%arg7 : memref<100000xf32, #tpu.memory_space<vmem>>) target_semaphore(%arg10 : memref<!tpu.dma_semaphore, #tpu.memory_space<semaphore_mem>>)
    %dma_start3A_220 = arith.constant 0 : i32
    %dma_start3A_221 = arith.constant 0 : i32
    %dma_start3A_222 = tpu.memref_slice %arg9[%dma_start3A_220, %dma_start3A_221] : memref<2x2048xi32, #tpu.memory_space<vmem>> -> memref<1x2048xi32, #tpu.memory_space<vmem>>
    %dma_start3A_223 = tpu.memref_squeeze %dma_start3A_222 : memref<1x2048xi32, #tpu.memory_space<vmem>> -> memref<2048xi32, #tpu.memory_space<vmem>>
    %dma_start3A_224 = arith.constant 0 : i32
    %dma_start3A_225 = tpu.memref_slice %arg5[%dma_start3A_224] : memref<16384xi32, #tpu.memory_space<hbm>> -> memref<2048xi32, #tpu.memory_space<hbm>>
    %dma_start3A_226 = arith.constant 0 : i32
    %dma_start3A_227 = tpu.memref_slice %arg9[%dma_start3A_220, %dma_start3A_226] : memref<2x2048xi32, #tpu.memory_space<vmem>> -> memref<1x2048xi32, #tpu.memory_space<vmem>>
    %dma_start3A_228 = tpu.memref_squeeze %dma_start3A_227 : memref<1x2048xi32, #tpu.memory_space<vmem>> -> memref<2048xi32, #tpu.memory_space<vmem>>
    %dma_start3A_229 = arith.constant 0 : i32
    %dma_start3A_230 = tpu.memref_slice %arg5[%dma_start3A_229] : memref<16384xi32, #tpu.memory_space<hbm>> -> memref<2048xi32, #tpu.memory_space<hbm>>
    tpu.enqueue_dma source(%dma_start3A_230 : memref<2048xi32, #tpu.memory_space<hbm>>) target(%dma_start3A_228 : memref<2048xi32, #tpu.memory_space<vmem>>) target_semaphore(%arg11 : memref<!tpu.dma_semaphore, #tpu.memory_space<semaphore_mem>>)
    %dma_wait3A_231 = arith.constant 0 : i32
    %dma_wait3A_232 = tpu.memref_slice %arg3[%add3A_4, %dma_wait3A_231] : memref<64x100000xf32, #tpu.memory_space<hbm>> -> memref<1x100000xf32, #tpu.memory_space<hbm>>
    %dma_wait3A_233 = tpu.memref_squeeze %dma_wait3A_232 : memref<1x100000xf32, #tpu.memory_space<hbm>> -> memref<100000xf32, #tpu.memory_space<hbm>>
    %dma_wait3A_234 = arith.constant 0 : i32
    %dma_wait3A_235 = tpu.memref_slice %arg3[%add3A_4, %dma_wait3A_234] : memref<64x100000xf32, #tpu.memory_space<hbm>> -> memref<1x100000xf32, #tpu.memory_space<hbm>>
    %dma_wait3A_236 = tpu.memref_squeeze %dma_wait3A_235 : memref<1x100000xf32, #tpu.memory_space<hbm>> -> memref<100000xf32, #tpu.memory_space<hbm>>
    tpu.wait_dma2 semaphore(%arg10 : memref<!tpu.dma_semaphore, #tpu.memory_space<semaphore_mem>>) src(%dma_wait3A_236 : memref<100000xf32, #tpu.memory_space<hbm>>) dst(%arg7 : memref<100000xf32, #tpu.memory_space<vmem>>)
    %dma_start3A_237 = arith.constant 1 : i32
    %dma_start3A_238 = arith.constant 0 : i32
    %dma_start3A_239 = tpu.memref_slice %arg9[%dma_start3A_237, %dma_start3A_238] : memref<2x2048xi32, #tpu.memory_space<vmem>> -> memref<1x2048xi32, #tpu.memory_space<vmem>>
    %dma_start3A_240 = tpu.memref_squeeze %dma_start3A_239 : memref<1x2048xi32, #tpu.memory_space<vmem>> -> memref<2048xi32, #tpu.memory_space<vmem>>
    %dma_start3A_241 = arith.constant 2048 : i32
    %dma_start3A_242 = tpu.memref_slice %arg5[%dma_start3A_241] : memref<16384xi32, #tpu.memory_space<hbm>> -> memref<2048xi32, #tpu.memory_space<hbm>>
    %dma_start3A_243 = arith.constant 0 : i32
    %dma_start3A_244 = tpu.memref_slice %arg9[%dma_start3A_237, %dma_start3A_243] : memref<2x2048xi32, #tpu.memory_space<vmem>> -> memref<1x2048xi32, #tpu.memory_space<vmem>>
    %dma_start3A_245 = tpu.memref_squeeze %dma_start3A_244 : memref<1x2048xi32, #tpu.memory_space<vmem>> -> memref<2048xi32, #tpu.memory_space<vmem>>
    %dma_start3A_246 = arith.constant 2048 : i32
    %dma_start3A_247 = tpu.memref_slice %arg5[%dma_start3A_246] : memref<16384xi32, #tpu.memory_space<hbm>> -> memref<2048xi32, #tpu.memory_space<hbm>>
    tpu.enqueue_dma source(%dma_start3A_247 : memref<2048xi32, #tpu.memory_space<hbm>>) target(%dma_start3A_245 : memref<2048xi32, #tpu.memory_space<vmem>>) target_semaphore(%arg12 : memref<!tpu.dma_semaphore, #tpu.memory_space<semaphore_mem>>)
    %dma_wait3A_248 = arith.constant 0 : i32
    %dma_wait3A_249 = arith.constant 0 : i32
    %dma_wait3A_250 = tpu.memref_slice %arg9[%dma_wait3A_248, %dma_wait3A_249] : memref<2x2048xi32, #tpu.memory_space<vmem>> -> memref<1x2048xi32, #tpu.memory_space<vmem>>
    %dma_wait3A_251 = tpu.memref_squeeze %dma_wait3A_250 : memref<1x2048xi32, #tpu.memory_space<vmem>> -> memref<2048xi32, #tpu.memory_space<vmem>>
    %dma_wait3A_252 = arith.constant 0 : i32
    %dma_wait3A_253 = tpu.memref_slice %arg5[%dma_wait3A_252] : memref<16384xi32, #tpu.memory_space<hbm>> -> memref<2048xi32, #tpu.memory_space<hbm>>
    %dma_wait3A_254 = arith.constant 0 : i32
    %dma_wait3A_255 = tpu.memref_slice %arg9[%dma_wait3A_248, %dma_wait3A_254] : memref<2x2048xi32, #tpu.memory_space<vmem>> -> memref<1x2048xi32, #tpu.memory_space<vmem>>
    %dma_wait3A_256 = tpu.memref_squeeze %dma_wait3A_255 : memref<1x2048xi32, #tpu.memory_space<vmem>> -> memref<2048xi32, #tpu.memory_space<vmem>>
    %dma_wait3A_257 = arith.constant 0 : i32
    %dma_wait3A_258 = tpu.memref_slice %arg5[%dma_wait3A_257] : memref<16384xi32, #tpu.memory_space<hbm>> -> memref<2048xi32, #tpu.memory_space<hbm>>
    tpu.wait_dma2 semaphore(%arg11 : memref<!tpu.dma_semaphore, #tpu.memory_space<semaphore_mem>>) src(%dma_wait3A_258 : memref<2048xi32, #tpu.memory_space<hbm>>) dst(%dma_wait3A_256 : memref<2048xi32, #tpu.memory_space<vmem>>)
    %parallel_loop3A_259 = arith.constant 0 : i32
    %parallel_loop3A_260 = arith.constant 128 : i32
    %parallel_loop3A_261 = arith.constant 1 : i32
    scf.for %parallel_loop3A_878 = %parallel_loop3A_259 to %parallel_loop3A_260 step %parallel_loop3A_261  : i32 {
      %parallel_loop3A_879 = arith.constant 16 : i32
      %parallel_loop3A_880 = arith.muli %parallel_loop3A_878, %parallel_loop3A_879 : i32
      %parallel_loop3A_881 = tpu.assume_multiple %parallel_loop3A_880, 16 : i32
      %parallel_loop3A_882 = arith.constant 0 : i32
      %parallel_loop3A_883 = arith.addi %parallel_loop3A_882, %parallel_loop3A_881 : i32
      %parallel_loop3A_884 = arith.constant 0 : i32
      %parallel_loop3A_885 = arith.index_cast %parallel_loop3A_884 : i32 to index
      %parallel_loop3A_886 = arith.index_cast %parallel_loop3A_881 : i32 to index
      %parallel_loop3A_887 = tpu.vector_load %arg9[%parallel_loop3A_885, %parallel_loop3A_886] {strides = array<i32>} : memref<2x2048xi32, #tpu.memory_space<vmem>>, vector<16xi32>,
      %parallel_loop3A_888 = tpu.vector_load_idx %arg7[%parallel_loop3A_887] : memref<100000xf32, #tpu.memory_space<vmem>>[vector<16xi32>], vector<16xf32>,
      %parallel_loop3A_889 = arith.index_cast %parallel_loop3A_883 : i32 to index
      %parallel_loop3A_890 = tpu.vector_load %arg8[%parallel_loop3A_889] {strides = array<i32>} : memref<16384xf32, #tpu.memory_space<vmem>>, vector<16xf32>,
      %parallel_loop3A_891 = arith.mulf %parallel_loop3A_890, %parallel_loop3A_888 : vector<16xf32>
      %parallel_loop3A_892 = arith.index_cast %parallel_loop3A_883 : i32 to index
      %parallel_loop3A_893 = tpu.vector_load %arg8[%parallel_loop3A_892] {strides = array<i32>} : memref<16384xf32, #tpu.memory_space<vmem>>, vector<16xf32>,
      tpu.vector_store %arg8[%parallel_loop3A_892], %parallel_loop3A_891 {strides = array<i32>} : memref<16384xf32, #tpu.memory_space<vmem>>, vector<16xf32>,
    } {sc.loop_unroll_factor = 8 : i64, sc.parallel_access}
    %dma_start3A_262 = arith.constant 0 : i32
    %dma_start3A_263 = arith.constant 0 : i32
    %dma_start3A_264 = tpu.memref_slice %arg9[%dma_start3A_262, %dma_start3A_263] : memref<2x2048xi32, #tpu.memory_space<vmem>> -> memref<1x2048xi32, #tpu.memory_space<vmem>>
    %dma_start3A_265 = tpu.memref_squeeze %dma_start3A_264 : memref<1x2048xi32, #tpu.memory_space<vmem>> -> memref<2048xi32, #tpu.memory_space<vmem>>
    %dma_start3A_266 = arith.constant 4096 : i32
    %dma_start3A_267 = tpu.memref_slice %arg5[%dma_start3A_266] : memref<16384xi32, #tpu.memory_space<hbm>> -> memref<2048xi32, #tpu.memory_space<hbm>>
    %dma_start3A_268 = arith.constant 0 : i32
    %dma_start3A_269 = tpu.memref_slice %arg9[%dma_start3A_262, %dma_start3A_268] : memref<2x2048xi32, #tpu.memory_space<vmem>> -> memref<1x2048xi32, #tpu.memory_space<vmem>>
    %dma_start3A_270 = tpu.memref_squeeze %dma_start3A_269 : memref<1x2048xi32, #tpu.memory_space<vmem>> -> memref<2048xi32, #tpu.memory_space<vmem>>
    %dma_start3A_271 = arith.constant 4096 : i32
    %dma_start3A_272 = tpu.memref_slice %arg5[%dma_start3A_271] : memref<16384xi32, #tpu.memory_space<hbm>> -> memref<2048xi32, #tpu.memory_space<hbm>>
    tpu.enqueue_dma source(%dma_start3A_272 : memref<2048xi32, #tpu.memory_space<hbm>>) target(%dma_start3A_270 : memref<2048xi32, #tpu.memory_space<vmem>>) target_semaphore(%arg11 : memref<!tpu.dma_semaphore, #tpu.memory_space<semaphore_mem>>)
    %dma_wait3A_273 = arith.constant 1 : i32
    %dma_wait3A_274 = arith.constant 0 : i32
    %dma_wait3A_275 = tpu.memref_slice %arg9[%dma_wait3A_273, %dma_wait3A_274] : memref<2x2048xi32, #tpu.memory_space<vmem>> -> memref<1x2048xi32, #tpu.memory_space<vmem>>
    %dma_wait3A_276 = tpu.memref_squeeze %dma_wait3A_275 : memref<1x2048xi32, #tpu.memory_space<vmem>> -> memref<2048xi32, #tpu.memory_space<vmem>>
    %dma_wait3A_277 = arith.constant 2048 : i32
    %dma_wait3A_278 = tpu.memref_slice %arg5[%dma_wait3A_277] : memref<16384xi32, #tpu.memory_space<hbm>> -> memref<2048xi32, #tpu.memory_space<hbm>>
    %dma_wait3A_279 = arith.constant 0 : i32
    %dma_wait3A_280 = tpu.memref_slice %arg9[%dma_wait3A_273, %dma_wait3A_279] : memref<2x2048xi32, #tpu.memory_space<vmem>> -> memref<1x2048xi32, #tpu.memory_space<vmem>>
    %dma_wait3A_281 = tpu.memref_squeeze %dma_wait3A_280 : memref<1x2048xi32, #tpu.memory_space<vmem>> -> memref<2048xi32, #tpu.memory_space<vmem>>
    %dma_wait3A_282 = arith.constant 2048 : i32
    %dma_wait3A_283 = tpu.memref_slice %arg5[%dma_wait3A_282] : memref<16384xi32, #tpu.memory_space<hbm>> -> memref<2048xi32, #tpu.memory_space<hbm>>
    tpu.wait_dma2 semaphore(%arg12 : memref<!tpu.dma_semaphore, #tpu.memory_space<semaphore_mem>>) src(%dma_wait3A_283 : memref<2048xi32, #tpu.memory_space<hbm>>) dst(%dma_wait3A_281 : memref<2048xi32, #tpu.memory_space<vmem>>)
    %parallel_loop3A_284 = arith.constant 0 : i32
    %parallel_loop3A_285 = arith.constant 128 : i32
    %parallel_loop3A_286 = arith.constant 1 : i32
    scf.for %parallel_loop3A_878 = %parallel_loop3A_284 to %parallel_loop3A_285 step %parallel_loop3A_286  : i32 {
      %parallel_loop3A_879 = arith.constant 16 : i32
      %parallel_loop3A_880 = arith.muli %parallel_loop3A_878, %parallel_loop3A_879 : i32
      %parallel_loop3A_881 = tpu.assume_multiple %parallel_loop3A_880, 16 : i32
      %parallel_loop3A_882 = arith.constant 2048 : i32
      %parallel_loop3A_883 = arith.addi %parallel_loop3A_882, %parallel_loop3A_881 : i32
      %parallel_loop3A_884 = arith.constant 1 : i32
      %parallel_loop3A_885 = arith.index_cast %parallel_loop3A_884 : i32 to index
      %parallel_loop3A_886 = arith.index_cast %parallel_loop3A_881 : i32 to index
      %parallel_loop3A_887 = tpu.vector_load %arg9[%parallel_loop3A_885, %parallel_loop3A_886] {strides = array<i32>} : memref<2x2048xi32, #tpu.memory_space<vmem>>, vector<16xi32>,
      %parallel_loop3A_888 = tpu.vector_load_idx %arg7[%parallel_loop3A_887] : memref<100000xf32, #tpu.memory_space<vmem>>[vector<16xi32>], vector<16xf32>,
      %parallel_loop3A_889 = arith.index_cast %parallel_loop3A_883 : i32 to index
      %parallel_loop3A_890 = tpu.vector_load %arg8[%parallel_loop3A_889] {strides = array<i32>} : memref<16384xf32, #tpu.memory_space<vmem>>, vector<16xf32>,
      %parallel_loop3A_891 = arith.mulf %parallel_loop3A_890, %parallel_loop3A_888 : vector<16xf32>
      %parallel_loop3A_892 = arith.index_cast %parallel_loop3A_883 : i32 to index
      %parallel_loop3A_893 = tpu.vector_load %arg8[%parallel_loop3A_892] {strides = array<i32>} : memref<16384xf32, #tpu.memory_space<vmem>>, vector<16xf32>,
      tpu.vector_store %arg8[%parallel_loop3A_892], %parallel_loop3A_891 {strides = array<i32>} : memref<16384xf32, #tpu.memory_space<vmem>>, vector<16xf32>,
    } {sc.loop_unroll_factor = 8 : i64, sc.parallel_access}
    %dma_start3A_287 = arith.constant 1 : i32
    %dma_start3A_288 = arith.constant 0 : i32
    %dma_start3A_289 = tpu.memref_slice %arg9[%dma_start3A_287, %dma_start3A_288] : memref<2x2048xi32, #tpu.memory_space<vmem>> -> memref<1x2048xi32, #tpu.memory_space<vmem>>
    %dma_start3A_290 = tpu.memref_squeeze %dma_start3A_289 : memref<1x2048xi32, #tpu.memory_space<vmem>> -> memref<2048xi32, #tpu.memory_space<vmem>>
    %dma_start3A_291 = arith.constant 6144 : i32
    %dma_start3A_292 = tpu.memref_slice %arg5[%dma_start3A_291] : memref<16384xi32, #tpu.memory_space<hbm>> -> memref<2048xi32, #tpu.memory_space<hbm>>
    %dma_start3A_293 = arith.constant 0 : i32
    %dma_start3A_294 = tpu.memref_slice %arg9[%dma_start3A_287, %dma_start3A_293] : memref<2x2048xi32, #tpu.memory_space<vmem>> -> memref<1x2048xi32, #tpu.memory_space<vmem>>
    %dma_start3A_295 = tpu.memref_squeeze %dma_start3A_294 : memref<1x2048xi32, #tpu.memory_space<vmem>> -> memref<2048xi32, #tpu.memory_space<vmem>>
    %dma_start3A_296 = arith.constant 6144 : i32
    %dma_start3A_297 = tpu.memref_slice %arg5[%dma_start3A_296] : memref<16384xi32, #tpu.memory_space<hbm>> -> memref<2048xi32, #tpu.memory_space<hbm>>
    tpu.enqueue_dma source(%dma_start3A_297 : memref<2048xi32, #tpu.memory_space<hbm>>) target(%dma_start3A_295 : memref<2048xi32, #tpu.memory_space<vmem>>) target_semaphore(%arg12 : memref<!tpu.dma_semaphore, #tpu.memory_space<semaphore_mem>>)
    %dma_wait3A_298 = arith.constant 0 : i32
    %dma_wait3A_299 = arith.constant 0 : i32
    %dma_wait3A_300 = tpu.memref_slice %arg9[%dma_wait3A_298, %dma_wait3A_299] : memref<2x2048xi32, #tpu.memory_space<vmem>> -> memref<1x2048xi32, #tpu.memory_space<vmem>>
    %dma_wait3A_301 = tpu.memref_squeeze %dma_wait3A_300 : memref<1x2048xi32, #tpu.memory_space<vmem>> -> memref<2048xi32, #tpu.memory_space<vmem>>
    %dma_wait3A_302 = arith.constant 4096 : i32
    %dma_wait3A_303 = tpu.memref_slice %arg5[%dma_wait3A_302] : memref<16384xi32, #tpu.memory_space<hbm>> -> memref<2048xi32, #tpu.memory_space<hbm>>
    %dma_wait3A_304 = arith.constant 0 : i32
    %dma_wait3A_305 = tpu.memref_slice %arg9[%dma_wait3A_298, %dma_wait3A_304] : memref<2x2048xi32, #tpu.memory_space<vmem>> -> memref<1x2048xi32, #tpu.memory_space<vmem>>
    %dma_wait3A_306 = tpu.memref_squeeze %dma_wait3A_305 : memref<1x2048xi32, #tpu.memory_space<vmem>> -> memref<2048xi32, #tpu.memory_space<vmem>>
    %dma_wait3A_307 = arith.constant 4096 : i32
    %dma_wait3A_308 = tpu.memref_slice %arg5[%dma_wait3A_307] : memref<16384xi32, #tpu.memory_space<hbm>> -> memref<2048xi32, #tpu.memory_space<hbm>>
    tpu.wait_dma2 semaphore(%arg11 : memref<!tpu.dma_semaphore, #tpu.memory_space<semaphore_mem>>) src(%dma_wait3A_308 : memref<2048xi32, #tpu.memory_space<hbm>>) dst(%dma_wait3A_306 : memref<2048xi32, #tpu.memory_space<vmem>>)
    %parallel_loop3A_309 = arith.constant 0 : i32
    %parallel_loop3A_310 = arith.constant 128 : i32
    %parallel_loop3A_311 = arith.constant 1 : i32
    scf.for %parallel_loop3A_878 = %parallel_loop3A_309 to %parallel_loop3A_310 step %parallel_loop3A_311  : i32 {
      %parallel_loop3A_879 = arith.constant 16 : i32
      %parallel_loop3A_880 = arith.muli %parallel_loop3A_878, %parallel_loop3A_879 : i32
      %parallel_loop3A_881 = tpu.assume_multiple %parallel_loop3A_880, 16 : i32
      %parallel_loop3A_882 = arith.constant 4096 : i32
      %parallel_loop3A_883 = arith.addi %parallel_loop3A_882, %parallel_loop3A_881 : i32
      %parallel_loop3A_884 = arith.constant 0 : i32
      %parallel_loop3A_885 = arith.index_cast %parallel_loop3A_884 : i32 to index
      %parallel_loop3A_886 = arith.index_cast %parallel_loop3A_881 : i32 to index
      %parallel_loop3A_887 = tpu.vector_load %arg9[%parallel_loop3A_885, %parallel_loop3A_886] {strides = array<i32>} : memref<2x2048xi32, #tpu.memory_space<vmem>>, vector<16xi32>,
      %parallel_loop3A_888 = tpu.vector_load_idx %arg7[%parallel_loop3A_887] : memref<100000xf32, #tpu.memory_space<vmem>>[vector<16xi32>], vector<16xf32>,
      %parallel_loop3A_889 = arith.index_cast %parallel_loop3A_883 : i32 to index
      %parallel_loop3A_890 = tpu.vector_load %arg8[%parallel_loop3A_889] {strides = array<i32>} : memref<16384xf32, #tpu.memory_space<vmem>>, vector<16xf32>,
      %parallel_loop3A_891 = arith.mulf %parallel_loop3A_890, %parallel_loop3A_888 : vector<16xf32>
      %parallel_loop3A_892 = arith.index_cast %parallel_loop3A_883 : i32 to index
      %parallel_loop3A_893 = tpu.vector_load %arg8[%parallel_loop3A_892] {strides = array<i32>} : memref<16384xf32, #tpu.memory_space<vmem>>, vector<16xf32>,
      tpu.vector_store %arg8[%parallel_loop3A_892], %parallel_loop3A_891 {strides = array<i32>} : memref<16384xf32, #tpu.memory_space<vmem>>, vector<16xf32>,
    } {sc.loop_unroll_factor = 8 : i64, sc.parallel_access}
    %dma_start3A_312 = arith.constant 0 : i32
    %dma_start3A_313 = arith.constant 0 : i32
    %dma_start3A_314 = tpu.memref_slice %arg9[%dma_start3A_312, %dma_start3A_313] : memref<2x2048xi32, #tpu.memory_space<vmem>> -> memref<1x2048xi32, #tpu.memory_space<vmem>>
    %dma_start3A_315 = tpu.memref_squeeze %dma_start3A_314 : memref<1x2048xi32, #tpu.memory_space<vmem>> -> memref<2048xi32, #tpu.memory_space<vmem>>
    %dma_start3A_316 = arith.constant 8192 : i32
    %dma_start3A_317 = tpu.memref_slice %arg5[%dma_start3A_316] : memref<16384xi32, #tpu.memory_space<hbm>> -> memref<2048xi32, #tpu.memory_space<hbm>>
    %dma_start3A_318 = arith.constant 0 : i32
    %dma_start3A_319 = tpu.memref_slice %arg9[%dma_start3A_312, %dma_start3A_318] : memref<2x2048xi32, #tpu.memory_space<vmem>> -> memref<1x2048xi32, #tpu.memory_space<vmem>>
    %dma_start3A_320 = tpu.memref_squeeze %dma_start3A_319 : memref<1x2048xi32, #tpu.memory_space<vmem>> -> memref<2048xi32, #tpu.memory_space<vmem>>
    %dma_start3A_321 = arith.constant 8192 : i32
    %dma_start3A_322 = tpu.memref_slice %arg5[%dma_start3A_321] : memref<16384xi32, #tpu.memory_space<hbm>> -> memref<2048xi32, #tpu.memory_space<hbm>>
    tpu.enqueue_dma source(%dma_start3A_322 : memref<2048xi32, #tpu.memory_space<hbm>>) target(%dma_start3A_320 : memref<2048xi32, #tpu.memory_space<vmem>>) target_semaphore(%arg11 : memref<!tpu.dma_semaphore, #tpu.memory_space<semaphore_mem>>)
    %dma_wait3A_323 = arith.constant 1 : i32
    %dma_wait3A_324 = arith.constant 0 : i32
    %dma_wait3A_325 = tpu.memref_slice %arg9[%dma_wait3A_323, %dma_wait3A_324] : memref<2x2048xi32, #tpu.memory_space<vmem>> -> memref<1x2048xi32, #tpu.memory_space<vmem>>
    %dma_wait3A_326 = tpu.memref_squeeze %dma_wait3A_325 : memref<1x2048xi32, #tpu.memory_space<vmem>> -> memref<2048xi32, #tpu.memory_space<vmem>>
    %dma_wait3A_327 = arith.constant 6144 : i32
    %dma_wait3A_328 = tpu.memref_slice %arg5[%dma_wait3A_327] : memref<16384xi32, #tpu.memory_space<hbm>> -> memref<2048xi32, #tpu.memory_space<hbm>>
    %dma_wait3A_329 = arith.constant 0 : i32
    %dma_wait3A_330 = tpu.memref_slice %arg9[%dma_wait3A_323, %dma_wait3A_329] : memref<2x2048xi32, #tpu.memory_space<vmem>> -> memref<1x2048xi32, #tpu.memory_space<vmem>>
    %dma_wait3A_331 = tpu.memref_squeeze %dma_wait3A_330 : memref<1x2048xi32, #tpu.memory_space<vmem>> -> memref<2048xi32, #tpu.memory_space<vmem>>
    %dma_wait3A_332 = arith.constant 6144 : i32
    %dma_wait3A_333 = tpu.memref_slice %arg5[%dma_wait3A_332] : memref<16384xi32, #tpu.memory_space<hbm>> -> memref<2048xi32, #tpu.memory_space<hbm>>
    tpu.wait_dma2 semaphore(%arg12 : memref<!tpu.dma_semaphore, #tpu.memory_space<semaphore_mem>>) src(%dma_wait3A_333 : memref<2048xi32, #tpu.memory_space<hbm>>) dst(%dma_wait3A_331 : memref<2048xi32, #tpu.memory_space<vmem>>)
    %parallel_loop3A_334 = arith.constant 0 : i32
    %parallel_loop3A_335 = arith.constant 128 : i32
    %parallel_loop3A_336 = arith.constant 1 : i32
    scf.for %parallel_loop3A_878 = %parallel_loop3A_334 to %parallel_loop3A_335 step %parallel_loop3A_336  : i32 {
      %parallel_loop3A_879 = arith.constant 16 : i32
      %parallel_loop3A_880 = arith.muli %parallel_loop3A_878, %parallel_loop3A_879 : i32
      %parallel_loop3A_881 = tpu.assume_multiple %parallel_loop3A_880, 16 : i32
      %parallel_loop3A_882 = arith.constant 6144 : i32
      %parallel_loop3A_883 = arith.addi %parallel_loop3A_882, %parallel_loop3A_881 : i32
      %parallel_loop3A_884 = arith.constant 1 : i32
      %parallel_loop3A_885 = arith.index_cast %parallel_loop3A_884 : i32 to index
      %parallel_loop3A_886 = arith.index_cast %parallel_loop3A_881 : i32 to index
      %parallel_loop3A_887 = tpu.vector_load %arg9[%parallel_loop3A_885, %parallel_loop3A_886] {strides = array<i32>} : memref<2x2048xi32, #tpu.memory_space<vmem>>, vector<16xi32>,
      %parallel_loop3A_888 = tpu.vector_load_idx %arg7[%parallel_loop3A_887] : memref<100000xf32, #tpu.memory_space<vmem>>[vector<16xi32>], vector<16xf32>,
      %parallel_loop3A_889 = arith.index_cast %parallel_loop3A_883 : i32 to index
      %parallel_loop3A_890 = tpu.vector_load %arg8[%parallel_loop3A_889] {strides = array<i32>} : memref<16384xf32, #tpu.memory_space<vmem>>, vector<16xf32>,
      %parallel_loop3A_891 = arith.mulf %parallel_loop3A_890, %parallel_loop3A_888 : vector<16xf32>
      %parallel_loop3A_892 = arith.index_cast %parallel_loop3A_883 : i32 to index
      %parallel_loop3A_893 = tpu.vector_load %arg8[%parallel_loop3A_892] {strides = array<i32>} : memref<16384xf32, #tpu.memory_space<vmem>>, vector<16xf32>,
      tpu.vector_store %arg8[%parallel_loop3A_892], %parallel_loop3A_891 {strides = array<i32>} : memref<16384xf32, #tpu.memory_space<vmem>>, vector<16xf32>,
    } {sc.loop_unroll_factor = 8 : i64, sc.parallel_access}
    %dma_start3A_337 = arith.constant 1 : i32
    %dma_start3A_338 = arith.constant 0 : i32
    %dma_start3A_339 = tpu.memref_slice %arg9[%dma_start3A_337, %dma_start3A_338] : memref<2x2048xi32, #tpu.memory_space<vmem>> -> memref<1x2048xi32, #tpu.memory_space<vmem>>
    %dma_start3A_340 = tpu.memref_squeeze %dma_start3A_339 : memref<1x2048xi32, #tpu.memory_space<vmem>> -> memref<2048xi32, #tpu.memory_space<vmem>>
    %dma_start3A_341 = arith.constant 10240 : i32
    %dma_start3A_342 = tpu.memref_slice %arg5[%dma_start3A_341] : memref<16384xi32, #tpu.memory_space<hbm>> -> memref<2048xi32, #tpu.memory_space<hbm>>
    %dma_start3A_343 = arith.constant 0 : i32
    %dma_start3A_344 = tpu.memref_slice %arg9[%dma_start3A_337, %dma_start3A_343] : memref<2x2048xi32, #tpu.memory_space<vmem>> -> memref<1x2048xi32, #tpu.memory_space<vmem>>
    %dma_start3A_345 = tpu.memref_squeeze %dma_start3A_344 : memref<1x2048xi32, #tpu.memory_space<vmem>> -> memref<2048xi32, #tpu.memory_space<vmem>>
    %dma_start3A_346 = arith.constant 10240 : i32
    %dma_start3A_347 = tpu.memref_slice %arg5[%dma_start3A_346] : memref<16384xi32, #tpu.memory_space<hbm>> -> memref<2048xi32, #tpu.memory_space<hbm>>
    tpu.enqueue_dma source(%dma_start3A_347 : memref<2048xi32, #tpu.memory_space<hbm>>) target(%dma_start3A_345 : memref<2048xi32, #tpu.memory_space<vmem>>) target_semaphore(%arg12 : memref<!tpu.dma_semaphore, #tpu.memory_space<semaphore_mem>>)
    %dma_wait3A_348 = arith.constant 0 : i32
    %dma_wait3A_349 = arith.constant 0 : i32
    %dma_wait3A_350 = tpu.memref_slice %arg9[%dma_wait3A_348, %dma_wait3A_349] : memref<2x2048xi32, #tpu.memory_space<vmem>> -> memref<1x2048xi32, #tpu.memory_space<vmem>>
    %dma_wait3A_351 = tpu.memref_squeeze %dma_wait3A_350 : memref<1x2048xi32, #tpu.memory_space<vmem>> -> memref<2048xi32, #tpu.memory_space<vmem>>
    %dma_wait3A_352 = arith.constant 8192 : i32
    %dma_wait3A_353 = tpu.memref_slice %arg5[%dma_wait3A_352] : memref<16384xi32, #tpu.memory_space<hbm>> -> memref<2048xi32, #tpu.memory_space<hbm>>
    %dma_wait3A_354 = arith.constant 0 : i32
    %dma_wait3A_355 = tpu.memref_slice %arg9[%dma_wait3A_348, %dma_wait3A_354] : memref<2x2048xi32, #tpu.memory_space<vmem>> -> memref<1x2048xi32, #tpu.memory_space<vmem>>
    %dma_wait3A_356 = tpu.memref_squeeze %dma_wait3A_355 : memref<1x2048xi32, #tpu.memory_space<vmem>> -> memref<2048xi32, #tpu.memory_space<vmem>>
    %dma_wait3A_357 = arith.constant 8192 : i32
    %dma_wait3A_358 = tpu.memref_slice %arg5[%dma_wait3A_357] : memref<16384xi32, #tpu.memory_space<hbm>> -> memref<2048xi32, #tpu.memory_space<hbm>>
    tpu.wait_dma2 semaphore(%arg11 : memref<!tpu.dma_semaphore, #tpu.memory_space<semaphore_mem>>) src(%dma_wait3A_358 : memref<2048xi32, #tpu.memory_space<hbm>>) dst(%dma_wait3A_356 : memref<2048xi32, #tpu.memory_space<vmem>>)
    %parallel_loop3A_359 = arith.constant 0 : i32
    %parallel_loop3A_360 = arith.constant 128 : i32
    %parallel_loop3A_361 = arith.constant 1 : i32
    scf.for %parallel_loop3A_878 = %parallel_loop3A_359 to %parallel_loop3A_360 step %parallel_loop3A_361  : i32 {
      %parallel_loop3A_879 = arith.constant 16 : i32
      %parallel_loop3A_880 = arith.muli %parallel_loop3A_878, %parallel_loop3A_879 : i32
      %parallel_loop3A_881 = tpu.assume_multiple %parallel_loop3A_880, 16 : i32
      %parallel_loop3A_882 = arith.constant 8192 : i32
      %parallel_loop3A_883 = arith.addi %parallel_loop3A_882, %parallel_loop3A_881 : i32
      %parallel_loop3A_884 = arith.constant 0 : i32
      %parallel_loop3A_885 = arith.index_cast %parallel_loop3A_884 : i32 to index
      %parallel_loop3A_886 = arith.index_cast %parallel_loop3A_881 : i32 to index
      %parallel_loop3A_887 = tpu.vector_load %arg9[%parallel_loop3A_885, %parallel_loop3A_886] {strides = array<i32>} : memref<2x2048xi32, #tpu.memory_space<vmem>>, vector<16xi32>,
      %parallel_loop3A_888 = tpu.vector_load_idx %arg7[%parallel_loop3A_887] : memref<100000xf32, #tpu.memory_space<vmem>>[vector<16xi32>], vector<16xf32>,
      %parallel_loop3A_889 = arith.index_cast %parallel_loop3A_883 : i32 to index
      %parallel_loop3A_890 = tpu.vector_load %arg8[%parallel_loop3A_889] {strides = array<i32>} : memref<16384xf32, #tpu.memory_space<vmem>>, vector<16xf32>,
      %parallel_loop3A_891 = arith.mulf %parallel_loop3A_890, %parallel_loop3A_888 : vector<16xf32>
      %parallel_loop3A_892 = arith.index_cast %parallel_loop3A_883 : i32 to index
      %parallel_loop3A_893 = tpu.vector_load %arg8[%parallel_loop3A_892] {strides = array<i32>} : memref<16384xf32, #tpu.memory_space<vmem>>, vector<16xf32>,
      tpu.vector_store %arg8[%parallel_loop3A_892], %parallel_loop3A_891 {strides = array<i32>} : memref<16384xf32, #tpu.memory_space<vmem>>, vector<16xf32>,
    } {sc.loop_unroll_factor = 8 : i64, sc.parallel_access}
    %dma_start3A_362 = arith.constant 0 : i32
    %dma_start3A_363 = arith.constant 0 : i32
    %dma_start3A_364 = tpu.memref_slice %arg9[%dma_start3A_362, %dma_start3A_363] : memref<2x2048xi32, #tpu.memory_space<vmem>> -> memref<1x2048xi32, #tpu.memory_space<vmem>>
    %dma_start3A_365 = tpu.memref_squeeze %dma_start3A_364 : memref<1x2048xi32, #tpu.memory_space<vmem>> -> memref<2048xi32, #tpu.memory_space<vmem>>
    %dma_start3A_366 = arith.constant 12288 : i32
    %dma_start3A_367 = tpu.memref_slice %arg5[%dma_start3A_366] : memref<16384xi32, #tpu.memory_space<hbm>> -> memref<2048xi32, #tpu.memory_space<hbm>>
    %dma_start3A_368 = arith.constant 0 : i32
    %dma_start3A_369 = tpu.memref_slice %arg9[%dma_start3A_362, %dma_start3A_368] : memref<2x2048xi32, #tpu.memory_space<vmem>> -> memref<1x2048xi32, #tpu.memory_space<vmem>>
    %dma_start3A_370 = tpu.memref_squeeze %dma_start3A_369 : memref<1x2048xi32, #tpu.memory_space<vmem>> -> memref<2048xi32, #tpu.memory_space<vmem>>
    %dma_start3A_371 = arith.constant 12288 : i32
    %dma_start3A_372 = tpu.memref_slice %arg5[%dma_start3A_371] : memref<16384xi32, #tpu.memory_space<hbm>> -> memref<2048xi32, #tpu.memory_space<hbm>>
    tpu.enqueue_dma source(%dma_start3A_372 : memref<2048xi32, #tpu.memory_space<hbm>>) target(%dma_start3A_370 : memref<2048xi32, #tpu.memory_space<vmem>>) target_semaphore(%arg11 : memref<!tpu.dma_semaphore, #tpu.memory_space<semaphore_mem>>)
    %dma_wait3A_373 = arith.constant 1 : i32
    %dma_wait3A_374 = arith.constant 0 : i32
    %dma_wait3A_375 = tpu.memref_slice %arg9[%dma_wait3A_373, %dma_wait3A_374] : memref<2x2048xi32, #tpu.memory_space<vmem>> -> memref<1x2048xi32, #tpu.memory_space<vmem>>
    %dma_wait3A_376 = tpu.memref_squeeze %dma_wait3A_375 : memref<1x2048xi32, #tpu.memory_space<vmem>> -> memref<2048xi32, #tpu.memory_space<vmem>>
    %dma_wait3A_377 = arith.constant 10240 : i32
    %dma_wait3A_378 = tpu.memref_slice %arg5[%dma_wait3A_377] : memref<16384xi32, #tpu.memory_space<hbm>> -> memref<2048xi32, #tpu.memory_space<hbm>>
    %dma_wait3A_379 = arith.constant 0 : i32
    %dma_wait3A_380 = tpu.memref_slice %arg9[%dma_wait3A_373, %dma_wait3A_379] : memref<2x2048xi32, #tpu.memory_space<vmem>> -> memref<1x2048xi32, #tpu.memory_space<vmem>>
    %dma_wait3A_381 = tpu.memref_squeeze %dma_wait3A_380 : memref<1x2048xi32, #tpu.memory_space<vmem>> -> memref<2048xi32, #tpu.memory_space<vmem>>
    %dma_wait3A_382 = arith.constant 10240 : i32
    %dma_wait3A_383 = tpu.memref_slice %arg5[%dma_wait3A_382] : memref<16384xi32, #tpu.memory_space<hbm>> -> memref<2048xi32, #tpu.memory_space<hbm>>
    tpu.wait_dma2 semaphore(%arg12 : memref<!tpu.dma_semaphore, #tpu.memory_space<semaphore_mem>>) src(%dma_wait3A_383 : memref<2048xi32, #tpu.memory_space<hbm>>) dst(%dma_wait3A_381 : memref<2048xi32, #tpu.memory_space<vmem>>)
    %parallel_loop3A_384 = arith.constant 0 : i32
    %parallel_loop3A_385 = arith.constant 128 : i32
    %parallel_loop3A_386 = arith.constant 1 : i32
    scf.for %parallel_loop3A_878 = %parallel_loop3A_384 to %parallel_loop3A_385 step %parallel_loop3A_386  : i32 {
      %parallel_loop3A_879 = arith.constant 16 : i32
      %parallel_loop3A_880 = arith.muli %parallel_loop3A_878, %parallel_loop3A_879 : i32
      %parallel_loop3A_881 = tpu.assume_multiple %parallel_loop3A_880, 16 : i32
      %parallel_loop3A_882 = arith.constant 10240 : i32
      %parallel_loop3A_883 = arith.addi %parallel_loop3A_882, %parallel_loop3A_881 : i32
      %parallel_loop3A_884 = arith.constant 1 : i32
      %parallel_loop3A_885 = arith.index_cast %parallel_loop3A_884 : i32 to index
      %parallel_loop3A_886 = arith.index_cast %parallel_loop3A_881 : i32 to index
      %parallel_loop3A_887 = tpu.vector_load %arg9[%parallel_loop3A_885, %parallel_loop3A_886] {strides = array<i32>} : memref<2x2048xi32, #tpu.memory_space<vmem>>, vector<16xi32>,
      %parallel_loop3A_888 = tpu.vector_load_idx %arg7[%parallel_loop3A_887] : memref<100000xf32, #tpu.memory_space<vmem>>[vector<16xi32>], vector<16xf32>,
      %parallel_loop3A_889 = arith.index_cast %parallel_loop3A_883 : i32 to index
      %parallel_loop3A_890 = tpu.vector_load %arg8[%parallel_loop3A_889] {strides = array<i32>} : memref<16384xf32, #tpu.memory_space<vmem>>, vector<16xf32>,
      %parallel_loop3A_891 = arith.mulf %parallel_loop3A_890, %parallel_loop3A_888 : vector<16xf32>
      %parallel_loop3A_892 = arith.index_cast %parallel_loop3A_883 : i32 to index
      %parallel_loop3A_893 = tpu.vector_load %arg8[%parallel_loop3A_892] {strides = array<i32>} : memref<16384xf32, #tpu.memory_space<vmem>>, vector<16xf32>,
      tpu.vector_store %arg8[%parallel_loop3A_892], %parallel_loop3A_891 {strides = array<i32>} : memref<16384xf32, #tpu.memory_space<vmem>>, vector<16xf32>,
    } {sc.loop_unroll_factor = 8 : i64, sc.parallel_access}
    %dma_start3A_387 = arith.constant 1 : i32
    %dma_start3A_388 = arith.constant 0 : i32
    %dma_start3A_389 = tpu.memref_slice %arg9[%dma_start3A_387, %dma_start3A_388] : memref<2x2048xi32, #tpu.memory_space<vmem>> -> memref<1x2048xi32, #tpu.memory_space<vmem>>
    %dma_start3A_390 = tpu.memref_squeeze %dma_start3A_389 : memref<1x2048xi32, #tpu.memory_space<vmem>> -> memref<2048xi32, #tpu.memory_space<vmem>>
    %dma_start3A_391 = arith.constant 14336 : i32
    %dma_start3A_392 = tpu.memref_slice %arg5[%dma_start3A_391] : memref<16384xi32, #tpu.memory_space<hbm>> -> memref<2048xi32, #tpu.memory_space<hbm>>
    %dma_start3A_393 = arith.constant 0 : i32
    %dma_start3A_394 = tpu.memref_slice %arg9[%dma_start3A_387, %dma_start3A_393] : memref<2x2048xi32, #tpu.memory_space<vmem>> -> memref<1x2048xi32, #tpu.memory_space<vmem>>
    %dma_start3A_395 = tpu.memref_squeeze %dma_start3A_394 : memref<1x2048xi32, #tpu.memory_space<vmem>> -> memref<2048xi32, #tpu.memory_space<vmem>>
    %dma_start3A_396 = arith.constant 14336 : i32
    %dma_start3A_397 = tpu.memref_slice %arg5[%dma_start3A_396] : memref<16384xi32, #tpu.memory_space<hbm>> -> memref<2048xi32, #tpu.memory_space<hbm>>
    tpu.enqueue_dma source(%dma_start3A_397 : memref<2048xi32, #tpu.memory_space<hbm>>) target(%dma_start3A_395 : memref<2048xi32, #tpu.memory_space<vmem>>) target_semaphore(%arg12 : memref<!tpu.dma_semaphore, #tpu.memory_space<semaphore_mem>>)
    %dma_wait3A_398 = arith.constant 0 : i32
    %dma_wait3A_399 = arith.constant 0 : i32
    %dma_wait3A_400 = tpu.memref_slice %arg9[%dma_wait3A_398, %dma_wait3A_399] : memref<2x2048xi32, #tpu.memory_space<vmem>> -> memref<1x2048xi32, #tpu.memory_space<vmem>>
    %dma_wait3A_401 = tpu.memref_squeeze %dma_wait3A_400 : memref<1x2048xi32, #tpu.memory_space<vmem>> -> memref<2048xi32, #tpu.memory_space<vmem>>
    %dma_wait3A_402 = arith.constant 12288 : i32
    %dma_wait3A_403 = tpu.memref_slice %arg5[%dma_wait3A_402] : memref<16384xi32, #tpu.memory_space<hbm>> -> memref<2048xi32, #tpu.memory_space<hbm>>
    %dma_wait3A_404 = arith.constant 0 : i32
    %dma_wait3A_405 = tpu.memref_slice %arg9[%dma_wait3A_398, %dma_wait3A_404] : memref<2x2048xi32, #tpu.memory_space<vmem>> -> memref<1x2048xi32, #tpu.memory_space<vmem>>
    %dma_wait3A_406 = tpu.memref_squeeze %dma_wait3A_405 : memref<1x2048xi32, #tpu.memory_space<vmem>> -> memref<2048xi32, #tpu.memory_space<vmem>>
    %dma_wait3A_407 = arith.constant 12288 : i32
    %dma_wait3A_408 = tpu.memref_slice %arg5[%dma_wait3A_407] : memref<16384xi32, #tpu.memory_space<hbm>> -> memref<2048xi32, #tpu.memory_space<hbm>>
    tpu.wait_dma2 semaphore(%arg11 : memref<!tpu.dma_semaphore, #tpu.memory_space<semaphore_mem>>) src(%dma_wait3A_408 : memref<2048xi32, #tpu.memory_space<hbm>>) dst(%dma_wait3A_406 : memref<2048xi32, #tpu.memory_space<vmem>>)
    %parallel_loop3A_409 = arith.constant 0 : i32
    %parallel_loop3A_410 = arith.constant 128 : i32
    %parallel_loop3A_411 = arith.constant 1 : i32
    scf.for %parallel_loop3A_878 = %parallel_loop3A_409 to %parallel_loop3A_410 step %parallel_loop3A_411  : i32 {
      %parallel_loop3A_879 = arith.constant 16 : i32
      %parallel_loop3A_880 = arith.muli %parallel_loop3A_878, %parallel_loop3A_879 : i32
      %parallel_loop3A_881 = tpu.assume_multiple %parallel_loop3A_880, 16 : i32
      %parallel_loop3A_882 = arith.constant 12288 : i32
      %parallel_loop3A_883 = arith.addi %parallel_loop3A_882, %parallel_loop3A_881 : i32
      %parallel_loop3A_884 = arith.constant 0 : i32
      %parallel_loop3A_885 = arith.index_cast %parallel_loop3A_884 : i32 to index
      %parallel_loop3A_886 = arith.index_cast %parallel_loop3A_881 : i32 to index
      %parallel_loop3A_887 = tpu.vector_load %arg9[%parallel_loop3A_885, %parallel_loop3A_886] {strides = array<i32>} : memref<2x2048xi32, #tpu.memory_space<vmem>>, vector<16xi32>,
      %parallel_loop3A_888 = tpu.vector_load_idx %arg7[%parallel_loop3A_887] : memref<100000xf32, #tpu.memory_space<vmem>>[vector<16xi32>], vector<16xf32>,
      %parallel_loop3A_889 = arith.index_cast %parallel_loop3A_883 : i32 to index
      %parallel_loop3A_890 = tpu.vector_load %arg8[%parallel_loop3A_889] {strides = array<i32>} : memref<16384xf32, #tpu.memory_space<vmem>>, vector<16xf32>,
      %parallel_loop3A_891 = arith.mulf %parallel_loop3A_890, %parallel_loop3A_888 : vector<16xf32>
      %parallel_loop3A_892 = arith.index_cast %parallel_loop3A_883 : i32 to index
      %parallel_loop3A_893 = tpu.vector_load %arg8[%parallel_loop3A_892] {strides = array<i32>} : memref<16384xf32, #tpu.memory_space<vmem>>, vector<16xf32>,
      tpu.vector_store %arg8[%parallel_loop3A_892], %parallel_loop3A_891 {strides = array<i32>} : memref<16384xf32, #tpu.memory_space<vmem>>, vector<16xf32>,
    } {sc.loop_unroll_factor = 8 : i64, sc.parallel_access}
    %dma_wait3A_412 = arith.constant 1 : i32
    %dma_wait3A_413 = arith.constant 0 : i32
    %dma_wait3A_414 = tpu.memref_slice %arg9[%dma_wait3A_412, %dma_wait3A_413] : memref<2x2048xi32, #tpu.memory_space<vmem>> -> memref<1x2048xi32, #tpu.memory_space<vmem>>
    %dma_wait3A_415 = tpu.memref_squeeze %dma_wait3A_414 : memref<1x2048xi32, #tpu.memory_space<vmem>> -> memref<2048xi32, #tpu.memory_space<vmem>>
    %dma_wait3A_416 = arith.constant 14336 : i32
    %dma_wait3A_417 = tpu.memref_slice %arg5[%dma_wait3A_416] : memref<16384xi32, #tpu.memory_space<hbm>> -> memref<2048xi32, #tpu.memory_space<hbm>>
    %dma_wait3A_418 = arith.constant 0 : i32
    %dma_wait3A_419 = tpu.memref_slice %arg9[%dma_wait3A_412, %dma_wait3A_418] : memref<2x2048xi32, #tpu.memory_space<vmem>> -> memref<1x2048xi32, #tpu.memory_space<vmem>>
    %dma_wait3A_420 = tpu.memref_squeeze %dma_wait3A_419 : memref<1x2048xi32, #tpu.memory_space<vmem>> -> memref<2048xi32, #tpu.memory_space<vmem>>
    %dma_wait3A_421 = arith.constant 14336 : i32
    %dma_wait3A_422 = tpu.memref_slice %arg5[%dma_wait3A_421] : memref<16384xi32, #tpu.memory_space<hbm>> -> memref<2048xi32, #tpu.memory_space<hbm>>
    tpu.wait_dma2 semaphore(%arg12 : memref<!tpu.dma_semaphore, #tpu.memory_space<semaphore_mem>>) src(%dma_wait3A_422 : memref<2048xi32, #tpu.memory_space<hbm>>) dst(%dma_wait3A_420 : memref<2048xi32, #tpu.memory_space<vmem>>)
    %parallel_loop3A_423 = arith.constant 0 : i32
    %parallel_loop3A_424 = arith.constant 128 : i32
    %parallel_loop3A_425 = arith.constant 1 : i32
    scf.for %parallel_loop3A_878 = %parallel_loop3A_423 to %parallel_loop3A_424 step %parallel_loop3A_425  : i32 {
      %parallel_loop3A_879 = arith.constant 16 : i32
      %parallel_loop3A_880 = arith.muli %parallel_loop3A_878, %parallel_loop3A_879 : i32
      %parallel_loop3A_881 = tpu.assume_multiple %parallel_loop3A_880, 16 : i32
      %parallel_loop3A_882 = arith.constant 14336 : i32
      %parallel_loop3A_883 = arith.addi %parallel_loop3A_882, %parallel_loop3A_881 : i32
      %parallel_loop3A_884 = arith.constant 1 : i32
      %parallel_loop3A_885 = arith.index_cast %parallel_loop3A_884 : i32 to index
      %parallel_loop3A_886 = arith.index_cast %parallel_loop3A_881 : i32 to index
      %parallel_loop3A_887 = tpu.vector_load %arg9[%parallel_loop3A_885, %parallel_loop3A_886] {strides = array<i32>} : memref<2x2048xi32, #tpu.memory_space<vmem>>, vector<16xi32>,
      %parallel_loop3A_888 = tpu.vector_load_idx %arg7[%parallel_loop3A_887] : memref<100000xf32, #tpu.memory_space<vmem>>[vector<16xi32>], vector<16xf32>,
      %parallel_loop3A_889 = arith.index_cast %parallel_loop3A_883 : i32 to index
      %parallel_loop3A_890 = tpu.vector_load %arg8[%parallel_loop3A_889] {strides = array<i32>} : memref<16384xf32, #tpu.memory_space<vmem>>, vector<16xf32>,
      %parallel_loop3A_891 = arith.mulf %parallel_loop3A_890, %parallel_loop3A_888 : vector<16xf32>
      %parallel_loop3A_892 = arith.index_cast %parallel_loop3A_883 : i32 to index
      %parallel_loop3A_893 = tpu.vector_load %arg8[%parallel_loop3A_892] {strides = array<i32>} : memref<16384xf32, #tpu.memory_space<vmem>>, vector<16xf32>,
      tpu.vector_store %arg8[%parallel_loop3A_892], %parallel_loop3A_891 {strides = array<i32>} : memref<16384xf32, #tpu.memory_space<vmem>>, vector<16xf32>,
    } {sc.loop_unroll_factor = 8 : i64, sc.parallel_access}
    %dma_start3A_426 = arith.constant 0 : i32
    %dma_start3A_427 = tpu.memref_slice %arg6[%add3A_4, %dma_start3A_426] : memref<64x16384xf32, #tpu.memory_space<hbm>> -> memref<1x16384xf32, #tpu.memory_space<hbm>>
    %dma_start3A_428 = tpu.memref_squeeze %dma_start3A_427 : memref<1x16384xf32, #tpu.memory_space<hbm>> -> memref<16384xf32, #tpu.memory_space<hbm>>
    %dma_start3A_429 = arith.constant 0 : i32
    %dma_start3A_430 = tpu.memref_slice %arg6[%add3A_4, %dma_start3A_429] : memref<64x16384xf32, #tpu.memory_space<hbm>> -> memref<1x16384xf32, #tpu.memory_space<hbm>>
    %dma_start3A_431 = tpu.memref_squeeze %dma_start3A_430 : memref<1x16384xf32, #tpu.memory_space<hbm>> -> memref<16384xf32, #tpu.memory_space<hbm>>
    tpu.enqueue_dma source(%arg8 : memref<16384xf32, #tpu.memory_space<vmem>>) target(%dma_start3A_431 : memref<16384xf32, #tpu.memory_space<hbm>>) target_semaphore(%arg13 : memref<!tpu.dma_semaphore, #tpu.memory_space<semaphore_mem>>)
    %mul3A_432 = arith.constant 2 : i32
    %mul3A_433 = arith.muli %add3A, %mul3A_432 : i32
    %add3A_434 = arith.constant 1 : i32
    %add3A_435 = arith.addi %mul3A_433, %add3A_434 : i32
    %dma_start3A_436 = arith.constant 0 : i32
    %dma_start3A_437 = tpu.memref_slice %arg2[%add3A_435, %dma_start3A_436] : memref<64x100000xf32, #tpu.memory_space<hbm>> -> memref<1x100000xf32, #tpu.memory_space<hbm>>
    %dma_start3A_438 = tpu.memref_squeeze %dma_start3A_437 : memref<1x100000xf32, #tpu.memory_space<hbm>> -> memref<100000xf32, #tpu.memory_space<hbm>>
    %dma_start3A_439 = arith.constant 0 : i32
    %dma_start3A_440 = tpu.memref_slice %arg2[%add3A_435, %dma_start3A_439] : memref<64x100000xf32, #tpu.memory_space<hbm>> -> memref<1x100000xf32, #tpu.memory_space<hbm>>
    %dma_start3A_441 = tpu.memref_squeeze %dma_start3A_440 : memref<1x100000xf32, #tpu.memory_space<hbm>> -> memref<100000xf32, #tpu.memory_space<hbm>>
    tpu.enqueue_dma source(%dma_start3A_441 : memref<100000xf32, #tpu.memory_space<hbm>>) target(%arg7 : memref<100000xf32, #tpu.memory_space<vmem>>) target_semaphore(%arg10 : memref<!tpu.dma_semaphore, #tpu.memory_space<semaphore_mem>>)
    %dma_start3A_442 = arith.constant 0 : i32
    %dma_start3A_443 = arith.constant 0 : i32
    %dma_start3A_444 = tpu.memref_slice %arg9[%dma_start3A_442, %dma_start3A_443] : memref<2x2048xi32, #tpu.memory_space<vmem>> -> memref<1x2048xi32, #tpu.memory_space<vmem>>
    %dma_start3A_445 = tpu.memref_squeeze %dma_start3A_444 : memref<1x2048xi32, #tpu.memory_space<vmem>> -> memref<2048xi32, #tpu.memory_space<vmem>>
    %dma_start3A_446 = arith.constant 0 : i32
    %dma_start3A_447 = tpu.memref_slice %arg4[%dma_start3A_446] : memref<16384xi32, #tpu.memory_space<hbm>> -> memref<2048xi32, #tpu.memory_space<hbm>>
    %dma_start3A_448 = arith.constant 0 : i32
    %dma_start3A_449 = tpu.memref_slice %arg9[%dma_start3A_442, %dma_start3A_448] : memref<2x2048xi32, #tpu.memory_space<vmem>> -> memref<1x2048xi32, #tpu.memory_space<vmem>>
    %dma_start3A_450 = tpu.memref_squeeze %dma_start3A_449 : memref<1x2048xi32, #tpu.memory_space<vmem>> -> memref<2048xi32, #tpu.memory_space<vmem>>
    %dma_start3A_451 = arith.constant 0 : i32
    %dma_start3A_452 = tpu.memref_slice %arg4[%dma_start3A_451] : memref<16384xi32, #tpu.memory_space<hbm>> -> memref<2048xi32, #tpu.memory_space<hbm>>
    tpu.enqueue_dma source(%dma_start3A_452 : memref<2048xi32, #tpu.memory_space<hbm>>) target(%dma_start3A_450 : memref<2048xi32, #tpu.memory_space<vmem>>) target_semaphore(%arg11 : memref<!tpu.dma_semaphore, #tpu.memory_space<semaphore_mem>>)
    %dma_wait3A_453 = arith.constant 0 : i32
    %dma_wait3A_454 = tpu.memref_slice %arg2[%add3A_435, %dma_wait3A_453] : memref<64x100000xf32, #tpu.memory_space<hbm>> -> memref<1x100000xf32, #tpu.memory_space<hbm>>
    %dma_wait3A_455 = tpu.memref_squeeze %dma_wait3A_454 : memref<1x100000xf32, #tpu.memory_space<hbm>> -> memref<100000xf32, #tpu.memory_space<hbm>>
    %dma_wait3A_456 = arith.constant 0 : i32
    %dma_wait3A_457 = tpu.memref_slice %arg2[%add3A_435, %dma_wait3A_456] : memref<64x100000xf32, #tpu.memory_space<hbm>> -> memref<1x100000xf32, #tpu.memory_space<hbm>>
    %dma_wait3A_458 = tpu.memref_squeeze %dma_wait3A_457 : memref<1x100000xf32, #tpu.memory_space<hbm>> -> memref<100000xf32, #tpu.memory_space<hbm>>
    tpu.wait_dma2 semaphore(%arg10 : memref<!tpu.dma_semaphore, #tpu.memory_space<semaphore_mem>>) src(%dma_wait3A_458 : memref<100000xf32, #tpu.memory_space<hbm>>) dst(%arg7 : memref<100000xf32, #tpu.memory_space<vmem>>)
    %dma_wait3A_459 = arith.constant 0 : i32
    %dma_wait3A_460 = tpu.memref_slice %arg6[%add3A_4, %dma_wait3A_459] : memref<64x16384xf32, #tpu.memory_space<hbm>> -> memref<1x16384xf32, #tpu.memory_space<hbm>>
    %dma_wait3A_461 = tpu.memref_squeeze %dma_wait3A_460 : memref<1x16384xf32, #tpu.memory_space<hbm>> -> memref<16384xf32, #tpu.memory_space<hbm>>
    %dma_wait3A_462 = arith.constant 0 : i32
    %dma_wait3A_463 = tpu.memref_slice %arg6[%add3A_4, %dma_wait3A_462] : memref<64x16384xf32, #tpu.memory_space<hbm>> -> memref<1x16384xf32, #tpu.memory_space<hbm>>
    %dma_wait3A_464 = tpu.memref_squeeze %dma_wait3A_463 : memref<1x16384xf32, #tpu.memory_space<hbm>> -> memref<16384xf32, #tpu.memory_space<hbm>>
    tpu.wait_dma2 semaphore(%arg13 : memref<!tpu.dma_semaphore, #tpu.memory_space<semaphore_mem>>) src(%arg8 : memref<16384xf32, #tpu.memory_space<vmem>>) dst(%dma_wait3A_464 : memref<16384xf32, #tpu.memory_space<hbm>>)
    %dma_start3A_465 = arith.constant 1 : i32
    %dma_start3A_466 = arith.constant 0 : i32
    %dma_start3A_467 = tpu.memref_slice %arg9[%dma_start3A_465, %dma_start3A_466] : memref<2x2048xi32, #tpu.memory_space<vmem>> -> memref<1x2048xi32, #tpu.memory_space<vmem>>
    %dma_start3A_468 = tpu.memref_squeeze %dma_start3A_467 : memref<1x2048xi32, #tpu.memory_space<vmem>> -> memref<2048xi32, #tpu.memory_space<vmem>>
    %dma_start3A_469 = arith.constant 2048 : i32
    %dma_start3A_470 = tpu.memref_slice %arg4[%dma_start3A_469] : memref<16384xi32, #tpu.memory_space<hbm>> -> memref<2048xi32, #tpu.memory_space<hbm>>
    %dma_start3A_471 = arith.constant 0 : i32
    %dma_start3A_472 = tpu.memref_slice %arg9[%dma_start3A_465, %dma_start3A_471] : memref<2x2048xi32, #tpu.memory_space<vmem>> -> memref<1x2048xi32, #tpu.memory_space<vmem>>
    %dma_start3A_473 = tpu.memref_squeeze %dma_start3A_472 : memref<1x2048xi32, #tpu.memory_space<vmem>> -> memref<2048xi32, #tpu.memory_space<vmem>>
    %dma_start3A_474 = arith.constant 2048 : i32
    %dma_start3A_475 = tpu.memref_slice %arg4[%dma_start3A_474] : memref<16384xi32, #tpu.memory_space<hbm>> -> memref<2048xi32, #tpu.memory_space<hbm>>
    tpu.enqueue_dma source(%dma_start3A_475 : memref<2048xi32, #tpu.memory_space<hbm>>) target(%dma_start3A_473 : memref<2048xi32, #tpu.memory_space<vmem>>) target_semaphore(%arg12 : memref<!tpu.dma_semaphore, #tpu.memory_space<semaphore_mem>>)
    %dma_wait3A_476 = arith.constant 0 : i32
    %dma_wait3A_477 = arith.constant 0 : i32
    %dma_wait3A_478 = tpu.memref_slice %arg9[%dma_wait3A_476, %dma_wait3A_477] : memref<2x2048xi32, #tpu.memory_space<vmem>> -> memref<1x2048xi32, #tpu.memory_space<vmem>>
    %dma_wait3A_479 = tpu.memref_squeeze %dma_wait3A_478 : memref<1x2048xi32, #tpu.memory_space<vmem>> -> memref<2048xi32, #tpu.memory_space<vmem>>
    %dma_wait3A_480 = arith.constant 0 : i32
    %dma_wait3A_481 = tpu.memref_slice %arg4[%dma_wait3A_480] : memref<16384xi32, #tpu.memory_space<hbm>> -> memref<2048xi32, #tpu.memory_space<hbm>>
    %dma_wait3A_482 = arith.constant 0 : i32
    %dma_wait3A_483 = tpu.memref_slice %arg9[%dma_wait3A_476, %dma_wait3A_482] : memref<2x2048xi32, #tpu.memory_space<vmem>> -> memref<1x2048xi32, #tpu.memory_space<vmem>>
    %dma_wait3A_484 = tpu.memref_squeeze %dma_wait3A_483 : memref<1x2048xi32, #tpu.memory_space<vmem>> -> memref<2048xi32, #tpu.memory_space<vmem>>
    %dma_wait3A_485 = arith.constant 0 : i32
    %dma_wait3A_486 = tpu.memref_slice %arg4[%dma_wait3A_485] : memref<16384xi32, #tpu.memory_space<hbm>> -> memref<2048xi32, #tpu.memory_space<hbm>>
    tpu.wait_dma2 semaphore(%arg11 : memref<!tpu.dma_semaphore, #tpu.memory_space<semaphore_mem>>) src(%dma_wait3A_486 : memref<2048xi32, #tpu.memory_space<hbm>>) dst(%dma_wait3A_484 : memref<2048xi32, #tpu.memory_space<vmem>>)
    %parallel_loop3A_487 = arith.constant 0 : i32
    %parallel_loop3A_488 = arith.constant 128 : i32
    %parallel_loop3A_489 = arith.constant 1 : i32
    scf.for %parallel_loop3A_878 = %parallel_loop3A_487 to %parallel_loop3A_488 step %parallel_loop3A_489  : i32 {
      %parallel_loop3A_879 = arith.constant 16 : i32
      %parallel_loop3A_880 = arith.muli %parallel_loop3A_878, %parallel_loop3A_879 : i32
      %parallel_loop3A_881 = tpu.assume_multiple %parallel_loop3A_880, 16 : i32
      %parallel_loop3A_882 = arith.constant 0 : i32
      %parallel_loop3A_883 = arith.index_cast %parallel_loop3A_882 : i32 to index
      %parallel_loop3A_884 = arith.index_cast %parallel_loop3A_881 : i32 to index
      %parallel_loop3A_885 = tpu.vector_load %arg9[%parallel_loop3A_883, %parallel_loop3A_884] {strides = array<i32>} : memref<2x2048xi32, #tpu.memory_space<vmem>>, vector<16xi32>,
      %parallel_loop3A_886 = tpu.vector_load_idx %arg7[%parallel_loop3A_885] : memref<100000xf32, #tpu.memory_space<vmem>>[vector<16xi32>], vector<16xf32>,
      %parallel_loop3A_887 = arith.constant 0 : i32
      %parallel_loop3A_888 = arith.addi %parallel_loop3A_887, %parallel_loop3A_881 : i32
      %parallel_loop3A_889 = arith.index_cast %parallel_loop3A_888 : i32 to index
      %parallel_loop3A_890 = tpu.vector_load %arg8[%parallel_loop3A_889] {strides = array<i32>} : memref<16384xf32, #tpu.memory_space<vmem>>, vector<16xf32>,
      tpu.vector_store %arg8[%parallel_loop3A_889], %parallel_loop3A_886 {strides = array<i32>} : memref<16384xf32, #tpu.memory_space<vmem>>, vector<16xf32>,
    } {sc.loop_unroll_factor = 8 : i64, sc.parallel_access}
    %dma_start3A_490 = arith.constant 0 : i32
    %dma_start3A_491 = arith.constant 0 : i32
    %dma_start3A_492 = tpu.memref_slice %arg9[%dma_start3A_490, %dma_start3A_491] : memref<2x2048xi32, #tpu.memory_space<vmem>> -> memref<1x2048xi32, #tpu.memory_space<vmem>>
    %dma_start3A_493 = tpu.memref_squeeze %dma_start3A_492 : memref<1x2048xi32, #tpu.memory_space<vmem>> -> memref<2048xi32, #tpu.memory_space<vmem>>
    %dma_start3A_494 = arith.constant 4096 : i32
    %dma_start3A_495 = tpu.memref_slice %arg4[%dma_start3A_494] : memref<16384xi32, #tpu.memory_space<hbm>> -> memref<2048xi32, #tpu.memory_space<hbm>>
    %dma_start3A_496 = arith.constant 0 : i32
    %dma_start3A_497 = tpu.memref_slice %arg9[%dma_start3A_490, %dma_start3A_496] : memref<2x2048xi32, #tpu.memory_space<vmem>> -> memref<1x2048xi32, #tpu.memory_space<vmem>>
    %dma_start3A_498 = tpu.memref_squeeze %dma_start3A_497 : memref<1x2048xi32, #tpu.memory_space<vmem>> -> memref<2048xi32, #tpu.memory_space<vmem>>
    %dma_start3A_499 = arith.constant 4096 : i32
    %dma_start3A_500 = tpu.memref_slice %arg4[%dma_start3A_499] : memref<16384xi32, #tpu.memory_space<hbm>> -> memref<2048xi32, #tpu.memory_space<hbm>>
    tpu.enqueue_dma source(%dma_start3A_500 : memref<2048xi32, #tpu.memory_space<hbm>>) target(%dma_start3A_498 : memref<2048xi32, #tpu.memory_space<vmem>>) target_semaphore(%arg11 : memref<!tpu.dma_semaphore, #tpu.memory_space<semaphore_mem>>)
    %dma_wait3A_501 = arith.constant 1 : i32
    %dma_wait3A_502 = arith.constant 0 : i32
    %dma_wait3A_503 = tpu.memref_slice %arg9[%dma_wait3A_501, %dma_wait3A_502] : memref<2x2048xi32, #tpu.memory_space<vmem>> -> memref<1x2048xi32, #tpu.memory_space<vmem>>
    %dma_wait3A_504 = tpu.memref_squeeze %dma_wait3A_503 : memref<1x2048xi32, #tpu.memory_space<vmem>> -> memref<2048xi32, #tpu.memory_space<vmem>>
    %dma_wait3A_505 = arith.constant 2048 : i32
    %dma_wait3A_506 = tpu.memref_slice %arg4[%dma_wait3A_505] : memref<16384xi32, #tpu.memory_space<hbm>> -> memref<2048xi32, #tpu.memory_space<hbm>>
    %dma_wait3A_507 = arith.constant 0 : i32
    %dma_wait3A_508 = tpu.memref_slice %arg9[%dma_wait3A_501, %dma_wait3A_507] : memref<2x2048xi32, #tpu.memory_space<vmem>> -> memref<1x2048xi32, #tpu.memory_space<vmem>>
    %dma_wait3A_509 = tpu.memref_squeeze %dma_wait3A_508 : memref<1x2048xi32, #tpu.memory_space<vmem>> -> memref<2048xi32, #tpu.memory_space<vmem>>
    %dma_wait3A_510 = arith.constant 2048 : i32
    %dma_wait3A_511 = tpu.memref_slice %arg4[%dma_wait3A_510] : memref<16384xi32, #tpu.memory_space<hbm>> -> memref<2048xi32, #tpu.memory_space<hbm>>
    tpu.wait_dma2 semaphore(%arg12 : memref<!tpu.dma_semaphore, #tpu.memory_space<semaphore_mem>>) src(%dma_wait3A_511 : memref<2048xi32, #tpu.memory_space<hbm>>) dst(%dma_wait3A_509 : memref<2048xi32, #tpu.memory_space<vmem>>)
    %parallel_loop3A_512 = arith.constant 0 : i32
    %parallel_loop3A_513 = arith.constant 128 : i32
    %parallel_loop3A_514 = arith.constant 1 : i32
    scf.for %parallel_loop3A_878 = %parallel_loop3A_512 to %parallel_loop3A_513 step %parallel_loop3A_514  : i32 {
      %parallel_loop3A_879 = arith.constant 16 : i32
      %parallel_loop3A_880 = arith.muli %parallel_loop3A_878, %parallel_loop3A_879 : i32
      %parallel_loop3A_881 = tpu.assume_multiple %parallel_loop3A_880, 16 : i32
      %parallel_loop3A_882 = arith.constant 1 : i32
      %parallel_loop3A_883 = arith.index_cast %parallel_loop3A_882 : i32 to index
      %parallel_loop3A_884 = arith.index_cast %parallel_loop3A_881 : i32 to index
      %parallel_loop3A_885 = tpu.vector_load %arg9[%parallel_loop3A_883, %parallel_loop3A_884] {strides = array<i32>} : memref<2x2048xi32, #tpu.memory_space<vmem>>, vector<16xi32>,
      %parallel_loop3A_886 = tpu.vector_load_idx %arg7[%parallel_loop3A_885] : memref<100000xf32, #tpu.memory_space<vmem>>[vector<16xi32>], vector<16xf32>,
      %parallel_loop3A_887 = arith.constant 2048 : i32
      %parallel_loop3A_888 = arith.addi %parallel_loop3A_887, %parallel_loop3A_881 : i32
      %parallel_loop3A_889 = arith.index_cast %parallel_loop3A_888 : i32 to index
      %parallel_loop3A_890 = tpu.vector_load %arg8[%parallel_loop3A_889] {strides = array<i32>} : memref<16384xf32, #tpu.memory_space<vmem>>, vector<16xf32>,
      tpu.vector_store %arg8[%parallel_loop3A_889], %parallel_loop3A_886 {strides = array<i32>} : memref<16384xf32, #tpu.memory_space<vmem>>, vector<16xf32>,
    } {sc.loop_unroll_factor = 8 : i64, sc.parallel_access}
    %dma_start3A_515 = arith.constant 1 : i32
    %dma_start3A_516 = arith.constant 0 : i32
    %dma_start3A_517 = tpu.memref_slice %arg9[%dma_start3A_515, %dma_start3A_516] : memref<2x2048xi32, #tpu.memory_space<vmem>> -> memref<1x2048xi32, #tpu.memory_space<vmem>>
    %dma_start3A_518 = tpu.memref_squeeze %dma_start3A_517 : memref<1x2048xi32, #tpu.memory_space<vmem>> -> memref<2048xi32, #tpu.memory_space<vmem>>
    %dma_start3A_519 = arith.constant 6144 : i32
    %dma_start3A_520 = tpu.memref_slice %arg4[%dma_start3A_519] : memref<16384xi32, #tpu.memory_space<hbm>> -> memref<2048xi32, #tpu.memory_space<hbm>>
    %dma_start3A_521 = arith.constant 0 : i32
    %dma_start3A_522 = tpu.memref_slice %arg9[%dma_start3A_515, %dma_start3A_521] : memref<2x2048xi32, #tpu.memory_space<vmem>> -> memref<1x2048xi32, #tpu.memory_space<vmem>>
    %dma_start3A_523 = tpu.memref_squeeze %dma_start3A_522 : memref<1x2048xi32, #tpu.memory_space<vmem>> -> memref<2048xi32, #tpu.memory_space<vmem>>
    %dma_start3A_524 = arith.constant 6144 : i32
    %dma_start3A_525 = tpu.memref_slice %arg4[%dma_start3A_524] : memref<16384xi32, #tpu.memory_space<hbm>> -> memref<2048xi32, #tpu.memory_space<hbm>>
    tpu.enqueue_dma source(%dma_start3A_525 : memref<2048xi32, #tpu.memory_space<hbm>>) target(%dma_start3A_523 : memref<2048xi32, #tpu.memory_space<vmem>>) target_semaphore(%arg12 : memref<!tpu.dma_semaphore, #tpu.memory_space<semaphore_mem>>)
    %dma_wait3A_526 = arith.constant 0 : i32
    %dma_wait3A_527 = arith.constant 0 : i32
    %dma_wait3A_528 = tpu.memref_slice %arg9[%dma_wait3A_526, %dma_wait3A_527] : memref<2x2048xi32, #tpu.memory_space<vmem>> -> memref<1x2048xi32, #tpu.memory_space<vmem>>
    %dma_wait3A_529 = tpu.memref_squeeze %dma_wait3A_528 : memref<1x2048xi32, #tpu.memory_space<vmem>> -> memref<2048xi32, #tpu.memory_space<vmem>>
    %dma_wait3A_530 = arith.constant 4096 : i32
    %dma_wait3A_531 = tpu.memref_slice %arg4[%dma_wait3A_530] : memref<16384xi32, #tpu.memory_space<hbm>> -> memref<2048xi32, #tpu.memory_space<hbm>>
    %dma_wait3A_532 = arith.constant 0 : i32
    %dma_wait3A_533 = tpu.memref_slice %arg9[%dma_wait3A_526, %dma_wait3A_532] : memref<2x2048xi32, #tpu.memory_space<vmem>> -> memref<1x2048xi32, #tpu.memory_space<vmem>>
    %dma_wait3A_534 = tpu.memref_squeeze %dma_wait3A_533 : memref<1x2048xi32, #tpu.memory_space<vmem>> -> memref<2048xi32, #tpu.memory_space<vmem>>
    %dma_wait3A_535 = arith.constant 4096 : i32
    %dma_wait3A_536 = tpu.memref_slice %arg4[%dma_wait3A_535] : memref<16384xi32, #tpu.memory_space<hbm>> -> memref<2048xi32, #tpu.memory_space<hbm>>
    tpu.wait_dma2 semaphore(%arg11 : memref<!tpu.dma_semaphore, #tpu.memory_space<semaphore_mem>>) src(%dma_wait3A_536 : memref<2048xi32, #tpu.memory_space<hbm>>) dst(%dma_wait3A_534 : memref<2048xi32, #tpu.memory_space<vmem>>)
    %parallel_loop3A_537 = arith.constant 0 : i32
    %parallel_loop3A_538 = arith.constant 128 : i32
    %parallel_loop3A_539 = arith.constant 1 : i32
    scf.for %parallel_loop3A_878 = %parallel_loop3A_537 to %parallel_loop3A_538 step %parallel_loop3A_539  : i32 {
      %parallel_loop3A_879 = arith.constant 16 : i32
      %parallel_loop3A_880 = arith.muli %parallel_loop3A_878, %parallel_loop3A_879 : i32
      %parallel_loop3A_881 = tpu.assume_multiple %parallel_loop3A_880, 16 : i32
      %parallel_loop3A_882 = arith.constant 0 : i32
      %parallel_loop3A_883 = arith.index_cast %parallel_loop3A_882 : i32 to index
      %parallel_loop3A_884 = arith.index_cast %parallel_loop3A_881 : i32 to index
      %parallel_loop3A_885 = tpu.vector_load %arg9[%parallel_loop3A_883, %parallel_loop3A_884] {strides = array<i32>} : memref<2x2048xi32, #tpu.memory_space<vmem>>, vector<16xi32>,
      %parallel_loop3A_886 = tpu.vector_load_idx %arg7[%parallel_loop3A_885] : memref<100000xf32, #tpu.memory_space<vmem>>[vector<16xi32>], vector<16xf32>,
      %parallel_loop3A_887 = arith.constant 4096 : i32
      %parallel_loop3A_888 = arith.addi %parallel_loop3A_887, %parallel_loop3A_881 : i32
      %parallel_loop3A_889 = arith.index_cast %parallel_loop3A_888 : i32 to index
      %parallel_loop3A_890 = tpu.vector_load %arg8[%parallel_loop3A_889] {strides = array<i32>} : memref<16384xf32, #tpu.memory_space<vmem>>, vector<16xf32>,
      tpu.vector_store %arg8[%parallel_loop3A_889], %parallel_loop3A_886 {strides = array<i32>} : memref<16384xf32, #tpu.memory_space<vmem>>, vector<16xf32>,
    } {sc.loop_unroll_factor = 8 : i64, sc.parallel_access}
    %dma_start3A_540 = arith.constant 0 : i32
    %dma_start3A_541 = arith.constant 0 : i32
    %dma_start3A_542 = tpu.memref_slice %arg9[%dma_start3A_540, %dma_start3A_541] : memref<2x2048xi32, #tpu.memory_space<vmem>> -> memref<1x2048xi32, #tpu.memory_space<vmem>>
    %dma_start3A_543 = tpu.memref_squeeze %dma_start3A_542 : memref<1x2048xi32, #tpu.memory_space<vmem>> -> memref<2048xi32, #tpu.memory_space<vmem>>
    %dma_start3A_544 = arith.constant 8192 : i32
    %dma_start3A_545 = tpu.memref_slice %arg4[%dma_start3A_544] : memref<16384xi32, #tpu.memory_space<hbm>> -> memref<2048xi32, #tpu.memory_space<hbm>>
    %dma_start3A_546 = arith.constant 0 : i32
    %dma_start3A_547 = tpu.memref_slice %arg9[%dma_start3A_540, %dma_start3A_546] : memref<2x2048xi32, #tpu.memory_space<vmem>> -> memref<1x2048xi32, #tpu.memory_space<vmem>>
    %dma_start3A_548 = tpu.memref_squeeze %dma_start3A_547 : memref<1x2048xi32, #tpu.memory_space<vmem>> -> memref<2048xi32, #tpu.memory_space<vmem>>
    %dma_start3A_549 = arith.constant 8192 : i32
    %dma_start3A_550 = tpu.memref_slice %arg4[%dma_start3A_549] : memref<16384xi32, #tpu.memory_space<hbm>> -> memref<2048xi32, #tpu.memory_space<hbm>>
    tpu.enqueue_dma source(%dma_start3A_550 : memref<2048xi32, #tpu.memory_space<hbm>>) target(%dma_start3A_548 : memref<2048xi32, #tpu.memory_space<vmem>>) target_semaphore(%arg11 : memref<!tpu.dma_semaphore, #tpu.memory_space<semaphore_mem>>)
    %dma_wait3A_551 = arith.constant 1 : i32
    %dma_wait3A_552 = arith.constant 0 : i32
    %dma_wait3A_553 = tpu.memref_slice %arg9[%dma_wait3A_551, %dma_wait3A_552] : memref<2x2048xi32, #tpu.memory_space<vmem>> -> memref<1x2048xi32, #tpu.memory_space<vmem>>
    %dma_wait3A_554 = tpu.memref_squeeze %dma_wait3A_553 : memref<1x2048xi32, #tpu.memory_space<vmem>> -> memref<2048xi32, #tpu.memory_space<vmem>>
    %dma_wait3A_555 = arith.constant 6144 : i32
    %dma_wait3A_556 = tpu.memref_slice %arg4[%dma_wait3A_555] : memref<16384xi32, #tpu.memory_space<hbm>> -> memref<2048xi32, #tpu.memory_space<hbm>>
    %dma_wait3A_557 = arith.constant 0 : i32
    %dma_wait3A_558 = tpu.memref_slice %arg9[%dma_wait3A_551, %dma_wait3A_557] : memref<2x2048xi32, #tpu.memory_space<vmem>> -> memref<1x2048xi32, #tpu.memory_space<vmem>>
    %dma_wait3A_559 = tpu.memref_squeeze %dma_wait3A_558 : memref<1x2048xi32, #tpu.memory_space<vmem>> -> memref<2048xi32, #tpu.memory_space<vmem>>
    %dma_wait3A_560 = arith.constant 6144 : i32
    %dma_wait3A_561 = tpu.memref_slice %arg4[%dma_wait3A_560] : memref<16384xi32, #tpu.memory_space<hbm>> -> memref<2048xi32, #tpu.memory_space<hbm>>
    tpu.wait_dma2 semaphore(%arg12 : memref<!tpu.dma_semaphore, #tpu.memory_space<semaphore_mem>>) src(%dma_wait3A_561 : memref<2048xi32, #tpu.memory_space<hbm>>) dst(%dma_wait3A_559 : memref<2048xi32, #tpu.memory_space<vmem>>)
    %parallel_loop3A_562 = arith.constant 0 : i32
    %parallel_loop3A_563 = arith.constant 128 : i32
    %parallel_loop3A_564 = arith.constant 1 : i32
    scf.for %parallel_loop3A_878 = %parallel_loop3A_562 to %parallel_loop3A_563 step %parallel_loop3A_564  : i32 {
      %parallel_loop3A_879 = arith.constant 16 : i32
      %parallel_loop3A_880 = arith.muli %parallel_loop3A_878, %parallel_loop3A_879 : i32
      %parallel_loop3A_881 = tpu.assume_multiple %parallel_loop3A_880, 16 : i32
      %parallel_loop3A_882 = arith.constant 1 : i32
      %parallel_loop3A_883 = arith.index_cast %parallel_loop3A_882 : i32 to index
      %parallel_loop3A_884 = arith.index_cast %parallel_loop3A_881 : i32 to index
      %parallel_loop3A_885 = tpu.vector_load %arg9[%parallel_loop3A_883, %parallel_loop3A_884] {strides = array<i32>} : memref<2x2048xi32, #tpu.memory_space<vmem>>, vector<16xi32>,
      %parallel_loop3A_886 = tpu.vector_load_idx %arg7[%parallel_loop3A_885] : memref<100000xf32, #tpu.memory_space<vmem>>[vector<16xi32>], vector<16xf32>,
      %parallel_loop3A_887 = arith.constant 6144 : i32
      %parallel_loop3A_888 = arith.addi %parallel_loop3A_887, %parallel_loop3A_881 : i32
      %parallel_loop3A_889 = arith.index_cast %parallel_loop3A_888 : i32 to index
      %parallel_loop3A_890 = tpu.vector_load %arg8[%parallel_loop3A_889] {strides = array<i32>} : memref<16384xf32, #tpu.memory_space<vmem>>, vector<16xf32>,
      tpu.vector_store %arg8[%parallel_loop3A_889], %parallel_loop3A_886 {strides = array<i32>} : memref<16384xf32, #tpu.memory_space<vmem>>, vector<16xf32>,
    } {sc.loop_unroll_factor = 8 : i64, sc.parallel_access}
    %dma_start3A_565 = arith.constant 1 : i32
    %dma_start3A_566 = arith.constant 0 : i32
    %dma_start3A_567 = tpu.memref_slice %arg9[%dma_start3A_565, %dma_start3A_566] : memref<2x2048xi32, #tpu.memory_space<vmem>> -> memref<1x2048xi32, #tpu.memory_space<vmem>>
    %dma_start3A_568 = tpu.memref_squeeze %dma_start3A_567 : memref<1x2048xi32, #tpu.memory_space<vmem>> -> memref<2048xi32, #tpu.memory_space<vmem>>
    %dma_start3A_569 = arith.constant 10240 : i32
    %dma_start3A_570 = tpu.memref_slice %arg4[%dma_start3A_569] : memref<16384xi32, #tpu.memory_space<hbm>> -> memref<2048xi32, #tpu.memory_space<hbm>>
    %dma_start3A_571 = arith.constant 0 : i32
    %dma_start3A_572 = tpu.memref_slice %arg9[%dma_start3A_565, %dma_start3A_571] : memref<2x2048xi32, #tpu.memory_space<vmem>> -> memref<1x2048xi32, #tpu.memory_space<vmem>>
    %dma_start3A_573 = tpu.memref_squeeze %dma_start3A_572 : memref<1x2048xi32, #tpu.memory_space<vmem>> -> memref<2048xi32, #tpu.memory_space<vmem>>
    %dma_start3A_574 = arith.constant 10240 : i32
    %dma_start3A_575 = tpu.memref_slice %arg4[%dma_start3A_574] : memref<16384xi32, #tpu.memory_space<hbm>> -> memref<2048xi32, #tpu.memory_space<hbm>>
    tpu.enqueue_dma source(%dma_start3A_575 : memref<2048xi32, #tpu.memory_space<hbm>>) target(%dma_start3A_573 : memref<2048xi32, #tpu.memory_space<vmem>>) target_semaphore(%arg12 : memref<!tpu.dma_semaphore, #tpu.memory_space<semaphore_mem>>)
    %dma_wait3A_576 = arith.constant 0 : i32
    %dma_wait3A_577 = arith.constant 0 : i32
    %dma_wait3A_578 = tpu.memref_slice %arg9[%dma_wait3A_576, %dma_wait3A_577] : memref<2x2048xi32, #tpu.memory_space<vmem>> -> memref<1x2048xi32, #tpu.memory_space<vmem>>
    %dma_wait3A_579 = tpu.memref_squeeze %dma_wait3A_578 : memref<1x2048xi32, #tpu.memory_space<vmem>> -> memref<2048xi32, #tpu.memory_space<vmem>>
    %dma_wait3A_580 = arith.constant 8192 : i32
    %dma_wait3A_581 = tpu.memref_slice %arg4[%dma_wait3A_580] : memref<16384xi32, #tpu.memory_space<hbm>> -> memref<2048xi32, #tpu.memory_space<hbm>>
    %dma_wait3A_582 = arith.constant 0 : i32
    %dma_wait3A_583 = tpu.memref_slice %arg9[%dma_wait3A_576, %dma_wait3A_582] : memref<2x2048xi32, #tpu.memory_space<vmem>> -> memref<1x2048xi32, #tpu.memory_space<vmem>>
    %dma_wait3A_584 = tpu.memref_squeeze %dma_wait3A_583 : memref<1x2048xi32, #tpu.memory_space<vmem>> -> memref<2048xi32, #tpu.memory_space<vmem>>
    %dma_wait3A_585 = arith.constant 8192 : i32
    %dma_wait3A_586 = tpu.memref_slice %arg4[%dma_wait3A_585] : memref<16384xi32, #tpu.memory_space<hbm>> -> memref<2048xi32, #tpu.memory_space<hbm>>
    tpu.wait_dma2 semaphore(%arg11 : memref<!tpu.dma_semaphore, #tpu.memory_space<semaphore_mem>>) src(%dma_wait3A_586 : memref<2048xi32, #tpu.memory_space<hbm>>) dst(%dma_wait3A_584 : memref<2048xi32, #tpu.memory_space<vmem>>)
    %parallel_loop3A_587 = arith.constant 0 : i32
    %parallel_loop3A_588 = arith.constant 128 : i32
    %parallel_loop3A_589 = arith.constant 1 : i32
    scf.for %parallel_loop3A_878 = %parallel_loop3A_587 to %parallel_loop3A_588 step %parallel_loop3A_589  : i32 {
      %parallel_loop3A_879 = arith.constant 16 : i32
      %parallel_loop3A_880 = arith.muli %parallel_loop3A_878, %parallel_loop3A_879 : i32
      %parallel_loop3A_881 = tpu.assume_multiple %parallel_loop3A_880, 16 : i32
      %parallel_loop3A_882 = arith.constant 0 : i32
      %parallel_loop3A_883 = arith.index_cast %parallel_loop3A_882 : i32 to index
      %parallel_loop3A_884 = arith.index_cast %parallel_loop3A_881 : i32 to index
      %parallel_loop3A_885 = tpu.vector_load %arg9[%parallel_loop3A_883, %parallel_loop3A_884] {strides = array<i32>} : memref<2x2048xi32, #tpu.memory_space<vmem>>, vector<16xi32>,
      %parallel_loop3A_886 = tpu.vector_load_idx %arg7[%parallel_loop3A_885] : memref<100000xf32, #tpu.memory_space<vmem>>[vector<16xi32>], vector<16xf32>,
      %parallel_loop3A_887 = arith.constant 8192 : i32
      %parallel_loop3A_888 = arith.addi %parallel_loop3A_887, %parallel_loop3A_881 : i32
      %parallel_loop3A_889 = arith.index_cast %parallel_loop3A_888 : i32 to index
      %parallel_loop3A_890 = tpu.vector_load %arg8[%parallel_loop3A_889] {strides = array<i32>} : memref<16384xf32, #tpu.memory_space<vmem>>, vector<16xf32>,
      tpu.vector_store %arg8[%parallel_loop3A_889], %parallel_loop3A_886 {strides = array<i32>} : memref<16384xf32, #tpu.memory_space<vmem>>, vector<16xf32>,
    } {sc.loop_unroll_factor = 8 : i64, sc.parallel_access}
    %dma_start3A_590 = arith.constant 0 : i32
    %dma_start3A_591 = arith.constant 0 : i32
    %dma_start3A_592 = tpu.memref_slice %arg9[%dma_start3A_590, %dma_start3A_591] : memref<2x2048xi32, #tpu.memory_space<vmem>> -> memref<1x2048xi32, #tpu.memory_space<vmem>>
    %dma_start3A_593 = tpu.memref_squeeze %dma_start3A_592 : memref<1x2048xi32, #tpu.memory_space<vmem>> -> memref<2048xi32, #tpu.memory_space<vmem>>
    %dma_start3A_594 = arith.constant 12288 : i32
    %dma_start3A_595 = tpu.memref_slice %arg4[%dma_start3A_594] : memref<16384xi32, #tpu.memory_space<hbm>> -> memref<2048xi32, #tpu.memory_space<hbm>>
    %dma_start3A_596 = arith.constant 0 : i32
    %dma_start3A_597 = tpu.memref_slice %arg9[%dma_start3A_590, %dma_start3A_596] : memref<2x2048xi32, #tpu.memory_space<vmem>> -> memref<1x2048xi32, #tpu.memory_space<vmem>>
    %dma_start3A_598 = tpu.memref_squeeze %dma_start3A_597 : memref<1x2048xi32, #tpu.memory_space<vmem>> -> memref<2048xi32, #tpu.memory_space<vmem>>
    %dma_start3A_599 = arith.constant 12288 : i32
    %dma_start3A_600 = tpu.memref_slice %arg4[%dma_start3A_599] : memref<16384xi32, #tpu.memory_space<hbm>> -> memref<2048xi32, #tpu.memory_space<hbm>>
    tpu.enqueue_dma source(%dma_start3A_600 : memref<2048xi32, #tpu.memory_space<hbm>>) target(%dma_start3A_598 : memref<2048xi32, #tpu.memory_space<vmem>>) target_semaphore(%arg11 : memref<!tpu.dma_semaphore, #tpu.memory_space<semaphore_mem>>)
    %dma_wait3A_601 = arith.constant 1 : i32
    %dma_wait3A_602 = arith.constant 0 : i32
    %dma_wait3A_603 = tpu.memref_slice %arg9[%dma_wait3A_601, %dma_wait3A_602] : memref<2x2048xi32, #tpu.memory_space<vmem>> -> memref<1x2048xi32, #tpu.memory_space<vmem>>
    %dma_wait3A_604 = tpu.memref_squeeze %dma_wait3A_603 : memref<1x2048xi32, #tpu.memory_space<vmem>> -> memref<2048xi32, #tpu.memory_space<vmem>>
    %dma_wait3A_605 = arith.constant 10240 : i32
    %dma_wait3A_606 = tpu.memref_slice %arg4[%dma_wait3A_605] : memref<16384xi32, #tpu.memory_space<hbm>> -> memref<2048xi32, #tpu.memory_space<hbm>>
    %dma_wait3A_607 = arith.constant 0 : i32
    %dma_wait3A_608 = tpu.memref_slice %arg9[%dma_wait3A_601, %dma_wait3A_607] : memref<2x2048xi32, #tpu.memory_space<vmem>> -> memref<1x2048xi32, #tpu.memory_space<vmem>>
    %dma_wait3A_609 = tpu.memref_squeeze %dma_wait3A_608 : memref<1x2048xi32, #tpu.memory_space<vmem>> -> memref<2048xi32, #tpu.memory_space<vmem>>
    %dma_wait3A_610 = arith.constant 10240 : i32
    %dma_wait3A_611 = tpu.memref_slice %arg4[%dma_wait3A_610] : memref<16384xi32, #tpu.memory_space<hbm>> -> memref<2048xi32, #tpu.memory_space<hbm>>
    tpu.wait_dma2 semaphore(%arg12 : memref<!tpu.dma_semaphore, #tpu.memory_space<semaphore_mem>>) src(%dma_wait3A_611 : memref<2048xi32, #tpu.memory_space<hbm>>) dst(%dma_wait3A_609 : memref<2048xi32, #tpu.memory_space<vmem>>)
    %parallel_loop3A_612 = arith.constant 0 : i32
    %parallel_loop3A_613 = arith.constant 128 : i32
    %parallel_loop3A_614 = arith.constant 1 : i32
    scf.for %parallel_loop3A_878 = %parallel_loop3A_612 to %parallel_loop3A_613 step %parallel_loop3A_614  : i32 {
      %parallel_loop3A_879 = arith.constant 16 : i32
      %parallel_loop3A_880 = arith.muli %parallel_loop3A_878, %parallel_loop3A_879 : i32
      %parallel_loop3A_881 = tpu.assume_multiple %parallel_loop3A_880, 16 : i32
      %parallel_loop3A_882 = arith.constant 1 : i32
      %parallel_loop3A_883 = arith.index_cast %parallel_loop3A_882 : i32 to index
      %parallel_loop3A_884 = arith.index_cast %parallel_loop3A_881 : i32 to index
      %parallel_loop3A_885 = tpu.vector_load %arg9[%parallel_loop3A_883, %parallel_loop3A_884] {strides = array<i32>} : memref<2x2048xi32, #tpu.memory_space<vmem>>, vector<16xi32>,
      %parallel_loop3A_886 = tpu.vector_load_idx %arg7[%parallel_loop3A_885] : memref<100000xf32, #tpu.memory_space<vmem>>[vector<16xi32>], vector<16xf32>,
      %parallel_loop3A_887 = arith.constant 10240 : i32
      %parallel_loop3A_888 = arith.addi %parallel_loop3A_887, %parallel_loop3A_881 : i32
      %parallel_loop3A_889 = arith.index_cast %parallel_loop3A_888 : i32 to index
      %parallel_loop3A_890 = tpu.vector_load %arg8[%parallel_loop3A_889] {strides = array<i32>} : memref<16384xf32, #tpu.memory_space<vmem>>, vector<16xf32>,
      tpu.vector_store %arg8[%parallel_loop3A_889], %parallel_loop3A_886 {strides = array<i32>} : memref<16384xf32, #tpu.memory_space<vmem>>, vector<16xf32>,
    } {sc.loop_unroll_factor = 8 : i64, sc.parallel_access}
    %dma_start3A_615 = arith.constant 1 : i32
    %dma_start3A_616 = arith.constant 0 : i32
    %dma_start3A_617 = tpu.memref_slice %arg9[%dma_start3A_615, %dma_start3A_616] : memref<2x2048xi32, #tpu.memory_space<vmem>> -> memref<1x2048xi32, #tpu.memory_space<vmem>>
    %dma_start3A_618 = tpu.memref_squeeze %dma_start3A_617 : memref<1x2048xi32, #tpu.memory_space<vmem>> -> memref<2048xi32, #tpu.memory_space<vmem>>
    %dma_start3A_619 = arith.constant 14336 : i32
    %dma_start3A_620 = tpu.memref_slice %arg4[%dma_start3A_619] : memref<16384xi32, #tpu.memory_space<hbm>> -> memref<2048xi32, #tpu.memory_space<hbm>>
    %dma_start3A_621 = arith.constant 0 : i32
    %dma_start3A_622 = tpu.memref_slice %arg9[%dma_start3A_615, %dma_start3A_621] : memref<2x2048xi32, #tpu.memory_space<vmem>> -> memref<1x2048xi32, #tpu.memory_space<vmem>>
    %dma_start3A_623 = tpu.memref_squeeze %dma_start3A_622 : memref<1x2048xi32, #tpu.memory_space<vmem>> -> memref<2048xi32, #tpu.memory_space<vmem>>
    %dma_start3A_624 = arith.constant 14336 : i32
    %dma_start3A_625 = tpu.memref_slice %arg4[%dma_start3A_624] : memref<16384xi32, #tpu.memory_space<hbm>> -> memref<2048xi32, #tpu.memory_space<hbm>>
    tpu.enqueue_dma source(%dma_start3A_625 : memref<2048xi32, #tpu.memory_space<hbm>>) target(%dma_start3A_623 : memref<2048xi32, #tpu.memory_space<vmem>>) target_semaphore(%arg12 : memref<!tpu.dma_semaphore, #tpu.memory_space<semaphore_mem>>)
    %dma_wait3A_626 = arith.constant 0 : i32
    %dma_wait3A_627 = arith.constant 0 : i32
    %dma_wait3A_628 = tpu.memref_slice %arg9[%dma_wait3A_626, %dma_wait3A_627] : memref<2x2048xi32, #tpu.memory_space<vmem>> -> memref<1x2048xi32, #tpu.memory_space<vmem>>
    %dma_wait3A_629 = tpu.memref_squeeze %dma_wait3A_628 : memref<1x2048xi32, #tpu.memory_space<vmem>> -> memref<2048xi32, #tpu.memory_space<vmem>>
    %dma_wait3A_630 = arith.constant 12288 : i32
    %dma_wait3A_631 = tpu.memref_slice %arg4[%dma_wait3A_630] : memref<16384xi32, #tpu.memory_space<hbm>> -> memref<2048xi32, #tpu.memory_space<hbm>>
    %dma_wait3A_632 = arith.constant 0 : i32
    %dma_wait3A_633 = tpu.memref_slice %arg9[%dma_wait3A_626, %dma_wait3A_632] : memref<2x2048xi32, #tpu.memory_space<vmem>> -> memref<1x2048xi32, #tpu.memory_space<vmem>>
    %dma_wait3A_634 = tpu.memref_squeeze %dma_wait3A_633 : memref<1x2048xi32, #tpu.memory_space<vmem>> -> memref<2048xi32, #tpu.memory_space<vmem>>
    %dma_wait3A_635 = arith.constant 12288 : i32
    %dma_wait3A_636 = tpu.memref_slice %arg4[%dma_wait3A_635] : memref<16384xi32, #tpu.memory_space<hbm>> -> memref<2048xi32, #tpu.memory_space<hbm>>
    tpu.wait_dma2 semaphore(%arg11 : memref<!tpu.dma_semaphore, #tpu.memory_space<semaphore_mem>>) src(%dma_wait3A_636 : memref<2048xi32, #tpu.memory_space<hbm>>) dst(%dma_wait3A_634 : memref<2048xi32, #tpu.memory_space<vmem>>)
    %parallel_loop3A_637 = arith.constant 0 : i32
    %parallel_loop3A_638 = arith.constant 128 : i32
    %parallel_loop3A_639 = arith.constant 1 : i32
    scf.for %parallel_loop3A_878 = %parallel_loop3A_637 to %parallel_loop3A_638 step %parallel_loop3A_639  : i32 {
      %parallel_loop3A_879 = arith.constant 16 : i32
      %parallel_loop3A_880 = arith.muli %parallel_loop3A_878, %parallel_loop3A_879 : i32
      %parallel_loop3A_881 = tpu.assume_multiple %parallel_loop3A_880, 16 : i32
      %parallel_loop3A_882 = arith.constant 0 : i32
      %parallel_loop3A_883 = arith.index_cast %parallel_loop3A_882 : i32 to index
      %parallel_loop3A_884 = arith.index_cast %parallel_loop3A_881 : i32 to index
      %parallel_loop3A_885 = tpu.vector_load %arg9[%parallel_loop3A_883, %parallel_loop3A_884] {strides = array<i32>} : memref<2x2048xi32, #tpu.memory_space<vmem>>, vector<16xi32>,
      %parallel_loop3A_886 = tpu.vector_load_idx %arg7[%parallel_loop3A_885] : memref<100000xf32, #tpu.memory_space<vmem>>[vector<16xi32>], vector<16xf32>,
      %parallel_loop3A_887 = arith.constant 12288 : i32
      %parallel_loop3A_888 = arith.addi %parallel_loop3A_887, %parallel_loop3A_881 : i32
      %parallel_loop3A_889 = arith.index_cast %parallel_loop3A_888 : i32 to index
      %parallel_loop3A_890 = tpu.vector_load %arg8[%parallel_loop3A_889] {strides = array<i32>} : memref<16384xf32, #tpu.memory_space<vmem>>, vector<16xf32>,
      tpu.vector_store %arg8[%parallel_loop3A_889], %parallel_loop3A_886 {strides = array<i32>} : memref<16384xf32, #tpu.memory_space<vmem>>, vector<16xf32>,
    } {sc.loop_unroll_factor = 8 : i64, sc.parallel_access}
    %dma_wait3A_640 = arith.constant 1 : i32
    %dma_wait3A_641 = arith.constant 0 : i32
    %dma_wait3A_642 = tpu.memref_slice %arg9[%dma_wait3A_640, %dma_wait3A_641] : memref<2x2048xi32, #tpu.memory_space<vmem>> -> memref<1x2048xi32, #tpu.memory_space<vmem>>
    %dma_wait3A_643 = tpu.memref_squeeze %dma_wait3A_642 : memref<1x2048xi32, #tpu.memory_space<vmem>> -> memref<2048xi32, #tpu.memory_space<vmem>>
    %dma_wait3A_644 = arith.constant 14336 : i32
    %dma_wait3A_645 = tpu.memref_slice %arg4[%dma_wait3A_644] : memref<16384xi32, #tpu.memory_space<hbm>> -> memref<2048xi32, #tpu.memory_space<hbm>>
    %dma_wait3A_646 = arith.constant 0 : i32
    %dma_wait3A_647 = tpu.memref_slice %arg9[%dma_wait3A_640, %dma_wait3A_646] : memref<2x2048xi32, #tpu.memory_space<vmem>> -> memref<1x2048xi32, #tpu.memory_space<vmem>>
    %dma_wait3A_648 = tpu.memref_squeeze %dma_wait3A_647 : memref<1x2048xi32, #tpu.memory_space<vmem>> -> memref<2048xi32, #tpu.memory_space<vmem>>
    %dma_wait3A_649 = arith.constant 14336 : i32
    %dma_wait3A_650 = tpu.memref_slice %arg4[%dma_wait3A_649] : memref<16384xi32, #tpu.memory_space<hbm>> -> memref<2048xi32, #tpu.memory_space<hbm>>
    tpu.wait_dma2 semaphore(%arg12 : memref<!tpu.dma_semaphore, #tpu.memory_space<semaphore_mem>>) src(%dma_wait3A_650 : memref<2048xi32, #tpu.memory_space<hbm>>) dst(%dma_wait3A_648 : memref<2048xi32, #tpu.memory_space<vmem>>)
    %parallel_loop3A_651 = arith.constant 0 : i32
    %parallel_loop3A_652 = arith.constant 128 : i32
    %parallel_loop3A_653 = arith.constant 1 : i32
    scf.for %parallel_loop3A_878 = %parallel_loop3A_651 to %parallel_loop3A_652 step %parallel_loop3A_653  : i32 {
      %parallel_loop3A_879 = arith.constant 16 : i32
      %parallel_loop3A_880 = arith.muli %parallel_loop3A_878, %parallel_loop3A_879 : i32
      %parallel_loop3A_881 = tpu.assume_multiple %parallel_loop3A_880, 16 : i32
      %parallel_loop3A_882 = arith.constant 1 : i32
      %parallel_loop3A_883 = arith.index_cast %parallel_loop3A_882 : i32 to index
      %parallel_loop3A_884 = arith.index_cast %parallel_loop3A_881 : i32 to index
      %parallel_loop3A_885 = tpu.vector_load %arg9[%parallel_loop3A_883, %parallel_loop3A_884] {strides = array<i32>} : memref<2x2048xi32, #tpu.memory_space<vmem>>, vector<16xi32>,
      %parallel_loop3A_886 = tpu.vector_load_idx %arg7[%parallel_loop3A_885] : memref<100000xf32, #tpu.memory_space<vmem>>[vector<16xi32>], vector<16xf32>,
      %parallel_loop3A_887 = arith.constant 14336 : i32
      %parallel_loop3A_888 = arith.addi %parallel_loop3A_887, %parallel_loop3A_881 : i32
      %parallel_loop3A_889 = arith.index_cast %parallel_loop3A_888 : i32 to index
      %parallel_loop3A_890 = tpu.vector_load %arg8[%parallel_loop3A_889] {strides = array<i32>} : memref<16384xf32, #tpu.memory_space<vmem>>, vector<16xf32>,
      tpu.vector_store %arg8[%parallel_loop3A_889], %parallel_loop3A_886 {strides = array<i32>} : memref<16384xf32, #tpu.memory_space<vmem>>, vector<16xf32>,
    } {sc.loop_unroll_factor = 8 : i64, sc.parallel_access}
    %dma_start3A_654 = arith.constant 0 : i32
    %dma_start3A_655 = tpu.memref_slice %arg3[%add3A_435, %dma_start3A_654] : memref<64x100000xf32, #tpu.memory_space<hbm>> -> memref<1x100000xf32, #tpu.memory_space<hbm>>
    %dma_start3A_656 = tpu.memref_squeeze %dma_start3A_655 : memref<1x100000xf32, #tpu.memory_space<hbm>> -> memref<100000xf32, #tpu.memory_space<hbm>>
    %dma_start3A_657 = arith.constant 0 : i32
    %dma_start3A_658 = tpu.memref_slice %arg3[%add3A_435, %dma_start3A_657] : memref<64x100000xf32, #tpu.memory_space<hbm>> -> memref<1x100000xf32, #tpu.memory_space<hbm>>
    %dma_start3A_659 = tpu.memref_squeeze %dma_start3A_658 : memref<1x100000xf32, #tpu.memory_space<hbm>> -> memref<100000xf32, #tpu.memory_space<hbm>>
    tpu.enqueue_dma source(%dma_start3A_659 : memref<100000xf32, #tpu.memory_space<hbm>>) target(%arg7 : memref<100000xf32, #tpu.memory_space<vmem>>) target_semaphore(%arg10 : memref<!tpu.dma_semaphore, #tpu.memory_space<semaphore_mem>>)
    %dma_start3A_660 = arith.constant 0 : i32
    %dma_start3A_661 = arith.constant 0 : i32
    %dma_start3A_662 = tpu.memref_slice %arg9[%dma_start3A_660, %dma_start3A_661] : memref<2x2048xi32, #tpu.memory_space<vmem>> -> memref<1x2048xi32, #tpu.memory_space<vmem>>
    %dma_start3A_663 = tpu.memref_squeeze %dma_start3A_662 : memref<1x2048xi32, #tpu.memory_space<vmem>> -> memref<2048xi32, #tpu.memory_space<vmem>>
    %dma_start3A_664 = arith.constant 0 : i32
    %dma_start3A_665 = tpu.memref_slice %arg5[%dma_start3A_664] : memref<16384xi32, #tpu.memory_space<hbm>> -> memref<2048xi32, #tpu.memory_space<hbm>>
    %dma_start3A_666 = arith.constant 0 : i32
    %dma_start3A_667 = tpu.memref_slice %arg9[%dma_start3A_660, %dma_start3A_666] : memref<2x2048xi32, #tpu.memory_space<vmem>> -> memref<1x2048xi32, #tpu.memory_space<vmem>>
    %dma_start3A_668 = tpu.memref_squeeze %dma_start3A_667 : memref<1x2048xi32, #tpu.memory_space<vmem>> -> memref<2048xi32, #tpu.memory_space<vmem>>
    %dma_start3A_669 = arith.constant 0 : i32
    %dma_start3A_670 = tpu.memref_slice %arg5[%dma_start3A_669] : memref<16384xi32, #tpu.memory_space<hbm>> -> memref<2048xi32, #tpu.memory_space<hbm>>
    tpu.enqueue_dma source(%dma_start3A_670 : memref<2048xi32, #tpu.memory_space<hbm>>) target(%dma_start3A_668 : memref<2048xi32, #tpu.memory_space<vmem>>) target_semaphore(%arg11 : memref<!tpu.dma_semaphore, #tpu.memory_space<semaphore_mem>>)
    %dma_wait3A_671 = arith.constant 0 : i32
    %dma_wait3A_672 = tpu.memref_slice %arg3[%add3A_435, %dma_wait3A_671] : memref<64x100000xf32, #tpu.memory_space<hbm>> -> memref<1x100000xf32, #tpu.memory_space<hbm>>
    %dma_wait3A_673 = tpu.memref_squeeze %dma_wait3A_672 : memref<1x100000xf32, #tpu.memory_space<hbm>> -> memref<100000xf32, #tpu.memory_space<hbm>>
    %dma_wait3A_674 = arith.constant 0 : i32
    %dma_wait3A_675 = tpu.memref_slice %arg3[%add3A_435, %dma_wait3A_674] : memref<64x100000xf32, #tpu.memory_space<hbm>> -> memref<1x100000xf32, #tpu.memory_space<hbm>>
    %dma_wait3A_676 = tpu.memref_squeeze %dma_wait3A_675 : memref<1x100000xf32, #tpu.memory_space<hbm>> -> memref<100000xf32, #tpu.memory_space<hbm>>
    tpu.wait_dma2 semaphore(%arg10 : memref<!tpu.dma_semaphore, #tpu.memory_space<semaphore_mem>>) src(%dma_wait3A_676 : memref<100000xf32, #tpu.memory_space<hbm>>) dst(%arg7 : memref<100000xf32, #tpu.memory_space<vmem>>)
    %dma_start3A_677 = arith.constant 1 : i32
    %dma_start3A_678 = arith.constant 0 : i32
    %dma_start3A_679 = tpu.memref_slice %arg9[%dma_start3A_677, %dma_start3A_678] : memref<2x2048xi32, #tpu.memory_space<vmem>> -> memref<1x2048xi32, #tpu.memory_space<vmem>>
    %dma_start3A_680 = tpu.memref_squeeze %dma_start3A_679 : memref<1x2048xi32, #tpu.memory_space<vmem>> -> memref<2048xi32, #tpu.memory_space<vmem>>
    %dma_start3A_681 = arith.constant 2048 : i32
    %dma_start3A_682 = tpu.memref_slice %arg5[%dma_start3A_681] : memref<16384xi32, #tpu.memory_space<hbm>> -> memref<2048xi32, #tpu.memory_space<hbm>>
    %dma_start3A_683 = arith.constant 0 : i32
    %dma_start3A_684 = tpu.memref_slice %arg9[%dma_start3A_677, %dma_start3A_683] : memref<2x2048xi32, #tpu.memory_space<vmem>> -> memref<1x2048xi32, #tpu.memory_space<vmem>>
    %dma_start3A_685 = tpu.memref_squeeze %dma_start3A_684 : memref<1x2048xi32, #tpu.memory_space<vmem>> -> memref<2048xi32, #tpu.memory_space<vmem>>
    %dma_start3A_686 = arith.constant 2048 : i32
    %dma_start3A_687 = tpu.memref_slice %arg5[%dma_start3A_686] : memref<16384xi32, #tpu.memory_space<hbm>> -> memref<2048xi32, #tpu.memory_space<hbm>>
    tpu.enqueue_dma source(%dma_start3A_687 : memref<2048xi32, #tpu.memory_space<hbm>>) target(%dma_start3A_685 : memref<2048xi32, #tpu.memory_space<vmem>>) target_semaphore(%arg12 : memref<!tpu.dma_semaphore, #tpu.memory_space<semaphore_mem>>)
    %dma_wait3A_688 = arith.constant 0 : i32
    %dma_wait3A_689 = arith.constant 0 : i32
    %dma_wait3A_690 = tpu.memref_slice %arg9[%dma_wait3A_688, %dma_wait3A_689] : memref<2x2048xi32, #tpu.memory_space<vmem>> -> memref<1x2048xi32, #tpu.memory_space<vmem>>
    %dma_wait3A_691 = tpu.memref_squeeze %dma_wait3A_690 : memref<1x2048xi32, #tpu.memory_space<vmem>> -> memref<2048xi32, #tpu.memory_space<vmem>>
    %dma_wait3A_692 = arith.constant 0 : i32
    %dma_wait3A_693 = tpu.memref_slice %arg5[%dma_wait3A_692] : memref<16384xi32, #tpu.memory_space<hbm>> -> memref<2048xi32, #tpu.memory_space<hbm>>
    %dma_wait3A_694 = arith.constant 0 : i32
    %dma_wait3A_695 = tpu.memref_slice %arg9[%dma_wait3A_688, %dma_wait3A_694] : memref<2x2048xi32, #tpu.memory_space<vmem>> -> memref<1x2048xi32, #tpu.memory_space<vmem>>
    %dma_wait3A_696 = tpu.memref_squeeze %dma_wait3A_695 : memref<1x2048xi32, #tpu.memory_space<vmem>> -> memref<2048xi32, #tpu.memory_space<vmem>>
    %dma_wait3A_697 = arith.constant 0 : i32
    %dma_wait3A_698 = tpu.memref_slice %arg5[%dma_wait3A_697] : memref<16384xi32, #tpu.memory_space<hbm>> -> memref<2048xi32, #tpu.memory_space<hbm>>
    tpu.wait_dma2 semaphore(%arg11 : memref<!tpu.dma_semaphore, #tpu.memory_space<semaphore_mem>>) src(%dma_wait3A_698 : memref<2048xi32, #tpu.memory_space<hbm>>) dst(%dma_wait3A_696 : memref<2048xi32, #tpu.memory_space<vmem>>)
    %parallel_loop3A_699 = arith.constant 0 : i32
    %parallel_loop3A_700 = arith.constant 128 : i32
    %parallel_loop3A_701 = arith.constant 1 : i32
    scf.for %parallel_loop3A_878 = %parallel_loop3A_699 to %parallel_loop3A_700 step %parallel_loop3A_701  : i32 {
      %parallel_loop3A_879 = arith.constant 16 : i32
      %parallel_loop3A_880 = arith.muli %parallel_loop3A_878, %parallel_loop3A_879 : i32
      %parallel_loop3A_881 = tpu.assume_multiple %parallel_loop3A_880, 16 : i32
      %parallel_loop3A_882 = arith.constant 0 : i32
      %parallel_loop3A_883 = arith.addi %parallel_loop3A_882, %parallel_loop3A_881 : i32
      %parallel_loop3A_884 = arith.constant 0 : i32
      %parallel_loop3A_885 = arith.index_cast %parallel_loop3A_884 : i32 to index
      %parallel_loop3A_886 = arith.index_cast %parallel_loop3A_881 : i32 to index
      %parallel_loop3A_887 = tpu.vector_load %arg9[%parallel_loop3A_885, %parallel_loop3A_886] {strides = array<i32>} : memref<2x2048xi32, #tpu.memory_space<vmem>>, vector<16xi32>,
      %parallel_loop3A_888 = tpu.vector_load_idx %arg7[%parallel_loop3A_887] : memref<100000xf32, #tpu.memory_space<vmem>>[vector<16xi32>], vector<16xf32>,
      %parallel_loop3A_889 = arith.index_cast %parallel_loop3A_883 : i32 to index
      %parallel_loop3A_890 = tpu.vector_load %arg8[%parallel_loop3A_889] {strides = array<i32>} : memref<16384xf32, #tpu.memory_space<vmem>>, vector<16xf32>,
      %parallel_loop3A_891 = arith.mulf %parallel_loop3A_890, %parallel_loop3A_888 : vector<16xf32>
      %parallel_loop3A_892 = arith.index_cast %parallel_loop3A_883 : i32 to index
      %parallel_loop3A_893 = tpu.vector_load %arg8[%parallel_loop3A_892] {strides = array<i32>} : memref<16384xf32, #tpu.memory_space<vmem>>, vector<16xf32>,
      tpu.vector_store %arg8[%parallel_loop3A_892], %parallel_loop3A_891 {strides = array<i32>} : memref<16384xf32, #tpu.memory_space<vmem>>, vector<16xf32>,
    } {sc.loop_unroll_factor = 8 : i64, sc.parallel_access}
    %dma_start3A_702 = arith.constant 0 : i32
    %dma_start3A_703 = arith.constant 0 : i32
    %dma_start3A_704 = tpu.memref_slice %arg9[%dma_start3A_702, %dma_start3A_703] : memref<2x2048xi32, #tpu.memory_space<vmem>> -> memref<1x2048xi32, #tpu.memory_space<vmem>>
    %dma_start3A_705 = tpu.memref_squeeze %dma_start3A_704 : memref<1x2048xi32, #tpu.memory_space<vmem>> -> memref<2048xi32, #tpu.memory_space<vmem>>
    %dma_start3A_706 = arith.constant 4096 : i32
    %dma_start3A_707 = tpu.memref_slice %arg5[%dma_start3A_706] : memref<16384xi32, #tpu.memory_space<hbm>> -> memref<2048xi32, #tpu.memory_space<hbm>>
    %dma_start3A_708 = arith.constant 0 : i32
    %dma_start3A_709 = tpu.memref_slice %arg9[%dma_start3A_702, %dma_start3A_708] : memref<2x2048xi32, #tpu.memory_space<vmem>> -> memref<1x2048xi32, #tpu.memory_space<vmem>>
    %dma_start3A_710 = tpu.memref_squeeze %dma_start3A_709 : memref<1x2048xi32, #tpu.memory_space<vmem>> -> memref<2048xi32, #tpu.memory_space<vmem>>
    %dma_start3A_711 = arith.constant 4096 : i32
    %dma_start3A_712 = tpu.memref_slice %arg5[%dma_start3A_711] : memref<16384xi32, #tpu.memory_space<hbm>> -> memref<2048xi32, #tpu.memory_space<hbm>>
    tpu.enqueue_dma source(%dma_start3A_712 : memref<2048xi32, #tpu.memory_space<hbm>>) target(%dma_start3A_710 : memref<2048xi32, #tpu.memory_space<vmem>>) target_semaphore(%arg11 : memref<!tpu.dma_semaphore, #tpu.memory_space<semaphore_mem>>)
    %dma_wait3A_713 = arith.constant 1 : i32
    %dma_wait3A_714 = arith.constant 0 : i32
    %dma_wait3A_715 = tpu.memref_slice %arg9[%dma_wait3A_713, %dma_wait3A_714] : memref<2x2048xi32, #tpu.memory_space<vmem>> -> memref<1x2048xi32, #tpu.memory_space<vmem>>
    %dma_wait3A_716 = tpu.memref_squeeze %dma_wait3A_715 : memref<1x2048xi32, #tpu.memory_space<vmem>> -> memref<2048xi32, #tpu.memory_space<vmem>>
    %dma_wait3A_717 = arith.constant 2048 : i32
    %dma_wait3A_718 = tpu.memref_slice %arg5[%dma_wait3A_717] : memref<16384xi32, #tpu.memory_space<hbm>> -> memref<2048xi32, #tpu.memory_space<hbm>>
    %dma_wait3A_719 = arith.constant 0 : i32
    %dma_wait3A_720 = tpu.memref_slice %arg9[%dma_wait3A_713, %dma_wait3A_719] : memref<2x2048xi32, #tpu.memory_space<vmem>> -> memref<1x2048xi32, #tpu.memory_space<vmem>>
    %dma_wait3A_721 = tpu.memref_squeeze %dma_wait3A_720 : memref<1x2048xi32, #tpu.memory_space<vmem>> -> memref<2048xi32, #tpu.memory_space<vmem>>
    %dma_wait3A_722 = arith.constant 2048 : i32
    %dma_wait3A_723 = tpu.memref_slice %arg5[%dma_wait3A_722] : memref<16384xi32, #tpu.memory_space<hbm>> -> memref<2048xi32, #tpu.memory_space<hbm>>
    tpu.wait_dma2 semaphore(%arg12 : memref<!tpu.dma_semaphore, #tpu.memory_space<semaphore_mem>>) src(%dma_wait3A_723 : memref<2048xi32, #tpu.memory_space<hbm>>) dst(%dma_wait3A_721 : memref<2048xi32, #tpu.memory_space<vmem>>)
    %parallel_loop3A_724 = arith.constant 0 : i32
    %parallel_loop3A_725 = arith.constant 128 : i32
    %parallel_loop3A_726 = arith.constant 1 : i32
    scf.for %parallel_loop3A_878 = %parallel_loop3A_724 to %parallel_loop3A_725 step %parallel_loop3A_726  : i32 {
      %parallel_loop3A_879 = arith.constant 16 : i32
      %parallel_loop3A_880 = arith.muli %parallel_loop3A_878, %parallel_loop3A_879 : i32
      %parallel_loop3A_881 = tpu.assume_multiple %parallel_loop3A_880, 16 : i32
      %parallel_loop3A_882 = arith.constant 2048 : i32
      %parallel_loop3A_883 = arith.addi %parallel_loop3A_882, %parallel_loop3A_881 : i32
      %parallel_loop3A_884 = arith.constant 1 : i32
      %parallel_loop3A_885 = arith.index_cast %parallel_loop3A_884 : i32 to index
      %parallel_loop3A_886 = arith.index_cast %parallel_loop3A_881 : i32 to index
      %parallel_loop3A_887 = tpu.vector_load %arg9[%parallel_loop3A_885, %parallel_loop3A_886] {strides = array<i32>} : memref<2x2048xi32, #tpu.memory_space<vmem>>, vector<16xi32>,
      %parallel_loop3A_888 = tpu.vector_load_idx %arg7[%parallel_loop3A_887] : memref<100000xf32, #tpu.memory_space<vmem>>[vector<16xi32>], vector<16xf32>,
      %parallel_loop3A_889 = arith.index_cast %parallel_loop3A_883 : i32 to index
      %parallel_loop3A_890 = tpu.vector_load %arg8[%parallel_loop3A_889] {strides = array<i32>} : memref<16384xf32, #tpu.memory_space<vmem>>, vector<16xf32>,
      %parallel_loop3A_891 = arith.mulf %parallel_loop3A_890, %parallel_loop3A_888 : vector<16xf32>
      %parallel_loop3A_892 = arith.index_cast %parallel_loop3A_883 : i32 to index
      %parallel_loop3A_893 = tpu.vector_load %arg8[%parallel_loop3A_892] {strides = array<i32>} : memref<16384xf32, #tpu.memory_space<vmem>>, vector<16xf32>,
      tpu.vector_store %arg8[%parallel_loop3A_892], %parallel_loop3A_891 {strides = array<i32>} : memref<16384xf32, #tpu.memory_space<vmem>>, vector<16xf32>,
    } {sc.loop_unroll_factor = 8 : i64, sc.parallel_access}
    %dma_start3A_727 = arith.constant 1 : i32
    %dma_start3A_728 = arith.constant 0 : i32
    %dma_start3A_729 = tpu.memref_slice %arg9[%dma_start3A_727, %dma_start3A_728] : memref<2x2048xi32, #tpu.memory_space<vmem>> -> memref<1x2048xi32, #tpu.memory_space<vmem>>
    %dma_start3A_730 = tpu.memref_squeeze %dma_start3A_729 : memref<1x2048xi32, #tpu.memory_space<vmem>> -> memref<2048xi32, #tpu.memory_space<vmem>>
    %dma_start3A_731 = arith.constant 6144 : i32
    %dma_start3A_732 = tpu.memref_slice %arg5[%dma_start3A_731] : memref<16384xi32, #tpu.memory_space<hbm>> -> memref<2048xi32, #tpu.memory_space<hbm>>
    %dma_start3A_733 = arith.constant 0 : i32
    %dma_start3A_734 = tpu.memref_slice %arg9[%dma_start3A_727, %dma_start3A_733] : memref<2x2048xi32, #tpu.memory_space<vmem>> -> memref<1x2048xi32, #tpu.memory_space<vmem>>
    %dma_start3A_735 = tpu.memref_squeeze %dma_start3A_734 : memref<1x2048xi32, #tpu.memory_space<vmem>> -> memref<2048xi32, #tpu.memory_space<vmem>>
    %dma_start3A_736 = arith.constant 6144 : i32
    %dma_start3A_737 = tpu.memref_slice %arg5[%dma_start3A_736] : memref<16384xi32, #tpu.memory_space<hbm>> -> memref<2048xi32, #tpu.memory_space<hbm>>
    tpu.enqueue_dma source(%dma_start3A_737 : memref<2048xi32, #tpu.memory_space<hbm>>) target(%dma_start3A_735 : memref<2048xi32, #tpu.memory_space<vmem>>) target_semaphore(%arg12 : memref<!tpu.dma_semaphore, #tpu.memory_space<semaphore_mem>>)
    %dma_wait3A_738 = arith.constant 0 : i32
    %dma_wait3A_739 = arith.constant 0 : i32
    %dma_wait3A_740 = tpu.memref_slice %arg9[%dma_wait3A_738, %dma_wait3A_739] : memref<2x2048xi32, #tpu.memory_space<vmem>> -> memref<1x2048xi32, #tpu.memory_space<vmem>>
    %dma_wait3A_741 = tpu.memref_squeeze %dma_wait3A_740 : memref<1x2048xi32, #tpu.memory_space<vmem>> -> memref<2048xi32, #tpu.memory_space<vmem>>
    %dma_wait3A_742 = arith.constant 4096 : i32
    %dma_wait3A_743 = tpu.memref_slice %arg5[%dma_wait3A_742] : memref<16384xi32, #tpu.memory_space<hbm>> -> memref<2048xi32, #tpu.memory_space<hbm>>
    %dma_wait3A_744 = arith.constant 0 : i32
    %dma_wait3A_745 = tpu.memref_slice %arg9[%dma_wait3A_738, %dma_wait3A_744] : memref<2x2048xi32, #tpu.memory_space<vmem>> -> memref<1x2048xi32, #tpu.memory_space<vmem>>
    %dma_wait3A_746 = tpu.memref_squeeze %dma_wait3A_745 : memref<1x2048xi32, #tpu.memory_space<vmem>> -> memref<2048xi32, #tpu.memory_space<vmem>>
    %dma_wait3A_747 = arith.constant 4096 : i32
    %dma_wait3A_748 = tpu.memref_slice %arg5[%dma_wait3A_747] : memref<16384xi32, #tpu.memory_space<hbm>> -> memref<2048xi32, #tpu.memory_space<hbm>>
    tpu.wait_dma2 semaphore(%arg11 : memref<!tpu.dma_semaphore, #tpu.memory_space<semaphore_mem>>) src(%dma_wait3A_748 : memref<2048xi32, #tpu.memory_space<hbm>>) dst(%dma_wait3A_746 : memref<2048xi32, #tpu.memory_space<vmem>>)
    %parallel_loop3A_749 = arith.constant 0 : i32
    %parallel_loop3A_750 = arith.constant 128 : i32
    %parallel_loop3A_751 = arith.constant 1 : i32
    scf.for %parallel_loop3A_878 = %parallel_loop3A_749 to %parallel_loop3A_750 step %parallel_loop3A_751  : i32 {
      %parallel_loop3A_879 = arith.constant 16 : i32
      %parallel_loop3A_880 = arith.muli %parallel_loop3A_878, %parallel_loop3A_879 : i32
      %parallel_loop3A_881 = tpu.assume_multiple %parallel_loop3A_880, 16 : i32
      %parallel_loop3A_882 = arith.constant 4096 : i32
      %parallel_loop3A_883 = arith.addi %parallel_loop3A_882, %parallel_loop3A_881 : i32
      %parallel_loop3A_884 = arith.constant 0 : i32
      %parallel_loop3A_885 = arith.index_cast %parallel_loop3A_884 : i32 to index
      %parallel_loop3A_886 = arith.index_cast %parallel_loop3A_881 : i32 to index
      %parallel_loop3A_887 = tpu.vector_load %arg9[%parallel_loop3A_885, %parallel_loop3A_886] {strides = array<i32>} : memref<2x2048xi32, #tpu.memory_space<vmem>>, vector<16xi32>,
      %parallel_loop3A_888 = tpu.vector_load_idx %arg7[%parallel_loop3A_887] : memref<100000xf32, #tpu.memory_space<vmem>>[vector<16xi32>], vector<16xf32>,
      %parallel_loop3A_889 = arith.index_cast %parallel_loop3A_883 : i32 to index
      %parallel_loop3A_890 = tpu.vector_load %arg8[%parallel_loop3A_889] {strides = array<i32>} : memref<16384xf32, #tpu.memory_space<vmem>>, vector<16xf32>,
      %parallel_loop3A_891 = arith.mulf %parallel_loop3A_890, %parallel_loop3A_888 : vector<16xf32>
      %parallel_loop3A_892 = arith.index_cast %parallel_loop3A_883 : i32 to index
      %parallel_loop3A_893 = tpu.vector_load %arg8[%parallel_loop3A_892] {strides = array<i32>} : memref<16384xf32, #tpu.memory_space<vmem>>, vector<16xf32>,
      tpu.vector_store %arg8[%parallel_loop3A_892], %parallel_loop3A_891 {strides = array<i32>} : memref<16384xf32, #tpu.memory_space<vmem>>, vector<16xf32>,
    } {sc.loop_unroll_factor = 8 : i64, sc.parallel_access}
    %dma_start3A_752 = arith.constant 0 : i32
    %dma_start3A_753 = arith.constant 0 : i32
    %dma_start3A_754 = tpu.memref_slice %arg9[%dma_start3A_752, %dma_start3A_753] : memref<2x2048xi32, #tpu.memory_space<vmem>> -> memref<1x2048xi32, #tpu.memory_space<vmem>>
    %dma_start3A_755 = tpu.memref_squeeze %dma_start3A_754 : memref<1x2048xi32, #tpu.memory_space<vmem>> -> memref<2048xi32, #tpu.memory_space<vmem>>
    %dma_start3A_756 = arith.constant 8192 : i32
    %dma_start3A_757 = tpu.memref_slice %arg5[%dma_start3A_756] : memref<16384xi32, #tpu.memory_space<hbm>> -> memref<2048xi32, #tpu.memory_space<hbm>>
    %dma_start3A_758 = arith.constant 0 : i32
    %dma_start3A_759 = tpu.memref_slice %arg9[%dma_start3A_752, %dma_start3A_758] : memref<2x2048xi32, #tpu.memory_space<vmem>> -> memref<1x2048xi32, #tpu.memory_space<vmem>>
    %dma_start3A_760 = tpu.memref_squeeze %dma_start3A_759 : memref<1x2048xi32, #tpu.memory_space<vmem>> -> memref<2048xi32, #tpu.memory_space<vmem>>
    %dma_start3A_761 = arith.constant 8192 : i32
    %dma_start3A_762 = tpu.memref_slice %arg5[%dma_start3A_761] : memref<16384xi32, #tpu.memory_space<hbm>> -> memref<2048xi32, #tpu.memory_space<hbm>>
    tpu.enqueue_dma source(%dma_start3A_762 : memref<2048xi32, #tpu.memory_space<hbm>>) target(%dma_start3A_760 : memref<2048xi32, #tpu.memory_space<vmem>>) target_semaphore(%arg11 : memref<!tpu.dma_semaphore, #tpu.memory_space<semaphore_mem>>)
    %dma_wait3A_763 = arith.constant 1 : i32
    %dma_wait3A_764 = arith.constant 0 : i32
    %dma_wait3A_765 = tpu.memref_slice %arg9[%dma_wait3A_763, %dma_wait3A_764] : memref<2x2048xi32, #tpu.memory_space<vmem>> -> memref<1x2048xi32, #tpu.memory_space<vmem>>
    %dma_wait3A_766 = tpu.memref_squeeze %dma_wait3A_765 : memref<1x2048xi32, #tpu.memory_space<vmem>> -> memref<2048xi32, #tpu.memory_space<vmem>>
    %dma_wait3A_767 = arith.constant 6144 : i32
    %dma_wait3A_768 = tpu.memref_slice %arg5[%dma_wait3A_767] : memref<16384xi32, #tpu.memory_space<hbm>> -> memref<2048xi32, #tpu.memory_space<hbm>>
    %dma_wait3A_769 = arith.constant 0 : i32
    %dma_wait3A_770 = tpu.memref_slice %arg9[%dma_wait3A_763, %dma_wait3A_769] : memref<2x2048xi32, #tpu.memory_space<vmem>> -> memref<1x2048xi32, #tpu.memory_space<vmem>>
    %dma_wait3A_771 = tpu.memref_squeeze %dma_wait3A_770 : memref<1x2048xi32, #tpu.memory_space<vmem>> -> memref<2048xi32, #tpu.memory_space<vmem>>
    %dma_wait3A_772 = arith.constant 6144 : i32
    %dma_wait3A_773 = tpu.memref_slice %arg5[%dma_wait3A_772] : memref<16384xi32, #tpu.memory_space<hbm>> -> memref<2048xi32, #tpu.memory_space<hbm>>
    tpu.wait_dma2 semaphore(%arg12 : memref<!tpu.dma_semaphore, #tpu.memory_space<semaphore_mem>>) src(%dma_wait3A_773 : memref<2048xi32, #tpu.memory_space<hbm>>) dst(%dma_wait3A_771 : memref<2048xi32, #tpu.memory_space<vmem>>)
    %parallel_loop3A_774 = arith.constant 0 : i32
    %parallel_loop3A_775 = arith.constant 128 : i32
    %parallel_loop3A_776 = arith.constant 1 : i32
    scf.for %parallel_loop3A_878 = %parallel_loop3A_774 to %parallel_loop3A_775 step %parallel_loop3A_776  : i32 {
      %parallel_loop3A_879 = arith.constant 16 : i32
      %parallel_loop3A_880 = arith.muli %parallel_loop3A_878, %parallel_loop3A_879 : i32
      %parallel_loop3A_881 = tpu.assume_multiple %parallel_loop3A_880, 16 : i32
      %parallel_loop3A_882 = arith.constant 6144 : i32
      %parallel_loop3A_883 = arith.addi %parallel_loop3A_882, %parallel_loop3A_881 : i32
      %parallel_loop3A_884 = arith.constant 1 : i32
      %parallel_loop3A_885 = arith.index_cast %parallel_loop3A_884 : i32 to index
      %parallel_loop3A_886 = arith.index_cast %parallel_loop3A_881 : i32 to index
      %parallel_loop3A_887 = tpu.vector_load %arg9[%parallel_loop3A_885, %parallel_loop3A_886] {strides = array<i32>} : memref<2x2048xi32, #tpu.memory_space<vmem>>, vector<16xi32>,
      %parallel_loop3A_888 = tpu.vector_load_idx %arg7[%parallel_loop3A_887] : memref<100000xf32, #tpu.memory_space<vmem>>[vector<16xi32>], vector<16xf32>,
      %parallel_loop3A_889 = arith.index_cast %parallel_loop3A_883 : i32 to index
      %parallel_loop3A_890 = tpu.vector_load %arg8[%parallel_loop3A_889] {strides = array<i32>} : memref<16384xf32, #tpu.memory_space<vmem>>, vector<16xf32>,
      %parallel_loop3A_891 = arith.mulf %parallel_loop3A_890, %parallel_loop3A_888 : vector<16xf32>
      %parallel_loop3A_892 = arith.index_cast %parallel_loop3A_883 : i32 to index
      %parallel_loop3A_893 = tpu.vector_load %arg8[%parallel_loop3A_892] {strides = array<i32>} : memref<16384xf32, #tpu.memory_space<vmem>>, vector<16xf32>,
      tpu.vector_store %arg8[%parallel_loop3A_892], %parallel_loop3A_891 {strides = array<i32>} : memref<16384xf32, #tpu.memory_space<vmem>>, vector<16xf32>,
    } {sc.loop_unroll_factor = 8 : i64, sc.parallel_access}
    %dma_start3A_777 = arith.constant 1 : i32
    %dma_start3A_778 = arith.constant 0 : i32
    %dma_start3A_779 = tpu.memref_slice %arg9[%dma_start3A_777, %dma_start3A_778] : memref<2x2048xi32, #tpu.memory_space<vmem>> -> memref<1x2048xi32, #tpu.memory_space<vmem>>
    %dma_start3A_780 = tpu.memref_squeeze %dma_start3A_779 : memref<1x2048xi32, #tpu.memory_space<vmem>> -> memref<2048xi32, #tpu.memory_space<vmem>>
    %dma_start3A_781 = arith.constant 10240 : i32
    %dma_start3A_782 = tpu.memref_slice %arg5[%dma_start3A_781] : memref<16384xi32, #tpu.memory_space<hbm>> -> memref<2048xi32, #tpu.memory_space<hbm>>
    %dma_start3A_783 = arith.constant 0 : i32
    %dma_start3A_784 = tpu.memref_slice %arg9[%dma_start3A_777, %dma_start3A_783] : memref<2x2048xi32, #tpu.memory_space<vmem>> -> memref<1x2048xi32, #tpu.memory_space<vmem>>
    %dma_start3A_785 = tpu.memref_squeeze %dma_start3A_784 : memref<1x2048xi32, #tpu.memory_space<vmem>> -> memref<2048xi32, #tpu.memory_space<vmem>>
    %dma_start3A_786 = arith.constant 10240 : i32
    %dma_start3A_787 = tpu.memref_slice %arg5[%dma_start3A_786] : memref<16384xi32, #tpu.memory_space<hbm>> -> memref<2048xi32, #tpu.memory_space<hbm>>
    tpu.enqueue_dma source(%dma_start3A_787 : memref<2048xi32, #tpu.memory_space<hbm>>) target(%dma_start3A_785 : memref<2048xi32, #tpu.memory_space<vmem>>) target_semaphore(%arg12 : memref<!tpu.dma_semaphore, #tpu.memory_space<semaphore_mem>>)
    %dma_wait3A_788 = arith.constant 0 : i32
    %dma_wait3A_789 = arith.constant 0 : i32
    %dma_wait3A_790 = tpu.memref_slice %arg9[%dma_wait3A_788, %dma_wait3A_789] : memref<2x2048xi32, #tpu.memory_space<vmem>> -> memref<1x2048xi32, #tpu.memory_space<vmem>>
    %dma_wait3A_791 = tpu.memref_squeeze %dma_wait3A_790 : memref<1x2048xi32, #tpu.memory_space<vmem>> -> memref<2048xi32, #tpu.memory_space<vmem>>
    %dma_wait3A_792 = arith.constant 8192 : i32
    %dma_wait3A_793 = tpu.memref_slice %arg5[%dma_wait3A_792] : memref<16384xi32, #tpu.memory_space<hbm>> -> memref<2048xi32, #tpu.memory_space<hbm>>
    %dma_wait3A_794 = arith.constant 0 : i32
    %dma_wait3A_795 = tpu.memref_slice %arg9[%dma_wait3A_788, %dma_wait3A_794] : memref<2x2048xi32, #tpu.memory_space<vmem>> -> memref<1x2048xi32, #tpu.memory_space<vmem>>
    %dma_wait3A_796 = tpu.memref_squeeze %dma_wait3A_795 : memref<1x2048xi32, #tpu.memory_space<vmem>> -> memref<2048xi32, #tpu.memory_space<vmem>>
    %dma_wait3A_797 = arith.constant 8192 : i32
    %dma_wait3A_798 = tpu.memref_slice %arg5[%dma_wait3A_797] : memref<16384xi32, #tpu.memory_space<hbm>> -> memref<2048xi32, #tpu.memory_space<hbm>>
    tpu.wait_dma2 semaphore(%arg11 : memref<!tpu.dma_semaphore, #tpu.memory_space<semaphore_mem>>) src(%dma_wait3A_798 : memref<2048xi32, #tpu.memory_space<hbm>>) dst(%dma_wait3A_796 : memref<2048xi32, #tpu.memory_space<vmem>>)
    %parallel_loop3A_799 = arith.constant 0 : i32
    %parallel_loop3A_800 = arith.constant 128 : i32
    %parallel_loop3A_801 = arith.constant 1 : i32
    scf.for %parallel_loop3A_878 = %parallel_loop3A_799 to %parallel_loop3A_800 step %parallel_loop3A_801  : i32 {
      %parallel_loop3A_879 = arith.constant 16 : i32
      %parallel_loop3A_880 = arith.muli %parallel_loop3A_878, %parallel_loop3A_879 : i32
      %parallel_loop3A_881 = tpu.assume_multiple %parallel_loop3A_880, 16 : i32
      %parallel_loop3A_882 = arith.constant 8192 : i32
      %parallel_loop3A_883 = arith.addi %parallel_loop3A_882, %parallel_loop3A_881 : i32
      %parallel_loop3A_884 = arith.constant 0 : i32
      %parallel_loop3A_885 = arith.index_cast %parallel_loop3A_884 : i32 to index
      %parallel_loop3A_886 = arith.index_cast %parallel_loop3A_881 : i32 to index
      %parallel_loop3A_887 = tpu.vector_load %arg9[%parallel_loop3A_885, %parallel_loop3A_886] {strides = array<i32>} : memref<2x2048xi32, #tpu.memory_space<vmem>>, vector<16xi32>,
      %parallel_loop3A_888 = tpu.vector_load_idx %arg7[%parallel_loop3A_887] : memref<100000xf32, #tpu.memory_space<vmem>>[vector<16xi32>], vector<16xf32>,
      %parallel_loop3A_889 = arith.index_cast %parallel_loop3A_883 : i32 to index
      %parallel_loop3A_890 = tpu.vector_load %arg8[%parallel_loop3A_889] {strides = array<i32>} : memref<16384xf32, #tpu.memory_space<vmem>>, vector<16xf32>,
      %parallel_loop3A_891 = arith.mulf %parallel_loop3A_890, %parallel_loop3A_888 : vector<16xf32>
      %parallel_loop3A_892 = arith.index_cast %parallel_loop3A_883 : i32 to index
      %parallel_loop3A_893 = tpu.vector_load %arg8[%parallel_loop3A_892] {strides = array<i32>} : memref<16384xf32, #tpu.memory_space<vmem>>, vector<16xf32>,
      tpu.vector_store %arg8[%parallel_loop3A_892], %parallel_loop3A_891 {strides = array<i32>} : memref<16384xf32, #tpu.memory_space<vmem>>, vector<16xf32>,
    } {sc.loop_unroll_factor = 8 : i64, sc.parallel_access}
    %dma_start3A_802 = arith.constant 0 : i32
    %dma_start3A_803 = arith.constant 0 : i32
    %dma_start3A_804 = tpu.memref_slice %arg9[%dma_start3A_802, %dma_start3A_803] : memref<2x2048xi32, #tpu.memory_space<vmem>> -> memref<1x2048xi32, #tpu.memory_space<vmem>>
    %dma_start3A_805 = tpu.memref_squeeze %dma_start3A_804 : memref<1x2048xi32, #tpu.memory_space<vmem>> -> memref<2048xi32, #tpu.memory_space<vmem>>
    %dma_start3A_806 = arith.constant 12288 : i32
    %dma_start3A_807 = tpu.memref_slice %arg5[%dma_start3A_806] : memref<16384xi32, #tpu.memory_space<hbm>> -> memref<2048xi32, #tpu.memory_space<hbm>>
    %dma_start3A_808 = arith.constant 0 : i32
    %dma_start3A_809 = tpu.memref_slice %arg9[%dma_start3A_802, %dma_start3A_808] : memref<2x2048xi32, #tpu.memory_space<vmem>> -> memref<1x2048xi32, #tpu.memory_space<vmem>>
    %dma_start3A_810 = tpu.memref_squeeze %dma_start3A_809 : memref<1x2048xi32, #tpu.memory_space<vmem>> -> memref<2048xi32, #tpu.memory_space<vmem>>
    %dma_start3A_811 = arith.constant 12288 : i32
    %dma_start3A_812 = tpu.memref_slice %arg5[%dma_start3A_811] : memref<16384xi32, #tpu.memory_space<hbm>> -> memref<2048xi32, #tpu.memory_space<hbm>>
    tpu.enqueue_dma source(%dma_start3A_812 : memref<2048xi32, #tpu.memory_space<hbm>>) target(%dma_start3A_810 : memref<2048xi32, #tpu.memory_space<vmem>>) target_semaphore(%arg11 : memref<!tpu.dma_semaphore, #tpu.memory_space<semaphore_mem>>)
    %dma_wait3A_813 = arith.constant 1 : i32
    %dma_wait3A_814 = arith.constant 0 : i32
    %dma_wait3A_815 = tpu.memref_slice %arg9[%dma_wait3A_813, %dma_wait3A_814] : memref<2x2048xi32, #tpu.memory_space<vmem>> -> memref<1x2048xi32, #tpu.memory_space<vmem>>
    %dma_wait3A_816 = tpu.memref_squeeze %dma_wait3A_815 : memref<1x2048xi32, #tpu.memory_space<vmem>> -> memref<2048xi32, #tpu.memory_space<vmem>>
    %dma_wait3A_817 = arith.constant 10240 : i32
    %dma_wait3A_818 = tpu.memref_slice %arg5[%dma_wait3A_817] : memref<16384xi32, #tpu.memory_space<hbm>> -> memref<2048xi32, #tpu.memory_space<hbm>>
    %dma_wait3A_819 = arith.constant 0 : i32
    %dma_wait3A_820 = tpu.memref_slice %arg9[%dma_wait3A_813, %dma_wait3A_819] : memref<2x2048xi32, #tpu.memory_space<vmem>> -> memref<1x2048xi32, #tpu.memory_space<vmem>>
    %dma_wait3A_821 = tpu.memref_squeeze %dma_wait3A_820 : memref<1x2048xi32, #tpu.memory_space<vmem>> -> memref<2048xi32, #tpu.memory_space<vmem>>
    %dma_wait3A_822 = arith.constant 10240 : i32
    %dma_wait3A_823 = tpu.memref_slice %arg5[%dma_wait3A_822] : memref<16384xi32, #tpu.memory_space<hbm>> -> memref<2048xi32, #tpu.memory_space<hbm>>
    tpu.wait_dma2 semaphore(%arg12 : memref<!tpu.dma_semaphore, #tpu.memory_space<semaphore_mem>>) src(%dma_wait3A_823 : memref<2048xi32, #tpu.memory_space<hbm>>) dst(%dma_wait3A_821 : memref<2048xi32, #tpu.memory_space<vmem>>)
    %parallel_loop3A_824 = arith.constant 0 : i32
    %parallel_loop3A_825 = arith.constant 128 : i32
    %parallel_loop3A_826 = arith.constant 1 : i32
    scf.for %parallel_loop3A_878 = %parallel_loop3A_824 to %parallel_loop3A_825 step %parallel_loop3A_826  : i32 {
      %parallel_loop3A_879 = arith.constant 16 : i32
      %parallel_loop3A_880 = arith.muli %parallel_loop3A_878, %parallel_loop3A_879 : i32
      %parallel_loop3A_881 = tpu.assume_multiple %parallel_loop3A_880, 16 : i32
      %parallel_loop3A_882 = arith.constant 10240 : i32
      %parallel_loop3A_883 = arith.addi %parallel_loop3A_882, %parallel_loop3A_881 : i32
      %parallel_loop3A_884 = arith.constant 1 : i32
      %parallel_loop3A_885 = arith.index_cast %parallel_loop3A_884 : i32 to index
      %parallel_loop3A_886 = arith.index_cast %parallel_loop3A_881 : i32 to index
      %parallel_loop3A_887 = tpu.vector_load %arg9[%parallel_loop3A_885, %parallel_loop3A_886] {strides = array<i32>} : memref<2x2048xi32, #tpu.memory_space<vmem>>, vector<16xi32>,
      %parallel_loop3A_888 = tpu.vector_load_idx %arg7[%parallel_loop3A_887] : memref<100000xf32, #tpu.memory_space<vmem>>[vector<16xi32>], vector<16xf32>,
      %parallel_loop3A_889 = arith.index_cast %parallel_loop3A_883 : i32 to index
      %parallel_loop3A_890 = tpu.vector_load %arg8[%parallel_loop3A_889] {strides = array<i32>} : memref<16384xf32, #tpu.memory_space<vmem>>, vector<16xf32>,
      %parallel_loop3A_891 = arith.mulf %parallel_loop3A_890, %parallel_loop3A_888 : vector<16xf32>
      %parallel_loop3A_892 = arith.index_cast %parallel_loop3A_883 : i32 to index
      %parallel_loop3A_893 = tpu.vector_load %arg8[%parallel_loop3A_892] {strides = array<i32>} : memref<16384xf32, #tpu.memory_space<vmem>>, vector<16xf32>,
      tpu.vector_store %arg8[%parallel_loop3A_892], %parallel_loop3A_891 {strides = array<i32>} : memref<16384xf32, #tpu.memory_space<vmem>>, vector<16xf32>,
    } {sc.loop_unroll_factor = 8 : i64, sc.parallel_access}
    %dma_start3A_827 = arith.constant 1 : i32
    %dma_start3A_828 = arith.constant 0 : i32
    %dma_start3A_829 = tpu.memref_slice %arg9[%dma_start3A_827, %dma_start3A_828] : memref<2x2048xi32, #tpu.memory_space<vmem>> -> memref<1x2048xi32, #tpu.memory_space<vmem>>
    %dma_start3A_830 = tpu.memref_squeeze %dma_start3A_829 : memref<1x2048xi32, #tpu.memory_space<vmem>> -> memref<2048xi32, #tpu.memory_space<vmem>>
    %dma_start3A_831 = arith.constant 14336 : i32
    %dma_start3A_832 = tpu.memref_slice %arg5[%dma_start3A_831] : memref<16384xi32, #tpu.memory_space<hbm>> -> memref<2048xi32, #tpu.memory_space<hbm>>
    %dma_start3A_833 = arith.constant 0 : i32
    %dma_start3A_834 = tpu.memref_slice %arg9[%dma_start3A_827, %dma_start3A_833] : memref<2x2048xi32, #tpu.memory_space<vmem>> -> memref<1x2048xi32, #tpu.memory_space<vmem>>
    %dma_start3A_835 = tpu.memref_squeeze %dma_start3A_834 : memref<1x2048xi32, #tpu.memory_space<vmem>> -> memref<2048xi32, #tpu.memory_space<vmem>>
    %dma_start3A_836 = arith.constant 14336 : i32
    %dma_start3A_837 = tpu.memref_slice %arg5[%dma_start3A_836] : memref<16384xi32, #tpu.memory_space<hbm>> -> memref<2048xi32, #tpu.memory_space<hbm>>
    tpu.enqueue_dma source(%dma_start3A_837 : memref<2048xi32, #tpu.memory_space<hbm>>) target(%dma_start3A_835 : memref<2048xi32, #tpu.memory_space<vmem>>) target_semaphore(%arg12 : memref<!tpu.dma_semaphore, #tpu.memory_space<semaphore_mem>>)
    %dma_wait3A_838 = arith.constant 0 : i32
    %dma_wait3A_839 = arith.constant 0 : i32
    %dma_wait3A_840 = tpu.memref_slice %arg9[%dma_wait3A_838, %dma_wait3A_839] : memref<2x2048xi32, #tpu.memory_space<vmem>> -> memref<1x2048xi32, #tpu.memory_space<vmem>>
    %dma_wait3A_841 = tpu.memref_squeeze %dma_wait3A_840 : memref<1x2048xi32, #tpu.memory_space<vmem>> -> memref<2048xi32, #tpu.memory_space<vmem>>
    %dma_wait3A_842 = arith.constant 12288 : i32
    %dma_wait3A_843 = tpu.memref_slice %arg5[%dma_wait3A_842] : memref<16384xi32, #tpu.memory_space<hbm>> -> memref<2048xi32, #tpu.memory_space<hbm>>
    %dma_wait3A_844 = arith.constant 0 : i32
    %dma_wait3A_845 = tpu.memref_slice %arg9[%dma_wait3A_838, %dma_wait3A_844] : memref<2x2048xi32, #tpu.memory_space<vmem>> -> memref<1x2048xi32, #tpu.memory_space<vmem>>
    %dma_wait3A_846 = tpu.memref_squeeze %dma_wait3A_845 : memref<1x2048xi32, #tpu.memory_space<vmem>> -> memref<2048xi32, #tpu.memory_space<vmem>>
    %dma_wait3A_847 = arith.constant 12288 : i32
    %dma_wait3A_848 = tpu.memref_slice %arg5[%dma_wait3A_847] : memref<16384xi32, #tpu.memory_space<hbm>> -> memref<2048xi32, #tpu.memory_space<hbm>>
    tpu.wait_dma2 semaphore(%arg11 : memref<!tpu.dma_semaphore, #tpu.memory_space<semaphore_mem>>) src(%dma_wait3A_848 : memref<2048xi32, #tpu.memory_space<hbm>>) dst(%dma_wait3A_846 : memref<2048xi32, #tpu.memory_space<vmem>>)
    %parallel_loop3A_849 = arith.constant 0 : i32
    %parallel_loop3A_850 = arith.constant 128 : i32
    %parallel_loop3A_851 = arith.constant 1 : i32
    scf.for %parallel_loop3A_878 = %parallel_loop3A_849 to %parallel_loop3A_850 step %parallel_loop3A_851  : i32 {
      %parallel_loop3A_879 = arith.constant 16 : i32
      %parallel_loop3A_880 = arith.muli %parallel_loop3A_878, %parallel_loop3A_879 : i32
      %parallel_loop3A_881 = tpu.assume_multiple %parallel_loop3A_880, 16 : i32
      %parallel_loop3A_882 = arith.constant 12288 : i32
      %parallel_loop3A_883 = arith.addi %parallel_loop3A_882, %parallel_loop3A_881 : i32
      %parallel_loop3A_884 = arith.constant 0 : i32
      %parallel_loop3A_885 = arith.index_cast %parallel_loop3A_884 : i32 to index
      %parallel_loop3A_886 = arith.index_cast %parallel_loop3A_881 : i32 to index
      %parallel_loop3A_887 = tpu.vector_load %arg9[%parallel_loop3A_885, %parallel_loop3A_886] {strides = array<i32>} : memref<2x2048xi32, #tpu.memory_space<vmem>>, vector<16xi32>,
      %parallel_loop3A_888 = tpu.vector_load_idx %arg7[%parallel_loop3A_887] : memref<100000xf32, #tpu.memory_space<vmem>>[vector<16xi32>], vector<16xf32>,
      %parallel_loop3A_889 = arith.index_cast %parallel_loop3A_883 : i32 to index
      %parallel_loop3A_890 = tpu.vector_load %arg8[%parallel_loop3A_889] {strides = array<i32>} : memref<16384xf32, #tpu.memory_space<vmem>>, vector<16xf32>,
      %parallel_loop3A_891 = arith.mulf %parallel_loop3A_890, %parallel_loop3A_888 : vector<16xf32>
      %parallel_loop3A_892 = arith.index_cast %parallel_loop3A_883 : i32 to index
      %parallel_loop3A_893 = tpu.vector_load %arg8[%parallel_loop3A_892] {strides = array<i32>} : memref<16384xf32, #tpu.memory_space<vmem>>, vector<16xf32>,
      tpu.vector_store %arg8[%parallel_loop3A_892], %parallel_loop3A_891 {strides = array<i32>} : memref<16384xf32, #tpu.memory_space<vmem>>, vector<16xf32>,
    } {sc.loop_unroll_factor = 8 : i64, sc.parallel_access}
    %dma_wait3A_852 = arith.constant 1 : i32
    %dma_wait3A_853 = arith.constant 0 : i32
    %dma_wait3A_854 = tpu.memref_slice %arg9[%dma_wait3A_852, %dma_wait3A_853] : memref<2x2048xi32, #tpu.memory_space<vmem>> -> memref<1x2048xi32, #tpu.memory_space<vmem>>
    %dma_wait3A_855 = tpu.memref_squeeze %dma_wait3A_854 : memref<1x2048xi32, #tpu.memory_space<vmem>> -> memref<2048xi32, #tpu.memory_space<vmem>>
    %dma_wait3A_856 = arith.constant 14336 : i32
    %dma_wait3A_857 = tpu.memref_slice %arg5[%dma_wait3A_856] : memref<16384xi32, #tpu.memory_space<hbm>> -> memref<2048xi32, #tpu.memory_space<hbm>>
    %dma_wait3A_858 = arith.constant 0 : i32
    %dma_wait3A_859 = tpu.memref_slice %arg9[%dma_wait3A_852, %dma_wait3A_858] : memref<2x2048xi32, #tpu.memory_space<vmem>> -> memref<1x2048xi32, #tpu.memory_space<vmem>>
    %dma_wait3A_860 = tpu.memref_squeeze %dma_wait3A_859 : memref<1x2048xi32, #tpu.memory_space<vmem>> -> memref<2048xi32, #tpu.memory_space<vmem>>
    %dma_wait3A_861 = arith.constant 14336 : i32
    %dma_wait3A_862 = tpu.memref_slice %arg5[%dma_wait3A_861] : memref<16384xi32, #tpu.memory_space<hbm>> -> memref<2048xi32, #tpu.memory_space<hbm>>
    tpu.wait_dma2 semaphore(%arg12 : memref<!tpu.dma_semaphore, #tpu.memory_space<semaphore_mem>>) src(%dma_wait3A_862 : memref<2048xi32, #tpu.memory_space<hbm>>) dst(%dma_wait3A_860 : memref<2048xi32, #tpu.memory_space<vmem>>)
    %parallel_loop3A_863 = arith.constant 0 : i32
    %parallel_loop3A_864 = arith.constant 128 : i32
    %parallel_loop3A_865 = arith.constant 1 : i32
    scf.for %parallel_loop3A_878 = %parallel_loop3A_863 to %parallel_loop3A_864 step %parallel_loop3A_865  : i32 {
      %parallel_loop3A_879 = arith.constant 16 : i32
      %parallel_loop3A_880 = arith.muli %parallel_loop3A_878, %parallel_loop3A_879 : i32
      %parallel_loop3A_881 = tpu.assume_multiple %parallel_loop3A_880, 16 : i32
      %parallel_loop3A_882 = arith.constant 14336 : i32
      %parallel_loop3A_883 = arith.addi %parallel_loop3A_882, %parallel_loop3A_881 : i32
      %parallel_loop3A_884 = arith.constant 1 : i32
      %parallel_loop3A_885 = arith.index_cast %parallel_loop3A_884 : i32 to index
      %parallel_loop3A_886 = arith.index_cast %parallel_loop3A_881 : i32 to index
      %parallel_loop3A_887 = tpu.vector_load %arg9[%parallel_loop3A_885, %parallel_loop3A_886] {strides = array<i32>} : memref<2x2048xi32, #tpu.memory_space<vmem>>, vector<16xi32>,
      %parallel_loop3A_888 = tpu.vector_load_idx %arg7[%parallel_loop3A_887] : memref<100000xf32, #tpu.memory_space<vmem>>[vector<16xi32>], vector<16xf32>,
      %parallel_loop3A_889 = arith.index_cast %parallel_loop3A_883 : i32 to index
      %parallel_loop3A_890 = tpu.vector_load %arg8[%parallel_loop3A_889] {strides = array<i32>} : memref<16384xf32, #tpu.memory_space<vmem>>, vector<16xf32>,
      %parallel_loop3A_891 = arith.mulf %parallel_loop3A_890, %parallel_loop3A_888 : vector<16xf32>
      %parallel_loop3A_892 = arith.index_cast %parallel_loop3A_883 : i32 to index
      %parallel_loop3A_893 = tpu.vector_load %arg8[%parallel_loop3A_892] {strides = array<i32>} : memref<16384xf32, #tpu.memory_space<vmem>>, vector<16xf32>,
      tpu.vector_store %arg8[%parallel_loop3A_892], %parallel_loop3A_891 {strides = array<i32>} : memref<16384xf32, #tpu.memory_space<vmem>>, vector<16xf32>,
    } {sc.loop_unroll_factor = 8 : i64, sc.parallel_access}
    %dma_start3A_866 = arith.constant 0 : i32
    %dma_start3A_867 = tpu.memref_slice %arg6[%add3A_435, %dma_start3A_866] : memref<64x16384xf32, #tpu.memory_space<hbm>> -> memref<1x16384xf32, #tpu.memory_space<hbm>>
    %dma_start3A_868 = tpu.memref_squeeze %dma_start3A_867 : memref<1x16384xf32, #tpu.memory_space<hbm>> -> memref<16384xf32, #tpu.memory_space<hbm>>
    %dma_start3A_869 = arith.constant 0 : i32
    %dma_start3A_870 = tpu.memref_slice %arg6[%add3A_435, %dma_start3A_869] : memref<64x16384xf32, #tpu.memory_space<hbm>> -> memref<1x16384xf32, #tpu.memory_space<hbm>>
    %dma_start3A_871 = tpu.memref_squeeze %dma_start3A_870 : memref<1x16384xf32, #tpu.memory_space<hbm>> -> memref<16384xf32, #tpu.memory_space<hbm>>
    tpu.enqueue_dma source(%arg8 : memref<16384xf32, #tpu.memory_space<vmem>>) target(%dma_start3A_871 : memref<16384xf32, #tpu.memory_space<hbm>>) target_semaphore(%arg13 : memref<!tpu.dma_semaphore, #tpu.memory_space<semaphore_mem>>)
    %dma_wait3A_872 = arith.constant 0 : i32
    %dma_wait3A_873 = tpu.memref_slice %arg6[%add3A_435, %dma_wait3A_872] : memref<64x16384xf32, #tpu.memory_space<hbm>> -> memref<1x16384xf32, #tpu.memory_space<hbm>>
    %dma_wait3A_874 = tpu.memref_squeeze %dma_wait3A_873 : memref<1x16384xf32, #tpu.memory_space<hbm>> -> memref<16384xf32, #tpu.memory_space<hbm>>
    %dma_wait3A_875 = arith.constant 0 : i32
    %dma_wait3A_876 = tpu.memref_slice %arg6[%add3A_435, %dma_wait3A_875] : memref<64x16384xf32, #tpu.memory_space<hbm>> -> memref<1x16384xf32, #tpu.memory_space<hbm>>
    %dma_wait3A_877 = tpu.memref_squeeze %dma_wait3A_876 : memref<1x16384xf32, #tpu.memory_space<hbm>> -> memref<16384xf32, #tpu.memory_space<hbm>>
    tpu.wait_dma2 semaphore(%arg13 : memref<!tpu.dma_semaphore, #tpu.memory_space<semaphore_mem>>) src(%arg8 : memref<16384xf32, #tpu.memory_space<vmem>>) dst(%dma_wait3A_877 : memref<16384xf32, #tpu.memory_space<hbm>>)
    return
  }
}

</mosaic_0001>

<sc_bundles>
// kernel: kernel.3.cloned.1.call-start
scs
__scs_entry_jumppad:
0x0: {  	(pc) =	sbr.rel $0x88, $3  }
0x1: {  	(tag) =	ssettag $0x0;
	lr =	simm.s32 $0x1  }
0x2: {  	[smem:$0x3F9E] =	sst lr;
	_ =	strace $0xD0000000  }
0x3: {  	_ = 	snop  }
0x4: {  	_ = 	snop  }
0x5: {  	_ = 	snop  }
0x6: {  	_ = 	snop  }
0x7: {  	_ = 	snop  }
__scs_overlays_trampoline_lowered:
0x8: {  	[smem:$0x3FAD] =	sst s0  }
0x9: {  	[smem:$0x3FAE] =	sst s1  }
0xa: {  	[smem:$0x3FAF] =	sst s2  }
0xb: {  	[smem:$0x3FB0] =	sst s3  }
0xc: {  	[smem:$0x3FB1] =	sst s4  }
0xd: {  	[smem:$0x3FB2] =	sst s5  }
0xe: {  	[smem:$0x3FB3] =	sst s6  }
0xf: {  	[smem:$0x3FB4] =	sst s7  }
0x10: {  	[smem:$0x3FB5] =	sst s8  }
0x11: {  	[smem:$0x3FB6] =	sst s9;
	s0 =	simm.s32 @!p0 $0x0  }
0x12: {  	s1 =	sld [smem:$0x3F9C];
	s0 =	simm.s32 @p0 $0x1  }
0x13: {  	[smem:$0x3FB7] =	sst s0;
	s0 =	simm.s32 @!p1 $0x0  }
0x14: {  	s2 =	sld [smem:$0x3F9B];
	s0 =	simm.s32 @p1 $0x1  }
0x15: {  	[smem:$0x3FB8] =	sst s0;
	s0 =	simm.s32 @!p2 $0x0  }
0x16: {  	s3 =	sld [smem:$0x3FDB];
	s0 =	simm.s32 @p2 $0x1  }
0x17: {  	s4 =	simm.s32 $0x1BF5;
	[smem:$0x3FBA] =	sst s0  }
0x18: {  	s0 =	sld [smem:$0x3F9D];
	_ =	swait.ge [sflag:s4], $0x0  }
0x19: {  	s7 =	sld [smem:$0x3F9E]  }
0x1a: {  	s8 =	sadd.s32 $0xFFFFE003, lr  }
0x1b: {  	s9 =	sadd.s32 $0xFFFFFEF7, lr;
	s5 =	simm.s32 $0xFFFFFFFF;
	p2 =	slt.u32 s8, $0xFFFFF086  }
0x1c: {  	p1 =	slt.u32 s9, $0xF7A;
	s5 =	simm.s32 @!p2 $0x0  }
0x1d: {  	s5 =	simm.s32 @p1 $0x1;
	p0 =	seq.s32 s7, s2  }
0x1e: {  	s7 =	smul.u32 @!p0 $0xF7A, s2;
	p2 =	seq.s32 @!p0 s5, $0x0  }
0x1f: {  	s9 =	smul.u32 $0xF7A, s1;
	s8 =	simm.s32 @!p0 $0x1BF5;
	p2 =	por !p2, p0  }
0x20: {  	[sflag:s8] =	ssyncset.s32 @!p0 $0xFFFFF086;
	s6 =	sadd.s32 @!p0 s3, s7;
	s7 =	simm.s32 @!p0 $0x108  }
0x21: {  	s3 =	sadd.s32 s3, s9;
	s6 =	sadd.s32 @!p0 $0x88, s6;
	s7 =	simm.s32 @p2 $0x1082  }
0x22: {  	[simem:s7], [sflag:s8] =	dma.local @!p0 [hbm:s6], $0xF7A  }
0x23: {  	s9 =	sor.u32 $0xD0000000, s2;
	s6 =	simm.s32 $0x108;
	_ =	swait.ge @!p0 [sflag:s8], $0x0  }
0x24: {  	s3 =	sadd.s32 $0x88, s3;
	s6 =	simm.s32 @!p1 $0x1082;
	[sflag:s4] =	ssyncset.s32 $0xFFFFF086  }
0x25: {  	[simem:s6], [sflag:s4] =	dma.local [hbm:s3], $0xF7A  }
0x26: {  	[smem:$0x3F9E] =	sst s1;
	(tag) =	ssettag s2;
	_ =	strace s9  }
0x27: {  	s1 =	sld [smem:$0x3FAE]  }
0x28: {  	s2 =	sld [smem:$0x3FAF]  }
0x29: {  	s4 =	sld [smem:$0x3FB1]  }
0x2a: {  	p0 =	seq.s32 s5, $0x0;
	s5 =	sld [smem:$0x3FB2]  }
0x2b: {  	s6 =	sld [smem:$0x3FB3]  }
0x2c: {  	s7 =	sld [smem:$0x3FB4]  }
0x2d: {  	s3 =	simm.s32 $0x108;
	s8 =	sld [smem:$0x3FB5]  }
0x2e: {  	s3 =	simm.s32 @!p0 $0x1082;
	s9 =	sld [smem:$0x3FB6]  }
0x2f: {  	lr =	sadd.s32 s0, s3;
	s0 =	sld [smem:$0x3FAD]  }
0x30: {  	s3 =	sld [smem:$0x3FB0]  }
0x31: {  	[smem:$0x3FB9] =	sst s10  }
0x32: {  	s10 =	sld [smem:$0x3FB7];
	_ =	sdelay $0x3  }
0x33: {  	p0 =	seq.s32 s10, $0x1;
	s10 =	sld [smem:$0x3FB9];
	_ =	sdelay $0x3  }
0x34: {  	[smem:$0x3FB9] =	sst s10  }
0x35: {  	s10 =	sld [smem:$0x3FB8];
	_ =	sdelay $0x3  }
0x36: {  	p1 =	seq.s32 s10, $0x1;
	s10 =	sld [smem:$0x3FB9];
	_ =	sdelay $0x3  }
0x37: {  	[smem:$0x3FB9] =	sst s10  }
0x38: {  	s10 =	sld [smem:$0x3FBA]  }
0x39: {  	_ = 	snop;
	(pc) =	sbr.ind lr, $3  }
0x3a: {  	_ = 	snop  }
0x3b: {  	_ = 	snop  }
0x3c: {  	p2 =	seq.s32 s10, $0x1;
	s10 =	sld [smem:$0x3FB9]  }
0x3d: {  	_ =	shalt  }
0x3e: {  	_ =	shalt  }
0x3f: {  	_ =	shalt  }
0x40: {  	_ =	shalt  }
0x41: {  	_ =	shalt  }
0x42: {  	_ =	shalt  }
0x43: {  	_ =	shalt  }
0x44: {  	_ =	shalt  }
0x45: {  	_ =	shalt  }
0x46: {  	_ =	shalt  }
0x47: {  	_ =	shalt  }
0x48: {  	_ =	shalt  }
0x49: {  	_ =	shalt  }
0x4a: {  	_ =	shalt  }
0x4b: {  	_ =	shalt  }
0x4c: {  	_ =	shalt  }
0x4d: {  	_ =	shalt  }
0x4e: {  	_ =	shalt  }
0x4f: {  	_ =	shalt  }
0x50: {  	_ =	shalt  }
0x51: {  	_ =	shalt  }
0x52: {  	_ =	shalt  }
0x53: {  	_ =	shalt  }
0x54: {  	_ =	shalt  }
0x55: {  	_ =	shalt  }
0x56: {  	_ =	shalt  }
0x57: {  	_ =	shalt  }
0x58: {  	_ =	shalt  }
0x59: {  	_ =	shalt  }
0x5a: {  	_ =	shalt  }
0x5b: {  	_ =	shalt  }
0x5c: {  	_ =	shalt  }
0x5d: {  	_ =	shalt  }
0x5e: {  	_ =	shalt  }
0x5f: {  	_ =	shalt  }
0x60: {  	_ =	shalt  }
0x61: {  	_ =	shalt  }
0x62: {  	_ =	shalt  }
0x63: {  	_ =	shalt  }
0x64: {  	_ =	shalt  }
0x65: {  	_ =	shalt  }
0x66: {  	_ =	shalt  }
0x67: {  	_ =	shalt  }
0x68: {  	_ =	shalt  }
0x69: {  	_ =	shalt  }
0x6a: {  	_ =	shalt  }
0x6b: {  	_ =	shalt  }
0x6c: {  	_ =	shalt  }
0x6d: {  	_ =	shalt  }
0x6e: {  	_ =	shalt  }
0x6f: {  	_ =	shalt  }
0x70: {  	_ =	shalt  }
0x71: {  	_ =	shalt  }
0x72: {  	_ =	shalt  }
0x73: {  	_ =	shalt  }
0x74: {  	_ =	shalt  }
0x75: {  	_ =	shalt  }
0x76: {  	_ =	shalt  }
0x77: {  	_ =	shalt  }
0x78: {  	_ =	shalt  }
0x79: {  	_ =	shalt  }
0x7a: {  	_ =	shalt  }
0x7b: {  	_ =	shalt  }
0x7c: {  	_ =	shalt  }
0x7d: {  	_ =	shalt  }
0x7e: {  	_ =	shalt  }
0x7f: {  	_ =	shalt  }
0x80: {  	_ =	shalt  }
0x81: {  	_ =	shalt  }
0x82: {  	_ =	shalt  }
0x83: {  	_ =	shalt  }
0x84: {  	_ =	shalt  }
0x85: {  	_ =	shalt  }
0x86: {  	_ =	shalt  }
0x87: {  	_ =	shalt  }
.Lfunc_end0:
.L_simem_size_0:
called_computation_lowered:
.L_overlay_start_0:
0x88: {  	s2 =	sld [smem:$0x3FD9]  }
0x89: {  	s3 =	sld [smem:$0x3FFE];
	_ =	sdelay $0x1  }
0x8a: {  	s1 =	srdreg.scid  }
0x8b: {  	s0 =	sand.u32 $0x1, s1  }
0x8c: {  	s17 =	sshll.u32 s0, $0xA;
	s2 =	sadd.s32 s3, s2  }
0x8d: {  	s2 =	sadd.s32 s2, s17  }
0x8e: {  	[smem:$0x3FC5] =	sst s2  }
0x8f: {  	_ = 	snop  }
0x90: {  	s2 =	sld [smem:$0x3FC8]  }
0x91: {  	s18 =	sld [smem:$0x3FC7]  }
0x92: {  	s4 =	sld [smem:$0x3FD0];
	(tm) =	ssettm $0x1  }
0x93: {  	s5 =	sld [smem:$0x3FFB];
	_ =	sdelay $0x3  }
0x94: {  	_ =	strace s5  }
0x95: {  	s5 =	sld [smem:$0x3FFC];
	_ =	sdelay $0x3  }
0x96: {  	_ =	strace s5  }
0x97: {  	s5 =	sld [smem:$0x3FFD];
	_ =	sdelay $0x3  }
0x98: {  	_ =	strace s5  }
0x99: {  	_ =	strace $0x8FFFFFFF  }
0x9a: {  	s19 =	sld [smem:$0x3FDB];
	_ =	sdelay $0x1  }
0x9b: {  	s6 =	simm.s32 $_scs_section_size  }
0x9c: {  	s7 =	simm.s32 $_size__tile_overlayer_lowered;
	s8 =	simm.s32 $_tile_overlayer_lowered  }
0x9d: {  	s22 =	simm.s32 $0x1BFF;
	s21 =	sshll.u32 s8, $0x1;
	s5 =	sadd.s32 s6, s19  }
0x9e: {  	s9 =	simm.s32 $0x0;
	s20 =	sshll.u32 s7, $0x1;
	s7 =	sadd.s32 s21, s5  }
0x9f: {  	[timem:s9], [sflag:s22] =	dma.local [hbm:s7], s20  }
0xa0: {  	_ =	swait.ge [sflag:s22], s20  }
0xa1: {  	s6 =	ssub.s32 $0x0, s20;
	[sflag:s22] =	ssyncset.done $0x0  }
0xa2: {  	[sflag:s22] =	ssyncadd.s32 s6;
	_ =	sdelay $0x1  }
0xa3: {  	s23 =	simm.s32 $0x1B8B  }
0xa4: {  	_ =	swait.ge [sflag:s23], $0x1  }
0xa5: {  	[sflag:s23] =	ssyncset.done $0x0  }
0xa6: {  	s25 =	simm.s32 $0x1B8E;
	s24 =	sld [smem:$0x3FFE];
	[sflag:s23] =	ssyncadd.s32 $0xFFFFFFFF  }
0xa7: {  	s26 =	simm.s32 $execute0_lowered;
	[smem:$0x3FD2] =	sst s25  }
0xa8: {  	s7 =	sshll.u32 s26, $0x1;
	_ =	strace $0x80000046;
	[dreg:$0x1] =	wrdreg $0xFFFFFFFF  }
0xa9: {  	s28 =	simm.s32 $_size_execute0_lowered;
	s5 =	sadd.s32 s5, s7;
	[dreg:$0x0] =	wrdreg $0x0  }
0xaa: {  	s7 =	sshll.u32 s28, $0x1;
	[dreg:$0x2] =	wrdreg s5  }
0xab: {  	[dreg:$0x3] =	wrdreg s7  }
0xac: {  	[dreg:$0x4] =	wrdreg $0xC0  }
0xad: {  	_ =	task [dreg:s9], $0x5FFFF  }
0xae: {  	[dreg:$0x1] =	wrdreg $0xFFFFFFFF  }
0xaf: {  	[dreg:$0x0] =	wrdreg $0x60  }
0xb0: {  	[dreg:$0x2] =	wrdreg s2  }
0xb1: {  	[dreg:$0x3] =	wrdreg s18  }
0xb2: {  	[dreg:$0x4] =	wrdreg s24  }
0xb3: {  	[dreg:$0x5] =	wrdreg s4  }
0xb4: {  	[dreg:$0x6] =	wrdreg $0x9  }
0xb5: {  	_ =	task.clear_ibuf [dreg:s9], $0x7FFFF;
	_ =	strace $0x90000046  }
0xb6: {  	s29 =	simm.s32 $0x9;
	_ =	strace $0x80000048  }
0xb7: {  	_ =	swait.ge [sflag:s29], $0x1  }
0xb8: {  	[sflag:s29] =	ssyncadd.s32 $0xFFFFFFFF  }
0xb9: {  	_ =	strace $0x90000048  }
0xba: {  	_ =	sfence  }
0xbb: {  	s30 =	sld [smem:$0x0];
	_ =	sdelay $0x2  }
0xbc: {  	s31 =	sshll.u32 s1, $0xD;
	s1 =	sshrl.u32 s1, $0x2  }
0xbd: {  	s3 =	sand.u32 $0x4000, s31;
	s1 =	sadd.s32 s1, s30  }
0xbe: {  	s0 =	sor.u32 s3, s0;
	s1 =	sshll.u32 s1, $0x11  }
0xbf: {  	s0 =	sor.u32 s1, s0  }
0xc0: {  	s0 =	sadd.s32 $0x8F2B, s0  }
0xc1: {  	[sflag:s0] =	ssyncadd.remote.s32 $0x1  }
0xc2: {  	_ =	sfence.sel $0xFFFF  }
0xc3: {  	[dreg:$0x0] =	wrdreg $0xFFFFFFFF;
	(pc) =	sbr.abs _section_cstart, $3  }
0xc4: {  	[dreg:$0x1] =	wrdreg $0xFFFFFFFF  }
0xc5: {  	_ =	task.clear_ibuf [dreg:s9], $0x2FFFF;
	_ =	strace $0x9FFFFFFF  }
0xc6: {  	(tm) =	ssettm $0x7FFFFFFF  }
0xc7: {  	_ =	shalt  }
tec
execute0_lowered:
.L_overlay_start_1:
0x0: {  	(tag) =	ssettag $0x1  }
0x1: {  	s0 =	rddreg [dreg:$0x0]  }
0x2: {  	s1 =	rddreg [dreg:$0x1]  }
0x3: {  	s2 =	rddreg [dreg:$0x2]  }
0x4: {  	s19 =	rddreg [dreg:$0x3]  }
0x5: {  	s3 =	simm.s32 $0x0;
	s4 =	srdreg.scid;
	s6 =	stileid.u32  }
0x6: {  	[smem:$0x7FF] =	sst s3;
	s4 =	sand.u32 $0x1, s4;
	s5 =	sshll.u32 s6, $0x9  }
0x7: {  	s13 =	sshrl.u32 s6, $0x1;
	s23 =	sadd.s32 $0x200, s2;
	s22 =	sshll.u32 s4, $0x8  }
0x8: {  	s5 =	sand.u32 $0x200, s5;
	s14 =	smul.u32 $0xC3800, s13;
	_ =	strace $0x80000047  }
0x9: {  	s4 =	ssub.s32 $0x2, s4;
	[dreg:$0x5] =	wrdreg s23;
	s13 =	sshll.u32 s13, $0x11  }
0xa: {  	s23 =	sadd.s32 $0x210, s2;
	s5 =	sor.u32 s22, s5;
	s24 =	sshrl.u32 s4, $0x1  }
0xb: {  	[dreg:$0xd] =	wrdreg s23;
	s23 =	sadd.s32 $0x20, s19;
	s7 =	sor.u32 s14, s5  }
0xc: {  	s4 =	ssub.s32 s4, s24;
	s24 =	sadd.s32 $0x220, s2;
	[dreg:$0x1d] =	wrdreg s23  }
0xd: {  	s26 =	sor.u32 s13, s5;
	s23 =	sadd.s32 $0xC0, s19;
	[dreg:$0xe] =	wrdreg s24  }
0xe: {  	s5 =	sor.u32 $0x80, s5;
	s22 =	smax.u32 s4, $0x1;
	[smem:$0x7F9] =	sst s23  }
0xf: {  	s14 =	sor.u32 s14, s5;
	s4 =	sadd.s32 $0x260, s2;
	[dreg:$0xc] =	wrdreg s22  }
0x10: {  	s5 =	sor.u32 s13, s5;
	s13 =	sadd.s32 $0x280, s2;
	[dreg:$0x12] =	wrdreg s4  }
0x11: {  	s16 =	sshrl.u32 s7, $0x3;
	s24 =	sadd.s32 $0x30, s19;
	[dreg:$0x14] =	wrdreg s13  }
0x12: {  	s25 =	sadd.s32 s0, s16;
	[dreg:$0x1e] =	wrdreg s24  }
0x13: {  	s16 =	sadd.s32 s1, s16;
	[dreg:$0x6] =	wrdreg s25  }
0x14: {  	s18 =	sshrl.u32 s14, $0x3;
	s14 =	sadd.s32 $0x290, s2;
	[dreg:$0x7] =	wrdreg s16  }
0x15: {  	s28 =	simm.s32 $0x1CF80;
	s22 =	sadd.s32 $0x10, s19;
	[dreg:$0x15] =	wrdreg s14  }
0x16: {  	s29 =	simm.s32 $0x1D080;
	s4 =	sadd.s32 $0x70, s19;
	[dreg:$0x1c] =	wrdreg s22  }
0x17: {  	s30 =	simm.s32 $0x1D180;
	s24 =	sadd.s32 $0xD0, s19;
	[smem:$0x7F4] =	sst s4  }
0x18: {  	s15 =	sadd.s32 $0xA00, s2;
	s0 =	sadd.s32 s0, s18;
	[smem:$0x7FA] =	sst s24  }
0x19: {  	s5 =	sshrl.u32 s5, $0x3;
	s20 =	sadd.s32 s1, s18;
	[dreg:$0x9] =	wrdreg s0  }
0x1a: {  	s31 =	simm.s32 $0x1D280;
	s21 =	sadd.s32 s15, s5;
	[dreg:$0xa] =	wrdreg s20  }
0x1b: {  	s6 =	sadd.s32 $0x300, s2;
	s25 =	sadd.s32 $0x230, s2;
	[dreg:$0xb] =	wrdreg s21  }
0x1c: {  	s16 =	sshrl.u32 s26, $0x3;
	s26 =	sadd.s32 $0x240, s2;
	[dreg:$0xf] =	wrdreg s25  }
0x1d: {  	s8 =	sadd.s32 $0x500, s2;
	s1 =	sadd.s32 $0x250, s2;
	[dreg:$0x10] =	wrdreg s26  }
0x1e: {  	s9 =	sadd.s32 $0x600, s2;
	s5 =	sadd.s32 $0x270, s2;
	[dreg:$0x11] =	wrdreg s1  }
0x1f: {  	s10 =	sadd.s32 $0x700, s2;
	s18 =	sadd.s32 $0x2D0, s2;
	[dreg:$0x13] =	wrdreg s5  }
0x20: {  	s11 =	sadd.s32 $0x800, s2;
	s22 =	sadd.s32 $0xB0, s19;
	[dreg:$0x19] =	wrdreg s18  }
0x21: {  	s12 =	sadd.s32 $0x900, s2;
	s17 =	sadd.s32 s15, s16;
	[smem:$0x7F8] =	sst s22  }
0x22: {  	s7 =	sadd.s32 $0x400, s2;
	s15 =	sadd.s32 $0x2A0, s2;
	[dreg:$0x8] =	wrdreg s17  }
0x23: {  	s23 =	simm.s32 $0x400;
	s16 =	sadd.s32 $0x2B0, s2;
	[dreg:$0x16] =	wrdreg s15  }
0x24: {  	s13 =	sadd.s32 $0x100, s19;
	s20 =	sadd.s32 $0x2E0, s2;
	[dreg:$0x17] =	wrdreg s16  }
0x25: {  	s14 =	sadd.s32 $0x200, s19;
	s21 =	sadd.s32 $0x2F0, s2;
	[dreg:$0x1a] =	wrdreg s20  }
0x26: {  	s24 =	simm.s32 $0x1CC80;
	s25 =	sadd.s32 $0x40, s19;
	[dreg:$0x1b] =	wrdreg s21  }
0x27: {  	s4 =	simm.s32 $0x1D680;
	s26 =	sadd.s32 $0x50, s19;
	[dreg:$0x1f] =	wrdreg s25  }
0x28: {  	s18 =	sadd.s32 $0x600, s19;
	s5 =	sadd.s32 $0x80, s19;
	[smem:$0x7F2] =	sst s26  }
0x29: {  	s1 =	sadd.s32 $0x700, s19;
	s17 =	sadd.s32 $0x2C0, s2;
	[smem:$0x7F5] =	sst s5  }
0x2a: {  	s22 =	simm.s32 $0x80;
	s2 =	sadd.s32 $0x60, s19;
	[dreg:$0x18] =	wrdreg s17  }
0x2b: {  	s0 =	simm.s32 $0x1D380;
	s20 =	sadd.s32 $0x90, s19;
	[smem:$0x7F3] =	sst s2  }
0x2c: {  	s15 =	sadd.s32 $0x300, s19;
	s21 =	sadd.s32 $0xA0, s19;
	[smem:$0x7F6] =	sst s20  }
0x2d: {  	s16 =	sadd.s32 $0x400, s19;
	s25 =	sadd.s32 $0xE0, s19;
	[smem:$0x7F7] =	sst s21  }
0x2e: {  	s26 =	sadd.s32 $0xF0, s19;
	s5 =	simm.s32 $0x1D580;
	[smem:$0x7FB] =	sst s25  }
0x2f: {  	s17 =	sadd.s32 $0x500, s19;
	[smem:$0x7FC] =	sst s26;
	s25 =	simm.s32 $0x1CD80  }
0x30: {  	s26 =	simm.s32 $0x1CE80;
	s2 =	simm.s32 $0x1D480;
	s21 =	simm.s32 $0x0  }
0x31: {  	s19 =	simm.s32 $0x2;
	s20 =	simm.s32 $0x3;
	[smem:$0x7FD] =	sst s21  }
.LBB2_1:
0x32: {  	s21 =	rddreg [dreg:$0x6]  }
0x33: {  	[tilespmem:s3], [sflag:$0x1] =	stream.strided.gather [hbm4b:s21+s22], $0x18700, s23, s22, $0x38;
	[tilespmem:$0x1D700] =	vst v63  }
0x34: {  	s22 =	rddreg [dreg:$0x5];
	s23 =	simm.s32 $0x1C700  }
0x35: {  	[tilespmem:s23], [sflag:$0x2] =	stream.linear.gather [hbm4b:s22+s3], $0x80, $0x38;
	[tilespmem:$0x1D700] =	vst v63  }
0x36: {  	s22 =	rddreg [dreg:$0xd];
	s23 =	simm.s32 $0x1C800  }
0x37: {  	[tilespmem:s23], [sflag:$0x2] =	stream.linear.gather [hbm4b:s22+s3], $0x80, $0x38;
	[tilespmem:$0x1D700] =	vst v63  }
0x38: {  	s22 =	rddreg [dreg:$0xe];
	s23 =	simm.s32 $0x1C900  }
0x39: {  	[tilespmem:s23], [sflag:$0x2] =	stream.linear.gather [hbm4b:s22+s3], $0x80, $0x38;
	[tilespmem:$0x1D700] =	vst v63  }
0x3a: {  	s22 =	rddreg [dreg:$0xf];
	s23 =	simm.s32 $0x1CA00  }
0x3b: {  	[tilespmem:s23], [sflag:$0x2] =	stream.linear.gather [hbm4b:s22+s3], $0x80, $0x38;
	[tilespmem:$0x1D700] =	vst v63  }
0x3c: {  	s22 =	rddreg [dreg:$0x10];
	s23 =	simm.s32 $0x1CB00  }
0x3d: {  	[tilespmem:s23], [sflag:$0x2] =	stream.linear.gather [hbm4b:s22+s3], $0x80, $0x38;
	[tilespmem:$0x1D700] =	vst v63  }
0x3e: {  	s22 =	rddreg [dreg:$0x11];
	s23 =	simm.s32 $0x1CC00  }
0x3f: {  	[tilespmem:s23], [sflag:$0x2] =	stream.linear.gather [hbm4b:s22+s3], $0x80, $0x38;
	[tilespmem:$0x1D700] =	vst v63  }
0x40: {  	s22 =	rddreg [dreg:$0x12];
	s23 =	simm.s32 $0x1CD00  }
0x41: {  	[tilespmem:s23], [sflag:$0x2] =	stream.linear.gather [hbm4b:s22+s3], $0x80, $0x38;
	[tilespmem:$0x1D700] =	vst v63  }
0x42: {  	s22 =	rddreg [dreg:$0x13];
	s23 =	simm.s32 $0x1CE00  }
0x43: {  	[tilespmem:s23], [sflag:$0x2] =	stream.linear.gather [hbm4b:s22+s3], $0x80, $0x38;
	[tilespmem:$0x1D700] =	vst v63  }
0x44: {  	s22 =	rddreg [dreg:$0x14];
	s23 =	simm.s32 $0x1CF00  }
0x45: {  	[tilespmem:s23], [sflag:$0x2] =	stream.linear.gather [hbm4b:s22+s3], $0x80, $0x38;
	[tilespmem:$0x1D700] =	vst v63  }
0x46: {  	s22 =	rddreg [dreg:$0x15];
	s23 =	simm.s32 $0x1D000  }
0x47: {  	[tilespmem:s23], [sflag:$0x2] =	stream.linear.gather [hbm4b:s22+s3], $0x80, $0x38;
	[tilespmem:$0x1D700] =	vst v63  }
0x48: {  	s22 =	rddreg [dreg:$0x16];
	s23 =	simm.s32 $0x1D100  }
0x49: {  	[tilespmem:s23], [sflag:$0x2] =	stream.linear.gather [hbm4b:s22+s3], $0x80, $0x38;
	[tilespmem:$0x1D700] =	vst v63  }
0x4a: {  	s22 =	rddreg [dreg:$0x17];
	s23 =	simm.s32 $0x1D200  }
0x4b: {  	[tilespmem:s23], [sflag:$0x2] =	stream.linear.gather [hbm4b:s22+s3], $0x80, $0x38;
	[tilespmem:$0x1D700] =	vst v63  }
0x4c: {  	s22 =	rddreg [dreg:$0x18];
	s23 =	simm.s32 $0x1D300  }
0x4d: {  	[tilespmem:s23], [sflag:$0x2] =	stream.linear.gather [hbm4b:s22+s3], $0x80, $0x38;
	[tilespmem:$0x1D700] =	vst v63  }
0x4e: {  	s22 =	rddreg [dreg:$0x19];
	s23 =	simm.s32 $0x1D400  }
0x4f: {  	[tilespmem:s23], [sflag:$0x2] =	stream.linear.gather [hbm4b:s22+s3], $0x80, $0x38;
	[tilespmem:$0x1D700] =	vst v63  }
0x50: {  	s22 =	rddreg [dreg:$0x1a];
	s23 =	simm.s32 $0x1D500  }
0x51: {  	[tilespmem:s23], [sflag:$0x2] =	stream.linear.gather [hbm4b:s22+s3], $0x80, $0x38;
	[tilespmem:$0x1D700] =	vst v63  }
0x52: {  	s22 =	rddreg [dreg:$0x1b];
	s23 =	simm.s32 $0x1D600  }
0x53: {  	[tilespmem:s23], [sflag:$0x2] =	stream.linear.gather [hbm4b:s22+s3], $0x80, $0x38;
	[tilespmem:$0x1D700] =	vst v63  }
0x54: {  	s22 =	simm.s32 $0x1  }
0x55: {  	_ =	swait.ge [sflag:s22], $0x18700  }
0x56: {  	[sflag:s22] =	ssyncset.done $0x0  }
0x57: {  	s21 =	sadd.s32 $0x10, s6;
	s23 =	simm.s32 $0x1C780;
	[sflag:s22] =	ssyncadd.s32 $0xFFFE7900  }
0x58: {  	[tilespmem:s23], [sflag:$0x3] =	stream.linear.gather [hbm4b:s6+s3], $0x80, $0x38;
	[tilespmem:$0x1D700] =	vst v63  }
0x59: {  	[smem:$0x7E3] =	sst s21;
	s22 =	sadd.s32 $0x50, s6;
	s23 =	simm.s32 $0x1C880  }
0x5a: {  	[tilespmem:s23], [sflag:$0x3] =	stream.linear.gather [hbm4b:s21+s3], $0x80, $0x38;
	[tilespmem:$0x1D700] =	vst v63  }
0x5b: {  	[smem:$0x7E7] =	sst s22;
	s21 =	sadd.s32 $0x20, s6;
	s23 =	simm.s32 $0x1C980  }
0x5c: {  	[tilespmem:s23], [sflag:$0x3] =	stream.linear.gather [hbm4b:s21+s3], $0x80, $0x38;
	[tilespmem:$0x1D700] =	vst v63  }
0x5d: {  	[smem:$0x7E4] =	sst s21;
	s21 =	sadd.s32 $0x30, s6;
	s23 =	simm.s32 $0x1CA80  }
0x5e: {  	[tilespmem:s23], [sflag:$0x3] =	stream.linear.gather [hbm4b:s21+s3], $0x80, $0x38;
	[tilespmem:$0x1D700] =	vst v63  }
0x5f: {  	[smem:$0x7E5] =	sst s21;
	s21 =	sadd.s32 $0x40, s6;
	s23 =	simm.s32 $0x1CB80  }
0x60: {  	[tilespmem:s23], [sflag:$0x3] =	stream.linear.gather [hbm4b:s21+s3], $0x80, $0x38;
	[tilespmem:$0x1D700] =	vst v63  }
0x61: {  	[smem:$0x7E6] =	sst s21;
	s23 =	sadd.s32 $0x60, s6  }
0x62: {  	[tilespmem:s24], [sflag:$0x3] =	stream.linear.gather [hbm4b:s22+s3], $0x80, $0x38;
	[tilespmem:$0x1D700] =	vst v63  }
0x63: {  	[smem:$0x7E8] =	sst s23;
	s22 =	sadd.s32 $0x70, s6  }
0x64: {  	[tilespmem:s25], [sflag:$0x3] =	stream.linear.gather [hbm4b:s23+s3], $0x80, $0x38;
	[tilespmem:$0x1D700] =	vst v63  }
0x65: {  	[smem:$0x7E9] =	sst s22;
	s23 =	sadd.s32 $0x80, s6  }
0x66: {  	[tilespmem:s26], [sflag:$0x3] =	stream.linear.gather [hbm4b:s22+s3], $0x80, $0x38;
	[tilespmem:$0x1D700] =	vst v63  }
0x67: {  	[smem:$0x7EA] =	sst s23;
	s22 =	sadd.s32 $0x90, s6  }
0x68: {  	[tilespmem:s28], [sflag:$0x3] =	stream.linear.gather [hbm4b:s23+s3], $0x80, $0x38;
	[tilespmem:$0x1D700] =	vst v63  }
0x69: {  	[smem:$0x7EB] =	sst s22;
	s23 =	sadd.s32 $0xA0, s6  }
0x6a: {  	[tilespmem:s29], [sflag:$0x3] =	stream.linear.gather [hbm4b:s22+s3], $0x80, $0x38;
	[tilespmem:$0x1D700] =	vst v63  }
0x6b: {  	[smem:$0x7EC] =	sst s23;
	s22 =	sadd.s32 $0xB0, s6  }
0x6c: {  	[tilespmem:s30], [sflag:$0x3] =	stream.linear.gather [hbm4b:s23+s3], $0x80, $0x38;
	[tilespmem:$0x1D700] =	vst v63  }
0x6d: {  	[smem:$0x7ED] =	sst s22;
	s23 =	sadd.s32 $0xC0, s6  }
0x6e: {  	[tilespmem:s31], [sflag:$0x3] =	stream.linear.gather [hbm4b:s22+s3], $0x80, $0x38;
	[tilespmem:$0x1D700] =	vst v63  }
0x6f: {  	[smem:$0x7EE] =	sst s23;
	s22 =	sadd.s32 $0xD0, s6  }
0x70: {  	[tilespmem:s0], [sflag:$0x3] =	stream.linear.gather [hbm4b:s23+s3], $0x80, $0x38;
	[tilespmem:$0x1D700] =	vst v63  }
0x71: {  	[smem:$0x7EF] =	sst s22;
	s23 =	sadd.s32 $0xE0, s6  }
0x72: {  	[tilespmem:s2], [sflag:$0x3] =	stream.linear.gather [hbm4b:s22+s3], $0x80, $0x38;
	[tilespmem:$0x1D700] =	vst v63  }
0x73: {  	[smem:$0x7F0] =	sst s23;
	s22 =	sadd.s32 $0xF0, s6  }
0x74: {  	[tilespmem:s5], [sflag:$0x3] =	stream.linear.gather [hbm4b:s23+s3], $0x80, $0x38;
	[tilespmem:$0x1D700] =	vst v63  }
0x75: {  	[smem:$0x7F1] =	sst s22  }
0x76: {  	[tilespmem:s4], [sflag:$0x3] =	stream.linear.gather [hbm4b:s22+s3], $0x80, $0x38;
	[tilespmem:$0x1D700] =	vst v63  }
0x77: {  	_ =	swait.ge [sflag:s19], $0x800  }
0x78: {  	[sflag:s19] =	ssyncset.done $0x0  }
0x79: {  	s23 =	simm.s32 $0x1C740;
	[sflag:s19] =	ssyncadd.s32 $0xFFFFF800  }
0x7a: {  	v0 =	vld [tilespmem:s23+$0x30]  }
0x7b: {  	v1 =	vld [tilespmem:s23+$0xFFFFFFD0]  }
0x7c: {  	v2 =	vld [tilespmem:s23+$0xFFFFFFE0]  }
0x7d: {  	v3 =	vld [tilespmem:s23+$0xFFFFFFF0]  }
0x7e: {  	v4 =	vld [tilespmem:s23+$0x0]  }
0x7f: {  	v6 =	vld [tilespmem:s23+$0x10]  }
0x80: {  	v7 =	vld [tilespmem:s23+$0x20]  }
0x81: {  	v8 =	vld [tilespmem:s23+$0xFFFFFFC0]  }
0x82: {  	v9 =	vld.idx.msk [tilespmem:v0+s3+$0x0], $0xffff  }
0x83: {  	v10 =	vld.idx.msk [tilespmem:v1+s3+$0x0], $0xffff  }
0x84: {  	v5 =	vld.idx.msk [tilespmem:v2+s3+$0x0], $0xffff  }
0x85: {  	v3 =	vld.idx.msk [tilespmem:v3+s3+$0x0], $0xffff  }
0x86: {  	v0 =	vld.idx.msk [tilespmem:v4+s3+$0x0], $0xffff  }
0x87: {  	s21 =	simm.s32 $0x18740;
	v1 =	vld.idx.msk [tilespmem:v6+s3+$0x0], $0xffff  }
0x88: {  	v2 =	vld.idx.msk [tilespmem:v7+s3+$0x0], $0xffff;
	[tilespmem:s21+$0x30] =	vst v9  }
0x89: {  	s22 =	simm.s32 $0x0;
	s23 =	simm.s32 $0x1C840;
	v4 =	vld.idx.msk [tilespmem:v8+s3+$0x0], $0xffff;
	[tilespmem:s21+$0xFFFFFFD0] =	vst v10  }
.LBB2_2:
0x8a: {  	v6 =	vld [tilespmem:s23+$0x30];
	s22 =	sadd.s32 $0x8, s22;
	[tilespmem:s21+$0xFFFFFFE0] =	vst v5  }
0x8b: {  	v5 =	vld [tilespmem:s23+$0xFFFFFFD0];
	p0 =	slt.u32 s22, $0x78;
	[tilespmem:s21+$0xFFFFFFF0] =	vst v3  }
0x8c: {  	v3 =	vld [tilespmem:s23+$0xFFFFFFE0];
	[tilespmem:s21+$0x0] =	vst v0  }
0x8d: {  	v0 =	vld [tilespmem:s23+$0xFFFFFFF0];
	[tilespmem:s21+$0x10] =	vst v1  }
0x8e: {  	v1 =	vld [tilespmem:s23+$0x0];
	[tilespmem:s21+$0x20] =	vst v2  }
0x8f: {  	v2 =	vld [tilespmem:s23+$0x10];
	[tilespmem:s21+$0xFFFFFFC0] =	vst v4  }
0x90: {  	v4 =	vld [tilespmem:s23+$0x20]  }
0x91: {  	v7 =	vld [tilespmem:s23+$0xFFFFFFC0]  }
0x92: {  	v6 =	vld.idx.msk [tilespmem:v6+s3+$0x0], $0xffff  }
0x93: {  	v8 =	vld.idx.msk [tilespmem:v5+s3+$0x0], $0xffff  }
0x94: {  	v5 =	vld.idx.msk [tilespmem:v3+s3+$0x0], $0xffff  }
.Ltmp0:
0x95: {  	v3 =	vld.idx.msk [tilespmem:v0+s3+$0x0], $0xffff;
	(pc) =	sbr.rel @p0 .LBB2_2-.Ltmp0, $4  }
0x96: {  	v0 =	vld.idx.msk [tilespmem:v1+s3+$0x0], $0xffff  }
0x97: {  	s21 =	sadd.s32 $0x80, s21;
	v1 =	vld.idx.msk [tilespmem:v2+s3+$0x0], $0xffff  }
0x98: {  	v2 =	vld.idx.msk [tilespmem:v4+s3+$0x0], $0xffff;
	[tilespmem:s21+$0x30] =	vst v6  }
0x99: {  	s23 =	sadd.s32 $0x100, s23;
	v4 =	vld.idx.msk [tilespmem:v7+s3+$0x0], $0xffff;
	[tilespmem:s21+$0xFFFFFFD0] =	vst v8  }
0x9a: {  	[tilespmem:s21+$0xFFFFFFE0] =	vst v5  }
0x9b: {  	[tilespmem:s21+$0xFFFFFFF0] =	vst v3  }
0x9c: {  	[tilespmem:s21+$0x0] =	vst v0  }
0x9d: {  	[tilespmem:s21+$0x10] =	vst v1  }
0x9e: {  	[tilespmem:s21+$0x20] =	vst v2  }
0x9f: {  	s22 =	simm.s32 $0x1C700;
	[tilespmem:s21+$0xFFFFFFC0] =	vst v4  }
0xa0: {  	[tilespmem:s22], [sflag:$0x2] =	stream.linear.gather [hbm4b:s7+s3], $0x80, $0x38;
	[tilespmem:$0x1D700] =	vst v63  }
0xa1: {  	s23 =	simm.s32 $0x1C800;
	s21 =	sadd.s32 $0x20, s7;
	s22 =	sadd.s32 $0x10, s7  }
0xa2: {  	[tilespmem:s23], [sflag:$0x2] =	stream.linear.gather [hbm4b:s22+s3], $0x80, $0x38;
	[tilespmem:$0x1D700] =	vst v63  }
0xa3: {  	[smem:$0x7D5] =	sst s21;
	s23 =	simm.s32 $0x1C900  }
0xa4: {  	[tilespmem:s23], [sflag:$0x2] =	stream.linear.gather [hbm4b:s21+s3], $0x80, $0x38;
	[tilespmem:$0x1D700] =	vst v63  }
0xa5: {  	[smem:$0x7D4] =	sst s22;
	s21 =	sadd.s32 $0x30, s7;
	s23 =	simm.s32 $0x1CA00  }
0xa6: {  	[tilespmem:s23], [sflag:$0x2] =	stream.linear.gather [hbm4b:s21+s3], $0x80, $0x38;
	[tilespmem:$0x1D700] =	vst v63  }
0xa7: {  	[smem:$0x7D6] =	sst s21;
	s21 =	sadd.s32 $0x40, s7;
	s23 =	simm.s32 $0x1CB00  }
0xa8: {  	[tilespmem:s23], [sflag:$0x2] =	stream.linear.gather [hbm4b:s21+s3], $0x80, $0x38;
	[tilespmem:$0x1D700] =	vst v63  }
0xa9: {  	[smem:$0x7D7] =	sst s21;
	s21 =	sadd.s32 $0x50, s7;
	s23 =	simm.s32 $0x1CC00  }
0xaa: {  	[tilespmem:s23], [sflag:$0x2] =	stream.linear.gather [hbm4b:s21+s3], $0x80, $0x38;
	[tilespmem:$0x1D700] =	vst v63  }
0xab: {  	[smem:$0x7D8] =	sst s21;
	s21 =	sadd.s32 $0x60, s7;
	s23 =	simm.s32 $0x1CD00  }
0xac: {  	[tilespmem:s23], [sflag:$0x2] =	stream.linear.gather [hbm4b:s21+s3], $0x80, $0x38;
	[tilespmem:$0x1D700] =	vst v63  }
0xad: {  	[smem:$0x7D9] =	sst s21;
	s21 =	sadd.s32 $0x70, s7;
	s23 =	simm.s32 $0x1CE00  }
0xae: {  	[tilespmem:s23], [sflag:$0x2] =	stream.linear.gather [hbm4b:s21+s3], $0x80, $0x38;
	[tilespmem:$0x1D700] =	vst v63  }
0xaf: {  	[smem:$0x7DA] =	sst s21;
	s21 =	sadd.s32 $0x80, s7;
	s23 =	simm.s32 $0x1CF00  }
0xb0: {  	[tilespmem:s23], [sflag:$0x2] =	stream.linear.gather [hbm4b:s21+s3], $0x80, $0x38;
	[tilespmem:$0x1D700] =	vst v63  }
0xb1: {  	[smem:$0x7DB] =	sst s21;
	s21 =	sadd.s32 $0x90, s7;
	s23 =	simm.s32 $0x1D000  }
0xb2: {  	[tilespmem:s23], [sflag:$0x2] =	stream.linear.gather [hbm4b:s21+s3], $0x80, $0x38;
	[tilespmem:$0x1D700] =	vst v63  }
0xb3: {  	[smem:$0x7DC] =	sst s21;
	s21 =	sadd.s32 $0xA0, s7;
	s23 =	simm.s32 $0x1D100  }
0xb4: {  	[tilespmem:s23], [sflag:$0x2] =	stream.linear.gather [hbm4b:s21+s3], $0x80, $0x38;
	[tilespmem:$0x1D700] =	vst v63  }
0xb5: {  	[smem:$0x7DD] =	sst s21;
	s21 =	sadd.s32 $0xB0, s7;
	s23 =	simm.s32 $0x1D200  }
0xb6: {  	[tilespmem:s23], [sflag:$0x2] =	stream.linear.gather [hbm4b:s21+s3], $0x80, $0x38;
	[tilespmem:$0x1D700] =	vst v63  }
0xb7: {  	[smem:$0x7DE] =	sst s21;
	s21 =	sadd.s32 $0xC0, s7;
	s23 =	simm.s32 $0x1D300  }
0xb8: {  	[tilespmem:s23], [sflag:$0x2] =	stream.linear.gather [hbm4b:s21+s3], $0x80, $0x38;
	[tilespmem:$0x1D700] =	vst v63  }
0xb9: {  	[smem:$0x7DF] =	sst s21;
	s21 =	sadd.s32 $0xD0, s7;
	s23 =	simm.s32 $0x1D400  }
0xba: {  	[tilespmem:s23], [sflag:$0x2] =	stream.linear.gather [hbm4b:s21+s3], $0x80, $0x38;
	[tilespmem:$0x1D700] =	vst v63  }
0xbb: {  	[smem:$0x7E0] =	sst s21;
	s21 =	sadd.s32 $0xE0, s7;
	s23 =	simm.s32 $0x1D500  }
0xbc: {  	[tilespmem:s23], [sflag:$0x2] =	stream.linear.gather [hbm4b:s21+s3], $0x80, $0x38;
	[tilespmem:$0x1D700] =	vst v63  }
0xbd: {  	[smem:$0x7E1] =	sst s21;
	s21 =	sadd.s32 $0xF0, s7  }
0xbe: {  	s23 =	simm.s32 $0x1D600;
	[smem:$0x7E2] =	sst s21  }
0xbf: {  	[tilespmem:s23], [sflag:$0x2] =	stream.linear.gather [hbm4b:s21+s3], $0x80, $0x38;
	[tilespmem:$0x1D700] =	vst v63  }
0xc0: {  	_ =	swait.ge [sflag:s20], $0x800  }
0xc1: {  	[sflag:s20] =	ssyncset.done $0x0  }
0xc2: {  	s23 =	simm.s32 $0x1C7F0;
	[sflag:s20] =	ssyncadd.s32 $0xFFFFF800  }
0xc3: {  	v0 =	vld [tilespmem:s23+$0x0]  }
0xc4: {  	v1 =	vld [tilespmem:s23+$0xFFFFFFA0]  }
0xc5: {  	v2 =	vld [tilespmem:s23+$0xFFFFFFB0]  }
0xc6: {  	v3 =	vld [tilespmem:s23+$0xFFFFFFC0]  }
0xc7: {  	v4 =	vld [tilespmem:s23+$0xFFFFFFD0]  }
0xc8: {  	v6 =	vld [tilespmem:s23+$0xFFFFFFE0]  }
0xc9: {  	v7 =	vld [tilespmem:s23+$0xFFFFFFF0]  }
0xca: {  	v8 =	vld [tilespmem:s23+$0xFFFFFF90]  }
0xcb: {  	v9 =	vld.idx.msk [tilespmem:v0+s3+$0x0], $0xffff  }
0xcc: {  	v10 =	vld.idx.msk [tilespmem:v1+s3+$0x0], $0xffff  }
0xcd: {  	v5 =	vld.idx.msk [tilespmem:v2+s3+$0x0], $0xffff  }
0xce: {  	v3 =	vld.idx.msk [tilespmem:v3+s3+$0x0], $0xffff  }
0xcf: {  	v0 =	vld.idx.msk [tilespmem:v4+s3+$0x0], $0xffff  }
0xd0: {  	s21 =	simm.s32 $0x18F70;
	v1 =	vld.idx.msk [tilespmem:v6+s3+$0x0], $0xffff  }
0xd1: {  	v2 =	vld.idx.msk [tilespmem:v7+s3+$0x0], $0xffff;
	[tilespmem:s21+$0x0] =	vst v9  }
0xd2: {  	s22 =	simm.s32 $0x0;
	s23 =	simm.s32 $0x1C8F0;
	v4 =	vld.idx.msk [tilespmem:v8+s3+$0x0], $0xffff;
	[tilespmem:s21+$0xFFFFFFA0] =	vst v10  }
.LBB2_4:
0xd3: {  	v6 =	vld [tilespmem:s23+$0x0];
	s22 =	sadd.s32 $0x8, s22;
	[tilespmem:s21+$0xFFFFFFB0] =	vst v5  }
0xd4: {  	v5 =	vld [tilespmem:s23+$0xFFFFFFA0];
	p0 =	slt.u32 s22, $0x78;
	[tilespmem:s21+$0xFFFFFFC0] =	vst v3  }
0xd5: {  	v3 =	vld [tilespmem:s23+$0xFFFFFFB0];
	[tilespmem:s21+$0xFFFFFFD0] =	vst v0  }
0xd6: {  	v0 =	vld [tilespmem:s23+$0xFFFFFFC0];
	[tilespmem:s21+$0xFFFFFFE0] =	vst v1  }
0xd7: {  	v1 =	vld [tilespmem:s23+$0xFFFFFFD0];
	[tilespmem:s21+$0xFFFFFFF0] =	vst v2  }
0xd8: {  	v2 =	vld [tilespmem:s23+$0xFFFFFFE0];
	[tilespmem:s21+$0xFFFFFF90] =	vst v4  }
0xd9: {  	v4 =	vld [tilespmem:s23+$0xFFFFFFF0]  }
0xda: {  	v7 =	vld [tilespmem:s23+$0xFFFFFF90]  }
0xdb: {  	v6 =	vld.idx.msk [tilespmem:v6+s3+$0x0], $0xffff  }
0xdc: {  	v8 =	vld.idx.msk [tilespmem:v5+s3+$0x0], $0xffff  }
0xdd: {  	v5 =	vld.idx.msk [tilespmem:v3+s3+$0x0], $0xffff  }
.Ltmp1:
0xde: {  	v3 =	vld.idx.msk [tilespmem:v0+s3+$0x0], $0xffff;
	(pc) =	sbr.rel @p0 .LBB2_4-.Ltmp1, $4  }
0xdf: {  	v0 =	vld.idx.msk [tilespmem:v1+s3+$0x0], $0xffff  }
0xe0: {  	s21 =	sadd.s32 $0x80, s21;
	v1 =	vld.idx.msk [tilespmem:v2+s3+$0x0], $0xffff  }
0xe1: {  	v2 =	vld.idx.msk [tilespmem:v4+s3+$0x0], $0xffff;
	[tilespmem:s21+$0x0] =	vst v6  }
0xe2: {  	s23 =	sadd.s32 $0x100, s23;
	v4 =	vld.idx.msk [tilespmem:v7+s3+$0x0], $0xffff;
	[tilespmem:s21+$0xFFFFFFA0] =	vst v8  }
0xe3: {  	[tilespmem:s21+$0xFFFFFFB0] =	vst v5  }
0xe4: {  	[tilespmem:s21+$0xFFFFFFC0] =	vst v3  }
0xe5: {  	[tilespmem:s21+$0xFFFFFFD0] =	vst v0  }
0xe6: {  	[tilespmem:s21+$0xFFFFFFE0] =	vst v1  }
0xe7: {  	[tilespmem:s21+$0xFFFFFFF0] =	vst v2  }
0xe8: {  	s22 =	simm.s32 $0x1C780;
	[tilespmem:s21+$0xFFFFFF90] =	vst v4;
	s21 =	sadd.s32 $0x20, s8  }
0xe9: {  	[tilespmem:s22], [sflag:$0x3] =	stream.linear.gather [hbm4b:s8+s3], $0x80, $0x38;
	[tilespmem:$0x1D700] =	vst v63  }
0xea: {  	s23 =	simm.s32 $0x1C880;
	s22 =	sadd.s32 $0x10, s8;
	[smem:$0x7C6] =	sst s21  }
0xeb: {  	[tilespmem:s23], [sflag:$0x3] =	stream.linear.gather [hbm4b:s22+s3], $0x80, $0x38;
	[tilespmem:$0x1D700] =	vst v63  }
0xec: {  	[smem:$0x7C5] =	sst s22;
	s23 =	simm.s32 $0x1C980;
	s22 =	sadd.s32 $0x50, s8  }
0xed: {  	[tilespmem:s23], [sflag:$0x3] =	stream.linear.gather [hbm4b:s21+s3], $0x80, $0x38;
	[tilespmem:$0x1D700] =	vst v63  }
0xee: {  	[smem:$0x7C9] =	sst s22;
	s21 =	sadd.s32 $0x30, s8;
	s23 =	simm.s32 $0x1CA80  }
0xef: {  	[tilespmem:s23], [sflag:$0x3] =	stream.linear.gather [hbm4b:s21+s3], $0x80, $0x38;
	[tilespmem:$0x1D700] =	vst v63  }
0xf0: {  	[smem:$0x7C7] =	sst s21;
	s21 =	sadd.s32 $0x40, s8;
	s23 =	simm.s32 $0x1CB80  }
0xf1: {  	[tilespmem:s23], [sflag:$0x3] =	stream.linear.gather [hbm4b:s21+s3], $0x80, $0x38;
	[tilespmem:$0x1D700] =	vst v63  }
0xf2: {  	[smem:$0x7C8] =	sst s21;
	s23 =	sadd.s32 $0x60, s8  }
0xf3: {  	[tilespmem:s24], [sflag:$0x3] =	stream.linear.gather [hbm4b:s22+s3], $0x80, $0x38;
	[tilespmem:$0x1D700] =	vst v63  }
0xf4: {  	[smem:$0x7CA] =	sst s23;
	s22 =	sadd.s32 $0x70, s8  }
0xf5: {  	[tilespmem:s25], [sflag:$0x3] =	stream.linear.gather [hbm4b:s23+s3], $0x80, $0x38;
	[tilespmem:$0x1D700] =	vst v63  }
0xf6: {  	[smem:$0x7CB] =	sst s22;
	s23 =	sadd.s32 $0x80, s8  }
0xf7: {  	[tilespmem:s26], [sflag:$0x3] =	stream.linear.gather [hbm4b:s22+s3], $0x80, $0x38;
	[tilespmem:$0x1D700] =	vst v63  }
0xf8: {  	[smem:$0x7CC] =	sst s23;
	s22 =	sadd.s32 $0x90, s8  }
0xf9: {  	[tilespmem:s28], [sflag:$0x3] =	stream.linear.gather [hbm4b:s23+s3], $0x80, $0x38;
	[tilespmem:$0x1D700] =	vst v63  }
0xfa: {  	[smem:$0x7CD] =	sst s22;
	s23 =	sadd.s32 $0xA0, s8  }
0xfb: {  	[tilespmem:s29], [sflag:$0x3] =	stream.linear.gather [hbm4b:s22+s3], $0x80, $0x38;
	[tilespmem:$0x1D700] =	vst v63  }
0xfc: {  	[smem:$0x7CE] =	sst s23;
	s22 =	sadd.s32 $0xB0, s8  }
0xfd: {  	[tilespmem:s30], [sflag:$0x3] =	stream.linear.gather [hbm4b:s23+s3], $0x80, $0x38;
	[tilespmem:$0x1D700] =	vst v63  }
0xfe: {  	[smem:$0x7CF] =	sst s22;
	s23 =	sadd.s32 $0xC0, s8  }
0xff: {  	[tilespmem:s31], [sflag:$0x3] =	stream.linear.gather [hbm4b:s22+s3], $0x80, $0x38;
	[tilespmem:$0x1D700] =	vst v63  }
0x100: {  	[smem:$0x7D0] =	sst s23;
	s22 =	sadd.s32 $0xD0, s8  }
0x101: {  	[tilespmem:s0], [sflag:$0x3] =	stream.linear.gather [hbm4b:s23+s3], $0x80, $0x38;
	[tilespmem:$0x1D700] =	vst v63  }
0x102: {  	[smem:$0x7D1] =	sst s22;
	s23 =	sadd.s32 $0xE0, s8  }
0x103: {  	[tilespmem:s2], [sflag:$0x3] =	stream.linear.gather [hbm4b:s22+s3], $0x80, $0x38;
	[tilespmem:$0x1D700] =	vst v63  }
0x104: {  	[smem:$0x7D2] =	sst s23;
	s22 =	sadd.s32 $0xF0, s8  }
0x105: {  	[tilespmem:s5], [sflag:$0x3] =	stream.linear.gather [hbm4b:s23+s3], $0x80, $0x38;
	[tilespmem:$0x1D700] =	vst v63  }
0x106: {  	[smem:$0x7D3] =	sst s22  }
0x107: {  	[tilespmem:s4], [sflag:$0x3] =	stream.linear.gather [hbm4b:s22+s3], $0x80, $0x38;
	[tilespmem:$0x1D700] =	vst v63  }
0x108: {  	_ =	swait.ge [sflag:s19], $0x800  }
0x109: {  	[sflag:s19] =	ssyncset.done $0x0  }
0x10a: {  	s23 =	simm.s32 $0x1C740;
	[sflag:s19] =	ssyncadd.s32 $0xFFFFF800  }
0x10b: {  	v0 =	vld [tilespmem:s23+$0x30]  }
0x10c: {  	v1 =	vld [tilespmem:s23+$0xFFFFFFD0]  }
0x10d: {  	v2 =	vld [tilespmem:s23+$0xFFFFFFE0]  }
0x10e: {  	v3 =	vld [tilespmem:s23+$0xFFFFFFF0]  }
0x10f: {  	v4 =	vld [tilespmem:s23+$0x0]  }
0x110: {  	v6 =	vld [tilespmem:s23+$0x10]  }
0x111: {  	v7 =	vld [tilespmem:s23+$0x20]  }
0x112: {  	v8 =	vld [tilespmem:s23+$0xFFFFFFC0]  }
0x113: {  	v9 =	vld.idx.msk [tilespmem:v0+s3+$0x0], $0xffff  }
0x114: {  	v10 =	vld.idx.msk [tilespmem:v1+s3+$0x0], $0xffff  }
0x115: {  	v5 =	vld.idx.msk [tilespmem:v2+s3+$0x0], $0xffff  }
0x116: {  	v3 =	vld.idx.msk [tilespmem:v3+s3+$0x0], $0xffff  }
0x117: {  	v0 =	vld.idx.msk [tilespmem:v4+s3+$0x0], $0xffff  }
0x118: {  	s21 =	simm.s32 $0x19770;
	v1 =	vld.idx.msk [tilespmem:v6+s3+$0x0], $0xffff  }
0x119: {  	v2 =	vld.idx.msk [tilespmem:v7+s3+$0x0], $0xffff;
	[tilespmem:s21+$0x0] =	vst v9  }
0x11a: {  	s22 =	simm.s32 $0x0;
	s23 =	simm.s32 $0x1C840;
	v4 =	vld.idx.msk [tilespmem:v8+s3+$0x0], $0xffff;
	[tilespmem:s21+$0xFFFFFFA0] =	vst v10  }
.LBB2_6:
0x11b: {  	v6 =	vld [tilespmem:s23+$0x30];
	s22 =	sadd.s32 $0x8, s22;
	[tilespmem:s21+$0xFFFFFFB0] =	vst v5  }
0x11c: {  	v5 =	vld [tilespmem:s23+$0xFFFFFFD0];
	p0 =	slt.u32 s22, $0x78;
	[tilespmem:s21+$0xFFFFFFC0] =	vst v3  }
0x11d: {  	v3 =	vld [tilespmem:s23+$0xFFFFFFE0];
	[tilespmem:s21+$0xFFFFFFD0] =	vst v0  }
0x11e: {  	v0 =	vld [tilespmem:s23+$0xFFFFFFF0];
	[tilespmem:s21+$0xFFFFFFE0] =	vst v1  }
0x11f: {  	v1 =	vld [tilespmem:s23+$0x0];
	[tilespmem:s21+$0xFFFFFFF0] =	vst v2  }
0x120: {  	v2 =	vld [tilespmem:s23+$0x10];
	[tilespmem:s21+$0xFFFFFF90] =	vst v4  }
0x121: {  	v4 =	vld [tilespmem:s23+$0x20]  }
0x122: {  	v7 =	vld [tilespmem:s23+$0xFFFFFFC0]  }
0x123: {  	v6 =	vld.idx.msk [tilespmem:v6+s3+$0x0], $0xffff  }
0x124: {  	v8 =	vld.idx.msk [tilespmem:v5+s3+$0x0], $0xffff  }
0x125: {  	v5 =	vld.idx.msk [tilespmem:v3+s3+$0x0], $0xffff  }
.Ltmp2:
0x126: {  	v3 =	vld.idx.msk [tilespmem:v0+s3+$0x0], $0xffff;
	(pc) =	sbr.rel @p0 .LBB2_6-.Ltmp2, $4  }
0x127: {  	v0 =	vld.idx.msk [tilespmem:v1+s3+$0x0], $0xffff  }
0x128: {  	s21 =	sadd.s32 $0x80, s21;
	v1 =	vld.idx.msk [tilespmem:v2+s3+$0x0], $0xffff  }
0x129: {  	v2 =	vld.idx.msk [tilespmem:v4+s3+$0x0], $0xffff;
	[tilespmem:s21+$0x0] =	vst v6  }
0x12a: {  	s23 =	sadd.s32 $0x100, s23;
	v4 =	vld.idx.msk [tilespmem:v7+s3+$0x0], $0xffff;
	[tilespmem:s21+$0xFFFFFFA0] =	vst v8  }
0x12b: {  	[tilespmem:s21+$0xFFFFFFB0] =	vst v5  }
0x12c: {  	[tilespmem:s21+$0xFFFFFFC0] =	vst v3  }
0x12d: {  	[tilespmem:s21+$0xFFFFFFD0] =	vst v0  }
0x12e: {  	[tilespmem:s21+$0xFFFFFFE0] =	vst v1  }
0x12f: {  	[tilespmem:s21+$0xFFFFFFF0] =	vst v2  }
0x130: {  	s22 =	simm.s32 $0x1C700;
	[tilespmem:s21+$0xFFFFFF90] =	vst v4  }
0x131: {  	[tilespmem:s22], [sflag:$0x2] =	stream.linear.gather [hbm4b:s9+s3], $0x80, $0x38;
	[tilespmem:$0x1D700] =	vst v63  }
0x132: {  	s23 =	simm.s32 $0x1C800;
	s21 =	sadd.s32 $0x20, s9;
	s22 =	sadd.s32 $0x10, s9  }
0x133: {  	[tilespmem:s23], [sflag:$0x2] =	stream.linear.gather [hbm4b:s22+s3], $0x80, $0x38;
	[tilespmem:$0x1D700] =	vst v63  }
0x134: {  	[smem:$0x7B7] =	sst s21;
	s23 =	simm.s32 $0x1C900  }
0x135: {  	[tilespmem:s23], [sflag:$0x2] =	stream.linear.gather [hbm4b:s21+s3], $0x80, $0x38;
	[tilespmem:$0x1D700] =	vst v63  }
0x136: {  	[smem:$0x7B6] =	sst s22;
	s21 =	sadd.s32 $0x30, s9;
	s23 =	simm.s32 $0x1CA00  }
0x137: {  	[tilespmem:s23], [sflag:$0x2] =	stream.linear.gather [hbm4b:s21+s3], $0x80, $0x38;
	[tilespmem:$0x1D700] =	vst v63  }
0x138: {  	[smem:$0x7B8] =	sst s21;
	s21 =	sadd.s32 $0x40, s9;
	s23 =	simm.s32 $0x1CB00  }
0x139: {  	[tilespmem:s23], [sflag:$0x2] =	stream.linear.gather [hbm4b:s21+s3], $0x80, $0x38;
	[tilespmem:$0x1D700] =	vst v63  }
0x13a: {  	[smem:$0x7B9] =	sst s21;
	s21 =	sadd.s32 $0x50, s9;
	s23 =	simm.s32 $0x1CC00  }
0x13b: {  	[tilespmem:s23], [sflag:$0x2] =	stream.linear.gather [hbm4b:s21+s3], $0x80, $0x38;
	[tilespmem:$0x1D700] =	vst v63  }
0x13c: {  	[smem:$0x7BA] =	sst s21;
	s21 =	sadd.s32 $0x60, s9;
	s23 =	simm.s32 $0x1CD00  }
0x13d: {  	[tilespmem:s23], [sflag:$0x2] =	stream.linear.gather [hbm4b:s21+s3], $0x80, $0x38;
	[tilespmem:$0x1D700] =	vst v63  }
0x13e: {  	[smem:$0x7BB] =	sst s21;
	s21 =	sadd.s32 $0x70, s9;
	s23 =	simm.s32 $0x1CE00  }
0x13f: {  	[tilespmem:s23], [sflag:$0x2] =	stream.linear.gather [hbm4b:s21+s3], $0x80, $0x38;
	[tilespmem:$0x1D700] =	vst v63  }
0x140: {  	[smem:$0x7BC] =	sst s21;
	s21 =	sadd.s32 $0x80, s9;
	s23 =	simm.s32 $0x1CF00  }
0x141: {  	[tilespmem:s23], [sflag:$0x2] =	stream.linear.gather [hbm4b:s21+s3], $0x80, $0x38;
	[tilespmem:$0x1D700] =	vst v63  }
0x142: {  	[smem:$0x7BD] =	sst s21;
	s21 =	sadd.s32 $0x90, s9;
	s23 =	simm.s32 $0x1D000  }
0x143: {  	[tilespmem:s23], [sflag:$0x2] =	stream.linear.gather [hbm4b:s21+s3], $0x80, $0x38;
	[tilespmem:$0x1D700] =	vst v63  }
0x144: {  	[smem:$0x7BE] =	sst s21;
	s21 =	sadd.s32 $0xA0, s9;
	s23 =	simm.s32 $0x1D100  }
0x145: {  	[tilespmem:s23], [sflag:$0x2] =	stream.linear.gather [hbm4b:s21+s3], $0x80, $0x38;
	[tilespmem:$0x1D700] =	vst v63  }
0x146: {  	[smem:$0x7BF] =	sst s21;
	s21 =	sadd.s32 $0xB0, s9;
	s23 =	simm.s32 $0x1D200  }
0x147: {  	[tilespmem:s23], [sflag:$0x2] =	stream.linear.gather [hbm4b:s21+s3], $0x80, $0x38;
	[tilespmem:$0x1D700] =	vst v63  }
0x148: {  	[smem:$0x7C0] =	sst s21;
	s21 =	sadd.s32 $0xC0, s9;
	s23 =	simm.s32 $0x1D300  }
0x149: {  	[tilespmem:s23], [sflag:$0x2] =	stream.linear.gather [hbm4b:s21+s3], $0x80, $0x38;
	[tilespmem:$0x1D700] =	vst v63  }
0x14a: {  	[smem:$0x7C1] =	sst s21;
	s21 =	sadd.s32 $0xD0, s9;
	s23 =	simm.s32 $0x1D400  }
0x14b: {  	[tilespmem:s23], [sflag:$0x2] =	stream.linear.gather [hbm4b:s21+s3], $0x80, $0x38;
	[tilespmem:$0x1D700] =	vst v63  }
0x14c: {  	[smem:$0x7C2] =	sst s21;
	s21 =	sadd.s32 $0xE0, s9;
	s23 =	simm.s32 $0x1D500  }
0x14d: {  	[tilespmem:s23], [sflag:$0x2] =	stream.linear.gather [hbm4b:s21+s3], $0x80, $0x38;
	[tilespmem:$0x1D700] =	vst v63  }
0x14e: {  	[smem:$0x7C3] =	sst s21;
	s21 =	sadd.s32 $0xF0, s9  }
0x14f: {  	s23 =	simm.s32 $0x1D600;
	[smem:$0x7C4] =	sst s21  }
0x150: {  	[tilespmem:s23], [sflag:$0x2] =	stream.linear.gather [hbm4b:s21+s3], $0x80, $0x38;
	[tilespmem:$0x1D700] =	vst v63  }
0x151: {  	_ =	swait.ge [sflag:s20], $0x800  }
0x152: {  	[sflag:s20] =	ssyncset.done $0x0  }
0x153: {  	s23 =	simm.s32 $0x1C7F0;
	[sflag:s20] =	ssyncadd.s32 $0xFFFFF800  }
0x154: {  	v0 =	vld [tilespmem:s23+$0x0]  }
0x155: {  	v1 =	vld [tilespmem:s23+$0xFFFFFFA0]  }
0x156: {  	v2 =	vld [tilespmem:s23+$0xFFFFFFB0]  }
0x157: {  	v3 =	vld [tilespmem:s23+$0xFFFFFFC0]  }
0x158: {  	v4 =	vld [tilespmem:s23+$0xFFFFFFD0]  }
0x159: {  	v6 =	vld [tilespmem:s23+$0xFFFFFFE0]  }
0x15a: {  	v7 =	vld [tilespmem:s23+$0xFFFFFFF0]  }
0x15b: {  	v8 =	vld [tilespmem:s23+$0xFFFFFF90]  }
0x15c: {  	v9 =	vld.idx.msk [tilespmem:v0+s3+$0x0], $0xffff  }
0x15d: {  	v10 =	vld.idx.msk [tilespmem:v1+s3+$0x0], $0xffff  }
0x15e: {  	v5 =	vld.idx.msk [tilespmem:v2+s3+$0x0], $0xffff  }
0x15f: {  	v3 =	vld.idx.msk [tilespmem:v3+s3+$0x0], $0xffff  }
0x160: {  	v0 =	vld.idx.msk [tilespmem:v4+s3+$0x0], $0xffff  }
0x161: {  	s21 =	simm.s32 $0x19F70;
	v1 =	vld.idx.msk [tilespmem:v6+s3+$0x0], $0xffff  }
0x162: {  	v2 =	vld.idx.msk [tilespmem:v7+s3+$0x0], $0xffff;
	[tilespmem:s21+$0x0] =	vst v9  }
0x163: {  	s22 =	simm.s32 $0x0;
	s23 =	simm.s32 $0x1C8F0;
	v4 =	vld.idx.msk [tilespmem:v8+s3+$0x0], $0xffff;
	[tilespmem:s21+$0xFFFFFFA0] =	vst v10  }
.LBB2_8:
0x164: {  	v6 =	vld [tilespmem:s23+$0x0];
	s22 =	sadd.s32 $0x8, s22;
	[tilespmem:s21+$0xFFFFFFB0] =	vst v5  }
0x165: {  	v5 =	vld [tilespmem:s23+$0xFFFFFFA0];
	p0 =	slt.u32 s22, $0x78;
	[tilespmem:s21+$0xFFFFFFC0] =	vst v3  }
0x166: {  	v3 =	vld [tilespmem:s23+$0xFFFFFFB0];
	[tilespmem:s21+$0xFFFFFFD0] =	vst v0  }
0x167: {  	v0 =	vld [tilespmem:s23+$0xFFFFFFC0];
	[tilespmem:s21+$0xFFFFFFE0] =	vst v1  }
0x168: {  	v1 =	vld [tilespmem:s23+$0xFFFFFFD0];
	[tilespmem:s21+$0xFFFFFFF0] =	vst v2  }
0x169: {  	v2 =	vld [tilespmem:s23+$0xFFFFFFE0];
	[tilespmem:s21+$0xFFFFFF90] =	vst v4  }
0x16a: {  	v4 =	vld [tilespmem:s23+$0xFFFFFFF0]  }
0x16b: {  	v7 =	vld [tilespmem:s23+$0xFFFFFF90]  }
0x16c: {  	v6 =	vld.idx.msk [tilespmem:v6+s3+$0x0], $0xffff  }
0x16d: {  	v8 =	vld.idx.msk [tilespmem:v5+s3+$0x0], $0xffff  }
0x16e: {  	v5 =	vld.idx.msk [tilespmem:v3+s3+$0x0], $0xffff  }
.Ltmp3:
0x16f: {  	v3 =	vld.idx.msk [tilespmem:v0+s3+$0x0], $0xffff;
	(pc) =	sbr.rel @p0 .LBB2_8-.Ltmp3, $4  }
0x170: {  	v0 =	vld.idx.msk [tilespmem:v1+s3+$0x0], $0xffff  }
0x171: {  	s21 =	sadd.s32 $0x80, s21;
	v1 =	vld.idx.msk [tilespmem:v2+s3+$0x0], $0xffff  }
0x172: {  	v2 =	vld.idx.msk [tilespmem:v4+s3+$0x0], $0xffff;
	[tilespmem:s21+$0x0] =	vst v6  }
0x173: {  	s23 =	sadd.s32 $0x100, s23;
	v4 =	vld.idx.msk [tilespmem:v7+s3+$0x0], $0xffff;
	[tilespmem:s21+$0xFFFFFFA0] =	vst v8  }
0x174: {  	[tilespmem:s21+$0xFFFFFFB0] =	vst v5  }
0x175: {  	[tilespmem:s21+$0xFFFFFFC0] =	vst v3  }
0x176: {  	[tilespmem:s21+$0xFFFFFFD0] =	vst v0  }
0x177: {  	[tilespmem:s21+$0xFFFFFFE0] =	vst v1  }
0x178: {  	[tilespmem:s21+$0xFFFFFFF0] =	vst v2  }
0x179: {  	s22 =	simm.s32 $0x1C780;
	[tilespmem:s21+$0xFFFFFF90] =	vst v4;
	s21 =	sadd.s32 $0x20, s10  }
0x17a: {  	[tilespmem:s22], [sflag:$0x3] =	stream.linear.gather [hbm4b:s10+s3], $0x80, $0x38;
	[tilespmem:$0x1D700] =	vst v63  }
0x17b: {  	s23 =	simm.s32 $0x1C880;
	s22 =	sadd.s32 $0x10, s10;
	[smem:$0x7A8] =	sst s21  }
0x17c: {  	[tilespmem:s23], [sflag:$0x3] =	stream.linear.gather [hbm4b:s22+s3], $0x80, $0x38;
	[tilespmem:$0x1D700] =	vst v63  }
0x17d: {  	[smem:$0x7A7] =	sst s22;
	s23 =	simm.s32 $0x1C980;
	s22 =	sadd.s32 $0x50, s10  }
0x17e: {  	[tilespmem:s23], [sflag:$0x3] =	stream.linear.gather [hbm4b:s21+s3], $0x80, $0x38;
	[tilespmem:$0x1D700] =	vst v63  }
0x17f: {  	[smem:$0x7AB] =	sst s22;
	s21 =	sadd.s32 $0x30, s10;
	s23 =	simm.s32 $0x1CA80  }
0x180: {  	[tilespmem:s23], [sflag:$0x3] =	stream.linear.gather [hbm4b:s21+s3], $0x80, $0x38;
	[tilespmem:$0x1D700] =	vst v63  }
0x181: {  	[smem:$0x7A9] =	sst s21;
	s21 =	sadd.s32 $0x40, s10;
	s23 =	simm.s32 $0x1CB80  }
0x182: {  	[tilespmem:s23], [sflag:$0x3] =	stream.linear.gather [hbm4b:s21+s3], $0x80, $0x38;
	[tilespmem:$0x1D700] =	vst v63  }
0x183: {  	[smem:$0x7AA] =	sst s21;
	s23 =	sadd.s32 $0x60, s10  }
0x184: {  	[tilespmem:s24], [sflag:$0x3] =	stream.linear.gather [hbm4b:s22+s3], $0x80, $0x38;
	[tilespmem:$0x1D700] =	vst v63  }
0x185: {  	[smem:$0x7AC] =	sst s23;
	s22 =	sadd.s32 $0x70, s10  }
0x186: {  	[tilespmem:s25], [sflag:$0x3] =	stream.linear.gather [hbm4b:s23+s3], $0x80, $0x38;
	[tilespmem:$0x1D700] =	vst v63  }
0x187: {  	[smem:$0x7AD] =	sst s22;
	s23 =	sadd.s32 $0x80, s10  }
0x188: {  	[tilespmem:s26], [sflag:$0x3] =	stream.linear.gather [hbm4b:s22+s3], $0x80, $0x38;
	[tilespmem:$0x1D700] =	vst v63  }
0x189: {  	[smem:$0x7AE] =	sst s23;
	s22 =	sadd.s32 $0x90, s10  }
0x18a: {  	[tilespmem:s28], [sflag:$0x3] =	stream.linear.gather [hbm4b:s23+s3], $0x80, $0x38;
	[tilespmem:$0x1D700] =	vst v63  }
0x18b: {  	[smem:$0x7AF] =	sst s22;
	s23 =	sadd.s32 $0xA0, s10  }
0x18c: {  	[tilespmem:s29], [sflag:$0x3] =	stream.linear.gather [hbm4b:s22+s3], $0x80, $0x38;
	[tilespmem:$0x1D700] =	vst v63  }
0x18d: {  	[smem:$0x7B0] =	sst s23;
	s22 =	sadd.s32 $0xB0, s10  }
0x18e: {  	[tilespmem:s30], [sflag:$0x3] =	stream.linear.gather [hbm4b:s23+s3], $0x80, $0x38;
	[tilespmem:$0x1D700] =	vst v63  }
0x18f: {  	[smem:$0x7B1] =	sst s22;
	s23 =	sadd.s32 $0xC0, s10  }
0x190: {  	[tilespmem:s31], [sflag:$0x3] =	stream.linear.gather [hbm4b:s22+s3], $0x80, $0x38;
	[tilespmem:$0x1D700] =	vst v63  }
0x191: {  	[smem:$0x7B2] =	sst s23;
	s22 =	sadd.s32 $0xD0, s10  }
0x192: {  	[tilespmem:s0], [sflag:$0x3] =	stream.linear.gather [hbm4b:s23+s3], $0x80, $0x38;
	[tilespmem:$0x1D700] =	vst v63  }
0x193: {  	[smem:$0x7B3] =	sst s22;
	s23 =	sadd.s32 $0xE0, s10  }
0x194: {  	[tilespmem:s2], [sflag:$0x3] =	stream.linear.gather [hbm4b:s22+s3], $0x80, $0x38;
	[tilespmem:$0x1D700] =	vst v63  }
0x195: {  	[smem:$0x7B4] =	sst s23;
	s22 =	sadd.s32 $0xF0, s10  }
0x196: {  	[tilespmem:s5], [sflag:$0x3] =	stream.linear.gather [hbm4b:s23+s3], $0x80, $0x38;
	[tilespmem:$0x1D700] =	vst v63  }
0x197: {  	[smem:$0x7B5] =	sst s22  }
0x198: {  	[tilespmem:s4], [sflag:$0x3] =	stream.linear.gather [hbm4b:s22+s3], $0x80, $0x38;
	[tilespmem:$0x1D700] =	vst v63  }
0x199: {  	_ =	swait.ge [sflag:s19], $0x800  }
0x19a: {  	[sflag:s19] =	ssyncset.done $0x0  }
0x19b: {  	s23 =	simm.s32 $0x1C740;
	[sflag:s19] =	ssyncadd.s32 $0xFFFFF800  }
0x19c: {  	v0 =	vld [tilespmem:s23+$0x30]  }
0x19d: {  	v1 =	vld [tilespmem:s23+$0xFFFFFFD0]  }
0x19e: {  	v2 =	vld [tilespmem:s23+$0xFFFFFFE0]  }
0x19f: {  	v3 =	vld [tilespmem:s23+$0xFFFFFFF0]  }
0x1a0: {  	v4 =	vld [tilespmem:s23+$0x0]  }
0x1a1: {  	v6 =	vld [tilespmem:s23+$0x10]  }
0x1a2: {  	v7 =	vld [tilespmem:s23+$0x20]  }
0x1a3: {  	v8 =	vld [tilespmem:s23+$0xFFFFFFC0]  }
0x1a4: {  	v9 =	vld.idx.msk [tilespmem:v0+s3+$0x0], $0xffff  }
0x1a5: {  	v10 =	vld.idx.msk [tilespmem:v1+s3+$0x0], $0xffff  }
0x1a6: {  	v5 =	vld.idx.msk [tilespmem:v2+s3+$0x0], $0xffff  }
0x1a7: {  	v3 =	vld.idx.msk [tilespmem:v3+s3+$0x0], $0xffff  }
0x1a8: {  	v0 =	vld.idx.msk [tilespmem:v4+s3+$0x0], $0xffff  }
0x1a9: {  	s21 =	simm.s32 $0x1A770;
	v1 =	vld.idx.msk [tilespmem:v6+s3+$0x0], $0xffff  }
0x1aa: {  	v2 =	vld.idx.msk [tilespmem:v7+s3+$0x0], $0xffff;
	[tilespmem:s21+$0x0] =	vst v9  }
0x1ab: {  	s22 =	simm.s32 $0x0;
	s23 =	simm.s32 $0x1C840;
	v4 =	vld.idx.msk [tilespmem:v8+s3+$0x0], $0xffff;
	[tilespmem:s21+$0xFFFFFFA0] =	vst v10  }
.LBB2_10:
0x1ac: {  	v6 =	vld [tilespmem:s23+$0x30];
	s22 =	sadd.s32 $0x8, s22;
	[tilespmem:s21+$0xFFFFFFB0] =	vst v5  }
0x1ad: {  	v5 =	vld [tilespmem:s23+$0xFFFFFFD0];
	p0 =	slt.u32 s22, $0x78;
	[tilespmem:s21+$0xFFFFFFC0] =	vst v3  }
0x1ae: {  	v3 =	vld [tilespmem:s23+$0xFFFFFFE0];
	[tilespmem:s21+$0xFFFFFFD0] =	vst v0  }
0x1af: {  	v0 =	vld [tilespmem:s23+$0xFFFFFFF0];
	[tilespmem:s21+$0xFFFFFFE0] =	vst v1  }
0x1b0: {  	v1 =	vld [tilespmem:s23+$0x0];
	[tilespmem:s21+$0xFFFFFFF0] =	vst v2  }
0x1b1: {  	v2 =	vld [tilespmem:s23+$0x10];
	[tilespmem:s21+$0xFFFFFF90] =	vst v4  }
0x1b2: {  	v4 =	vld [tilespmem:s23+$0x20]  }
0x1b3: {  	v7 =	vld [tilespmem:s23+$0xFFFFFFC0]  }
0x1b4: {  	v6 =	vld.idx.msk [tilespmem:v6+s3+$0x0], $0xffff  }
0x1b5: {  	v8 =	vld.idx.msk [tilespmem:v5+s3+$0x0], $0xffff  }
0x1b6: {  	v5 =	vld.idx.msk [tilespmem:v3+s3+$0x0], $0xffff  }
.Ltmp4:
0x1b7: {  	v3 =	vld.idx.msk [tilespmem:v0+s3+$0x0], $0xffff;
	(pc) =	sbr.rel @p0 .LBB2_10-.Ltmp4, $4  }
0x1b8: {  	v0 =	vld.idx.msk [tilespmem:v1+s3+$0x0], $0xffff  }
0x1b9: {  	s21 =	sadd.s32 $0x80, s21;
	v1 =	vld.idx.msk [tilespmem:v2+s3+$0x0], $0xffff  }
0x1ba: {  	v2 =	vld.idx.msk [tilespmem:v4+s3+$0x0], $0xffff;
	[tilespmem:s21+$0x0] =	vst v6  }
0x1bb: {  	s23 =	sadd.s32 $0x100, s23;
	v4 =	vld.idx.msk [tilespmem:v7+s3+$0x0], $0xffff;
	[tilespmem:s21+$0xFFFFFFA0] =	vst v8  }
0x1bc: {  	[tilespmem:s21+$0xFFFFFFB0] =	vst v5  }
0x1bd: {  	[tilespmem:s21+$0xFFFFFFC0] =	vst v3  }
0x1be: {  	[tilespmem:s21+$0xFFFFFFD0] =	vst v0  }
0x1bf: {  	[tilespmem:s21+$0xFFFFFFE0] =	vst v1  }
0x1c0: {  	[tilespmem:s21+$0xFFFFFFF0] =	vst v2  }
0x1c1: {  	s22 =	simm.s32 $0x1C700;
	[tilespmem:s21+$0xFFFFFF90] =	vst v4  }
0x1c2: {  	[tilespmem:s22], [sflag:$0x2] =	stream.linear.gather [hbm4b:s11+s3], $0x80, $0x38;
	[tilespmem:$0x1D700] =	vst v63  }
0x1c3: {  	s23 =	simm.s32 $0x1C800;
	s21 =	sadd.s32 $0x20, s11;
	s22 =	sadd.s32 $0x10, s11  }
0x1c4: {  	[tilespmem:s23], [sflag:$0x2] =	stream.linear.gather [hbm4b:s22+s3], $0x80, $0x38;
	[tilespmem:$0x1D700] =	vst v63  }
0x1c5: {  	[smem:$0x799] =	sst s21;
	s23 =	simm.s32 $0x1C900  }
0x1c6: {  	[tilespmem:s23], [sflag:$0x2] =	stream.linear.gather [hbm4b:s21+s3], $0x80, $0x38;
	[tilespmem:$0x1D700] =	vst v63  }
0x1c7: {  	[smem:$0x798] =	sst s22;
	s21 =	sadd.s32 $0x30, s11;
	s23 =	simm.s32 $0x1CA00  }
0x1c8: {  	[tilespmem:s23], [sflag:$0x2] =	stream.linear.gather [hbm4b:s21+s3], $0x80, $0x38;
	[tilespmem:$0x1D700] =	vst v63  }
0x1c9: {  	[smem:$0x79A] =	sst s21;
	s21 =	sadd.s32 $0x40, s11;
	s23 =	simm.s32 $0x1CB00  }
0x1ca: {  	[tilespmem:s23], [sflag:$0x2] =	stream.linear.gather [hbm4b:s21+s3], $0x80, $0x38;
	[tilespmem:$0x1D700] =	vst v63  }
0x1cb: {  	[smem:$0x79B] =	sst s21;
	s21 =	sadd.s32 $0x50, s11;
	s23 =	simm.s32 $0x1CC00  }
0x1cc: {  	[tilespmem:s23], [sflag:$0x2] =	stream.linear.gather [hbm4b:s21+s3], $0x80, $0x38;
	[tilespmem:$0x1D700] =	vst v63  }
0x1cd: {  	[smem:$0x79C] =	sst s21;
	s21 =	sadd.s32 $0x60, s11;
	s23 =	simm.s32 $0x1CD00  }
0x1ce: {  	[tilespmem:s23], [sflag:$0x2] =	stream.linear.gather [hbm4b:s21+s3], $0x80, $0x38;
	[tilespmem:$0x1D700] =	vst v63  }
0x1cf: {  	[smem:$0x79D] =	sst s21;
	s21 =	sadd.s32 $0x70, s11;
	s23 =	simm.s32 $0x1CE00  }
0x1d0: {  	[tilespmem:s23], [sflag:$0x2] =	stream.linear.gather [hbm4b:s21+s3], $0x80, $0x38;
	[tilespmem:$0x1D700] =	vst v63  }
0x1d1: {  	[smem:$0x79E] =	sst s21;
	s21 =	sadd.s32 $0x80, s11;
	s23 =	simm.s32 $0x1CF00  }
0x1d2: {  	[tilespmem:s23], [sflag:$0x2] =	stream.linear.gather [hbm4b:s21+s3], $0x80, $0x38;
	[tilespmem:$0x1D700] =	vst v63  }
0x1d3: {  	[smem:$0x79F] =	sst s21;
	s21 =	sadd.s32 $0x90, s11;
	s23 =	simm.s32 $0x1D000  }
0x1d4: {  	[tilespmem:s23], [sflag:$0x2] =	stream.linear.gather [hbm4b:s21+s3], $0x80, $0x38;
	[tilespmem:$0x1D700] =	vst v63  }
0x1d5: {  	[smem:$0x7A0] =	sst s21;
	s21 =	sadd.s32 $0xA0, s11;
	s23 =	simm.s32 $0x1D100  }
0x1d6: {  	[tilespmem:s23], [sflag:$0x2] =	stream.linear.gather [hbm4b:s21+s3], $0x80, $0x38;
	[tilespmem:$0x1D700] =	vst v63  }
0x1d7: {  	[smem:$0x7A1] =	sst s21;
	s21 =	sadd.s32 $0xB0, s11;
	s23 =	simm.s32 $0x1D200  }
0x1d8: {  	[tilespmem:s23], [sflag:$0x2] =	stream.linear.gather [hbm4b:s21+s3], $0x80, $0x38;
	[tilespmem:$0x1D700] =	vst v63  }
0x1d9: {  	[smem:$0x7A2] =	sst s21;
	s21 =	sadd.s32 $0xC0, s11;
	s23 =	simm.s32 $0x1D300  }
0x1da: {  	[tilespmem:s23], [sflag:$0x2] =	stream.linear.gather [hbm4b:s21+s3], $0x80, $0x38;
	[tilespmem:$0x1D700] =	vst v63  }
0x1db: {  	[smem:$0x7A3] =	sst s21;
	s21 =	sadd.s32 $0xD0, s11;
	s23 =	simm.s32 $0x1D400  }
0x1dc: {  	[tilespmem:s23], [sflag:$0x2] =	stream.linear.gather [hbm4b:s21+s3], $0x80, $0x38;
	[tilespmem:$0x1D700] =	vst v63  }
0x1dd: {  	[smem:$0x7A4] =	sst s21;
	s21 =	sadd.s32 $0xE0, s11;
	s23 =	simm.s32 $0x1D500  }
0x1de: {  	[tilespmem:s23], [sflag:$0x2] =	stream.linear.gather [hbm4b:s21+s3], $0x80, $0x38;
	[tilespmem:$0x1D700] =	vst v63  }
0x1df: {  	[smem:$0x7A5] =	sst s21;
	s21 =	sadd.s32 $0xF0, s11  }
0x1e0: {  	s23 =	simm.s32 $0x1D600;
	[smem:$0x7A6] =	sst s21  }
0x1e1: {  	[tilespmem:s23], [sflag:$0x2] =	stream.linear.gather [hbm4b:s21+s3], $0x80, $0x38;
	[tilespmem:$0x1D700] =	vst v63  }
0x1e2: {  	_ =	swait.ge [sflag:s20], $0x800  }
0x1e3: {  	[sflag:s20] =	ssyncset.done $0x0  }
0x1e4: {  	s23 =	simm.s32 $0x1C7F0;
	[sflag:s20] =	ssyncadd.s32 $0xFFFFF800  }
0x1e5: {  	v0 =	vld [tilespmem:s23+$0x0]  }
0x1e6: {  	v1 =	vld [tilespmem:s23+$0xFFFFFFA0]  }
0x1e7: {  	v2 =	vld [tilespmem:s23+$0xFFFFFFB0]  }
0x1e8: {  	v3 =	vld [tilespmem:s23+$0xFFFFFFC0]  }
0x1e9: {  	v4 =	vld [tilespmem:s23+$0xFFFFFFD0]  }
0x1ea: {  	v6 =	vld [tilespmem:s23+$0xFFFFFFE0]  }
0x1eb: {  	v7 =	vld [tilespmem:s23+$0xFFFFFFF0]  }
0x1ec: {  	v8 =	vld [tilespmem:s23+$0xFFFFFF90]  }
0x1ed: {  	v9 =	vld.idx.msk [tilespmem:v0+s3+$0x0], $0xffff  }
0x1ee: {  	v10 =	vld.idx.msk [tilespmem:v1+s3+$0x0], $0xffff  }
0x1ef: {  	v5 =	vld.idx.msk [tilespmem:v2+s3+$0x0], $0xffff  }
0x1f0: {  	v3 =	vld.idx.msk [tilespmem:v3+s3+$0x0], $0xffff  }
0x1f1: {  	v0 =	vld.idx.msk [tilespmem:v4+s3+$0x0], $0xffff  }
0x1f2: {  	s21 =	simm.s32 $0x1AF70;
	v1 =	vld.idx.msk [tilespmem:v6+s3+$0x0], $0xffff  }
0x1f3: {  	v2 =	vld.idx.msk [tilespmem:v7+s3+$0x0], $0xffff;
	[tilespmem:s21+$0x0] =	vst v9  }
0x1f4: {  	s22 =	simm.s32 $0x0;
	s23 =	simm.s32 $0x1C8F0;
	v4 =	vld.idx.msk [tilespmem:v8+s3+$0x0], $0xffff;
	[tilespmem:s21+$0xFFFFFFA0] =	vst v10  }
.LBB2_12:
0x1f5: {  	v6 =	vld [tilespmem:s23+$0x0];
	s22 =	sadd.s32 $0x8, s22;
	[tilespmem:s21+$0xFFFFFFB0] =	vst v5  }
0x1f6: {  	v5 =	vld [tilespmem:s23+$0xFFFFFFA0];
	p0 =	slt.u32 s22, $0x78;
	[tilespmem:s21+$0xFFFFFFC0] =	vst v3  }
0x1f7: {  	v3 =	vld [tilespmem:s23+$0xFFFFFFB0];
	[tilespmem:s21+$0xFFFFFFD0] =	vst v0  }
0x1f8: {  	v0 =	vld [tilespmem:s23+$0xFFFFFFC0];
	[tilespmem:s21+$0xFFFFFFE0] =	vst v1  }
0x1f9: {  	v1 =	vld [tilespmem:s23+$0xFFFFFFD0];
	[tilespmem:s21+$0xFFFFFFF0] =	vst v2  }
0x1fa: {  	v2 =	vld [tilespmem:s23+$0xFFFFFFE0];
	[tilespmem:s21+$0xFFFFFF90] =	vst v4  }
0x1fb: {  	v4 =	vld [tilespmem:s23+$0xFFFFFFF0]  }
0x1fc: {  	v7 =	vld [tilespmem:s23+$0xFFFFFF90]  }
0x1fd: {  	v6 =	vld.idx.msk [tilespmem:v6+s3+$0x0], $0xffff  }
0x1fe: {  	v8 =	vld.idx.msk [tilespmem:v5+s3+$0x0], $0xffff  }
0x1ff: {  	v5 =	vld.idx.msk [tilespmem:v3+s3+$0x0], $0xffff  }
.Ltmp5:
0x200: {  	v3 =	vld.idx.msk [tilespmem:v0+s3+$0x0], $0xffff;
	(pc) =	sbr.rel @p0 .LBB2_12-.Ltmp5, $4  }
0x201: {  	v0 =	vld.idx.msk [tilespmem:v1+s3+$0x0], $0xffff  }
0x202: {  	s21 =	sadd.s32 $0x80, s21;
	v1 =	vld.idx.msk [tilespmem:v2+s3+$0x0], $0xffff  }
0x203: {  	v2 =	vld.idx.msk [tilespmem:v4+s3+$0x0], $0xffff;
	[tilespmem:s21+$0x0] =	vst v6  }
0x204: {  	s23 =	sadd.s32 $0x100, s23;
	v4 =	vld.idx.msk [tilespmem:v7+s3+$0x0], $0xffff;
	[tilespmem:s21+$0xFFFFFFA0] =	vst v8  }
0x205: {  	[tilespmem:s21+$0xFFFFFFB0] =	vst v5  }
0x206: {  	[tilespmem:s21+$0xFFFFFFC0] =	vst v3  }
0x207: {  	[tilespmem:s21+$0xFFFFFFD0] =	vst v0  }
0x208: {  	[tilespmem:s21+$0xFFFFFFE0] =	vst v1  }
0x209: {  	[tilespmem:s21+$0xFFFFFFF0] =	vst v2  }
0x20a: {  	s22 =	simm.s32 $0x1C780;
	[tilespmem:s21+$0xFFFFFF90] =	vst v4;
	s21 =	sadd.s32 $0x20, s12  }
0x20b: {  	[tilespmem:s22], [sflag:$0x3] =	stream.linear.gather [hbm4b:s12+s3], $0x80, $0x38;
	[tilespmem:$0x1D700] =	vst v63  }
0x20c: {  	s23 =	simm.s32 $0x1C880;
	s22 =	sadd.s32 $0x10, s12;
	[smem:$0x78A] =	sst s21  }
0x20d: {  	[tilespmem:s23], [sflag:$0x3] =	stream.linear.gather [hbm4b:s22+s3], $0x80, $0x38;
	[tilespmem:$0x1D700] =	vst v63  }
0x20e: {  	[smem:$0x789] =	sst s22;
	s23 =	simm.s32 $0x1C980;
	s22 =	sadd.s32 $0x50, s12  }
0x20f: {  	[tilespmem:s23], [sflag:$0x3] =	stream.linear.gather [hbm4b:s21+s3], $0x80, $0x38;
	[tilespmem:$0x1D700] =	vst v63  }
0x210: {  	[smem:$0x78D] =	sst s22;
	s21 =	sadd.s32 $0x30, s12;
	s23 =	simm.s32 $0x1CA80  }
0x211: {  	[tilespmem:s23], [sflag:$0x3] =	stream.linear.gather [hbm4b:s21+s3], $0x80, $0x38;
	[tilespmem:$0x1D700] =	vst v63  }
0x212: {  	[smem:$0x78B] =	sst s21;
	s21 =	sadd.s32 $0x40, s12;
	s23 =	simm.s32 $0x1CB80  }
0x213: {  	[tilespmem:s23], [sflag:$0x3] =	stream.linear.gather [hbm4b:s21+s3], $0x80, $0x38;
	[tilespmem:$0x1D700] =	vst v63  }
0x214: {  	[smem:$0x78C] =	sst s21;
	s23 =	sadd.s32 $0x60, s12  }
0x215: {  	[tilespmem:s24], [sflag:$0x3] =	stream.linear.gather [hbm4b:s22+s3], $0x80, $0x38;
	[tilespmem:$0x1D700] =	vst v63  }
0x216: {  	[smem:$0x78E] =	sst s23;
	s22 =	sadd.s32 $0x70, s12  }
0x217: {  	[tilespmem:s25], [sflag:$0x3] =	stream.linear.gather [hbm4b:s23+s3], $0x80, $0x38;
	[tilespmem:$0x1D700] =	vst v63  }
0x218: {  	[smem:$0x78F] =	sst s22;
	s23 =	sadd.s32 $0x80, s12  }
0x219: {  	[tilespmem:s26], [sflag:$0x3] =	stream.linear.gather [hbm4b:s22+s3], $0x80, $0x38;
	[tilespmem:$0x1D700] =	vst v63  }
0x21a: {  	[smem:$0x790] =	sst s23;
	s22 =	sadd.s32 $0x90, s12  }
0x21b: {  	[tilespmem:s28], [sflag:$0x3] =	stream.linear.gather [hbm4b:s23+s3], $0x80, $0x38;
	[tilespmem:$0x1D700] =	vst v63  }
0x21c: {  	[smem:$0x791] =	sst s22;
	s23 =	sadd.s32 $0xA0, s12  }
0x21d: {  	[tilespmem:s29], [sflag:$0x3] =	stream.linear.gather [hbm4b:s22+s3], $0x80, $0x38;
	[tilespmem:$0x1D700] =	vst v63  }
0x21e: {  	[smem:$0x792] =	sst s23;
	s22 =	sadd.s32 $0xB0, s12  }
0x21f: {  	[tilespmem:s30], [sflag:$0x3] =	stream.linear.gather [hbm4b:s23+s3], $0x80, $0x38;
	[tilespmem:$0x1D700] =	vst v63  }
0x220: {  	[smem:$0x793] =	sst s22;
	s23 =	sadd.s32 $0xC0, s12  }
0x221: {  	[tilespmem:s31], [sflag:$0x3] =	stream.linear.gather [hbm4b:s22+s3], $0x80, $0x38;
	[tilespmem:$0x1D700] =	vst v63  }
0x222: {  	[smem:$0x794] =	sst s23;
	s22 =	sadd.s32 $0xD0, s12  }
0x223: {  	[tilespmem:s0], [sflag:$0x3] =	stream.linear.gather [hbm4b:s23+s3], $0x80, $0x38;
	[tilespmem:$0x1D700] =	vst v63  }
0x224: {  	[smem:$0x795] =	sst s22;
	s23 =	sadd.s32 $0xE0, s12  }
0x225: {  	[tilespmem:s2], [sflag:$0x3] =	stream.linear.gather [hbm4b:s22+s3], $0x80, $0x38;
	[tilespmem:$0x1D700] =	vst v63  }
0x226: {  	[smem:$0x796] =	sst s23;
	s22 =	sadd.s32 $0xF0, s12  }
0x227: {  	[tilespmem:s5], [sflag:$0x3] =	stream.linear.gather [hbm4b:s23+s3], $0x80, $0x38;
	[tilespmem:$0x1D700] =	vst v63  }
0x228: {  	[smem:$0x797] =	sst s22  }
0x229: {  	[tilespmem:s4], [sflag:$0x3] =	stream.linear.gather [hbm4b:s22+s3], $0x80, $0x38;
	[tilespmem:$0x1D700] =	vst v63  }
0x22a: {  	_ =	swait.ge [sflag:s19], $0x800  }
0x22b: {  	[sflag:s19] =	ssyncset.done $0x0  }
0x22c: {  	s23 =	simm.s32 $0x1C740;
	[sflag:s19] =	ssyncadd.s32 $0xFFFFF800  }
0x22d: {  	v0 =	vld [tilespmem:s23+$0x30]  }
0x22e: {  	v1 =	vld [tilespmem:s23+$0xFFFFFFD0]  }
0x22f: {  	v2 =	vld [tilespmem:s23+$0xFFFFFFE0]  }
0x230: {  	v3 =	vld [tilespmem:s23+$0xFFFFFFF0]  }
0x231: {  	v4 =	vld [tilespmem:s23+$0x0]  }
0x232: {  	v6 =	vld [tilespmem:s23+$0x10]  }
0x233: {  	v7 =	vld [tilespmem:s23+$0x20]  }
0x234: {  	v8 =	vld [tilespmem:s23+$0xFFFFFFC0]  }
0x235: {  	v9 =	vld.idx.msk [tilespmem:v0+s3+$0x0], $0xffff  }
0x236: {  	v10 =	vld.idx.msk [tilespmem:v1+s3+$0x0], $0xffff  }
0x237: {  	v5 =	vld.idx.msk [tilespmem:v2+s3+$0x0], $0xffff  }
0x238: {  	v3 =	vld.idx.msk [tilespmem:v3+s3+$0x0], $0xffff  }
0x239: {  	v0 =	vld.idx.msk [tilespmem:v4+s3+$0x0], $0xffff  }
0x23a: {  	s21 =	simm.s32 $0x1B770;
	v1 =	vld.idx.msk [tilespmem:v6+s3+$0x0], $0xffff  }
0x23b: {  	v2 =	vld.idx.msk [tilespmem:v7+s3+$0x0], $0xffff;
	[tilespmem:s21+$0x0] =	vst v9  }
0x23c: {  	s22 =	simm.s32 $0x0;
	s23 =	simm.s32 $0x1C840;
	v4 =	vld.idx.msk [tilespmem:v8+s3+$0x0], $0xffff;
	[tilespmem:s21+$0xFFFFFFA0] =	vst v10  }
.LBB2_14:
0x23d: {  	v6 =	vld [tilespmem:s23+$0x30];
	s22 =	sadd.s32 $0x8, s22;
	[tilespmem:s21+$0xFFFFFFB0] =	vst v5  }
0x23e: {  	v5 =	vld [tilespmem:s23+$0xFFFFFFD0];
	p0 =	slt.u32 s22, $0x78;
	[tilespmem:s21+$0xFFFFFFC0] =	vst v3  }
0x23f: {  	v3 =	vld [tilespmem:s23+$0xFFFFFFE0];
	[tilespmem:s21+$0xFFFFFFD0] =	vst v0  }
0x240: {  	v0 =	vld [tilespmem:s23+$0xFFFFFFF0];
	[tilespmem:s21+$0xFFFFFFE0] =	vst v1  }
0x241: {  	v1 =	vld [tilespmem:s23+$0x0];
	[tilespmem:s21+$0xFFFFFFF0] =	vst v2  }
0x242: {  	v2 =	vld [tilespmem:s23+$0x10];
	[tilespmem:s21+$0xFFFFFF90] =	vst v4  }
0x243: {  	v4 =	vld [tilespmem:s23+$0x20]  }
0x244: {  	v7 =	vld [tilespmem:s23+$0xFFFFFFC0]  }
0x245: {  	v6 =	vld.idx.msk [tilespmem:v6+s3+$0x0], $0xffff  }
0x246: {  	v8 =	vld.idx.msk [tilespmem:v5+s3+$0x0], $0xffff  }
0x247: {  	v5 =	vld.idx.msk [tilespmem:v3+s3+$0x0], $0xffff  }
.Ltmp6:
0x248: {  	v3 =	vld.idx.msk [tilespmem:v0+s3+$0x0], $0xffff;
	(pc) =	sbr.rel @p0 .LBB2_14-.Ltmp6, $4  }
0x249: {  	v0 =	vld.idx.msk [tilespmem:v1+s3+$0x0], $0xffff  }
0x24a: {  	s21 =	sadd.s32 $0x80, s21;
	v1 =	vld.idx.msk [tilespmem:v2+s3+$0x0], $0xffff  }
0x24b: {  	v2 =	vld.idx.msk [tilespmem:v4+s3+$0x0], $0xffff;
	[tilespmem:s21+$0x0] =	vst v6  }
0x24c: {  	s23 =	sadd.s32 $0x100, s23;
	v4 =	vld.idx.msk [tilespmem:v7+s3+$0x0], $0xffff;
	[tilespmem:s21+$0xFFFFFFA0] =	vst v8  }
0x24d: {  	[tilespmem:s21+$0xFFFFFFB0] =	vst v5  }
0x24e: {  	[tilespmem:s21+$0xFFFFFFC0] =	vst v3  }
0x24f: {  	[tilespmem:s21+$0xFFFFFFD0] =	vst v0  }
0x250: {  	[tilespmem:s21+$0xFFFFFFE0] =	vst v1  }
0x251: {  	[tilespmem:s21+$0xFFFFFFF0] =	vst v2  }
0x252: {  	[tilespmem:s21+$0xFFFFFF90] =	vst v4  }
0x253: {  	_ =	swait.ge [sflag:s20], $0x800  }
0x254: {  	[sflag:s20] =	ssyncset.done $0x0  }
0x255: {  	s23 =	simm.s32 $0x1C7F0;
	[sflag:s20] =	ssyncadd.s32 $0xFFFFF800  }
0x256: {  	v0 =	vld [tilespmem:s23+$0x0]  }
0x257: {  	v1 =	vld [tilespmem:s23+$0xFFFFFFA0]  }
0x258: {  	v2 =	vld [tilespmem:s23+$0xFFFFFFB0]  }
0x259: {  	v3 =	vld [tilespmem:s23+$0xFFFFFFC0]  }
0x25a: {  	v4 =	vld [tilespmem:s23+$0xFFFFFFD0]  }
0x25b: {  	v6 =	vld [tilespmem:s23+$0xFFFFFFE0]  }
0x25c: {  	v7 =	vld [tilespmem:s23+$0xFFFFFFF0]  }
0x25d: {  	v8 =	vld [tilespmem:s23+$0xFFFFFF90]  }
0x25e: {  	v9 =	vld.idx.msk [tilespmem:v0+s3+$0x0], $0xffff  }
0x25f: {  	v10 =	vld.idx.msk [tilespmem:v1+s3+$0x0], $0xffff  }
0x260: {  	v5 =	vld.idx.msk [tilespmem:v2+s3+$0x0], $0xffff  }
0x261: {  	v3 =	vld.idx.msk [tilespmem:v3+s3+$0x0], $0xffff  }
0x262: {  	v0 =	vld.idx.msk [tilespmem:v4+s3+$0x0], $0xffff  }
0x263: {  	s21 =	simm.s32 $0x1BF70;
	v1 =	vld.idx.msk [tilespmem:v6+s3+$0x0], $0xffff  }
0x264: {  	v2 =	vld.idx.msk [tilespmem:v7+s3+$0x0], $0xffff;
	[tilespmem:s21+$0x0] =	vst v9  }
0x265: {  	s22 =	simm.s32 $0x0;
	s23 =	simm.s32 $0x1C8F0;
	v4 =	vld.idx.msk [tilespmem:v8+s3+$0x0], $0xffff;
	[tilespmem:s21+$0xFFFFFFA0] =	vst v10  }
.LBB2_16:
0x266: {  	v6 =	vld [tilespmem:s23+$0x0];
	s22 =	sadd.s32 $0x8, s22;
	[tilespmem:s21+$0xFFFFFFB0] =	vst v5  }
0x267: {  	v5 =	vld [tilespmem:s23+$0xFFFFFFA0];
	p0 =	slt.u32 s22, $0x78;
	[tilespmem:s21+$0xFFFFFFC0] =	vst v3  }
0x268: {  	v3 =	vld [tilespmem:s23+$0xFFFFFFB0];
	[tilespmem:s21+$0xFFFFFFD0] =	vst v0  }
0x269: {  	v0 =	vld [tilespmem:s23+$0xFFFFFFC0];
	[tilespmem:s21+$0xFFFFFFE0] =	vst v1  }
0x26a: {  	v1 =	vld [tilespmem:s23+$0xFFFFFFD0];
	[tilespmem:s21+$0xFFFFFFF0] =	vst v2  }
0x26b: {  	v2 =	vld [tilespmem:s23+$0xFFFFFFE0];
	[tilespmem:s21+$0xFFFFFF90] =	vst v4  }
0x26c: {  	v4 =	vld [tilespmem:s23+$0xFFFFFFF0]  }
0x26d: {  	v7 =	vld [tilespmem:s23+$0xFFFFFF90]  }
0x26e: {  	v6 =	vld.idx.msk [tilespmem:v6+s3+$0x0], $0xffff  }
0x26f: {  	v8 =	vld.idx.msk [tilespmem:v5+s3+$0x0], $0xffff  }
0x270: {  	v5 =	vld.idx.msk [tilespmem:v3+s3+$0x0], $0xffff  }
.Ltmp7:
0x271: {  	v3 =	vld.idx.msk [tilespmem:v0+s3+$0x0], $0xffff;
	(pc) =	sbr.rel @p0 .LBB2_16-.Ltmp7, $4  }
0x272: {  	v0 =	vld.idx.msk [tilespmem:v1+s3+$0x0], $0xffff  }
0x273: {  	s21 =	sadd.s32 $0x80, s21;
	v1 =	vld.idx.msk [tilespmem:v2+s3+$0x0], $0xffff  }
0x274: {  	v2 =	vld.idx.msk [tilespmem:v4+s3+$0x0], $0xffff;
	[tilespmem:s21+$0x0] =	vst v6  }
0x275: {  	s23 =	sadd.s32 $0x100, s23;
	v4 =	vld.idx.msk [tilespmem:v7+s3+$0x0], $0xffff;
	[tilespmem:s21+$0xFFFFFFA0] =	vst v8  }
0x276: {  	[tilespmem:s21+$0xFFFFFFB0] =	vst v5  }
0x277: {  	[tilespmem:s21+$0xFFFFFFC0] =	vst v3  }
0x278: {  	[tilespmem:s21+$0xFFFFFFD0] =	vst v0  }
0x279: {  	[tilespmem:s21+$0xFFFFFFE0] =	vst v1  }
0x27a: {  	[tilespmem:s21+$0xFFFFFFF0] =	vst v2  }
0x27b: {  	[tilespmem:s21+$0xFFFFFF90] =	vst v4  }
0x27c: {  	s22 =	simm.s32 $0x80;
	s23 =	simm.s32 $0x400;
	s21 =	rddreg [dreg:$0x7]  }
0x27d: {  	[tilespmem:s3], [sflag:$0x1] =	stream.strided.gather [hbm4b:s21+s22], $0x18700, s23, s22, $0x38;
	[tilespmem:$0x1D700] =	vst v63  }
0x27e: {  	s22 =	rddreg [dreg:$0x3];
	s23 =	simm.s32 $0x1C700  }
0x27f: {  	[tilespmem:s23], [sflag:$0x2] =	stream.linear.gather [hbm4b:s22+s3], $0x80, $0x38;
	[tilespmem:$0x1D700] =	vst v63  }
0x280: {  	s22 =	rddreg [dreg:$0x1c];
	s23 =	simm.s32 $0x1C800  }
0x281: {  	[tilespmem:s23], [sflag:$0x2] =	stream.linear.gather [hbm4b:s22+s3], $0x80, $0x38;
	[tilespmem:$0x1D700] =	vst v63  }
0x282: {  	s22 =	rddreg [dreg:$0x1d];
	s23 =	simm.s32 $0x1C900  }
0x283: {  	[tilespmem:s23], [sflag:$0x2] =	stream.linear.gather [hbm4b:s22+s3], $0x80, $0x38;
	[tilespmem:$0x1D700] =	vst v63  }
0x284: {  	s22 =	rddreg [dreg:$0x1e];
	s23 =	simm.s32 $0x1CA00  }
0x285: {  	[tilespmem:s23], [sflag:$0x2] =	stream.linear.gather [hbm4b:s22+s3], $0x80, $0x38;
	[tilespmem:$0x1D700] =	vst v63  }
0x286: {  	s22 =	rddreg [dreg:$0x1f];
	s23 =	simm.s32 $0x1CB00  }
0x287: {  	[tilespmem:s23], [sflag:$0x2] =	stream.linear.gather [hbm4b:s22+s3], $0x80, $0x38;
	[tilespmem:$0x1D700] =	vst v63  }
0x288: {  	s22 =	sld [smem:$0x7F2];
	_ =	sdelay $0x1  }
0x289: {  	s23 =	simm.s32 $0x1CC00  }
0x28a: {  	[tilespmem:s23], [sflag:$0x2] =	stream.linear.gather [hbm4b:s22+s3], $0x80, $0x38;
	[tilespmem:$0x1D700] =	vst v63  }
0x28b: {  	s22 =	sld [smem:$0x7F3];
	_ =	sdelay $0x1  }
0x28c: {  	s23 =	simm.s32 $0x1CD00  }
0x28d: {  	[tilespmem:s23], [sflag:$0x2] =	stream.linear.gather [hbm4b:s22+s3], $0x80, $0x38;
	[tilespmem:$0x1D700] =	vst v63  }
0x28e: {  	s22 =	sld [smem:$0x7F4];
	_ =	sdelay $0x1  }
0x28f: {  	s23 =	simm.s32 $0x1CE00  }
0x290: {  	[tilespmem:s23], [sflag:$0x2] =	stream.linear.gather [hbm4b:s22+s3], $0x80, $0x38;
	[tilespmem:$0x1D700] =	vst v63  }
0x291: {  	s22 =	sld [smem:$0x7F5];
	_ =	sdelay $0x1  }
0x292: {  	s23 =	simm.s32 $0x1CF00  }
0x293: {  	[tilespmem:s23], [sflag:$0x2] =	stream.linear.gather [hbm4b:s22+s3], $0x80, $0x38;
	[tilespmem:$0x1D700] =	vst v63  }
0x294: {  	s22 =	sld [smem:$0x7F6];
	_ =	sdelay $0x1  }
0x295: {  	s23 =	simm.s32 $0x1D000  }
0x296: {  	[tilespmem:s23], [sflag:$0x2] =	stream.linear.gather [hbm4b:s22+s3], $0x80, $0x38;
	[tilespmem:$0x1D700] =	vst v63  }
0x297: {  	s22 =	sld [smem:$0x7F7];
	_ =	sdelay $0x1  }
0x298: {  	s23 =	simm.s32 $0x1D100  }
0x299: {  	[tilespmem:s23], [sflag:$0x2] =	stream.linear.gather [hbm4b:s22+s3], $0x80, $0x38;
	[tilespmem:$0x1D700] =	vst v63  }
0x29a: {  	s22 =	sld [smem:$0x7F8];
	_ =	sdelay $0x1  }
0x29b: {  	s23 =	simm.s32 $0x1D200  }
0x29c: {  	[tilespmem:s23], [sflag:$0x2] =	stream.linear.gather [hbm4b:s22+s3], $0x80, $0x38;
	[tilespmem:$0x1D700] =	vst v63  }
0x29d: {  	s22 =	sld [smem:$0x7F9];
	_ =	sdelay $0x1  }
0x29e: {  	s23 =	simm.s32 $0x1D300  }
0x29f: {  	[tilespmem:s23], [sflag:$0x2] =	stream.linear.gather [hbm4b:s22+s3], $0x80, $0x38;
	[tilespmem:$0x1D700] =	vst v63  }
0x2a0: {  	s22 =	sld [smem:$0x7FA];
	_ =	sdelay $0x1  }
0x2a1: {  	s23 =	simm.s32 $0x1D400  }
0x2a2: {  	[tilespmem:s23], [sflag:$0x2] =	stream.linear.gather [hbm4b:s22+s3], $0x80, $0x38;
	[tilespmem:$0x1D700] =	vst v63  }
0x2a3: {  	s22 =	sld [smem:$0x7FB];
	_ =	sdelay $0x1  }
0x2a4: {  	s23 =	simm.s32 $0x1D500  }
0x2a5: {  	[tilespmem:s23], [sflag:$0x2] =	stream.linear.gather [hbm4b:s22+s3], $0x80, $0x38;
	[tilespmem:$0x1D700] =	vst v63  }
0x2a6: {  	s22 =	sld [smem:$0x7FC];
	_ =	sdelay $0x1  }
0x2a7: {  	s23 =	simm.s32 $0x1D600  }
0x2a8: {  	[tilespmem:s23], [sflag:$0x2] =	stream.linear.gather [hbm4b:s22+s3], $0x80, $0x38;
	[tilespmem:$0x1D700] =	vst v63  }
0x2a9: {  	s22 =	simm.s32 $0x1  }
0x2aa: {  	_ =	swait.ge [sflag:s22], $0x18700  }
0x2ab: {  	[sflag:s22] =	ssyncset.done $0x0  }
0x2ac: {  	s21 =	sadd.s32 $0x10, s13;
	s23 =	simm.s32 $0x1C780;
	[sflag:s22] =	ssyncadd.s32 $0xFFFE7900  }
0x2ad: {  	[tilespmem:s23], [sflag:$0x3] =	stream.linear.gather [hbm4b:s13+s3], $0x80, $0x38;
	[tilespmem:$0x1D700] =	vst v63  }
0x2ae: {  	[smem:$0x77A] =	sst s21;
	s22 =	sadd.s32 $0x50, s13;
	s23 =	simm.s32 $0x1C880  }
0x2af: {  	[tilespmem:s23], [sflag:$0x3] =	stream.linear.gather [hbm4b:s21+s3], $0x80, $0x38;
	[tilespmem:$0x1D700] =	vst v63  }
0x2b0: {  	[smem:$0x77E] =	sst s22;
	s21 =	sadd.s32 $0x20, s13;
	s23 =	simm.s32 $0x1C980  }
0x2b1: {  	[tilespmem:s23], [sflag:$0x3] =	stream.linear.gather [hbm4b:s21+s3], $0x80, $0x38;
	[tilespmem:$0x1D700] =	vst v63  }
0x2b2: {  	[smem:$0x77B] =	sst s21;
	s21 =	sadd.s32 $0x30, s13;
	s23 =	simm.s32 $0x1CA80  }
0x2b3: {  	[tilespmem:s23], [sflag:$0x3] =	stream.linear.gather [hbm4b:s21+s3], $0x80, $0x38;
	[tilespmem:$0x1D700] =	vst v63  }
0x2b4: {  	[smem:$0x77C] =	sst s21;
	s21 =	sadd.s32 $0x40, s13;
	s23 =	simm.s32 $0x1CB80  }
0x2b5: {  	[tilespmem:s23], [sflag:$0x3] =	stream.linear.gather [hbm4b:s21+s3], $0x80, $0x38;
	[tilespmem:$0x1D700] =	vst v63  }
0x2b6: {  	[smem:$0x77D] =	sst s21;
	s23 =	sadd.s32 $0x60, s13  }
0x2b7: {  	[tilespmem:s24], [sflag:$0x3] =	stream.linear.gather [hbm4b:s22+s3], $0x80, $0x38;
	[tilespmem:$0x1D700] =	vst v63  }
0x2b8: {  	[smem:$0x77F] =	sst s23;
	s22 =	sadd.s32 $0x70, s13  }
0x2b9: {  	[tilespmem:s25], [sflag:$0x3] =	stream.linear.gather [hbm4b:s23+s3], $0x80, $0x38;
	[tilespmem:$0x1D700] =	vst v63  }
0x2ba: {  	[smem:$0x780] =	sst s22;
	s23 =	sadd.s32 $0x80, s13  }
0x2bb: {  	[tilespmem:s26], [sflag:$0x3] =	stream.linear.gather [hbm4b:s22+s3], $0x80, $0x38;
	[tilespmem:$0x1D700] =	vst v63  }
0x2bc: {  	[smem:$0x781] =	sst s23;
	s22 =	sadd.s32 $0x90, s13  }
0x2bd: {  	[tilespmem:s28], [sflag:$0x3] =	stream.linear.gather [hbm4b:s23+s3], $0x80, $0x38;
	[tilespmem:$0x1D700] =	vst v63  }
0x2be: {  	[smem:$0x782] =	sst s22;
	s23 =	sadd.s32 $0xA0, s13  }
0x2bf: {  	[tilespmem:s29], [sflag:$0x3] =	stream.linear.gather [hbm4b:s22+s3], $0x80, $0x38;
	[tilespmem:$0x1D700] =	vst v63  }
0x2c0: {  	[smem:$0x783] =	sst s23;
	s22 =	sadd.s32 $0xB0, s13  }
0x2c1: {  	[tilespmem:s30], [sflag:$0x3] =	stream.linear.gather [hbm4b:s23+s3], $0x80, $0x38;
	[tilespmem:$0x1D700] =	vst v63  }
0x2c2: {  	[smem:$0x784] =	sst s22;
	s23 =	sadd.s32 $0xC0, s13  }
0x2c3: {  	[tilespmem:s31], [sflag:$0x3] =	stream.linear.gather [hbm4b:s22+s3], $0x80, $0x38;
	[tilespmem:$0x1D700] =	vst v63  }
0x2c4: {  	[smem:$0x785] =	sst s23;
	s22 =	sadd.s32 $0xD0, s13  }
0x2c5: {  	[tilespmem:s0], [sflag:$0x3] =	stream.linear.gather [hbm4b:s23+s3], $0x80, $0x38;
	[tilespmem:$0x1D700] =	vst v63  }
0x2c6: {  	[smem:$0x786] =	sst s22;
	s23 =	sadd.s32 $0xE0, s13  }
0x2c7: {  	[tilespmem:s2], [sflag:$0x3] =	stream.linear.gather [hbm4b:s22+s3], $0x80, $0x38;
	[tilespmem:$0x1D700] =	vst v63  }
0x2c8: {  	[smem:$0x787] =	sst s23;
	s22 =	sadd.s32 $0xF0, s13  }
0x2c9: {  	[tilespmem:s5], [sflag:$0x3] =	stream.linear.gather [hbm4b:s23+s3], $0x80, $0x38;
	[tilespmem:$0x1D700] =	vst v63  }
0x2ca: {  	[smem:$0x788] =	sst s22  }
0x2cb: {  	[tilespmem:s4], [sflag:$0x3] =	stream.linear.gather [hbm4b:s22+s3], $0x80, $0x38;
	[tilespmem:$0x1D700] =	vst v63  }
0x2cc: {  	_ =	swait.ge [sflag:s19], $0x800  }
0x2cd: {  	[sflag:s19] =	ssyncset.done $0x0  }
0x2ce: {  	s23 =	simm.s32 $0x1C740;
	[sflag:s19] =	ssyncadd.s32 $0xFFFFF800  }
0x2cf: {  	v0 =	vld [tilespmem:s23+$0x30]  }
0x2d0: {  	v1 =	vld [tilespmem:s23+$0xFFFFFFD0]  }
0x2d1: {  	v2 =	vld [tilespmem:s23+$0xFFFFFFE0]  }
0x2d2: {  	v3 =	vld [tilespmem:s23+$0xFFFFFFF0]  }
0x2d3: {  	v5 =	vld [tilespmem:s23+$0x0]  }
0x2d4: {  	v6 =	vld [tilespmem:s23+$0x10]  }
0x2d5: {  	v7 =	vld [tilespmem:s23+$0x20]  }
0x2d6: {  	s21 =	simm.s32 $0x18740;
	v8 =	vld [tilespmem:s23+$0xFFFFFFC0]  }
0x2d7: {  	v11 =	vld [tilespmem:s21+$0x30]  }
0x2d8: {  	v14 =	vld [tilespmem:s21+$0xFFFFFFD0]  }
0x2d9: {  	v9 =	vld [tilespmem:s21+$0xFFFFFFE0]  }
0x2da: {  	v10 =	vld.idx.msk [tilespmem:v0+s3+$0x0], $0xffff  }
0x2db: {  	v12 =	vld.idx.msk [tilespmem:v1+s3+$0x0], $0xffff  }
0x2dc: {  	v4 =	vld.idx.msk [tilespmem:v2+s3+$0x0], $0xffff  }
0x2dd: {  	v3 =	vld.idx.msk [tilespmem:v3+s3+$0x0], $0xffff  }
0x2de: {  	v13 =	vld.idx.msk [tilespmem:v8+s3+$0x0], $0xffff  }
0x2df: {  	v1 =	vld.idx.msk [tilespmem:v7+s3+$0x0], $0xffff  }
0x2e0: {  	v7 =	vld [tilespmem:s21+$0xFFFFFFC0]  }
0x2e1: {  	v2 =	vld.idx.msk [tilespmem:v5+s3+$0x0], $0xffff  }
0x2e2: {  	v0 =	vld.idx.msk [tilespmem:v6+s3+$0x0], $0xffff  }
0x2e3: {  	v8 =	vld [tilespmem:s21+$0xFFFFFFF0]  }
0x2e4: {  	v6 =	vld [tilespmem:s21+$0x0];
	v10 =	vmul.f32 v11, v10  }
0x2e5: {  	v5 =	vld [tilespmem:s21+$0x10];
	v11 =	vmul.f32 v7, v13  }
0x2e6: {  	s22 =	simm.s32 $0x0;
	s23 =	simm.s32 $0x1C840;
	v7 =	vld [tilespmem:s21+$0x20];
	[tilespmem:s21+$0x30] =	vst v10;
	v10 =	vmul.f32 v14, v12  }
.LBB2_18:
0x2e7: {  	v12 =	vld [tilespmem:s23+$0x30];
	s22 =	sadd.s32 $0x8, s22;
	[tilespmem:s21+$0xFFFFFFC0] =	vst v11;
	v4 =	vmul.f32 v9, v4  }
0x2e8: {  	v9 =	vld [tilespmem:s23+$0xFFFFFFD0];
	p0 =	slt.u32 s22, $0x78;
	[tilespmem:s21+$0xFFFFFFD0] =	vst v10;
	v3 =	vmul.f32 v8, v3  }
0x2e9: {  	v8 =	vld [tilespmem:s23+$0xFFFFFFE0];
	[tilespmem:s21+$0xFFFFFFE0] =	vst v4;
	v2 =	vmul.f32 v6, v2  }
0x2ea: {  	v6 =	vld [tilespmem:s23+$0xFFFFFFF0];
	[tilespmem:s21+$0xFFFFFFF0] =	vst v3;
	v0 =	vmul.f32 v5, v0  }
0x2eb: {  	v5 =	vld [tilespmem:s23+$0x0];
	[tilespmem:s21+$0x0] =	vst v2;
	v1 =	vmul.f32 v7, v1  }
0x2ec: {  	v7 =	vld [tilespmem:s23+$0x10];
	[tilespmem:s21+$0x10] =	vst v0  }
0x2ed: {  	v10 =	vld [tilespmem:s23+$0x20];
	[tilespmem:s21+$0x20] =	vst v1  }
0x2ee: {  	v1 =	vld [tilespmem:s23+$0xFFFFFFC0]  }
0x2ef: {  	s21 =	sadd.s32 $0x80, s21;
	v11 =	vld.idx.msk [tilespmem:v12+s3+$0x0], $0xffff  }
0x2f0: {  	v12 =	vld [tilespmem:s21+$0x30]  }
0x2f1: {  	v13 =	vld.idx.msk [tilespmem:v9+s3+$0x0], $0xffff  }
0x2f2: {  	v4 =	vld.idx.msk [tilespmem:v8+s3+$0x0], $0xffff  }
0x2f3: {  	v3 =	vld.idx.msk [tilespmem:v6+s3+$0x0], $0xffff  }
0x2f4: {  	v2 =	vld.idx.msk [tilespmem:v5+s3+$0x0], $0xffff  }
0x2f5: {  	v0 =	vld.idx.msk [tilespmem:v7+s3+$0x0], $0xffff;
	v5 =	vmul.f32 v12, v11  }
0x2f6: {  	v7 =	vld.idx.msk [tilespmem:v1+s3+$0x0], $0xffff  }
0x2f7: {  	v1 =	vld.idx.msk [tilespmem:v10+s3+$0x0], $0xffff;
	[tilespmem:s21+$0x30] =	vst v5  }
0x2f8: {  	v5 =	vld [tilespmem:s21+$0xFFFFFFC0]  }
0x2f9: {  	v10 =	vld [tilespmem:s21+$0xFFFFFFD0]  }
.Ltmp8:
0x2fa: {  	v9 =	vld [tilespmem:s21+$0xFFFFFFE0];
	(pc) =	sbr.rel @p0 .LBB2_18-.Ltmp8, $4  }
0x2fb: {  	v8 =	vld [tilespmem:s21+$0xFFFFFFF0]  }
0x2fc: {  	v6 =	vld [tilespmem:s21+$0x0]  }
0x2fd: {  	v11 =	vmul.f32 v5, v7;
	v5 =	vld [tilespmem:s21+$0x10]  }
0x2fe: {  	s23 =	sadd.s32 $0x100, s23;
	v10 =	vmul.f32 v10, v13;
	v7 =	vld [tilespmem:s21+$0x20]  }
0x2ff: {  	[tilespmem:s21+$0xFFFFFFC0] =	vst v11;
	v4 =	vmul.f32 v9, v4  }
0x300: {  	[tilespmem:s21+$0xFFFFFFD0] =	vst v10;
	v3 =	vmul.f32 v8, v3  }
0x301: {  	[tilespmem:s21+$0xFFFFFFE0] =	vst v4;
	v2 =	vmul.f32 v6, v2  }
0x302: {  	[tilespmem:s21+$0xFFFFFFF0] =	vst v3;
	v0 =	vmul.f32 v5, v0  }
0x303: {  	[tilespmem:s21+$0x0] =	vst v2;
	v1 =	vmul.f32 v7, v1  }
0x304: {  	[tilespmem:s21+$0x10] =	vst v0  }
0x305: {  	s22 =	simm.s32 $0x1C700;
	[tilespmem:s21+$0x20] =	vst v1  }
0x306: {  	[tilespmem:s22], [sflag:$0x2] =	stream.linear.gather [hbm4b:s14+s3], $0x80, $0x38;
	[tilespmem:$0x1D700] =	vst v63  }
0x307: {  	s23 =	simm.s32 $0x1C800;
	s21 =	sadd.s32 $0x20, s14;
	s22 =	sadd.s32 $0x10, s14  }
0x308: {  	[tilespmem:s23], [sflag:$0x2] =	stream.linear.gather [hbm4b:s22+s3], $0x80, $0x38;
	[tilespmem:$0x1D700] =	vst v63  }
0x309: {  	[smem:$0x76C] =	sst s21;
	s23 =	simm.s32 $0x1C900  }
0x30a: {  	[tilespmem:s23], [sflag:$0x2] =	stream.linear.gather [hbm4b:s21+s3], $0x80, $0x38;
	[tilespmem:$0x1D700] =	vst v63  }
0x30b: {  	[smem:$0x76B] =	sst s22;
	s21 =	sadd.s32 $0x30, s14;
	s23 =	simm.s32 $0x1CA00  }
0x30c: {  	[tilespmem:s23], [sflag:$0x2] =	stream.linear.gather [hbm4b:s21+s3], $0x80, $0x38;
	[tilespmem:$0x1D700] =	vst v63  }
0x30d: {  	[smem:$0x76D] =	sst s21;
	s21 =	sadd.s32 $0x40, s14;
	s23 =	simm.s32 $0x1CB00  }
0x30e: {  	[tilespmem:s23], [sflag:$0x2] =	stream.linear.gather [hbm4b:s21+s3], $0x80, $0x38;
	[tilespmem:$0x1D700] =	vst v63  }
0x30f: {  	[smem:$0x76E] =	sst s21;
	s21 =	sadd.s32 $0x50, s14;
	s23 =	simm.s32 $0x1CC00  }
0x310: {  	[tilespmem:s23], [sflag:$0x2] =	stream.linear.gather [hbm4b:s21+s3], $0x80, $0x38;
	[tilespmem:$0x1D700] =	vst v63  }
0x311: {  	[smem:$0x76F] =	sst s21;
	s21 =	sadd.s32 $0x60, s14;
	s23 =	simm.s32 $0x1CD00  }
0x312: {  	[tilespmem:s23], [sflag:$0x2] =	stream.linear.gather [hbm4b:s21+s3], $0x80, $0x38;
	[tilespmem:$0x1D700] =	vst v63  }
0x313: {  	[smem:$0x770] =	sst s21;
	s21 =	sadd.s32 $0x70, s14;
	s23 =	simm.s32 $0x1CE00  }
0x314: {  	[tilespmem:s23], [sflag:$0x2] =	stream.linear.gather [hbm4b:s21+s3], $0x80, $0x38;
	[tilespmem:$0x1D700] =	vst v63  }
0x315: {  	[smem:$0x771] =	sst s21;
	s21 =	sadd.s32 $0x80, s14;
	s23 =	simm.s32 $0x1CF00  }
0x316: {  	[tilespmem:s23], [sflag:$0x2] =	stream.linear.gather [hbm4b:s21+s3], $0x80, $0x38;
	[tilespmem:$0x1D700] =	vst v63  }
0x317: {  	[smem:$0x772] =	sst s21;
	s21 =	sadd.s32 $0x90, s14;
	s23 =	simm.s32 $0x1D000  }
0x318: {  	[tilespmem:s23], [sflag:$0x2] =	stream.linear.gather [hbm4b:s21+s3], $0x80, $0x38;
	[tilespmem:$0x1D700] =	vst v63  }
0x319: {  	[smem:$0x773] =	sst s21;
	s21 =	sadd.s32 $0xA0, s14;
	s23 =	simm.s32 $0x1D100  }
0x31a: {  	[tilespmem:s23], [sflag:$0x2] =	stream.linear.gather [hbm4b:s21+s3], $0x80, $0x38;
	[tilespmem:$0x1D700] =	vst v63  }
0x31b: {  	[smem:$0x774] =	sst s21;
	s21 =	sadd.s32 $0xB0, s14;
	s23 =	simm.s32 $0x1D200  }
0x31c: {  	[tilespmem:s23], [sflag:$0x2] =	stream.linear.gather [hbm4b:s21+s3], $0x80, $0x38;
	[tilespmem:$0x1D700] =	vst v63  }
0x31d: {  	[smem:$0x775] =	sst s21;
	s21 =	sadd.s32 $0xC0, s14;
	s23 =	simm.s32 $0x1D300  }
0x31e: {  	[tilespmem:s23], [sflag:$0x2] =	stream.linear.gather [hbm4b:s21+s3], $0x80, $0x38;
	[tilespmem:$0x1D700] =	vst v63  }
0x31f: {  	[smem:$0x776] =	sst s21;
	s21 =	sadd.s32 $0xD0, s14;
	s23 =	simm.s32 $0x1D400  }
0x320: {  	[tilespmem:s23], [sflag:$0x2] =	stream.linear.gather [hbm4b:s21+s3], $0x80, $0x38;
	[tilespmem:$0x1D700] =	vst v63  }
0x321: {  	[smem:$0x777] =	sst s21;
	s21 =	sadd.s32 $0xE0, s14;
	s23 =	simm.s32 $0x1D500  }
0x322: {  	[tilespmem:s23], [sflag:$0x2] =	stream.linear.gather [hbm4b:s21+s3], $0x80, $0x38;
	[tilespmem:$0x1D700] =	vst v63  }
0x323: {  	[smem:$0x778] =	sst s21;
	s21 =	sadd.s32 $0xF0, s14  }
0x324: {  	s23 =	simm.s32 $0x1D600;
	[smem:$0x779] =	sst s21  }
0x325: {  	[tilespmem:s23], [sflag:$0x2] =	stream.linear.gather [hbm4b:s21+s3], $0x80, $0x38;
	[tilespmem:$0x1D700] =	vst v63  }
0x326: {  	_ =	swait.ge [sflag:s20], $0x800  }
0x327: {  	[sflag:s20] =	ssyncset.done $0x0  }
0x328: {  	s23 =	simm.s32 $0x1C7F0;
	[sflag:s20] =	ssyncadd.s32 $0xFFFFF800  }
0x329: {  	v0 =	vld [tilespmem:s23+$0x0]  }
0x32a: {  	v1 =	vld [tilespmem:s23+$0xFFFFFFA0]  }
0x32b: {  	v2 =	vld [tilespmem:s23+$0xFFFFFFB0]  }
0x32c: {  	v3 =	vld [tilespmem:s23+$0xFFFFFFC0]  }
0x32d: {  	v5 =	vld [tilespmem:s23+$0xFFFFFFD0]  }
0x32e: {  	v6 =	vld [tilespmem:s23+$0xFFFFFFE0]  }
0x32f: {  	v7 =	vld [tilespmem:s23+$0xFFFFFFF0]  }
0x330: {  	s21 =	simm.s32 $0x18F70;
	v8 =	vld [tilespmem:s23+$0xFFFFFF90]  }
0x331: {  	v11 =	vld [tilespmem:s21+$0x0]  }
0x332: {  	v14 =	vld [tilespmem:s21+$0xFFFFFFA0]  }
0x333: {  	v9 =	vld [tilespmem:s21+$0xFFFFFFB0]  }
0x334: {  	v10 =	vld.idx.msk [tilespmem:v0+s3+$0x0], $0xffff  }
0x335: {  	v12 =	vld.idx.msk [tilespmem:v1+s3+$0x0], $0xffff  }
0x336: {  	v4 =	vld.idx.msk [tilespmem:v2+s3+$0x0], $0xffff  }
0x337: {  	v3 =	vld.idx.msk [tilespmem:v3+s3+$0x0], $0xffff  }
0x338: {  	v13 =	vld.idx.msk [tilespmem:v8+s3+$0x0], $0xffff  }
0x339: {  	v1 =	vld.idx.msk [tilespmem:v7+s3+$0x0], $0xffff  }
0x33a: {  	v7 =	vld [tilespmem:s21+$0xFFFFFF90]  }
0x33b: {  	v2 =	vld.idx.msk [tilespmem:v5+s3+$0x0], $0xffff  }
0x33c: {  	v0 =	vld.idx.msk [tilespmem:v6+s3+$0x0], $0xffff  }
0x33d: {  	v8 =	vld [tilespmem:s21+$0xFFFFFFC0]  }
0x33e: {  	v6 =	vld [tilespmem:s21+$0xFFFFFFD0];
	v10 =	vmul.f32 v11, v10  }
0x33f: {  	v5 =	vld [tilespmem:s21+$0xFFFFFFE0];
	v11 =	vmul.f32 v7, v13  }
0x340: {  	s22 =	simm.s32 $0x0;
	s23 =	simm.s32 $0x1C8F0;
	v7 =	vld [tilespmem:s21+$0xFFFFFFF0];
	[tilespmem:s21+$0x0] =	vst v10;
	v10 =	vmul.f32 v14, v12  }
.LBB2_20:
0x341: {  	v12 =	vld [tilespmem:s23+$0x0];
	s22 =	sadd.s32 $0x8, s22;
	[tilespmem:s21+$0xFFFFFF90] =	vst v11;
	v4 =	vmul.f32 v9, v4  }
0x342: {  	v9 =	vld [tilespmem:s23+$0xFFFFFFA0];
	p0 =	slt.u32 s22, $0x78;
	[tilespmem:s21+$0xFFFFFFA0] =	vst v10;
	v3 =	vmul.f32 v8, v3  }
0x343: {  	v8 =	vld [tilespmem:s23+$0xFFFFFFB0];
	[tilespmem:s21+$0xFFFFFFB0] =	vst v4;
	v2 =	vmul.f32 v6, v2  }
0x344: {  	v6 =	vld [tilespmem:s23+$0xFFFFFFC0];
	[tilespmem:s21+$0xFFFFFFC0] =	vst v3;
	v0 =	vmul.f32 v5, v0  }
0x345: {  	v5 =	vld [tilespmem:s23+$0xFFFFFFD0];
	[tilespmem:s21+$0xFFFFFFD0] =	vst v2;
	v1 =	vmul.f32 v7, v1  }
0x346: {  	v7 =	vld [tilespmem:s23+$0xFFFFFFE0];
	[tilespmem:s21+$0xFFFFFFE0] =	vst v0  }
0x347: {  	v10 =	vld [tilespmem:s23+$0xFFFFFFF0];
	[tilespmem:s21+$0xFFFFFFF0] =	vst v1  }
0x348: {  	v1 =	vld [tilespmem:s23+$0xFFFFFF90]  }
0x349: {  	s21 =	sadd.s32 $0x80, s21;
	v11 =	vld.idx.msk [tilespmem:v12+s3+$0x0], $0xffff  }
0x34a: {  	v12 =	vld [tilespmem:s21+$0x0]  }
0x34b: {  	v13 =	vld.idx.msk [tilespmem:v9+s3+$0x0], $0xffff  }
0x34c: {  	v4 =	vld.idx.msk [tilespmem:v8+s3+$0x0], $0xffff  }
0x34d: {  	v3 =	vld.idx.msk [tilespmem:v6+s3+$0x0], $0xffff  }
0x34e: {  	v2 =	vld.idx.msk [tilespmem:v5+s3+$0x0], $0xffff  }
0x34f: {  	v0 =	vld.idx.msk [tilespmem:v7+s3+$0x0], $0xffff;
	v5 =	vmul.f32 v12, v11  }
0x350: {  	v7 =	vld.idx.msk [tilespmem:v1+s3+$0x0], $0xffff  }
0x351: {  	v1 =	vld.idx.msk [tilespmem:v10+s3+$0x0], $0xffff;
	[tilespmem:s21+$0x0] =	vst v5  }
0x352: {  	v5 =	vld [tilespmem:s21+$0xFFFFFF90]  }
0x353: {  	v10 =	vld [tilespmem:s21+$0xFFFFFFA0]  }
.Ltmp9:
0x354: {  	v9 =	vld [tilespmem:s21+$0xFFFFFFB0];
	(pc) =	sbr.rel @p0 .LBB2_20-.Ltmp9, $4  }
0x355: {  	v8 =	vld [tilespmem:s21+$0xFFFFFFC0]  }
0x356: {  	v6 =	vld [tilespmem:s21+$0xFFFFFFD0]  }
0x357: {  	v11 =	vmul.f32 v5, v7;
	v5 =	vld [tilespmem:s21+$0xFFFFFFE0]  }
0x358: {  	s23 =	sadd.s32 $0x100, s23;
	v10 =	vmul.f32 v10, v13;
	v7 =	vld [tilespmem:s21+$0xFFFFFFF0]  }
0x359: {  	[tilespmem:s21+$0xFFFFFF90] =	vst v11;
	v4 =	vmul.f32 v9, v4  }
0x35a: {  	[tilespmem:s21+$0xFFFFFFA0] =	vst v10;
	v3 =	vmul.f32 v8, v3  }
0x35b: {  	[tilespmem:s21+$0xFFFFFFB0] =	vst v4;
	v2 =	vmul.f32 v6, v2  }
0x35c: {  	[tilespmem:s21+$0xFFFFFFC0] =	vst v3;
	v0 =	vmul.f32 v5, v0  }
0x35d: {  	[tilespmem:s21+$0xFFFFFFD0] =	vst v2;
	v1 =	vmul.f32 v7, v1  }
0x35e: {  	[tilespmem:s21+$0xFFFFFFE0] =	vst v0  }
0x35f: {  	s22 =	simm.s32 $0x1C780;
	[tilespmem:s21+$0xFFFFFFF0] =	vst v1;
	s21 =	sadd.s32 $0x20, s15  }
0x360: {  	[tilespmem:s22], [sflag:$0x3] =	stream.linear.gather [hbm4b:s15+s3], $0x80, $0x38;
	[tilespmem:$0x1D700] =	vst v63  }
0x361: {  	s23 =	simm.s32 $0x1C880;
	s22 =	sadd.s32 $0x10, s15;
	[smem:$0x75D] =	sst s21  }
0x362: {  	[tilespmem:s23], [sflag:$0x3] =	stream.linear.gather [hbm4b:s22+s3], $0x80, $0x38;
	[tilespmem:$0x1D700] =	vst v63  }
0x363: {  	[smem:$0x75C] =	sst s22;
	s23 =	simm.s32 $0x1C980;
	s22 =	sadd.s32 $0x50, s15  }
0x364: {  	[tilespmem:s23], [sflag:$0x3] =	stream.linear.gather [hbm4b:s21+s3], $0x80, $0x38;
	[tilespmem:$0x1D700] =	vst v63  }
0x365: {  	[smem:$0x760] =	sst s22;
	s21 =	sadd.s32 $0x30, s15;
	s23 =	simm.s32 $0x1CA80  }
0x366: {  	[tilespmem:s23], [sflag:$0x3] =	stream.linear.gather [hbm4b:s21+s3], $0x80, $0x38;
	[tilespmem:$0x1D700] =	vst v63  }
0x367: {  	[smem:$0x75E] =	sst s21;
	s21 =	sadd.s32 $0x40, s15;
	s23 =	simm.s32 $0x1CB80  }
0x368: {  	[tilespmem:s23], [sflag:$0x3] =	stream.linear.gather [hbm4b:s21+s3], $0x80, $0x38;
	[tilespmem:$0x1D700] =	vst v63  }
0x369: {  	[smem:$0x75F] =	sst s21;
	s23 =	sadd.s32 $0x60, s15  }
0x36a: {  	[tilespmem:s24], [sflag:$0x3] =	stream.linear.gather [hbm4b:s22+s3], $0x80, $0x38;
	[tilespmem:$0x1D700] =	vst v63  }
0x36b: {  	[smem:$0x761] =	sst s23;
	s22 =	sadd.s32 $0x70, s15  }
0x36c: {  	[tilespmem:s25], [sflag:$0x3] =	stream.linear.gather [hbm4b:s23+s3], $0x80, $0x38;
	[tilespmem:$0x1D700] =	vst v63  }
0x36d: {  	[smem:$0x762] =	sst s22;
	s23 =	sadd.s32 $0x80, s15  }
0x36e: {  	[tilespmem:s26], [sflag:$0x3] =	stream.linear.gather [hbm4b:s22+s3], $0x80, $0x38;
	[tilespmem:$0x1D700] =	vst v63  }
0x36f: {  	[smem:$0x763] =	sst s23;
	s22 =	sadd.s32 $0x90, s15  }
0x370: {  	[tilespmem:s28], [sflag:$0x3] =	stream.linear.gather [hbm4b:s23+s3], $0x80, $0x38;
	[tilespmem:$0x1D700] =	vst v63  }
0x371: {  	[smem:$0x764] =	sst s22;
	s23 =	sadd.s32 $0xA0, s15  }
0x372: {  	[tilespmem:s29], [sflag:$0x3] =	stream.linear.gather [hbm4b:s22+s3], $0x80, $0x38;
	[tilespmem:$0x1D700] =	vst v63  }
0x373: {  	[smem:$0x765] =	sst s23;
	s22 =	sadd.s32 $0xB0, s15  }
0x374: {  	[tilespmem:s30], [sflag:$0x3] =	stream.linear.gather [hbm4b:s23+s3], $0x80, $0x38;
	[tilespmem:$0x1D700] =	vst v63  }
0x375: {  	[smem:$0x766] =	sst s22;
	s23 =	sadd.s32 $0xC0, s15  }
0x376: {  	[tilespmem:s31], [sflag:$0x3] =	stream.linear.gather [hbm4b:s22+s3], $0x80, $0x38;
	[tilespmem:$0x1D700] =	vst v63  }
0x377: {  	[smem:$0x767] =	sst s23;
	s22 =	sadd.s32 $0xD0, s15  }
0x378: {  	[tilespmem:s0], [sflag:$0x3] =	stream.linear.gather [hbm4b:s23+s3], $0x80, $0x38;
	[tilespmem:$0x1D700] =	vst v63  }
0x379: {  	[smem:$0x768] =	sst s22;
	s23 =	sadd.s32 $0xE0, s15  }
0x37a: {  	[tilespmem:s2], [sflag:$0x3] =	stream.linear.gather [hbm4b:s22+s3], $0x80, $0x38;
	[tilespmem:$0x1D700] =	vst v63  }
0x37b: {  	[smem:$0x769] =	sst s23;
	s22 =	sadd.s32 $0xF0, s15  }
0x37c: {  	[tilespmem:s5], [sflag:$0x3] =	stream.linear.gather [hbm4b:s23+s3], $0x80, $0x38;
	[tilespmem:$0x1D700] =	vst v63  }
0x37d: {  	[smem:$0x76A] =	sst s22  }
0x37e: {  	[tilespmem:s4], [sflag:$0x3] =	stream.linear.gather [hbm4b:s22+s3], $0x80, $0x38;
	[tilespmem:$0x1D700] =	vst v63  }
0x37f: {  	_ =	swait.ge [sflag:s19], $0x800  }
0x380: {  	[sflag:s19] =	ssyncset.done $0x0  }
0x381: {  	s23 =	simm.s32 $0x1C740;
	[sflag:s19] =	ssyncadd.s32 $0xFFFFF800  }
0x382: {  	v0 =	vld [tilespmem:s23+$0x30]  }
0x383: {  	v1 =	vld [tilespmem:s23+$0xFFFFFFD0]  }
0x384: {  	v2 =	vld [tilespmem:s23+$0xFFFFFFE0]  }
0x385: {  	v3 =	vld [tilespmem:s23+$0xFFFFFFF0]  }
0x386: {  	v5 =	vld [tilespmem:s23+$0x0]  }
0x387: {  	v6 =	vld [tilespmem:s23+$0x10]  }
0x388: {  	v7 =	vld [tilespmem:s23+$0x20]  }
0x389: {  	s21 =	simm.s32 $0x19770;
	v8 =	vld [tilespmem:s23+$0xFFFFFFC0]  }
0x38a: {  	v11 =	vld [tilespmem:s21+$0x0]  }
0x38b: {  	v14 =	vld [tilespmem:s21+$0xFFFFFFA0]  }
0x38c: {  	v9 =	vld [tilespmem:s21+$0xFFFFFFB0]  }
0x38d: {  	v10 =	vld.idx.msk [tilespmem:v0+s3+$0x0], $0xffff  }
0x38e: {  	v12 =	vld.idx.msk [tilespmem:v1+s3+$0x0], $0xffff  }
0x38f: {  	v4 =	vld.idx.msk [tilespmem:v2+s3+$0x0], $0xffff  }
0x390: {  	v3 =	vld.idx.msk [tilespmem:v3+s3+$0x0], $0xffff  }
0x391: {  	v13 =	vld.idx.msk [tilespmem:v8+s3+$0x0], $0xffff  }
0x392: {  	v1 =	vld.idx.msk [tilespmem:v7+s3+$0x0], $0xffff  }
0x393: {  	v7 =	vld [tilespmem:s21+$0xFFFFFF90]  }
0x394: {  	v2 =	vld.idx.msk [tilespmem:v5+s3+$0x0], $0xffff  }
0x395: {  	v0 =	vld.idx.msk [tilespmem:v6+s3+$0x0], $0xffff  }
0x396: {  	v8 =	vld [tilespmem:s21+$0xFFFFFFC0]  }
0x397: {  	v6 =	vld [tilespmem:s21+$0xFFFFFFD0];
	v10 =	vmul.f32 v11, v10  }
0x398: {  	v5 =	vld [tilespmem:s21+$0xFFFFFFE0];
	v11 =	vmul.f32 v7, v13  }
0x399: {  	s22 =	simm.s32 $0x0;
	s23 =	simm.s32 $0x1C840;
	v7 =	vld [tilespmem:s21+$0xFFFFFFF0];
	[tilespmem:s21+$0x0] =	vst v10;
	v10 =	vmul.f32 v14, v12  }
.LBB2_22:
0x39a: {  	v12 =	vld [tilespmem:s23+$0x30];
	s22 =	sadd.s32 $0x8, s22;
	[tilespmem:s21+$0xFFFFFF90] =	vst v11;
	v4 =	vmul.f32 v9, v4  }
0x39b: {  	v9 =	vld [tilespmem:s23+$0xFFFFFFD0];
	p0 =	slt.u32 s22, $0x78;
	[tilespmem:s21+$0xFFFFFFA0] =	vst v10;
	v3 =	vmul.f32 v8, v3  }
0x39c: {  	v8 =	vld [tilespmem:s23+$0xFFFFFFE0];
	[tilespmem:s21+$0xFFFFFFB0] =	vst v4;
	v2 =	vmul.f32 v6, v2  }
0x39d: {  	v6 =	vld [tilespmem:s23+$0xFFFFFFF0];
	[tilespmem:s21+$0xFFFFFFC0] =	vst v3;
	v0 =	vmul.f32 v5, v0  }
0x39e: {  	v5 =	vld [tilespmem:s23+$0x0];
	[tilespmem:s21+$0xFFFFFFD0] =	vst v2;
	v1 =	vmul.f32 v7, v1  }
0x39f: {  	v7 =	vld [tilespmem:s23+$0x10];
	[tilespmem:s21+$0xFFFFFFE0] =	vst v0  }
0x3a0: {  	v10 =	vld [tilespmem:s23+$0x20];
	[tilespmem:s21+$0xFFFFFFF0] =	vst v1  }
0x3a1: {  	v1 =	vld [tilespmem:s23+$0xFFFFFFC0]  }
0x3a2: {  	s21 =	sadd.s32 $0x80, s21;
	v11 =	vld.idx.msk [tilespmem:v12+s3+$0x0], $0xffff  }
0x3a3: {  	v12 =	vld [tilespmem:s21+$0x0]  }
0x3a4: {  	v13 =	vld.idx.msk [tilespmem:v9+s3+$0x0], $0xffff  }
0x3a5: {  	v4 =	vld.idx.msk [tilespmem:v8+s3+$0x0], $0xffff  }
0x3a6: {  	v3 =	vld.idx.msk [tilespmem:v6+s3+$0x0], $0xffff  }
0x3a7: {  	v2 =	vld.idx.msk [tilespmem:v5+s3+$0x0], $0xffff  }
0x3a8: {  	v0 =	vld.idx.msk [tilespmem:v7+s3+$0x0], $0xffff;
	v5 =	vmul.f32 v12, v11  }
0x3a9: {  	v7 =	vld.idx.msk [tilespmem:v1+s3+$0x0], $0xffff  }
0x3aa: {  	v1 =	vld.idx.msk [tilespmem:v10+s3+$0x0], $0xffff;
	[tilespmem:s21+$0x0] =	vst v5  }
0x3ab: {  	v5 =	vld [tilespmem:s21+$0xFFFFFF90]  }
0x3ac: {  	v10 =	vld [tilespmem:s21+$0xFFFFFFA0]  }
.Ltmp10:
0x3ad: {  	v9 =	vld [tilespmem:s21+$0xFFFFFFB0];
	(pc) =	sbr.rel @p0 .LBB2_22-.Ltmp10, $4  }
0x3ae: {  	v8 =	vld [tilespmem:s21+$0xFFFFFFC0]  }
0x3af: {  	v6 =	vld [tilespmem:s21+$0xFFFFFFD0]  }
0x3b0: {  	v11 =	vmul.f32 v5, v7;
	v5 =	vld [tilespmem:s21+$0xFFFFFFE0]  }
0x3b1: {  	s23 =	sadd.s32 $0x100, s23;
	v10 =	vmul.f32 v10, v13;
	v7 =	vld [tilespmem:s21+$0xFFFFFFF0]  }
0x3b2: {  	[tilespmem:s21+$0xFFFFFF90] =	vst v11;
	v4 =	vmul.f32 v9, v4  }
0x3b3: {  	[tilespmem:s21+$0xFFFFFFA0] =	vst v10;
	v3 =	vmul.f32 v8, v3  }
0x3b4: {  	[tilespmem:s21+$0xFFFFFFB0] =	vst v4;
	v2 =	vmul.f32 v6, v2  }
0x3b5: {  	[tilespmem:s21+$0xFFFFFFC0] =	vst v3;
	v0 =	vmul.f32 v5, v0  }
0x3b6: {  	[tilespmem:s21+$0xFFFFFFD0] =	vst v2;
	v1 =	vmul.f32 v7, v1  }
0x3b7: {  	[tilespmem:s21+$0xFFFFFFE0] =	vst v0  }
0x3b8: {  	s22 =	simm.s32 $0x1C700;
	[tilespmem:s21+$0xFFFFFFF0] =	vst v1  }
0x3b9: {  	[tilespmem:s22], [sflag:$0x2] =	stream.linear.gather [hbm4b:s16+s3], $0x80, $0x38;
	[tilespmem:$0x1D700] =	vst v63  }
0x3ba: {  	s23 =	simm.s32 $0x1C800;
	s21 =	sadd.s32 $0x20, s16;
	s22 =	sadd.s32 $0x10, s16  }
0x3bb: {  	[tilespmem:s23], [sflag:$0x2] =	stream.linear.gather [hbm4b:s22+s3], $0x80, $0x38;
	[tilespmem:$0x1D700] =	vst v63  }
0x3bc: {  	[smem:$0x74E] =	sst s21;
	s23 =	simm.s32 $0x1C900  }
0x3bd: {  	[tilespmem:s23], [sflag:$0x2] =	stream.linear.gather [hbm4b:s21+s3], $0x80, $0x38;
	[tilespmem:$0x1D700] =	vst v63  }
0x3be: {  	[smem:$0x74D] =	sst s22;
	s21 =	sadd.s32 $0x30, s16;
	s23 =	simm.s32 $0x1CA00  }
0x3bf: {  	[tilespmem:s23], [sflag:$0x2] =	stream.linear.gather [hbm4b:s21+s3], $0x80, $0x38;
	[tilespmem:$0x1D700] =	vst v63  }
0x3c0: {  	[smem:$0x74F] =	sst s21;
	s21 =	sadd.s32 $0x40, s16;
	s23 =	simm.s32 $0x1CB00  }
0x3c1: {  	[tilespmem:s23], [sflag:$0x2] =	stream.linear.gather [hbm4b:s21+s3], $0x80, $0x38;
	[tilespmem:$0x1D700] =	vst v63  }
0x3c2: {  	[smem:$0x750] =	sst s21;
	s21 =	sadd.s32 $0x50, s16;
	s23 =	simm.s32 $0x1CC00  }
0x3c3: {  	[tilespmem:s23], [sflag:$0x2] =	stream.linear.gather [hbm4b:s21+s3], $0x80, $0x38;
	[tilespmem:$0x1D700] =	vst v63  }
0x3c4: {  	[smem:$0x751] =	sst s21;
	s21 =	sadd.s32 $0x60, s16;
	s23 =	simm.s32 $0x1CD00  }
0x3c5: {  	[tilespmem:s23], [sflag:$0x2] =	stream.linear.gather [hbm4b:s21+s3], $0x80, $0x38;
	[tilespmem:$0x1D700] =	vst v63  }
0x3c6: {  	[smem:$0x752] =	sst s21;
	s21 =	sadd.s32 $0x70, s16;
	s23 =	simm.s32 $0x1CE00  }
0x3c7: {  	[tilespmem:s23], [sflag:$0x2] =	stream.linear.gather [hbm4b:s21+s3], $0x80, $0x38;
	[tilespmem:$0x1D700] =	vst v63  }
0x3c8: {  	[smem:$0x753] =	sst s21;
	s21 =	sadd.s32 $0x80, s16;
	s23 =	simm.s32 $0x1CF00  }
0x3c9: {  	[tilespmem:s23], [sflag:$0x2] =	stream.linear.gather [hbm4b:s21+s3], $0x80, $0x38;
	[tilespmem:$0x1D700] =	vst v63  }
0x3ca: {  	[smem:$0x754] =	sst s21;
	s21 =	sadd.s32 $0x90, s16;
	s23 =	simm.s32 $0x1D000  }
0x3cb: {  	[tilespmem:s23], [sflag:$0x2] =	stream.linear.gather [hbm4b:s21+s3], $0x80, $0x38;
	[tilespmem:$0x1D700] =	vst v63  }
0x3cc: {  	[smem:$0x755] =	sst s21;
	s21 =	sadd.s32 $0xA0, s16;
	s23 =	simm.s32 $0x1D100  }
0x3cd: {  	[tilespmem:s23], [sflag:$0x2] =	stream.linear.gather [hbm4b:s21+s3], $0x80, $0x38;
	[tilespmem:$0x1D700] =	vst v63  }
0x3ce: {  	[smem:$0x756] =	sst s21;
	s21 =	sadd.s32 $0xB0, s16;
	s23 =	simm.s32 $0x1D200  }
0x3cf: {  	[tilespmem:s23], [sflag:$0x2] =	stream.linear.gather [hbm4b:s21+s3], $0x80, $0x38;
	[tilespmem:$0x1D700] =	vst v63  }
0x3d0: {  	[smem:$0x757] =	sst s21;
	s21 =	sadd.s32 $0xC0, s16;
	s23 =	simm.s32 $0x1D300  }
0x3d1: {  	[tilespmem:s23], [sflag:$0x2] =	stream.linear.gather [hbm4b:s21+s3], $0x80, $0x38;
	[tilespmem:$0x1D700] =	vst v63  }
0x3d2: {  	[smem:$0x758] =	sst s21;
	s21 =	sadd.s32 $0xD0, s16;
	s23 =	simm.s32 $0x1D400  }
0x3d3: {  	[tilespmem:s23], [sflag:$0x2] =	stream.linear.gather [hbm4b:s21+s3], $0x80, $0x38;
	[tilespmem:$0x1D700] =	vst v63  }
0x3d4: {  	[smem:$0x759] =	sst s21;
	s21 =	sadd.s32 $0xE0, s16;
	s23 =	simm.s32 $0x1D500  }
0x3d5: {  	[tilespmem:s23], [sflag:$0x2] =	stream.linear.gather [hbm4b:s21+s3], $0x80, $0x38;
	[tilespmem:$0x1D700] =	vst v63  }
0x3d6: {  	[smem:$0x75A] =	sst s21;
	s21 =	sadd.s32 $0xF0, s16  }
0x3d7: {  	s23 =	simm.s32 $0x1D600;
	[smem:$0x75B] =	sst s21  }
0x3d8: {  	[tilespmem:s23], [sflag:$0x2] =	stream.linear.gather [hbm4b:s21+s3], $0x80, $0x38;
	[tilespmem:$0x1D700] =	vst v63  }
0x3d9: {  	_ =	swait.ge [sflag:s20], $0x800  }
0x3da: {  	[sflag:s20] =	ssyncset.done $0x0  }
0x3db: {  	s23 =	simm.s32 $0x1C7F0;
	[sflag:s20] =	ssyncadd.s32 $0xFFFFF800  }
0x3dc: {  	v0 =	vld [tilespmem:s23+$0x0]  }
0x3dd: {  	v1 =	vld [tilespmem:s23+$0xFFFFFFA0]  }
0x3de: {  	v2 =	vld [tilespmem:s23+$0xFFFFFFB0]  }
0x3df: {  	v3 =	vld [tilespmem:s23+$0xFFFFFFC0]  }
0x3e0: {  	v5 =	vld [tilespmem:s23+$0xFFFFFFD0]  }
0x3e1: {  	v6 =	vld [tilespmem:s23+$0xFFFFFFE0]  }
0x3e2: {  	v7 =	vld [tilespmem:s23+$0xFFFFFFF0]  }
0x3e3: {  	s21 =	simm.s32 $0x19F70;
	v8 =	vld [tilespmem:s23+$0xFFFFFF90]  }
0x3e4: {  	v11 =	vld [tilespmem:s21+$0x0]  }
0x3e5: {  	v14 =	vld [tilespmem:s21+$0xFFFFFFA0]  }
0x3e6: {  	v9 =	vld [tilespmem:s21+$0xFFFFFFB0]  }
0x3e7: {  	v10 =	vld.idx.msk [tilespmem:v0+s3+$0x0], $0xffff  }
0x3e8: {  	v12 =	vld.idx.msk [tilespmem:v1+s3+$0x0], $0xffff  }
0x3e9: {  	v4 =	vld.idx.msk [tilespmem:v2+s3+$0x0], $0xffff  }
0x3ea: {  	v3 =	vld.idx.msk [tilespmem:v3+s3+$0x0], $0xffff  }
0x3eb: {  	v13 =	vld.idx.msk [tilespmem:v8+s3+$0x0], $0xffff  }
0x3ec: {  	v1 =	vld.idx.msk [tilespmem:v7+s3+$0x0], $0xffff  }
0x3ed: {  	v7 =	vld [tilespmem:s21+$0xFFFFFF90]  }
0x3ee: {  	v2 =	vld.idx.msk [tilespmem:v5+s3+$0x0], $0xffff  }
0x3ef: {  	v0 =	vld.idx.msk [tilespmem:v6+s3+$0x0], $0xffff  }
0x3f0: {  	v8 =	vld [tilespmem:s21+$0xFFFFFFC0]  }
0x3f1: {  	v6 =	vld [tilespmem:s21+$0xFFFFFFD0];
	v10 =	vmul.f32 v11, v10  }
0x3f2: {  	v5 =	vld [tilespmem:s21+$0xFFFFFFE0];
	v11 =	vmul.f32 v7, v13  }
0x3f3: {  	s22 =	simm.s32 $0x0;
	s23 =	simm.s32 $0x1C8F0;
	v7 =	vld [tilespmem:s21+$0xFFFFFFF0];
	[tilespmem:s21+$0x0] =	vst v10;
	v10 =	vmul.f32 v14, v12  }
.LBB2_24:
0x3f4: {  	v12 =	vld [tilespmem:s23+$0x0];
	s22 =	sadd.s32 $0x8, s22;
	[tilespmem:s21+$0xFFFFFF90] =	vst v11;
	v4 =	vmul.f32 v9, v4  }
0x3f5: {  	v9 =	vld [tilespmem:s23+$0xFFFFFFA0];
	p0 =	slt.u32 s22, $0x78;
	[tilespmem:s21+$0xFFFFFFA0] =	vst v10;
	v3 =	vmul.f32 v8, v3  }
0x3f6: {  	v8 =	vld [tilespmem:s23+$0xFFFFFFB0];
	[tilespmem:s21+$0xFFFFFFB0] =	vst v4;
	v2 =	vmul.f32 v6, v2  }
0x3f7: {  	v6 =	vld [tilespmem:s23+$0xFFFFFFC0];
	[tilespmem:s21+$0xFFFFFFC0] =	vst v3;
	v0 =	vmul.f32 v5, v0  }
0x3f8: {  	v5 =	vld [tilespmem:s23+$0xFFFFFFD0];
	[tilespmem:s21+$0xFFFFFFD0] =	vst v2;
	v1 =	vmul.f32 v7, v1  }
0x3f9: {  	v7 =	vld [tilespmem:s23+$0xFFFFFFE0];
	[tilespmem:s21+$0xFFFFFFE0] =	vst v0  }
0x3fa: {  	v10 =	vld [tilespmem:s23+$0xFFFFFFF0];
	[tilespmem:s21+$0xFFFFFFF0] =	vst v1  }
0x3fb: {  	v1 =	vld [tilespmem:s23+$0xFFFFFF90]  }
0x3fc: {  	s21 =	sadd.s32 $0x80, s21;
	v11 =	vld.idx.msk [tilespmem:v12+s3+$0x0], $0xffff  }
0x3fd: {  	v12 =	vld [tilespmem:s21+$0x0]  }
0x3fe: {  	v13 =	vld.idx.msk [tilespmem:v9+s3+$0x0], $0xffff  }
0x3ff: {  	v4 =	vld.idx.msk [tilespmem:v8+s3+$0x0], $0xffff  }
0x400: {  	v3 =	vld.idx.msk [tilespmem:v6+s3+$0x0], $0xffff  }
0x401: {  	v2 =	vld.idx.msk [tilespmem:v5+s3+$0x0], $0xffff  }
0x402: {  	v0 =	vld.idx.msk [tilespmem:v7+s3+$0x0], $0xffff;
	v5 =	vmul.f32 v12, v11  }
0x403: {  	v7 =	vld.idx.msk [tilespmem:v1+s3+$0x0], $0xffff  }
0x404: {  	v1 =	vld.idx.msk [tilespmem:v10+s3+$0x0], $0xffff;
	[tilespmem:s21+$0x0] =	vst v5  }
0x405: {  	v5 =	vld [tilespmem:s21+$0xFFFFFF90]  }
0x406: {  	v10 =	vld [tilespmem:s21+$0xFFFFFFA0]  }
.Ltmp11:
0x407: {  	v9 =	vld [tilespmem:s21+$0xFFFFFFB0];
	(pc) =	sbr.rel @p0 .LBB2_24-.Ltmp11, $4  }
0x408: {  	v8 =	vld [tilespmem:s21+$0xFFFFFFC0]  }
0x409: {  	v6 =	vld [tilespmem:s21+$0xFFFFFFD0]  }
0x40a: {  	v11 =	vmul.f32 v5, v7;
	v5 =	vld [tilespmem:s21+$0xFFFFFFE0]  }
0x40b: {  	s23 =	sadd.s32 $0x100, s23;
	v10 =	vmul.f32 v10, v13;
	v7 =	vld [tilespmem:s21+$0xFFFFFFF0]  }
0x40c: {  	[tilespmem:s21+$0xFFFFFF90] =	vst v11;
	v4 =	vmul.f32 v9, v4  }
0x40d: {  	[tilespmem:s21+$0xFFFFFFA0] =	vst v10;
	v3 =	vmul.f32 v8, v3  }
0x40e: {  	[tilespmem:s21+$0xFFFFFFB0] =	vst v4;
	v2 =	vmul.f32 v6, v2  }
0x40f: {  	[tilespmem:s21+$0xFFFFFFC0] =	vst v3;
	v0 =	vmul.f32 v5, v0  }
0x410: {  	[tilespmem:s21+$0xFFFFFFD0] =	vst v2;
	v1 =	vmul.f32 v7, v1  }
0x411: {  	[tilespmem:s21+$0xFFFFFFE0] =	vst v0  }
0x412: {  	s22 =	simm.s32 $0x1C780;
	[tilespmem:s21+$0xFFFFFFF0] =	vst v1;
	s21 =	sadd.s32 $0x20, s17  }
0x413: {  	[tilespmem:s22], [sflag:$0x3] =	stream.linear.gather [hbm4b:s17+s3], $0x80, $0x38;
	[tilespmem:$0x1D700] =	vst v63  }
0x414: {  	s23 =	simm.s32 $0x1C880;
	s22 =	sadd.s32 $0x10, s17;
	[smem:$0x73F] =	sst s21  }
0x415: {  	[tilespmem:s23], [sflag:$0x3] =	stream.linear.gather [hbm4b:s22+s3], $0x80, $0x38;
	[tilespmem:$0x1D700] =	vst v63  }
0x416: {  	[smem:$0x73E] =	sst s22;
	s23 =	simm.s32 $0x1C980;
	s22 =	sadd.s32 $0x50, s17  }
0x417: {  	[tilespmem:s23], [sflag:$0x3] =	stream.linear.gather [hbm4b:s21+s3], $0x80, $0x38;
	[tilespmem:$0x1D700] =	vst v63  }
0x418: {  	[smem:$0x742] =	sst s22;
	s21 =	sadd.s32 $0x30, s17;
	s23 =	simm.s32 $0x1CA80  }
0x419: {  	[tilespmem:s23], [sflag:$0x3] =	stream.linear.gather [hbm4b:s21+s3], $0x80, $0x38;
	[tilespmem:$0x1D700] =	vst v63  }
0x41a: {  	[smem:$0x740] =	sst s21;
	s21 =	sadd.s32 $0x40, s17;
	s23 =	simm.s32 $0x1CB80  }
0x41b: {  	[tilespmem:s23], [sflag:$0x3] =	stream.linear.gather [hbm4b:s21+s3], $0x80, $0x38;
	[tilespmem:$0x1D700] =	vst v63  }
0x41c: {  	[smem:$0x741] =	sst s21;
	s23 =	sadd.s32 $0x60, s17  }
0x41d: {  	[tilespmem:s24], [sflag:$0x3] =	stream.linear.gather [hbm4b:s22+s3], $0x80, $0x38;
	[tilespmem:$0x1D700] =	vst v63  }
0x41e: {  	[smem:$0x743] =	sst s23;
	s22 =	sadd.s32 $0x70, s17  }
0x41f: {  	[tilespmem:s25], [sflag:$0x3] =	stream.linear.gather [hbm4b:s23+s3], $0x80, $0x38;
	[tilespmem:$0x1D700] =	vst v63  }
0x420: {  	[smem:$0x744] =	sst s22;
	s23 =	sadd.s32 $0x80, s17  }
0x421: {  	[tilespmem:s26], [sflag:$0x3] =	stream.linear.gather [hbm4b:s22+s3], $0x80, $0x38;
	[tilespmem:$0x1D700] =	vst v63  }
0x422: {  	[smem:$0x745] =	sst s23;
	s22 =	sadd.s32 $0x90, s17  }
0x423: {  	[tilespmem:s28], [sflag:$0x3] =	stream.linear.gather [hbm4b:s23+s3], $0x80, $0x38;
	[tilespmem:$0x1D700] =	vst v63  }
0x424: {  	[smem:$0x746] =	sst s22;
	s23 =	sadd.s32 $0xA0, s17  }
0x425: {  	[tilespmem:s29], [sflag:$0x3] =	stream.linear.gather [hbm4b:s22+s3], $0x80, $0x38;
	[tilespmem:$0x1D700] =	vst v63  }
0x426: {  	[smem:$0x747] =	sst s23;
	s22 =	sadd.s32 $0xB0, s17  }
0x427: {  	[tilespmem:s30], [sflag:$0x3] =	stream.linear.gather [hbm4b:s23+s3], $0x80, $0x38;
	[tilespmem:$0x1D700] =	vst v63  }
0x428: {  	[smem:$0x748] =	sst s22;
	s23 =	sadd.s32 $0xC0, s17  }
0x429: {  	[tilespmem:s31], [sflag:$0x3] =	stream.linear.gather [hbm4b:s22+s3], $0x80, $0x38;
	[tilespmem:$0x1D700] =	vst v63  }
0x42a: {  	[smem:$0x749] =	sst s23;
	s22 =	sadd.s32 $0xD0, s17  }
0x42b: {  	[tilespmem:s0], [sflag:$0x3] =	stream.linear.gather [hbm4b:s23+s3], $0x80, $0x38;
	[tilespmem:$0x1D700] =	vst v63  }
0x42c: {  	[smem:$0x74A] =	sst s22;
	s23 =	sadd.s32 $0xE0, s17  }
0x42d: {  	[tilespmem:s2], [sflag:$0x3] =	stream.linear.gather [hbm4b:s22+s3], $0x80, $0x38;
	[tilespmem:$0x1D700] =	vst v63  }
0x42e: {  	[smem:$0x74B] =	sst s23;
	s22 =	sadd.s32 $0xF0, s17  }
0x42f: {  	[tilespmem:s5], [sflag:$0x3] =	stream.linear.gather [hbm4b:s23+s3], $0x80, $0x38;
	[tilespmem:$0x1D700] =	vst v63  }
0x430: {  	[smem:$0x74C] =	sst s22  }
0x431: {  	[tilespmem:s4], [sflag:$0x3] =	stream.linear.gather [hbm4b:s22+s3], $0x80, $0x38;
	[tilespmem:$0x1D700] =	vst v63  }
0x432: {  	_ =	swait.ge [sflag:s19], $0x800  }
0x433: {  	[sflag:s19] =	ssyncset.done $0x0  }
0x434: {  	s23 =	simm.s32 $0x1C740;
	[sflag:s19] =	ssyncadd.s32 $0xFFFFF800  }
0x435: {  	v0 =	vld [tilespmem:s23+$0x30]  }
0x436: {  	v1 =	vld [tilespmem:s23+$0xFFFFFFD0]  }
0x437: {  	v2 =	vld [tilespmem:s23+$0xFFFFFFE0]  }
0x438: {  	v3 =	vld [tilespmem:s23+$0xFFFFFFF0]  }
0x439: {  	v5 =	vld [tilespmem:s23+$0x0]  }
0x43a: {  	v6 =	vld [tilespmem:s23+$0x10]  }
0x43b: {  	v7 =	vld [tilespmem:s23+$0x20]  }
0x43c: {  	s21 =	simm.s32 $0x1A770;
	v8 =	vld [tilespmem:s23+$0xFFFFFFC0]  }
0x43d: {  	v11 =	vld [tilespmem:s21+$0x0]  }
0x43e: {  	v14 =	vld [tilespmem:s21+$0xFFFFFFA0]  }
0x43f: {  	v9 =	vld [tilespmem:s21+$0xFFFFFFB0]  }
0x440: {  	v10 =	vld.idx.msk [tilespmem:v0+s3+$0x0], $0xffff  }
0x441: {  	v12 =	vld.idx.msk [tilespmem:v1+s3+$0x0], $0xffff  }
0x442: {  	v4 =	vld.idx.msk [tilespmem:v2+s3+$0x0], $0xffff  }
0x443: {  	v3 =	vld.idx.msk [tilespmem:v3+s3+$0x0], $0xffff  }
0x444: {  	v13 =	vld.idx.msk [tilespmem:v8+s3+$0x0], $0xffff  }
0x445: {  	v1 =	vld.idx.msk [tilespmem:v7+s3+$0x0], $0xffff  }
0x446: {  	v7 =	vld [tilespmem:s21+$0xFFFFFF90]  }
0x447: {  	v2 =	vld.idx.msk [tilespmem:v5+s3+$0x0], $0xffff  }
0x448: {  	v0 =	vld.idx.msk [tilespmem:v6+s3+$0x0], $0xffff  }
0x449: {  	v8 =	vld [tilespmem:s21+$0xFFFFFFC0]  }
0x44a: {  	v6 =	vld [tilespmem:s21+$0xFFFFFFD0];
	v10 =	vmul.f32 v11, v10  }
0x44b: {  	v5 =	vld [tilespmem:s21+$0xFFFFFFE0];
	v11 =	vmul.f32 v7, v13  }
0x44c: {  	s22 =	simm.s32 $0x0;
	s23 =	simm.s32 $0x1C840;
	v7 =	vld [tilespmem:s21+$0xFFFFFFF0];
	[tilespmem:s21+$0x0] =	vst v10;
	v10 =	vmul.f32 v14, v12  }
.LBB2_26:
0x44d: {  	v12 =	vld [tilespmem:s23+$0x30];
	s22 =	sadd.s32 $0x8, s22;
	[tilespmem:s21+$0xFFFFFF90] =	vst v11;
	v4 =	vmul.f32 v9, v4  }
0x44e: {  	v9 =	vld [tilespmem:s23+$0xFFFFFFD0];
	p0 =	slt.u32 s22, $0x78;
	[tilespmem:s21+$0xFFFFFFA0] =	vst v10;
	v3 =	vmul.f32 v8, v3  }
0x44f: {  	v8 =	vld [tilespmem:s23+$0xFFFFFFE0];
	[tilespmem:s21+$0xFFFFFFB0] =	vst v4;
	v2 =	vmul.f32 v6, v2  }
0x450: {  	v6 =	vld [tilespmem:s23+$0xFFFFFFF0];
	[tilespmem:s21+$0xFFFFFFC0] =	vst v3;
	v0 =	vmul.f32 v5, v0  }
0x451: {  	v5 =	vld [tilespmem:s23+$0x0];
	[tilespmem:s21+$0xFFFFFFD0] =	vst v2;
	v1 =	vmul.f32 v7, v1  }
0x452: {  	v7 =	vld [tilespmem:s23+$0x10];
	[tilespmem:s21+$0xFFFFFFE0] =	vst v0  }
0x453: {  	v10 =	vld [tilespmem:s23+$0x20];
	[tilespmem:s21+$0xFFFFFFF0] =	vst v1  }
0x454: {  	v1 =	vld [tilespmem:s23+$0xFFFFFFC0]  }
0x455: {  	s21 =	sadd.s32 $0x80, s21;
	v11 =	vld.idx.msk [tilespmem:v12+s3+$0x0], $0xffff  }
0x456: {  	v12 =	vld [tilespmem:s21+$0x0]  }
0x457: {  	v13 =	vld.idx.msk [tilespmem:v9+s3+$0x0], $0xffff  }
0x458: {  	v4 =	vld.idx.msk [tilespmem:v8+s3+$0x0], $0xffff  }
0x459: {  	v3 =	vld.idx.msk [tilespmem:v6+s3+$0x0], $0xffff  }
0x45a: {  	v2 =	vld.idx.msk [tilespmem:v5+s3+$0x0], $0xffff  }
0x45b: {  	v0 =	vld.idx.msk [tilespmem:v7+s3+$0x0], $0xffff;
	v5 =	vmul.f32 v12, v11  }
0x45c: {  	v7 =	vld.idx.msk [tilespmem:v1+s3+$0x0], $0xffff  }
0x45d: {  	v1 =	vld.idx.msk [tilespmem:v10+s3+$0x0], $0xffff;
	[tilespmem:s21+$0x0] =	vst v5  }
0x45e: {  	v5 =	vld [tilespmem:s21+$0xFFFFFF90]  }
0x45f: {  	v10 =	vld [tilespmem:s21+$0xFFFFFFA0]  }
.Ltmp12:
0x460: {  	v9 =	vld [tilespmem:s21+$0xFFFFFFB0];
	(pc) =	sbr.rel @p0 .LBB2_26-.Ltmp12, $4  }
0x461: {  	v8 =	vld [tilespmem:s21+$0xFFFFFFC0]  }
0x462: {  	v6 =	vld [tilespmem:s21+$0xFFFFFFD0]  }
0x463: {  	v11 =	vmul.f32 v5, v7;
	v5 =	vld [tilespmem:s21+$0xFFFFFFE0]  }
0x464: {  	s23 =	sadd.s32 $0x100, s23;
	v10 =	vmul.f32 v10, v13;
	v7 =	vld [tilespmem:s21+$0xFFFFFFF0]  }
0x465: {  	[tilespmem:s21+$0xFFFFFF90] =	vst v11;
	v4 =	vmul.f32 v9, v4  }
0x466: {  	[tilespmem:s21+$0xFFFFFFA0] =	vst v10;
	v3 =	vmul.f32 v8, v3  }
0x467: {  	[tilespmem:s21+$0xFFFFFFB0] =	vst v4;
	v2 =	vmul.f32 v6, v2  }
0x468: {  	[tilespmem:s21+$0xFFFFFFC0] =	vst v3;
	v0 =	vmul.f32 v5, v0  }
0x469: {  	[tilespmem:s21+$0xFFFFFFD0] =	vst v2;
	v1 =	vmul.f32 v7, v1  }
0x46a: {  	[tilespmem:s21+$0xFFFFFFE0] =	vst v0  }
0x46b: {  	s22 =	simm.s32 $0x1C700;
	[tilespmem:s21+$0xFFFFFFF0] =	vst v1  }
0x46c: {  	[tilespmem:s22], [sflag:$0x2] =	stream.linear.gather [hbm4b:s18+s3], $0x80, $0x38;
	[tilespmem:$0x1D700] =	vst v63  }
0x46d: {  	s23 =	simm.s32 $0x1C800;
	s21 =	sadd.s32 $0x20, s18;
	s22 =	sadd.s32 $0x10, s18  }
0x46e: {  	[tilespmem:s23], [sflag:$0x2] =	stream.linear.gather [hbm4b:s22+s3], $0x80, $0x38;
	[tilespmem:$0x1D700] =	vst v63  }
0x46f: {  	[smem:$0x730] =	sst s21;
	s23 =	simm.s32 $0x1C900  }
0x470: {  	[tilespmem:s23], [sflag:$0x2] =	stream.linear.gather [hbm4b:s21+s3], $0x80, $0x38;
	[tilespmem:$0x1D700] =	vst v63  }
0x471: {  	[smem:$0x72F] =	sst s22;
	s21 =	sadd.s32 $0x30, s18;
	s23 =	simm.s32 $0x1CA00  }
0x472: {  	[tilespmem:s23], [sflag:$0x2] =	stream.linear.gather [hbm4b:s21+s3], $0x80, $0x38;
	[tilespmem:$0x1D700] =	vst v63  }
0x473: {  	[smem:$0x731] =	sst s21;
	s21 =	sadd.s32 $0x40, s18;
	s23 =	simm.s32 $0x1CB00  }
0x474: {  	[tilespmem:s23], [sflag:$0x2] =	stream.linear.gather [hbm4b:s21+s3], $0x80, $0x38;
	[tilespmem:$0x1D700] =	vst v63  }
0x475: {  	[smem:$0x732] =	sst s21;
	s21 =	sadd.s32 $0x50, s18;
	s23 =	simm.s32 $0x1CC00  }
0x476: {  	[tilespmem:s23], [sflag:$0x2] =	stream.linear.gather [hbm4b:s21+s3], $0x80, $0x38;
	[tilespmem:$0x1D700] =	vst v63  }
0x477: {  	[smem:$0x733] =	sst s21;
	s21 =	sadd.s32 $0x60, s18;
	s23 =	simm.s32 $0x1CD00  }
0x478: {  	[tilespmem:s23], [sflag:$0x2] =	stream.linear.gather [hbm4b:s21+s3], $0x80, $0x38;
	[tilespmem:$0x1D700] =	vst v63  }
0x479: {  	[smem:$0x734] =	sst s21;
	s21 =	sadd.s32 $0x70, s18;
	s23 =	simm.s32 $0x1CE00  }
0x47a: {  	[tilespmem:s23], [sflag:$0x2] =	stream.linear.gather [hbm4b:s21+s3], $0x80, $0x38;
	[tilespmem:$0x1D700] =	vst v63  }
0x47b: {  	[smem:$0x735] =	sst s21;
	s21 =	sadd.s32 $0x80, s18;
	s23 =	simm.s32 $0x1CF00  }
0x47c: {  	[tilespmem:s23], [sflag:$0x2] =	stream.linear.gather [hbm4b:s21+s3], $0x80, $0x38;
	[tilespmem:$0x1D700] =	vst v63  }
0x47d: {  	[smem:$0x736] =	sst s21;
	s21 =	sadd.s32 $0x90, s18;
	s23 =	simm.s32 $0x1D000  }
0x47e: {  	[tilespmem:s23], [sflag:$0x2] =	stream.linear.gather [hbm4b:s21+s3], $0x80, $0x38;
	[tilespmem:$0x1D700] =	vst v63  }
0x47f: {  	[smem:$0x737] =	sst s21;
	s21 =	sadd.s32 $0xA0, s18;
	s23 =	simm.s32 $0x1D100  }
0x480: {  	[tilespmem:s23], [sflag:$0x2] =	stream.linear.gather [hbm4b:s21+s3], $0x80, $0x38;
	[tilespmem:$0x1D700] =	vst v63  }
0x481: {  	[smem:$0x738] =	sst s21;
	s21 =	sadd.s32 $0xB0, s18;
	s23 =	simm.s32 $0x1D200  }
0x482: {  	[tilespmem:s23], [sflag:$0x2] =	stream.linear.gather [hbm4b:s21+s3], $0x80, $0x38;
	[tilespmem:$0x1D700] =	vst v63  }
0x483: {  	[smem:$0x739] =	sst s21;
	s21 =	sadd.s32 $0xC0, s18;
	s23 =	simm.s32 $0x1D300  }
0x484: {  	[tilespmem:s23], [sflag:$0x2] =	stream.linear.gather [hbm4b:s21+s3], $0x80, $0x38;
	[tilespmem:$0x1D700] =	vst v63  }
0x485: {  	[smem:$0x73A] =	sst s21;
	s21 =	sadd.s32 $0xD0, s18;
	s23 =	simm.s32 $0x1D400  }
0x486: {  	[tilespmem:s23], [sflag:$0x2] =	stream.linear.gather [hbm4b:s21+s3], $0x80, $0x38;
	[tilespmem:$0x1D700] =	vst v63  }
0x487: {  	[smem:$0x73B] =	sst s21;
	s21 =	sadd.s32 $0xE0, s18;
	s23 =	simm.s32 $0x1D500  }
0x488: {  	[tilespmem:s23], [sflag:$0x2] =	stream.linear.gather [hbm4b:s21+s3], $0x80, $0x38;
	[tilespmem:$0x1D700] =	vst v63  }
0x489: {  	[smem:$0x73C] =	sst s21;
	s21 =	sadd.s32 $0xF0, s18  }
0x48a: {  	s23 =	simm.s32 $0x1D600;
	[smem:$0x73D] =	sst s21  }
0x48b: {  	[tilespmem:s23], [sflag:$0x2] =	stream.linear.gather [hbm4b:s21+s3], $0x80, $0x38;
	[tilespmem:$0x1D700] =	vst v63  }
0x48c: {  	_ =	swait.ge [sflag:s20], $0x800  }
0x48d: {  	[sflag:s20] =	ssyncset.done $0x0  }
0x48e: {  	s23 =	simm.s32 $0x1C7F0;
	[sflag:s20] =	ssyncadd.s32 $0xFFFFF800  }
0x48f: {  	v0 =	vld [tilespmem:s23+$0x0]  }
0x490: {  	v1 =	vld [tilespmem:s23+$0xFFFFFFA0]  }
0x491: {  	v2 =	vld [tilespmem:s23+$0xFFFFFFB0]  }
0x492: {  	v3 =	vld [tilespmem:s23+$0xFFFFFFC0]  }
0x493: {  	v5 =	vld [tilespmem:s23+$0xFFFFFFD0]  }
0x494: {  	v6 =	vld [tilespmem:s23+$0xFFFFFFE0]  }
0x495: {  	v7 =	vld [tilespmem:s23+$0xFFFFFFF0]  }
0x496: {  	s21 =	simm.s32 $0x1AF70;
	v8 =	vld [tilespmem:s23+$0xFFFFFF90]  }
0x497: {  	v11 =	vld [tilespmem:s21+$0x0]  }
0x498: {  	v14 =	vld [tilespmem:s21+$0xFFFFFFA0]  }
0x499: {  	v9 =	vld [tilespmem:s21+$0xFFFFFFB0]  }
0x49a: {  	v10 =	vld.idx.msk [tilespmem:v0+s3+$0x0], $0xffff  }
0x49b: {  	v12 =	vld.idx.msk [tilespmem:v1+s3+$0x0], $0xffff  }
0x49c: {  	v4 =	vld.idx.msk [tilespmem:v2+s3+$0x0], $0xffff  }
0x49d: {  	v3 =	vld.idx.msk [tilespmem:v3+s3+$0x0], $0xffff  }
0x49e: {  	v13 =	vld.idx.msk [tilespmem:v8+s3+$0x0], $0xffff  }
0x49f: {  	v1 =	vld.idx.msk [tilespmem:v7+s3+$0x0], $0xffff  }
0x4a0: {  	v7 =	vld [tilespmem:s21+$0xFFFFFF90]  }
0x4a1: {  	v2 =	vld.idx.msk [tilespmem:v5+s3+$0x0], $0xffff  }
0x4a2: {  	v0 =	vld.idx.msk [tilespmem:v6+s3+$0x0], $0xffff  }
0x4a3: {  	v8 =	vld [tilespmem:s21+$0xFFFFFFC0]  }
0x4a4: {  	v6 =	vld [tilespmem:s21+$0xFFFFFFD0];
	v10 =	vmul.f32 v11, v10  }
0x4a5: {  	v5 =	vld [tilespmem:s21+$0xFFFFFFE0];
	v11 =	vmul.f32 v7, v13  }
0x4a6: {  	s22 =	simm.s32 $0x0;
	s23 =	simm.s32 $0x1C8F0;
	v7 =	vld [tilespmem:s21+$0xFFFFFFF0];
	[tilespmem:s21+$0x0] =	vst v10;
	v10 =	vmul.f32 v14, v12  }
.LBB2_28:
0x4a7: {  	v12 =	vld [tilespmem:s23+$0x0];
	s22 =	sadd.s32 $0x8, s22;
	[tilespmem:s21+$0xFFFFFF90] =	vst v11;
	v4 =	vmul.f32 v9, v4  }
0x4a8: {  	v9 =	vld [tilespmem:s23+$0xFFFFFFA0];
	p0 =	slt.u32 s22, $0x78;
	[tilespmem:s21+$0xFFFFFFA0] =	vst v10;
	v3 =	vmul.f32 v8, v3  }
0x4a9: {  	v8 =	vld [tilespmem:s23+$0xFFFFFFB0];
	[tilespmem:s21+$0xFFFFFFB0] =	vst v4;
	v2 =	vmul.f32 v6, v2  }
0x4aa: {  	v6 =	vld [tilespmem:s23+$0xFFFFFFC0];
	[tilespmem:s21+$0xFFFFFFC0] =	vst v3;
	v0 =	vmul.f32 v5, v0  }
0x4ab: {  	v5 =	vld [tilespmem:s23+$0xFFFFFFD0];
	[tilespmem:s21+$0xFFFFFFD0] =	vst v2;
	v1 =	vmul.f32 v7, v1  }
0x4ac: {  	v7 =	vld [tilespmem:s23+$0xFFFFFFE0];
	[tilespmem:s21+$0xFFFFFFE0] =	vst v0  }
0x4ad: {  	v10 =	vld [tilespmem:s23+$0xFFFFFFF0];
	[tilespmem:s21+$0xFFFFFFF0] =	vst v1  }
0x4ae: {  	v1 =	vld [tilespmem:s23+$0xFFFFFF90]  }
0x4af: {  	s21 =	sadd.s32 $0x80, s21;
	v11 =	vld.idx.msk [tilespmem:v12+s3+$0x0], $0xffff  }
0x4b0: {  	v12 =	vld [tilespmem:s21+$0x0]  }
0x4b1: {  	v13 =	vld.idx.msk [tilespmem:v9+s3+$0x0], $0xffff  }
0x4b2: {  	v4 =	vld.idx.msk [tilespmem:v8+s3+$0x0], $0xffff  }
0x4b3: {  	v3 =	vld.idx.msk [tilespmem:v6+s3+$0x0], $0xffff  }
0x4b4: {  	v2 =	vld.idx.msk [tilespmem:v5+s3+$0x0], $0xffff  }
0x4b5: {  	v0 =	vld.idx.msk [tilespmem:v7+s3+$0x0], $0xffff;
	v5 =	vmul.f32 v12, v11  }
0x4b6: {  	v7 =	vld.idx.msk [tilespmem:v1+s3+$0x0], $0xffff  }
0x4b7: {  	v1 =	vld.idx.msk [tilespmem:v10+s3+$0x0], $0xffff;
	[tilespmem:s21+$0x0] =	vst v5  }
0x4b8: {  	v5 =	vld [tilespmem:s21+$0xFFFFFF90]  }
0x4b9: {  	v10 =	vld [tilespmem:s21+$0xFFFFFFA0]  }
.Ltmp13:
0x4ba: {  	v9 =	vld [tilespmem:s21+$0xFFFFFFB0];
	(pc) =	sbr.rel @p0 .LBB2_28-.Ltmp13, $4  }
0x4bb: {  	v8 =	vld [tilespmem:s21+$0xFFFFFFC0]  }
0x4bc: {  	v6 =	vld [tilespmem:s21+$0xFFFFFFD0]  }
0x4bd: {  	v11 =	vmul.f32 v5, v7;
	v5 =	vld [tilespmem:s21+$0xFFFFFFE0]  }
0x4be: {  	s23 =	sadd.s32 $0x100, s23;
	v10 =	vmul.f32 v10, v13;
	v7 =	vld [tilespmem:s21+$0xFFFFFFF0]  }
0x4bf: {  	[tilespmem:s21+$0xFFFFFF90] =	vst v11;
	v4 =	vmul.f32 v9, v4  }
0x4c0: {  	[tilespmem:s21+$0xFFFFFFA0] =	vst v10;
	v3 =	vmul.f32 v8, v3  }
0x4c1: {  	[tilespmem:s21+$0xFFFFFFB0] =	vst v4;
	v2 =	vmul.f32 v6, v2  }
0x4c2: {  	[tilespmem:s21+$0xFFFFFFC0] =	vst v3;
	v0 =	vmul.f32 v5, v0  }
0x4c3: {  	[tilespmem:s21+$0xFFFFFFD0] =	vst v2;
	v1 =	vmul.f32 v7, v1  }
0x4c4: {  	[tilespmem:s21+$0xFFFFFFE0] =	vst v0  }
0x4c5: {  	s22 =	simm.s32 $0x1C780;
	[tilespmem:s21+$0xFFFFFFF0] =	vst v1;
	s21 =	sadd.s32 $0x20, s1  }
0x4c6: {  	[tilespmem:s22], [sflag:$0x3] =	stream.linear.gather [hbm4b:s1+s3], $0x80, $0x38;
	[tilespmem:$0x1D700] =	vst v63  }
0x4c7: {  	s23 =	simm.s32 $0x1C880;
	s22 =	sadd.s32 $0x10, s1;
	[smem:$0x721] =	sst s21  }
0x4c8: {  	[tilespmem:s23], [sflag:$0x3] =	stream.linear.gather [hbm4b:s22+s3], $0x80, $0x38;
	[tilespmem:$0x1D700] =	vst v63  }
0x4c9: {  	[smem:$0x720] =	sst s22;
	s23 =	simm.s32 $0x1C980;
	s22 =	sadd.s32 $0x50, s1  }
0x4ca: {  	[tilespmem:s23], [sflag:$0x3] =	stream.linear.gather [hbm4b:s21+s3], $0x80, $0x38;
	[tilespmem:$0x1D700] =	vst v63  }
0x4cb: {  	[smem:$0x724] =	sst s22;
	s21 =	sadd.s32 $0x30, s1;
	s23 =	simm.s32 $0x1CA80  }
0x4cc: {  	[tilespmem:s23], [sflag:$0x3] =	stream.linear.gather [hbm4b:s21+s3], $0x80, $0x38;
	[tilespmem:$0x1D700] =	vst v63  }
0x4cd: {  	[smem:$0x722] =	sst s21;
	s21 =	sadd.s32 $0x40, s1;
	s23 =	simm.s32 $0x1CB80  }
0x4ce: {  	[tilespmem:s23], [sflag:$0x3] =	stream.linear.gather [hbm4b:s21+s3], $0x80, $0x38;
	[tilespmem:$0x1D700] =	vst v63  }
0x4cf: {  	[smem:$0x723] =	sst s21;
	s23 =	sadd.s32 $0x60, s1  }
0x4d0: {  	[tilespmem:s24], [sflag:$0x3] =	stream.linear.gather [hbm4b:s22+s3], $0x80, $0x38;
	[tilespmem:$0x1D700] =	vst v63  }
0x4d1: {  	[smem:$0x725] =	sst s23;
	s24 =	sadd.s32 $0x70, s1  }
0x4d2: {  	[tilespmem:s25], [sflag:$0x3] =	stream.linear.gather [hbm4b:s23+s3], $0x80, $0x38;
	[tilespmem:$0x1D700] =	vst v63  }
0x4d3: {  	s22 =	sadd.s32 $0x80, s1;
	[smem:$0x726] =	sst s24  }
0x4d4: {  	[tilespmem:s26], [sflag:$0x3] =	stream.linear.gather [hbm4b:s24+s3], $0x80, $0x38;
	[tilespmem:$0x1D700] =	vst v63  }
0x4d5: {  	[smem:$0x727] =	sst s22;
	s23 =	sadd.s32 $0x90, s1  }
0x4d6: {  	[tilespmem:s28], [sflag:$0x3] =	stream.linear.gather [hbm4b:s22+s3], $0x80, $0x38;
	[tilespmem:$0x1D700] =	vst v63  }
0x4d7: {  	[smem:$0x728] =	sst s23;
	s24 =	sadd.s32 $0xA0, s1  }
0x4d8: {  	[tilespmem:s29], [sflag:$0x3] =	stream.linear.gather [hbm4b:s23+s3], $0x80, $0x38;
	[tilespmem:$0x1D700] =	vst v63  }
0x4d9: {  	[smem:$0x729] =	sst s24;
	s22 =	sadd.s32 $0xB0, s1  }
0x4da: {  	[tilespmem:s30], [sflag:$0x3] =	stream.linear.gather [hbm4b:s24+s3], $0x80, $0x38;
	[tilespmem:$0x1D700] =	vst v63  }
0x4db: {  	[smem:$0x72A] =	sst s22;
	s23 =	sadd.s32 $0xC0, s1  }
0x4dc: {  	[tilespmem:s31], [sflag:$0x3] =	stream.linear.gather [hbm4b:s22+s3], $0x80, $0x38;
	[tilespmem:$0x1D700] =	vst v63  }
0x4dd: {  	[smem:$0x72B] =	sst s23;
	s24 =	sadd.s32 $0xD0, s1  }
0x4de: {  	[tilespmem:s0], [sflag:$0x3] =	stream.linear.gather [hbm4b:s23+s3], $0x80, $0x38;
	[tilespmem:$0x1D700] =	vst v63  }
0x4df: {  	[smem:$0x72C] =	sst s24;
	s22 =	sadd.s32 $0xE0, s1  }
0x4e0: {  	[tilespmem:s2], [sflag:$0x3] =	stream.linear.gather [hbm4b:s24+s3], $0x80, $0x38;
	[tilespmem:$0x1D700] =	vst v63  }
0x4e1: {  	[smem:$0x72D] =	sst s22;
	s23 =	sadd.s32 $0xF0, s1  }
0x4e2: {  	[tilespmem:s5], [sflag:$0x3] =	stream.linear.gather [hbm4b:s22+s3], $0x80, $0x38;
	[tilespmem:$0x1D700] =	vst v63  }
0x4e3: {  	[smem:$0x72E] =	sst s23  }
0x4e4: {  	[tilespmem:s4], [sflag:$0x3] =	stream.linear.gather [hbm4b:s23+s3], $0x80, $0x38;
	[tilespmem:$0x1D700] =	vst v63  }
0x4e5: {  	_ =	swait.ge [sflag:s19], $0x800  }
0x4e6: {  	[sflag:s19] =	ssyncset.done $0x0  }
0x4e7: {  	s24 =	simm.s32 $0x1C740;
	[sflag:s19] =	ssyncadd.s32 $0xFFFFF800  }
0x4e8: {  	v0 =	vld [tilespmem:s24+$0x30]  }
0x4e9: {  	v1 =	vld [tilespmem:s24+$0xFFFFFFD0]  }
0x4ea: {  	v2 =	vld [tilespmem:s24+$0xFFFFFFE0]  }
0x4eb: {  	v3 =	vld [tilespmem:s24+$0xFFFFFFF0]  }
0x4ec: {  	v5 =	vld [tilespmem:s24+$0x0]  }
0x4ed: {  	v6 =	vld [tilespmem:s24+$0x10]  }
0x4ee: {  	v7 =	vld [tilespmem:s24+$0x20]  }
0x4ef: {  	s21 =	simm.s32 $0x1B770;
	v8 =	vld [tilespmem:s24+$0xFFFFFFC0]  }
0x4f0: {  	v11 =	vld [tilespmem:s21+$0x0]  }
0x4f1: {  	v14 =	vld [tilespmem:s21+$0xFFFFFFA0]  }
0x4f2: {  	v9 =	vld [tilespmem:s21+$0xFFFFFFB0]  }
0x4f3: {  	v10 =	vld.idx.msk [tilespmem:v0+s3+$0x0], $0xffff  }
0x4f4: {  	v12 =	vld.idx.msk [tilespmem:v1+s3+$0x0], $0xffff  }
0x4f5: {  	v4 =	vld.idx.msk [tilespmem:v2+s3+$0x0], $0xffff  }
0x4f6: {  	v3 =	vld.idx.msk [tilespmem:v3+s3+$0x0], $0xffff  }
0x4f7: {  	v13 =	vld.idx.msk [tilespmem:v8+s3+$0x0], $0xffff  }
0x4f8: {  	v1 =	vld.idx.msk [tilespmem:v7+s3+$0x0], $0xffff  }
0x4f9: {  	v7 =	vld [tilespmem:s21+$0xFFFFFF90]  }
0x4fa: {  	v2 =	vld.idx.msk [tilespmem:v5+s3+$0x0], $0xffff  }
0x4fb: {  	v0 =	vld.idx.msk [tilespmem:v6+s3+$0x0], $0xffff  }
0x4fc: {  	v8 =	vld [tilespmem:s21+$0xFFFFFFC0]  }
0x4fd: {  	v6 =	vld [tilespmem:s21+$0xFFFFFFD0];
	v10 =	vmul.f32 v11, v10  }
0x4fe: {  	v5 =	vld [tilespmem:s21+$0xFFFFFFE0];
	v11 =	vmul.f32 v7, v13  }
0x4ff: {  	s22 =	simm.s32 $0x0;
	s23 =	simm.s32 $0x1C840;
	v7 =	vld [tilespmem:s21+$0xFFFFFFF0];
	[tilespmem:s21+$0x0] =	vst v10;
	v10 =	vmul.f32 v14, v12  }
.LBB2_30:
0x500: {  	v12 =	vld [tilespmem:s23+$0x30];
	s22 =	sadd.s32 $0x8, s22;
	[tilespmem:s21+$0xFFFFFF90] =	vst v11;
	v4 =	vmul.f32 v9, v4  }
0x501: {  	v9 =	vld [tilespmem:s23+$0xFFFFFFD0];
	p0 =	slt.u32 s22, $0x78;
	[tilespmem:s21+$0xFFFFFFA0] =	vst v10;
	v3 =	vmul.f32 v8, v3  }
0x502: {  	v8 =	vld [tilespmem:s23+$0xFFFFFFE0];
	[tilespmem:s21+$0xFFFFFFB0] =	vst v4;
	v2 =	vmul.f32 v6, v2  }
0x503: {  	v6 =	vld [tilespmem:s23+$0xFFFFFFF0];
	[tilespmem:s21+$0xFFFFFFC0] =	vst v3;
	v0 =	vmul.f32 v5, v0  }
0x504: {  	v5 =	vld [tilespmem:s23+$0x0];
	[tilespmem:s21+$0xFFFFFFD0] =	vst v2;
	v1 =	vmul.f32 v7, v1  }
0x505: {  	v7 =	vld [tilespmem:s23+$0x10];
	[tilespmem:s21+$0xFFFFFFE0] =	vst v0  }
0x506: {  	v10 =	vld [tilespmem:s23+$0x20];
	[tilespmem:s21+$0xFFFFFFF0] =	vst v1  }
0x507: {  	v1 =	vld [tilespmem:s23+$0xFFFFFFC0]  }
0x508: {  	s21 =	sadd.s32 $0x80, s21;
	v11 =	vld.idx.msk [tilespmem:v12+s3+$0x0], $0xffff  }
0x509: {  	v12 =	vld [tilespmem:s21+$0x0]  }
0x50a: {  	v13 =	vld.idx.msk [tilespmem:v9+s3+$0x0], $0xffff  }
0x50b: {  	v4 =	vld.idx.msk [tilespmem:v8+s3+$0x0], $0xffff  }
0x50c: {  	v3 =	vld.idx.msk [tilespmem:v6+s3+$0x0], $0xffff  }
0x50d: {  	v2 =	vld.idx.msk [tilespmem:v5+s3+$0x0], $0xffff  }
0x50e: {  	v0 =	vld.idx.msk [tilespmem:v7+s3+$0x0], $0xffff;
	v5 =	vmul.f32 v12, v11  }
0x50f: {  	v7 =	vld.idx.msk [tilespmem:v1+s3+$0x0], $0xffff  }
0x510: {  	v1 =	vld.idx.msk [tilespmem:v10+s3+$0x0], $0xffff;
	[tilespmem:s21+$0x0] =	vst v5  }
0x511: {  	v5 =	vld [tilespmem:s21+$0xFFFFFF90]  }
0x512: {  	v10 =	vld [tilespmem:s21+$0xFFFFFFA0]  }
.Ltmp14:
0x513: {  	v9 =	vld [tilespmem:s21+$0xFFFFFFB0];
	(pc) =	sbr.rel @p0 .LBB2_30-.Ltmp14, $4  }
0x514: {  	v8 =	vld [tilespmem:s21+$0xFFFFFFC0]  }
0x515: {  	v6 =	vld [tilespmem:s21+$0xFFFFFFD0]  }
0x516: {  	v11 =	vmul.f32 v5, v7;
	v5 =	vld [tilespmem:s21+$0xFFFFFFE0]  }
0x517: {  	s23 =	sadd.s32 $0x100, s23;
	v10 =	vmul.f32 v10, v13;
	v7 =	vld [tilespmem:s21+$0xFFFFFFF0]  }
0x518: {  	[tilespmem:s21+$0xFFFFFF90] =	vst v11;
	v4 =	vmul.f32 v9, v4  }
0x519: {  	[tilespmem:s21+$0xFFFFFFA0] =	vst v10;
	v3 =	vmul.f32 v8, v3  }
0x51a: {  	[tilespmem:s21+$0xFFFFFFB0] =	vst v4;
	v2 =	vmul.f32 v6, v2  }
0x51b: {  	[tilespmem:s21+$0xFFFFFFC0] =	vst v3;
	v0 =	vmul.f32 v5, v0  }
0x51c: {  	[tilespmem:s21+$0xFFFFFFD0] =	vst v2;
	v1 =	vmul.f32 v7, v1  }
0x51d: {  	[tilespmem:s21+$0xFFFFFFE0] =	vst v0  }
0x51e: {  	[tilespmem:s21+$0xFFFFFFF0] =	vst v1  }
0x51f: {  	_ =	swait.ge [sflag:s20], $0x800  }
0x520: {  	[sflag:s20] =	ssyncset.done $0x0  }
0x521: {  	s24 =	simm.s32 $0x1C7F0;
	[sflag:s20] =	ssyncadd.s32 $0xFFFFF800  }
0x522: {  	v0 =	vld [tilespmem:s24+$0x0]  }
0x523: {  	v1 =	vld [tilespmem:s24+$0xFFFFFFA0]  }
0x524: {  	v2 =	vld [tilespmem:s24+$0xFFFFFFB0]  }
0x525: {  	v3 =	vld [tilespmem:s24+$0xFFFFFFC0]  }
0x526: {  	v5 =	vld [tilespmem:s24+$0xFFFFFFD0]  }
0x527: {  	v6 =	vld [tilespmem:s24+$0xFFFFFFE0]  }
0x528: {  	v7 =	vld [tilespmem:s24+$0xFFFFFFF0]  }
0x529: {  	s21 =	simm.s32 $0x1BF70;
	v8 =	vld [tilespmem:s24+$0xFFFFFF90]  }
0x52a: {  	v11 =	vld [tilespmem:s21+$0x0]  }
0x52b: {  	v14 =	vld [tilespmem:s21+$0xFFFFFFA0]  }
0x52c: {  	v9 =	vld [tilespmem:s21+$0xFFFFFFB0]  }
0x52d: {  	v10 =	vld.idx.msk [tilespmem:v0+s3+$0x0], $0xffff  }
0x52e: {  	v12 =	vld.idx.msk [tilespmem:v1+s3+$0x0], $0xffff  }
0x52f: {  	v4 =	vld.idx.msk [tilespmem:v2+s3+$0x0], $0xffff  }
0x530: {  	v3 =	vld.idx.msk [tilespmem:v3+s3+$0x0], $0xffff  }
0x531: {  	v13 =	vld.idx.msk [tilespmem:v8+s3+$0x0], $0xffff  }
0x532: {  	v1 =	vld.idx.msk [tilespmem:v7+s3+$0x0], $0xffff  }
0x533: {  	v7 =	vld [tilespmem:s21+$0xFFFFFF90]  }
0x534: {  	v2 =	vld.idx.msk [tilespmem:v5+s3+$0x0], $0xffff  }
0x535: {  	v0 =	vld.idx.msk [tilespmem:v6+s3+$0x0], $0xffff  }
0x536: {  	v8 =	vld [tilespmem:s21+$0xFFFFFFC0]  }
0x537: {  	v6 =	vld [tilespmem:s21+$0xFFFFFFD0];
	v10 =	vmul.f32 v11, v10  }
0x538: {  	v5 =	vld [tilespmem:s21+$0xFFFFFFE0];
	v11 =	vmul.f32 v7, v13  }
0x539: {  	s22 =	simm.s32 $0x0;
	s23 =	simm.s32 $0x1C8F0;
	v7 =	vld [tilespmem:s21+$0xFFFFFFF0];
	[tilespmem:s21+$0x0] =	vst v10;
	v10 =	vmul.f32 v14, v12  }
.LBB2_32:
0x53a: {  	v12 =	vld [tilespmem:s23+$0x0];
	s22 =	sadd.s32 $0x8, s22;
	[tilespmem:s21+$0xFFFFFF90] =	vst v11;
	v4 =	vmul.f32 v9, v4  }
0x53b: {  	v9 =	vld [tilespmem:s23+$0xFFFFFFA0];
	p0 =	slt.u32 s22, $0x78;
	[tilespmem:s21+$0xFFFFFFA0] =	vst v10;
	v3 =	vmul.f32 v8, v3  }
0x53c: {  	v8 =	vld [tilespmem:s23+$0xFFFFFFB0];
	[tilespmem:s21+$0xFFFFFFB0] =	vst v4;
	v2 =	vmul.f32 v6, v2  }
0x53d: {  	v6 =	vld [tilespmem:s23+$0xFFFFFFC0];
	[tilespmem:s21+$0xFFFFFFC0] =	vst v3;
	v0 =	vmul.f32 v5, v0  }
0x53e: {  	v5 =	vld [tilespmem:s23+$0xFFFFFFD0];
	[tilespmem:s21+$0xFFFFFFD0] =	vst v2;
	v1 =	vmul.f32 v7, v1  }
0x53f: {  	v7 =	vld [tilespmem:s23+$0xFFFFFFE0];
	[tilespmem:s21+$0xFFFFFFE0] =	vst v0  }
0x540: {  	v10 =	vld [tilespmem:s23+$0xFFFFFFF0];
	[tilespmem:s21+$0xFFFFFFF0] =	vst v1  }
0x541: {  	v1 =	vld [tilespmem:s23+$0xFFFFFF90]  }
0x542: {  	s21 =	sadd.s32 $0x80, s21;
	v11 =	vld.idx.msk [tilespmem:v12+s3+$0x0], $0xffff  }
0x543: {  	v12 =	vld [tilespmem:s21+$0x0]  }
0x544: {  	v13 =	vld.idx.msk [tilespmem:v9+s3+$0x0], $0xffff  }
0x545: {  	v4 =	vld.idx.msk [tilespmem:v8+s3+$0x0], $0xffff  }
0x546: {  	v3 =	vld.idx.msk [tilespmem:v6+s3+$0x0], $0xffff  }
0x547: {  	v2 =	vld.idx.msk [tilespmem:v5+s3+$0x0], $0xffff  }
0x548: {  	v0 =	vld.idx.msk [tilespmem:v7+s3+$0x0], $0xffff;
	v5 =	vmul.f32 v12, v11  }
0x549: {  	v7 =	vld.idx.msk [tilespmem:v1+s3+$0x0], $0xffff  }
0x54a: {  	v1 =	vld.idx.msk [tilespmem:v10+s3+$0x0], $0xffff;
	[tilespmem:s21+$0x0] =	vst v5  }
0x54b: {  	v5 =	vld [tilespmem:s21+$0xFFFFFF90]  }
0x54c: {  	v10 =	vld [tilespmem:s21+$0xFFFFFFA0]  }
.Ltmp15:
0x54d: {  	v9 =	vld [tilespmem:s21+$0xFFFFFFB0];
	(pc) =	sbr.rel @p0 .LBB2_32-.Ltmp15, $4  }
0x54e: {  	v8 =	vld [tilespmem:s21+$0xFFFFFFC0]  }
0x54f: {  	v6 =	vld [tilespmem:s21+$0xFFFFFFD0]  }
0x550: {  	v11 =	vmul.f32 v5, v7;
	v5 =	vld [tilespmem:s21+$0xFFFFFFE0]  }
0x551: {  	s23 =	sadd.s32 $0x100, s23;
	v10 =	vmul.f32 v10, v13;
	v7 =	vld [tilespmem:s21+$0xFFFFFFF0]  }
0x552: {  	[tilespmem:s21+$0xFFFFFF90] =	vst v11;
	v4 =	vmul.f32 v9, v4  }
0x553: {  	[tilespmem:s21+$0xFFFFFFA0] =	vst v10;
	v3 =	vmul.f32 v8, v3  }
0x554: {  	[tilespmem:s21+$0xFFFFFFB0] =	vst v4;
	v2 =	vmul.f32 v6, v2  }
0x555: {  	[tilespmem:s21+$0xFFFFFFC0] =	vst v3;
	v0 =	vmul.f32 v5, v0  }
0x556: {  	[tilespmem:s21+$0xFFFFFFD0] =	vst v2;
	v1 =	vmul.f32 v7, v1  }
0x557: {  	[tilespmem:s21+$0xFFFFFFE0] =	vst v0  }
0x558: {  	s22 =	simm.s32 $0x80;
	[tilespmem:s21+$0xFFFFFFF0] =	vst v1  }
0x559: {  	s23 =	simm.s32 $0x400;
	s24 =	simm.s32 $0x18700;
	s21 =	rddreg [dreg:$0x8]  }
0x55a: {  	[hbm4b:s21+s22] =	stream.strided.scatter [tilespmem:s24], [sflag:$0x4], $0x4000, s23, s22, $0x38;
	[tilespmem:$0x1D700] =	vst v63  }
0x55b: {  	s24 =	rddreg [dreg:$0x9]  }
0x55c: {  	[tilespmem:s3], [sflag:$0x1] =	stream.strided.gather [hbm4b:s24+s22], $0x18700, s23, s22, $0x38;
	[tilespmem:$0x1D700] =	vst v63  }
0x55d: {  	s23 =	rddreg [dreg:$0x5];
	s24 =	simm.s32 $0x1C700  }
0x55e: {  	[tilespmem:s24], [sflag:$0x2] =	stream.linear.gather [hbm4b:s23+s3], $0x80, $0x38;
	[tilespmem:$0x1D700] =	vst v63  }
0x55f: {  	s23 =	rddreg [dreg:$0xd];
	s24 =	simm.s32 $0x1C800  }
0x560: {  	[tilespmem:s24], [sflag:$0x2] =	stream.linear.gather [hbm4b:s23+s3], $0x80, $0x38;
	[tilespmem:$0x1D700] =	vst v63  }
0x561: {  	s23 =	rddreg [dreg:$0xe];
	s24 =	simm.s32 $0x1C900  }
0x562: {  	[tilespmem:s24], [sflag:$0x2] =	stream.linear.gather [hbm4b:s23+s3], $0x80, $0x38;
	[tilespmem:$0x1D700] =	vst v63  }
0x563: {  	s23 =	rddreg [dreg:$0xf];
	s24 =	simm.s32 $0x1CA00  }
0x564: {  	[tilespmem:s24], [sflag:$0x2] =	stream.linear.gather [hbm4b:s23+s3], $0x80, $0x38;
	[tilespmem:$0x1D700] =	vst v63  }
0x565: {  	s23 =	rddreg [dreg:$0x10];
	s24 =	simm.s32 $0x1CB00  }
0x566: {  	[tilespmem:s24], [sflag:$0x2] =	stream.linear.gather [hbm4b:s23+s3], $0x80, $0x38;
	[tilespmem:$0x1D700] =	vst v63  }
0x567: {  	s23 =	rddreg [dreg:$0x11];
	s24 =	simm.s32 $0x1CC00  }
0x568: {  	[tilespmem:s24], [sflag:$0x2] =	stream.linear.gather [hbm4b:s23+s3], $0x80, $0x38;
	[tilespmem:$0x1D700] =	vst v63  }
0x569: {  	s23 =	rddreg [dreg:$0x12];
	s24 =	simm.s32 $0x1CD00  }
0x56a: {  	[tilespmem:s24], [sflag:$0x2] =	stream.linear.gather [hbm4b:s23+s3], $0x80, $0x38;
	[tilespmem:$0x1D700] =	vst v63  }
0x56b: {  	s23 =	rddreg [dreg:$0x13];
	s24 =	simm.s32 $0x1CE00  }
0x56c: {  	[tilespmem:s24], [sflag:$0x2] =	stream.linear.gather [hbm4b:s23+s3], $0x80, $0x38;
	[tilespmem:$0x1D700] =	vst v63  }
0x56d: {  	s23 =	rddreg [dreg:$0x14];
	s24 =	simm.s32 $0x1CF00  }
0x56e: {  	[tilespmem:s24], [sflag:$0x2] =	stream.linear.gather [hbm4b:s23+s3], $0x80, $0x38;
	[tilespmem:$0x1D700] =	vst v63  }
0x56f: {  	s23 =	rddreg [dreg:$0x15];
	s24 =	simm.s32 $0x1D000  }
0x570: {  	[tilespmem:s24], [sflag:$0x2] =	stream.linear.gather [hbm4b:s23+s3], $0x80, $0x38;
	[tilespmem:$0x1D700] =	vst v63  }
0x571: {  	s23 =	rddreg [dreg:$0x16];
	s24 =	simm.s32 $0x1D100  }
0x572: {  	[tilespmem:s24], [sflag:$0x2] =	stream.linear.gather [hbm4b:s23+s3], $0x80, $0x38;
	[tilespmem:$0x1D700] =	vst v63  }
0x573: {  	s23 =	rddreg [dreg:$0x17];
	s24 =	simm.s32 $0x1D200  }
0x574: {  	[tilespmem:s24], [sflag:$0x2] =	stream.linear.gather [hbm4b:s23+s3], $0x80, $0x38;
	[tilespmem:$0x1D700] =	vst v63  }
0x575: {  	s23 =	rddreg [dreg:$0x18];
	s24 =	simm.s32 $0x1D300  }
0x576: {  	[tilespmem:s24], [sflag:$0x2] =	stream.linear.gather [hbm4b:s23+s3], $0x80, $0x38;
	[tilespmem:$0x1D700] =	vst v63  }
0x577: {  	s23 =	rddreg [dreg:$0x19];
	s24 =	simm.s32 $0x1D400  }
0x578: {  	[tilespmem:s24], [sflag:$0x2] =	stream.linear.gather [hbm4b:s23+s3], $0x80, $0x38;
	[tilespmem:$0x1D700] =	vst v63  }
0x579: {  	s23 =	rddreg [dreg:$0x1a];
	s24 =	simm.s32 $0x1D500  }
0x57a: {  	[tilespmem:s24], [sflag:$0x2] =	stream.linear.gather [hbm4b:s23+s3], $0x80, $0x38;
	[tilespmem:$0x1D700] =	vst v63  }
0x57b: {  	s23 =	rddreg [dreg:$0x1b];
	s24 =	simm.s32 $0x1D600  }
0x57c: {  	[tilespmem:s24], [sflag:$0x2] =	stream.linear.gather [hbm4b:s23+s3], $0x80, $0x38;
	[tilespmem:$0x1D700] =	vst v63  }
0x57d: {  	s23 =	simm.s32 $0x1  }
0x57e: {  	_ =	swait.ge [sflag:s23], $0x18700  }
0x57f: {  	[sflag:s23] =	ssyncset.done $0x0  }
0x580: {  	s24 =	simm.s32 $0x4;
	[sflag:s23] =	ssyncadd.s32 $0xFFFE7900  }
0x581: {  	_ =	swait.ge [sflag:s24], $0x4000  }
0x582: {  	[sflag:s24] =	ssyncset.done $0x0  }
0x583: {  	s22 =	simm.s32 $0x1C780;
	[sflag:s24] =	ssyncadd.s32 $0xFFFFC000;
	s24 =	sld [smem:$0x7E3]  }
0x584: {  	[tilespmem:s22], [sflag:$0x3] =	stream.linear.gather [hbm4b:s6+s3], $0x80, $0x38;
	[tilespmem:$0x1D700] =	vst v63  }
0x585: {  	s23 =	simm.s32 $0x1C880  }
0x586: {  	[tilespmem:s23], [sflag:$0x3] =	stream.linear.gather [hbm4b:s24+s3], $0x80, $0x38;
	[tilespmem:$0x1D700] =	vst v63  }
0x587: {  	s24 =	sld [smem:$0x7E4];
	_ =	sdelay $0x1  }
0x588: {  	s23 =	simm.s32 $0x1C980  }
0x589: {  	[tilespmem:s23], [sflag:$0x3] =	stream.linear.gather [hbm4b:s24+s3], $0x80, $0x38;
	[tilespmem:$0x1D700] =	vst v63  }
0x58a: {  	s24 =	sld [smem:$0x7E5];
	_ =	sdelay $0x1  }
0x58b: {  	s23 =	simm.s32 $0x1CA80  }
0x58c: {  	[tilespmem:s23], [sflag:$0x3] =	stream.linear.gather [hbm4b:s24+s3], $0x80, $0x38;
	[tilespmem:$0x1D700] =	vst v63  }
0x58d: {  	s24 =	sld [smem:$0x7E6];
	_ =	sdelay $0x1  }
0x58e: {  	s22 =	sld [smem:$0x7E7];
	s23 =	simm.s32 $0x1CB80  }
0x58f: {  	[tilespmem:s23], [sflag:$0x3] =	stream.linear.gather [hbm4b:s24+s3], $0x80, $0x38;
	[tilespmem:$0x1D700] =	vst v63  }
0x590: {  	s24 =	simm.s32 $0x1CC80;
	s23 =	sld [smem:$0x7E8]  }
0x591: {  	[tilespmem:s24], [sflag:$0x3] =	stream.linear.gather [hbm4b:s22+s3], $0x80, $0x38;
	[tilespmem:$0x1D700] =	vst v63  }
0x592: {  	s22 =	sld [smem:$0x7E9]  }
0x593: {  	[tilespmem:s25], [sflag:$0x3] =	stream.linear.gather [hbm4b:s23+s3], $0x80, $0x38;
	[tilespmem:$0x1D700] =	vst v63  }
0x594: {  	s23 =	sld [smem:$0x7EA]  }
0x595: {  	[tilespmem:s26], [sflag:$0x3] =	stream.linear.gather [hbm4b:s22+s3], $0x80, $0x38;
	[tilespmem:$0x1D700] =	vst v63  }
0x596: {  	s22 =	sld [smem:$0x7EB]  }
0x597: {  	[tilespmem:s28], [sflag:$0x3] =	stream.linear.gather [hbm4b:s23+s3], $0x80, $0x38;
	[tilespmem:$0x1D700] =	vst v63  }
0x598: {  	s23 =	sld [smem:$0x7EC]  }
0x599: {  	[tilespmem:s29], [sflag:$0x3] =	stream.linear.gather [hbm4b:s22+s3], $0x80, $0x38;
	[tilespmem:$0x1D700] =	vst v63  }
0x59a: {  	s22 =	sld [smem:$0x7ED]  }
0x59b: {  	[tilespmem:s30], [sflag:$0x3] =	stream.linear.gather [hbm4b:s23+s3], $0x80, $0x38;
	[tilespmem:$0x1D700] =	vst v63  }
0x59c: {  	s23 =	sld [smem:$0x7EE]  }
0x59d: {  	[tilespmem:s31], [sflag:$0x3] =	stream.linear.gather [hbm4b:s22+s3], $0x80, $0x38;
	[tilespmem:$0x1D700] =	vst v63  }
0x59e: {  	s22 =	sld [smem:$0x7EF]  }
0x59f: {  	[tilespmem:s0], [sflag:$0x3] =	stream.linear.gather [hbm4b:s23+s3], $0x80, $0x38;
	[tilespmem:$0x1D700] =	vst v63  }
0x5a0: {  	s23 =	sld [smem:$0x7F0]  }
0x5a1: {  	[tilespmem:s2], [sflag:$0x3] =	stream.linear.gather [hbm4b:s22+s3], $0x80, $0x38;
	[tilespmem:$0x1D700] =	vst v63  }
0x5a2: {  	s22 =	sld [smem:$0x7F1]  }
0x5a3: {  	[tilespmem:s5], [sflag:$0x3] =	stream.linear.gather [hbm4b:s23+s3], $0x80, $0x38;
	[tilespmem:$0x1D700] =	vst v63  }
0x5a4: {  	_ = 	snop  }
0x5a5: {  	[tilespmem:s4], [sflag:$0x3] =	stream.linear.gather [hbm4b:s22+s3], $0x80, $0x38;
	[tilespmem:$0x1D700] =	vst v63  }
0x5a6: {  	_ =	swait.ge [sflag:s19], $0x800  }
0x5a7: {  	[sflag:s19] =	ssyncset.done $0x0  }
0x5a8: {  	s23 =	simm.s32 $0x1C740;
	[sflag:s19] =	ssyncadd.s32 $0xFFFFF800  }
0x5a9: {  	v0 =	vld [tilespmem:s23+$0x30]  }
0x5aa: {  	v1 =	vld [tilespmem:s23+$0xFFFFFFD0]  }
0x5ab: {  	v2 =	vld [tilespmem:s23+$0xFFFFFFE0]  }
0x5ac: {  	v3 =	vld [tilespmem:s23+$0xFFFFFFF0]  }
0x5ad: {  	v4 =	vld [tilespmem:s23+$0x0]  }
0x5ae: {  	v6 =	vld [tilespmem:s23+$0x10]  }
0x5af: {  	v7 =	vld [tilespmem:s23+$0x20]  }
0x5b0: {  	v61 =	vld [tilespmem:s23+$0xFFFFFFC0]  }
0x5b1: {  	v62 =	vld.idx.msk [tilespmem:v0+s3+$0x0], $0xffff  }
0x5b2: {  	v63 =	vld.idx.msk [tilespmem:v1+s3+$0x0], $0xffff  }
0x5b3: {  	v5 =	vld.idx.msk [tilespmem:v2+s3+$0x0], $0xffff  }
0x5b4: {  	v3 =	vld.idx.msk [tilespmem:v3+s3+$0x0], $0xffff  }
0x5b5: {  	v2 =	vld.idx.msk [tilespmem:v4+s3+$0x0], $0xffff  }
0x5b6: {  	s21 =	simm.s32 $0x18740;
	v0 =	vld.idx.msk [tilespmem:v6+s3+$0x0], $0xffff  }
0x5b7: {  	v1 =	vld.idx.msk [tilespmem:v7+s3+$0x0], $0xffff;
	[tilespmem:s21+$0x30] =	vst v62  }
0x5b8: {  	s22 =	simm.s32 $0x0;
	s23 =	simm.s32 $0x1C840;
	v4 =	vld.idx.msk [tilespmem:v61+s3+$0x0], $0xffff;
	[tilespmem:s21+$0xFFFFFFD0] =	vst v63  }
.LBB2_34:
0x5b9: {  	v6 =	vld [tilespmem:s23+$0x30];
	s22 =	sadd.s32 $0x8, s22;
	[tilespmem:s21+$0xFFFFFFE0] =	vst v5  }
0x5ba: {  	v5 =	vld [tilespmem:s23+$0xFFFFFFD0];
	p0 =	slt.u32 s22, $0x78;
	[tilespmem:s21+$0xFFFFFFF0] =	vst v3  }
0x5bb: {  	v3 =	vld [tilespmem:s23+$0xFFFFFFE0];
	[tilespmem:s21+$0x0] =	vst v2  }
0x5bc: {  	v2 =	vld [tilespmem:s23+$0xFFFFFFF0];
	[tilespmem:s21+$0x10] =	vst v0  }
0x5bd: {  	v0 =	vld [tilespmem:s23+$0x0];
	[tilespmem:s21+$0x20] =	vst v1  }
0x5be: {  	v1 =	vld [tilespmem:s23+$0x10];
	[tilespmem:s21+$0xFFFFFFC0] =	vst v4  }
0x5bf: {  	v4 =	vld [tilespmem:s23+$0x20]  }
0x5c0: {  	v7 =	vld [tilespmem:s23+$0xFFFFFFC0]  }
0x5c1: {  	v6 =	vld.idx.msk [tilespmem:v6+s3+$0x0], $0xffff  }
0x5c2: {  	v8 =	vld.idx.msk [tilespmem:v5+s3+$0x0], $0xffff  }
0x5c3: {  	v5 =	vld.idx.msk [tilespmem:v3+s3+$0x0], $0xffff  }
.Ltmp16:
0x5c4: {  	v3 =	vld.idx.msk [tilespmem:v2+s3+$0x0], $0xffff;
	(pc) =	sbr.rel @p0 .LBB2_34-.Ltmp16, $4  }
0x5c5: {  	v2 =	vld.idx.msk [tilespmem:v0+s3+$0x0], $0xffff  }
0x5c6: {  	s21 =	sadd.s32 $0x80, s21;
	v0 =	vld.idx.msk [tilespmem:v1+s3+$0x0], $0xffff  }
0x5c7: {  	v1 =	vld.idx.msk [tilespmem:v4+s3+$0x0], $0xffff;
	[tilespmem:s21+$0x30] =	vst v6  }
0x5c8: {  	s23 =	sadd.s32 $0x100, s23;
	v4 =	vld.idx.msk [tilespmem:v7+s3+$0x0], $0xffff;
	[tilespmem:s21+$0xFFFFFFD0] =	vst v8  }
0x5c9: {  	[tilespmem:s21+$0xFFFFFFE0] =	vst v5  }
0x5ca: {  	[tilespmem:s21+$0xFFFFFFF0] =	vst v3  }
0x5cb: {  	[tilespmem:s21+$0x0] =	vst v2  }
0x5cc: {  	[tilespmem:s21+$0x10] =	vst v0  }
0x5cd: {  	[tilespmem:s21+$0x20] =	vst v1  }
0x5ce: {  	s22 =	simm.s32 $0x1C700;
	[tilespmem:s21+$0xFFFFFFC0] =	vst v4  }
0x5cf: {  	[tilespmem:s22], [sflag:$0x2] =	stream.linear.gather [hbm4b:s7+s3], $0x80, $0x38;
	[tilespmem:$0x1D700] =	vst v63  }
0x5d0: {  	s22 =	sld [smem:$0x7D4];
	_ =	sdelay $0x1  }
0x5d1: {  	s23 =	simm.s32 $0x1C800  }
0x5d2: {  	[tilespmem:s23], [sflag:$0x2] =	stream.linear.gather [hbm4b:s22+s3], $0x80, $0x38;
	[tilespmem:$0x1D700] =	vst v63  }
0x5d3: {  	s23 =	sld [smem:$0x7D5];
	_ =	sdelay $0x1  }
0x5d4: {  	s22 =	simm.s32 $0x1C900  }
0x5d5: {  	[tilespmem:s22], [sflag:$0x2] =	stream.linear.gather [hbm4b:s23+s3], $0x80, $0x38;
	[tilespmem:$0x1D700] =	vst v63  }
0x5d6: {  	s23 =	sld [smem:$0x7D6];
	_ =	sdelay $0x1  }
0x5d7: {  	s22 =	simm.s32 $0x1CA00  }
0x5d8: {  	[tilespmem:s22], [sflag:$0x2] =	stream.linear.gather [hbm4b:s23+s3], $0x80, $0x38;
	[tilespmem:$0x1D700] =	vst v63  }
0x5d9: {  	s23 =	sld [smem:$0x7D7];
	_ =	sdelay $0x1  }
0x5da: {  	s22 =	simm.s32 $0x1CB00  }
0x5db: {  	[tilespmem:s22], [sflag:$0x2] =	stream.linear.gather [hbm4b:s23+s3], $0x80, $0x38;
	[tilespmem:$0x1D700] =	vst v63  }
0x5dc: {  	s23 =	sld [smem:$0x7D8];
	_ =	sdelay $0x1  }
0x5dd: {  	s22 =	simm.s32 $0x1CC00  }
0x5de: {  	[tilespmem:s22], [sflag:$0x2] =	stream.linear.gather [hbm4b:s23+s3], $0x80, $0x38;
	[tilespmem:$0x1D700] =	vst v63  }
0x5df: {  	s23 =	sld [smem:$0x7D9];
	_ =	sdelay $0x1  }
0x5e0: {  	s22 =	simm.s32 $0x1CD00  }
0x5e1: {  	[tilespmem:s22], [sflag:$0x2] =	stream.linear.gather [hbm4b:s23+s3], $0x80, $0x38;
	[tilespmem:$0x1D700] =	vst v63  }
0x5e2: {  	s23 =	sld [smem:$0x7DA];
	_ =	sdelay $0x1  }
0x5e3: {  	s22 =	simm.s32 $0x1CE00  }
0x5e4: {  	[tilespmem:s22], [sflag:$0x2] =	stream.linear.gather [hbm4b:s23+s3], $0x80, $0x38;
	[tilespmem:$0x1D700] =	vst v63  }
0x5e5: {  	s23 =	sld [smem:$0x7DB];
	_ =	sdelay $0x1  }
0x5e6: {  	s22 =	simm.s32 $0x1CF00  }
0x5e7: {  	[tilespmem:s22], [sflag:$0x2] =	stream.linear.gather [hbm4b:s23+s3], $0x80, $0x38;
	[tilespmem:$0x1D700] =	vst v63  }
0x5e8: {  	s23 =	sld [smem:$0x7DC];
	_ =	sdelay $0x1  }
0x5e9: {  	s22 =	simm.s32 $0x1D000  }
0x5ea: {  	[tilespmem:s22], [sflag:$0x2] =	stream.linear.gather [hbm4b:s23+s3], $0x80, $0x38;
	[tilespmem:$0x1D700] =	vst v63  }
0x5eb: {  	s23 =	sld [smem:$0x7DD];
	_ =	sdelay $0x1  }
0x5ec: {  	s22 =	simm.s32 $0x1D100  }
0x5ed: {  	[tilespmem:s22], [sflag:$0x2] =	stream.linear.gather [hbm4b:s23+s3], $0x80, $0x38;
	[tilespmem:$0x1D700] =	vst v63  }
0x5ee: {  	s23 =	sld [smem:$0x7DE];
	_ =	sdelay $0x1  }
0x5ef: {  	s22 =	simm.s32 $0x1D200  }
0x5f0: {  	[tilespmem:s22], [sflag:$0x2] =	stream.linear.gather [hbm4b:s23+s3], $0x80, $0x38;
	[tilespmem:$0x1D700] =	vst v63  }
0x5f1: {  	s23 =	sld [smem:$0x7DF];
	_ =	sdelay $0x1  }
0x5f2: {  	s22 =	simm.s32 $0x1D300  }
0x5f3: {  	[tilespmem:s22], [sflag:$0x2] =	stream.linear.gather [hbm4b:s23+s3], $0x80, $0x38;
	[tilespmem:$0x1D700] =	vst v63  }
0x5f4: {  	s23 =	sld [smem:$0x7E0];
	_ =	sdelay $0x1  }
0x5f5: {  	s22 =	simm.s32 $0x1D400  }
0x5f6: {  	[tilespmem:s22], [sflag:$0x2] =	stream.linear.gather [hbm4b:s23+s3], $0x80, $0x38;
	[tilespmem:$0x1D700] =	vst v63  }
0x5f7: {  	s23 =	sld [smem:$0x7E1];
	_ =	sdelay $0x1  }
0x5f8: {  	s22 =	simm.s32 $0x1D500  }
0x5f9: {  	[tilespmem:s22], [sflag:$0x2] =	stream.linear.gather [hbm4b:s23+s3], $0x80, $0x38;
	[tilespmem:$0x1D700] =	vst v63  }
0x5fa: {  	s23 =	sld [smem:$0x7E2];
	_ =	sdelay $0x1  }
0x5fb: {  	s22 =	simm.s32 $0x1D600  }
0x5fc: {  	[tilespmem:s22], [sflag:$0x2] =	stream.linear.gather [hbm4b:s23+s3], $0x80, $0x38;
	[tilespmem:$0x1D700] =	vst v63  }
0x5fd: {  	_ =	swait.ge [sflag:s20], $0x800  }
0x5fe: {  	[sflag:s20] =	ssyncset.done $0x0  }
0x5ff: {  	s23 =	simm.s32 $0x1C7F0;
	[sflag:s20] =	ssyncadd.s32 $0xFFFFF800  }
0x600: {  	v0 =	vld [tilespmem:s23+$0x0]  }
0x601: {  	v1 =	vld [tilespmem:s23+$0xFFFFFFA0]  }
0x602: {  	v2 =	vld [tilespmem:s23+$0xFFFFFFB0]  }
0x603: {  	v3 =	vld [tilespmem:s23+$0xFFFFFFC0]  }
0x604: {  	v4 =	vld [tilespmem:s23+$0xFFFFFFD0]  }
0x605: {  	v6 =	vld [tilespmem:s23+$0xFFFFFFE0]  }
0x606: {  	v7 =	vld [tilespmem:s23+$0xFFFFFFF0]  }
0x607: {  	v8 =	vld [tilespmem:s23+$0xFFFFFF90]  }
0x608: {  	v9 =	vld.idx.msk [tilespmem:v0+s3+$0x0], $0xffff  }
0x609: {  	v10 =	vld.idx.msk [tilespmem:v1+s3+$0x0], $0xffff  }
0x60a: {  	v5 =	vld.idx.msk [tilespmem:v2+s3+$0x0], $0xffff  }
0x60b: {  	v3 =	vld.idx.msk [tilespmem:v3+s3+$0x0], $0xffff  }
0x60c: {  	v2 =	vld.idx.msk [tilespmem:v4+s3+$0x0], $0xffff  }
0x60d: {  	s21 =	simm.s32 $0x18F70;
	v0 =	vld.idx.msk [tilespmem:v6+s3+$0x0], $0xffff  }
0x60e: {  	v1 =	vld.idx.msk [tilespmem:v7+s3+$0x0], $0xffff;
	[tilespmem:s21+$0x0] =	vst v9  }
0x60f: {  	s22 =	simm.s32 $0x0;
	s23 =	simm.s32 $0x1C8F0;
	v4 =	vld.idx.msk [tilespmem:v8+s3+$0x0], $0xffff;
	[tilespmem:s21+$0xFFFFFFA0] =	vst v10  }
.LBB2_36:
0x610: {  	v6 =	vld [tilespmem:s23+$0x0];
	s22 =	sadd.s32 $0x8, s22;
	[tilespmem:s21+$0xFFFFFFB0] =	vst v5  }
0x611: {  	v5 =	vld [tilespmem:s23+$0xFFFFFFA0];
	p0 =	slt.u32 s22, $0x78;
	[tilespmem:s21+$0xFFFFFFC0] =	vst v3  }
0x612: {  	v3 =	vld [tilespmem:s23+$0xFFFFFFB0];
	[tilespmem:s21+$0xFFFFFFD0] =	vst v2  }
0x613: {  	v2 =	vld [tilespmem:s23+$0xFFFFFFC0];
	[tilespmem:s21+$0xFFFFFFE0] =	vst v0  }
0x614: {  	v0 =	vld [tilespmem:s23+$0xFFFFFFD0];
	[tilespmem:s21+$0xFFFFFFF0] =	vst v1  }
0x615: {  	v1 =	vld [tilespmem:s23+$0xFFFFFFE0];
	[tilespmem:s21+$0xFFFFFF90] =	vst v4  }
0x616: {  	v4 =	vld [tilespmem:s23+$0xFFFFFFF0]  }
0x617: {  	v7 =	vld [tilespmem:s23+$0xFFFFFF90]  }
0x618: {  	v6 =	vld.idx.msk [tilespmem:v6+s3+$0x0], $0xffff  }
0x619: {  	v8 =	vld.idx.msk [tilespmem:v5+s3+$0x0], $0xffff  }
0x61a: {  	v5 =	vld.idx.msk [tilespmem:v3+s3+$0x0], $0xffff  }
.Ltmp17:
0x61b: {  	v3 =	vld.idx.msk [tilespmem:v2+s3+$0x0], $0xffff;
	(pc) =	sbr.rel @p0 .LBB2_36-.Ltmp17, $4  }
0x61c: {  	v2 =	vld.idx.msk [tilespmem:v0+s3+$0x0], $0xffff  }
0x61d: {  	s21 =	sadd.s32 $0x80, s21;
	v0 =	vld.idx.msk [tilespmem:v1+s3+$0x0], $0xffff  }
0x61e: {  	v1 =	vld.idx.msk [tilespmem:v4+s3+$0x0], $0xffff;
	[tilespmem:s21+$0x0] =	vst v6  }
0x61f: {  	s23 =	sadd.s32 $0x100, s23;
	v4 =	vld.idx.msk [tilespmem:v7+s3+$0x0], $0xffff;
	[tilespmem:s21+$0xFFFFFFA0] =	vst v8  }
0x620: {  	[tilespmem:s21+$0xFFFFFFB0] =	vst v5  }
0x621: {  	[tilespmem:s21+$0xFFFFFFC0] =	vst v3  }
0x622: {  	[tilespmem:s21+$0xFFFFFFD0] =	vst v2  }
0x623: {  	[tilespmem:s21+$0xFFFFFFE0] =	vst v0  }
0x624: {  	[tilespmem:s21+$0xFFFFFFF0] =	vst v1  }
0x625: {  	s22 =	simm.s32 $0x1C780;
	[tilespmem:s21+$0xFFFFFF90] =	vst v4  }
0x626: {  	[tilespmem:s22], [sflag:$0x3] =	stream.linear.gather [hbm4b:s8+s3], $0x80, $0x38;
	[tilespmem:$0x1D700] =	vst v63  }
0x627: {  	s22 =	sld [smem:$0x7C5];
	_ =	sdelay $0x1  }
0x628: {  	s23 =	simm.s32 $0x1C880  }
0x629: {  	[tilespmem:s23], [sflag:$0x3] =	stream.linear.gather [hbm4b:s22+s3], $0x80, $0x38;
	[tilespmem:$0x1D700] =	vst v63  }
0x62a: {  	s23 =	sld [smem:$0x7C6];
	_ =	sdelay $0x1  }
0x62b: {  	s22 =	simm.s32 $0x1C980  }
0x62c: {  	[tilespmem:s22], [sflag:$0x3] =	stream.linear.gather [hbm4b:s23+s3], $0x80, $0x38;
	[tilespmem:$0x1D700] =	vst v63  }
0x62d: {  	s23 =	sld [smem:$0x7C7];
	_ =	sdelay $0x1  }
0x62e: {  	s22 =	simm.s32 $0x1CA80  }
0x62f: {  	[tilespmem:s22], [sflag:$0x3] =	stream.linear.gather [hbm4b:s23+s3], $0x80, $0x38;
	[tilespmem:$0x1D700] =	vst v63  }
0x630: {  	s23 =	sld [smem:$0x7C8];
	_ =	sdelay $0x1  }
0x631: {  	s22 =	simm.s32 $0x1CB80  }
0x632: {  	[tilespmem:s22], [sflag:$0x3] =	stream.linear.gather [hbm4b:s23+s3], $0x80, $0x38;
	[tilespmem:$0x1D700] =	vst v63  }
0x633: {  	s22 =	sld [smem:$0x7C9];
	_ =	sdelay $0x1  }
0x634: {  	s23 =	sld [smem:$0x7CA]  }
0x635: {  	[tilespmem:s24], [sflag:$0x3] =	stream.linear.gather [hbm4b:s22+s3], $0x80, $0x38;
	[tilespmem:$0x1D700] =	vst v63  }
0x636: {  	s22 =	sld [smem:$0x7CB]  }
0x637: {  	[tilespmem:s25], [sflag:$0x3] =	stream.linear.gather [hbm4b:s23+s3], $0x80, $0x38;
	[tilespmem:$0x1D700] =	vst v63  }
0x638: {  	s23 =	sld [smem:$0x7CC]  }
0x639: {  	[tilespmem:s26], [sflag:$0x3] =	stream.linear.gather [hbm4b:s22+s3], $0x80, $0x38;
	[tilespmem:$0x1D700] =	vst v63  }
0x63a: {  	s22 =	sld [smem:$0x7CD]  }
0x63b: {  	[tilespmem:s28], [sflag:$0x3] =	stream.linear.gather [hbm4b:s23+s3], $0x80, $0x38;
	[tilespmem:$0x1D700] =	vst v63  }
0x63c: {  	s23 =	sld [smem:$0x7CE]  }
0x63d: {  	[tilespmem:s29], [sflag:$0x3] =	stream.linear.gather [hbm4b:s22+s3], $0x80, $0x38;
	[tilespmem:$0x1D700] =	vst v63  }
0x63e: {  	s22 =	sld [smem:$0x7CF]  }
0x63f: {  	[tilespmem:s30], [sflag:$0x3] =	stream.linear.gather [hbm4b:s23+s3], $0x80, $0x38;
	[tilespmem:$0x1D700] =	vst v63  }
0x640: {  	s23 =	sld [smem:$0x7D0]  }
0x641: {  	[tilespmem:s31], [sflag:$0x3] =	stream.linear.gather [hbm4b:s22+s3], $0x80, $0x38;
	[tilespmem:$0x1D700] =	vst v63  }
0x642: {  	s22 =	sld [smem:$0x7D1]  }
0x643: {  	[tilespmem:s0], [sflag:$0x3] =	stream.linear.gather [hbm4b:s23+s3], $0x80, $0x38;
	[tilespmem:$0x1D700] =	vst v63  }
0x644: {  	s23 =	sld [smem:$0x7D2]  }
0x645: {  	[tilespmem:s2], [sflag:$0x3] =	stream.linear.gather [hbm4b:s22+s3], $0x80, $0x38;
	[tilespmem:$0x1D700] =	vst v63  }
0x646: {  	s22 =	sld [smem:$0x7D3]  }
0x647: {  	[tilespmem:s5], [sflag:$0x3] =	stream.linear.gather [hbm4b:s23+s3], $0x80, $0x38;
	[tilespmem:$0x1D700] =	vst v63  }
0x648: {  	_ = 	snop  }
0x649: {  	[tilespmem:s4], [sflag:$0x3] =	stream.linear.gather [hbm4b:s22+s3], $0x80, $0x38;
	[tilespmem:$0x1D700] =	vst v63  }
0x64a: {  	_ =	swait.ge [sflag:s19], $0x800  }
0x64b: {  	[sflag:s19] =	ssyncset.done $0x0  }
0x64c: {  	s23 =	simm.s32 $0x1C740;
	[sflag:s19] =	ssyncadd.s32 $0xFFFFF800  }
0x64d: {  	v0 =	vld [tilespmem:s23+$0x30]  }
0x64e: {  	v1 =	vld [tilespmem:s23+$0xFFFFFFD0]  }
0x64f: {  	v2 =	vld [tilespmem:s23+$0xFFFFFFE0]  }
0x650: {  	v3 =	vld [tilespmem:s23+$0xFFFFFFF0]  }
0x651: {  	v4 =	vld [tilespmem:s23+$0x0]  }
0x652: {  	v6 =	vld [tilespmem:s23+$0x10]  }
0x653: {  	v7 =	vld [tilespmem:s23+$0x20]  }
0x654: {  	v8 =	vld [tilespmem:s23+$0xFFFFFFC0]  }
0x655: {  	v9 =	vld.idx.msk [tilespmem:v0+s3+$0x0], $0xffff  }
0x656: {  	v10 =	vld.idx.msk [tilespmem:v1+s3+$0x0], $0xffff  }
0x657: {  	v5 =	vld.idx.msk [tilespmem:v2+s3+$0x0], $0xffff  }
0x658: {  	v3 =	vld.idx.msk [tilespmem:v3+s3+$0x0], $0xffff  }
0x659: {  	v2 =	vld.idx.msk [tilespmem:v4+s3+$0x0], $0xffff  }
0x65a: {  	s21 =	simm.s32 $0x19770;
	v0 =	vld.idx.msk [tilespmem:v6+s3+$0x0], $0xffff  }
0x65b: {  	v1 =	vld.idx.msk [tilespmem:v7+s3+$0x0], $0xffff;
	[tilespmem:s21+$0x0] =	vst v9  }
0x65c: {  	s22 =	simm.s32 $0x0;
	s23 =	simm.s32 $0x1C840;
	v4 =	vld.idx.msk [tilespmem:v8+s3+$0x0], $0xffff;
	[tilespmem:s21+$0xFFFFFFA0] =	vst v10  }
.LBB2_38:
0x65d: {  	v6 =	vld [tilespmem:s23+$0x30];
	s22 =	sadd.s32 $0x8, s22;
	[tilespmem:s21+$0xFFFFFFB0] =	vst v5  }
0x65e: {  	v5 =	vld [tilespmem:s23+$0xFFFFFFD0];
	p0 =	slt.u32 s22, $0x78;
	[tilespmem:s21+$0xFFFFFFC0] =	vst v3  }
0x65f: {  	v3 =	vld [tilespmem:s23+$0xFFFFFFE0];
	[tilespmem:s21+$0xFFFFFFD0] =	vst v2  }
0x660: {  	v2 =	vld [tilespmem:s23+$0xFFFFFFF0];
	[tilespmem:s21+$0xFFFFFFE0] =	vst v0  }
0x661: {  	v0 =	vld [tilespmem:s23+$0x0];
	[tilespmem:s21+$0xFFFFFFF0] =	vst v1  }
0x662: {  	v1 =	vld [tilespmem:s23+$0x10];
	[tilespmem:s21+$0xFFFFFF90] =	vst v4  }
0x663: {  	v4 =	vld [tilespmem:s23+$0x20]  }
0x664: {  	v7 =	vld [tilespmem:s23+$0xFFFFFFC0]  }
0x665: {  	v6 =	vld.idx.msk [tilespmem:v6+s3+$0x0], $0xffff  }
0x666: {  	v8 =	vld.idx.msk [tilespmem:v5+s3+$0x0], $0xffff  }
0x667: {  	v5 =	vld.idx.msk [tilespmem:v3+s3+$0x0], $0xffff  }
.Ltmp18:
0x668: {  	v3 =	vld.idx.msk [tilespmem:v2+s3+$0x0], $0xffff;
	(pc) =	sbr.rel @p0 .LBB2_38-.Ltmp18, $4  }
0x669: {  	v2 =	vld.idx.msk [tilespmem:v0+s3+$0x0], $0xffff  }
0x66a: {  	s21 =	sadd.s32 $0x80, s21;
	v0 =	vld.idx.msk [tilespmem:v1+s3+$0x0], $0xffff  }
0x66b: {  	v1 =	vld.idx.msk [tilespmem:v4+s3+$0x0], $0xffff;
	[tilespmem:s21+$0x0] =	vst v6  }
0x66c: {  	s23 =	sadd.s32 $0x100, s23;
	v4 =	vld.idx.msk [tilespmem:v7+s3+$0x0], $0xffff;
	[tilespmem:s21+$0xFFFFFFA0] =	vst v8  }
0x66d: {  	[tilespmem:s21+$0xFFFFFFB0] =	vst v5  }
0x66e: {  	[tilespmem:s21+$0xFFFFFFC0] =	vst v3  }
0x66f: {  	[tilespmem:s21+$0xFFFFFFD0] =	vst v2  }
0x670: {  	[tilespmem:s21+$0xFFFFFFE0] =	vst v0  }
0x671: {  	[tilespmem:s21+$0xFFFFFFF0] =	vst v1  }
0x672: {  	s22 =	simm.s32 $0x1C700;
	[tilespmem:s21+$0xFFFFFF90] =	vst v4  }
0x673: {  	[tilespmem:s22], [sflag:$0x2] =	stream.linear.gather [hbm4b:s9+s3], $0x80, $0x38;
	[tilespmem:$0x1D700] =	vst v63  }
0x674: {  	s22 =	sld [smem:$0x7B6];
	_ =	sdelay $0x1  }
0x675: {  	s23 =	simm.s32 $0x1C800  }
0x676: {  	[tilespmem:s23], [sflag:$0x2] =	stream.linear.gather [hbm4b:s22+s3], $0x80, $0x38;
	[tilespmem:$0x1D700] =	vst v63  }
0x677: {  	s23 =	sld [smem:$0x7B7];
	_ =	sdelay $0x1  }
0x678: {  	s22 =	simm.s32 $0x1C900  }
0x679: {  	[tilespmem:s22], [sflag:$0x2] =	stream.linear.gather [hbm4b:s23+s3], $0x80, $0x38;
	[tilespmem:$0x1D700] =	vst v63  }
0x67a: {  	s23 =	sld [smem:$0x7B8];
	_ =	sdelay $0x1  }
0x67b: {  	s22 =	simm.s32 $0x1CA00  }
0x67c: {  	[tilespmem:s22], [sflag:$0x2] =	stream.linear.gather [hbm4b:s23+s3], $0x80, $0x38;
	[tilespmem:$0x1D700] =	vst v63  }
0x67d: {  	s23 =	sld [smem:$0x7B9];
	_ =	sdelay $0x1  }
0x67e: {  	s22 =	simm.s32 $0x1CB00  }
0x67f: {  	[tilespmem:s22], [sflag:$0x2] =	stream.linear.gather [hbm4b:s23+s3], $0x80, $0x38;
	[tilespmem:$0x1D700] =	vst v63  }
0x680: {  	s23 =	sld [smem:$0x7BA];
	_ =	sdelay $0x1  }
0x681: {  	s22 =	simm.s32 $0x1CC00  }
0x682: {  	[tilespmem:s22], [sflag:$0x2] =	stream.linear.gather [hbm4b:s23+s3], $0x80, $0x38;
	[tilespmem:$0x1D700] =	vst v63  }
0x683: {  	s23 =	sld [smem:$0x7BB];
	_ =	sdelay $0x1  }
0x684: {  	s22 =	simm.s32 $0x1CD00  }
0x685: {  	[tilespmem:s22], [sflag:$0x2] =	stream.linear.gather [hbm4b:s23+s3], $0x80, $0x38;
	[tilespmem:$0x1D700] =	vst v63  }
0x686: {  	s23 =	sld [smem:$0x7BC];
	_ =	sdelay $0x1  }
0x687: {  	s22 =	simm.s32 $0x1CE00  }
0x688: {  	[tilespmem:s22], [sflag:$0x2] =	stream.linear.gather [hbm4b:s23+s3], $0x80, $0x38;
	[tilespmem:$0x1D700] =	vst v63  }
0x689: {  	s23 =	sld [smem:$0x7BD];
	_ =	sdelay $0x1  }
0x68a: {  	s22 =	simm.s32 $0x1CF00  }
0x68b: {  	[tilespmem:s22], [sflag:$0x2] =	stream.linear.gather [hbm4b:s23+s3], $0x80, $0x38;
	[tilespmem:$0x1D700] =	vst v63  }
0x68c: {  	s23 =	sld [smem:$0x7BE];
	_ =	sdelay $0x1  }
0x68d: {  	s22 =	simm.s32 $0x1D000  }
0x68e: {  	[tilespmem:s22], [sflag:$0x2] =	stream.linear.gather [hbm4b:s23+s3], $0x80, $0x38;
	[tilespmem:$0x1D700] =	vst v63  }
0x68f: {  	s23 =	sld [smem:$0x7BF];
	_ =	sdelay $0x1  }
0x690: {  	s22 =	simm.s32 $0x1D100  }
0x691: {  	[tilespmem:s22], [sflag:$0x2] =	stream.linear.gather [hbm4b:s23+s3], $0x80, $0x38;
	[tilespmem:$0x1D700] =	vst v63  }
0x692: {  	s23 =	sld [smem:$0x7C0];
	_ =	sdelay $0x1  }
0x693: {  	s22 =	simm.s32 $0x1D200  }
0x694: {  	[tilespmem:s22], [sflag:$0x2] =	stream.linear.gather [hbm4b:s23+s3], $0x80, $0x38;
	[tilespmem:$0x1D700] =	vst v63  }
0x695: {  	s23 =	sld [smem:$0x7C1];
	_ =	sdelay $0x1  }
0x696: {  	s22 =	simm.s32 $0x1D300  }
0x697: {  	[tilespmem:s22], [sflag:$0x2] =	stream.linear.gather [hbm4b:s23+s3], $0x80, $0x38;
	[tilespmem:$0x1D700] =	vst v63  }
0x698: {  	s23 =	sld [smem:$0x7C2];
	_ =	sdelay $0x1  }
0x699: {  	s22 =	simm.s32 $0x1D400  }
0x69a: {  	[tilespmem:s22], [sflag:$0x2] =	stream.linear.gather [hbm4b:s23+s3], $0x80, $0x38;
	[tilespmem:$0x1D700] =	vst v63  }
0x69b: {  	s23 =	sld [smem:$0x7C3];
	_ =	sdelay $0x1  }
0x69c: {  	s22 =	simm.s32 $0x1D500  }
0x69d: {  	[tilespmem:s22], [sflag:$0x2] =	stream.linear.gather [hbm4b:s23+s3], $0x80, $0x38;
	[tilespmem:$0x1D700] =	vst v63  }
0x69e: {  	s23 =	sld [smem:$0x7C4];
	_ =	sdelay $0x1  }
0x69f: {  	s22 =	simm.s32 $0x1D600  }
0x6a0: {  	[tilespmem:s22], [sflag:$0x2] =	stream.linear.gather [hbm4b:s23+s3], $0x80, $0x38;
	[tilespmem:$0x1D700] =	vst v63  }
0x6a1: {  	_ =	swait.ge [sflag:s20], $0x800  }
0x6a2: {  	[sflag:s20] =	ssyncset.done $0x0  }
0x6a3: {  	s23 =	simm.s32 $0x1C7F0;
	[sflag:s20] =	ssyncadd.s32 $0xFFFFF800  }
0x6a4: {  	v0 =	vld [tilespmem:s23+$0x0]  }
0x6a5: {  	v1 =	vld [tilespmem:s23+$0xFFFFFFA0]  }
0x6a6: {  	v2 =	vld [tilespmem:s23+$0xFFFFFFB0]  }
0x6a7: {  	v3 =	vld [tilespmem:s23+$0xFFFFFFC0]  }
0x6a8: {  	v4 =	vld [tilespmem:s23+$0xFFFFFFD0]  }
0x6a9: {  	v6 =	vld [tilespmem:s23+$0xFFFFFFE0]  }
0x6aa: {  	v7 =	vld [tilespmem:s23+$0xFFFFFFF0]  }
0x6ab: {  	v8 =	vld [tilespmem:s23+$0xFFFFFF90]  }
0x6ac: {  	v9 =	vld.idx.msk [tilespmem:v0+s3+$0x0], $0xffff  }
0x6ad: {  	v10 =	vld.idx.msk [tilespmem:v1+s3+$0x0], $0xffff  }
0x6ae: {  	v5 =	vld.idx.msk [tilespmem:v2+s3+$0x0], $0xffff  }
0x6af: {  	v3 =	vld.idx.msk [tilespmem:v3+s3+$0x0], $0xffff  }
0x6b0: {  	v2 =	vld.idx.msk [tilespmem:v4+s3+$0x0], $0xffff  }
0x6b1: {  	s21 =	simm.s32 $0x19F70;
	v0 =	vld.idx.msk [tilespmem:v6+s3+$0x0], $0xffff  }
0x6b2: {  	v1 =	vld.idx.msk [tilespmem:v7+s3+$0x0], $0xffff;
	[tilespmem:s21+$0x0] =	vst v9  }
0x6b3: {  	s22 =	simm.s32 $0x0;
	s23 =	simm.s32 $0x1C8F0;
	v4 =	vld.idx.msk [tilespmem:v8+s3+$0x0], $0xffff;
	[tilespmem:s21+$0xFFFFFFA0] =	vst v10  }
.LBB2_40:
0x6b4: {  	v6 =	vld [tilespmem:s23+$0x0];
	s22 =	sadd.s32 $0x8, s22;
	[tilespmem:s21+$0xFFFFFFB0] =	vst v5  }
0x6b5: {  	v5 =	vld [tilespmem:s23+$0xFFFFFFA0];
	p0 =	slt.u32 s22, $0x78;
	[tilespmem:s21+$0xFFFFFFC0] =	vst v3  }
0x6b6: {  	v3 =	vld [tilespmem:s23+$0xFFFFFFB0];
	[tilespmem:s21+$0xFFFFFFD0] =	vst v2  }
0x6b7: {  	v2 =	vld [tilespmem:s23+$0xFFFFFFC0];
	[tilespmem:s21+$0xFFFFFFE0] =	vst v0  }
0x6b8: {  	v0 =	vld [tilespmem:s23+$0xFFFFFFD0];
	[tilespmem:s21+$0xFFFFFFF0] =	vst v1  }
0x6b9: {  	v1 =	vld [tilespmem:s23+$0xFFFFFFE0];
	[tilespmem:s21+$0xFFFFFF90] =	vst v4  }
0x6ba: {  	v4 =	vld [tilespmem:s23+$0xFFFFFFF0]  }
0x6bb: {  	v7 =	vld [tilespmem:s23+$0xFFFFFF90]  }
0x6bc: {  	v6 =	vld.idx.msk [tilespmem:v6+s3+$0x0], $0xffff  }
0x6bd: {  	v8 =	vld.idx.msk [tilespmem:v5+s3+$0x0], $0xffff  }
0x6be: {  	v5 =	vld.idx.msk [tilespmem:v3+s3+$0x0], $0xffff  }
.Ltmp19:
0x6bf: {  	v3 =	vld.idx.msk [tilespmem:v2+s3+$0x0], $0xffff;
	(pc) =	sbr.rel @p0 .LBB2_40-.Ltmp19, $4  }
0x6c0: {  	v2 =	vld.idx.msk [tilespmem:v0+s3+$0x0], $0xffff  }
0x6c1: {  	s21 =	sadd.s32 $0x80, s21;
	v0 =	vld.idx.msk [tilespmem:v1+s3+$0x0], $0xffff  }
0x6c2: {  	v1 =	vld.idx.msk [tilespmem:v4+s3+$0x0], $0xffff;
	[tilespmem:s21+$0x0] =	vst v6  }
0x6c3: {  	s23 =	sadd.s32 $0x100, s23;
	v4 =	vld.idx.msk [tilespmem:v7+s3+$0x0], $0xffff;
	[tilespmem:s21+$0xFFFFFFA0] =	vst v8  }
0x6c4: {  	[tilespmem:s21+$0xFFFFFFB0] =	vst v5  }
0x6c5: {  	[tilespmem:s21+$0xFFFFFFC0] =	vst v3  }
0x6c6: {  	[tilespmem:s21+$0xFFFFFFD0] =	vst v2  }
0x6c7: {  	[tilespmem:s21+$0xFFFFFFE0] =	vst v0  }
0x6c8: {  	[tilespmem:s21+$0xFFFFFFF0] =	vst v1  }
0x6c9: {  	s22 =	simm.s32 $0x1C780;
	[tilespmem:s21+$0xFFFFFF90] =	vst v4  }
0x6ca: {  	[tilespmem:s22], [sflag:$0x3] =	stream.linear.gather [hbm4b:s10+s3], $0x80, $0x38;
	[tilespmem:$0x1D700] =	vst v63  }
0x6cb: {  	s22 =	sld [smem:$0x7A7];
	_ =	sdelay $0x1  }
0x6cc: {  	s23 =	simm.s32 $0x1C880  }
0x6cd: {  	[tilespmem:s23], [sflag:$0x3] =	stream.linear.gather [hbm4b:s22+s3], $0x80, $0x38;
	[tilespmem:$0x1D700] =	vst v63  }
0x6ce: {  	s23 =	sld [smem:$0x7A8];
	_ =	sdelay $0x1  }
0x6cf: {  	s22 =	simm.s32 $0x1C980  }
0x6d0: {  	[tilespmem:s22], [sflag:$0x3] =	stream.linear.gather [hbm4b:s23+s3], $0x80, $0x38;
	[tilespmem:$0x1D700] =	vst v63  }
0x6d1: {  	s23 =	sld [smem:$0x7A9];
	_ =	sdelay $0x1  }
0x6d2: {  	s22 =	simm.s32 $0x1CA80  }
0x6d3: {  	[tilespmem:s22], [sflag:$0x3] =	stream.linear.gather [hbm4b:s23+s3], $0x80, $0x38;
	[tilespmem:$0x1D700] =	vst v63  }
0x6d4: {  	s23 =	sld [smem:$0x7AA];
	_ =	sdelay $0x1  }
0x6d5: {  	s22 =	simm.s32 $0x1CB80  }
0x6d6: {  	[tilespmem:s22], [sflag:$0x3] =	stream.linear.gather [hbm4b:s23+s3], $0x80, $0x38;
	[tilespmem:$0x1D700] =	vst v63  }
0x6d7: {  	s22 =	sld [smem:$0x7AB];
	_ =	sdelay $0x1  }
0x6d8: {  	s23 =	sld [smem:$0x7AC]  }
0x6d9: {  	[tilespmem:s24], [sflag:$0x3] =	stream.linear.gather [hbm4b:s22+s3], $0x80, $0x38;
	[tilespmem:$0x1D700] =	vst v63  }
0x6da: {  	s22 =	sld [smem:$0x7AD]  }
0x6db: {  	[tilespmem:s25], [sflag:$0x3] =	stream.linear.gather [hbm4b:s23+s3], $0x80, $0x38;
	[tilespmem:$0x1D700] =	vst v63  }
0x6dc: {  	s23 =	sld [smem:$0x7AE]  }
0x6dd: {  	[tilespmem:s26], [sflag:$0x3] =	stream.linear.gather [hbm4b:s22+s3], $0x80, $0x38;
	[tilespmem:$0x1D700] =	vst v63  }
0x6de: {  	s22 =	sld [smem:$0x7AF]  }
0x6df: {  	[tilespmem:s28], [sflag:$0x3] =	stream.linear.gather [hbm4b:s23+s3], $0x80, $0x38;
	[tilespmem:$0x1D700] =	vst v63  }
0x6e0: {  	s23 =	sld [smem:$0x7B0]  }
0x6e1: {  	[tilespmem:s29], [sflag:$0x3] =	stream.linear.gather [hbm4b:s22+s3], $0x80, $0x38;
	[tilespmem:$0x1D700] =	vst v63  }
0x6e2: {  	s22 =	sld [smem:$0x7B1]  }
0x6e3: {  	[tilespmem:s30], [sflag:$0x3] =	stream.linear.gather [hbm4b:s23+s3], $0x80, $0x38;
	[tilespmem:$0x1D700] =	vst v63  }
0x6e4: {  	s23 =	sld [smem:$0x7B2]  }
0x6e5: {  	[tilespmem:s31], [sflag:$0x3] =	stream.linear.gather [hbm4b:s22+s3], $0x80, $0x38;
	[tilespmem:$0x1D700] =	vst v63  }
0x6e6: {  	s22 =	sld [smem:$0x7B3]  }
0x6e7: {  	[tilespmem:s0], [sflag:$0x3] =	stream.linear.gather [hbm4b:s23+s3], $0x80, $0x38;
	[tilespmem:$0x1D700] =	vst v63  }
0x6e8: {  	s23 =	sld [smem:$0x7B4]  }
0x6e9: {  	[tilespmem:s2], [sflag:$0x3] =	stream.linear.gather [hbm4b:s22+s3], $0x80, $0x38;
	[tilespmem:$0x1D700] =	vst v63  }
0x6ea: {  	s22 =	sld [smem:$0x7B5]  }
0x6eb: {  	[tilespmem:s5], [sflag:$0x3] =	stream.linear.gather [hbm4b:s23+s3], $0x80, $0x38;
	[tilespmem:$0x1D700] =	vst v63  }
0x6ec: {  	_ = 	snop  }
0x6ed: {  	[tilespmem:s4], [sflag:$0x3] =	stream.linear.gather [hbm4b:s22+s3], $0x80, $0x38;
	[tilespmem:$0x1D700] =	vst v63  }
0x6ee: {  	_ =	swait.ge [sflag:s19], $0x800  }
0x6ef: {  	[sflag:s19] =	ssyncset.done $0x0  }
0x6f0: {  	s23 =	simm.s32 $0x1C740;
	[sflag:s19] =	ssyncadd.s32 $0xFFFFF800  }
0x6f1: {  	v0 =	vld [tilespmem:s23+$0x30]  }
0x6f2: {  	v1 =	vld [tilespmem:s23+$0xFFFFFFD0]  }
0x6f3: {  	v2 =	vld [tilespmem:s23+$0xFFFFFFE0]  }
0x6f4: {  	v3 =	vld [tilespmem:s23+$0xFFFFFFF0]  }
0x6f5: {  	v4 =	vld [tilespmem:s23+$0x0]  }
0x6f6: {  	v6 =	vld [tilespmem:s23+$0x10]  }
0x6f7: {  	v7 =	vld [tilespmem:s23+$0x20]  }
0x6f8: {  	v8 =	vld [tilespmem:s23+$0xFFFFFFC0]  }
0x6f9: {  	v9 =	vld.idx.msk [tilespmem:v0+s3+$0x0], $0xffff  }
0x6fa: {  	v10 =	vld.idx.msk [tilespmem:v1+s3+$0x0], $0xffff  }
0x6fb: {  	v5 =	vld.idx.msk [tilespmem:v2+s3+$0x0], $0xffff  }
0x6fc: {  	v3 =	vld.idx.msk [tilespmem:v3+s3+$0x0], $0xffff  }
0x6fd: {  	v2 =	vld.idx.msk [tilespmem:v4+s3+$0x0], $0xffff  }
0x6fe: {  	s21 =	simm.s32 $0x1A770;
	v0 =	vld.idx.msk [tilespmem:v6+s3+$0x0], $0xffff  }
0x6ff: {  	v1 =	vld.idx.msk [tilespmem:v7+s3+$0x0], $0xffff;
	[tilespmem:s21+$0x0] =	vst v9  }
0x700: {  	s22 =	simm.s32 $0x0;
	s23 =	simm.s32 $0x1C840;
	v4 =	vld.idx.msk [tilespmem:v8+s3+$0x0], $0xffff;
	[tilespmem:s21+$0xFFFFFFA0] =	vst v10  }
.LBB2_42:
0x701: {  	v6 =	vld [tilespmem:s23+$0x30];
	s22 =	sadd.s32 $0x8, s22;
	[tilespmem:s21+$0xFFFFFFB0] =	vst v5  }
0x702: {  	v5 =	vld [tilespmem:s23+$0xFFFFFFD0];
	p0 =	slt.u32 s22, $0x78;
	[tilespmem:s21+$0xFFFFFFC0] =	vst v3  }
0x703: {  	v3 =	vld [tilespmem:s23+$0xFFFFFFE0];
	[tilespmem:s21+$0xFFFFFFD0] =	vst v2  }
0x704: {  	v2 =	vld [tilespmem:s23+$0xFFFFFFF0];
	[tilespmem:s21+$0xFFFFFFE0] =	vst v0  }
0x705: {  	v0 =	vld [tilespmem:s23+$0x0];
	[tilespmem:s21+$0xFFFFFFF0] =	vst v1  }
0x706: {  	v1 =	vld [tilespmem:s23+$0x10];
	[tilespmem:s21+$0xFFFFFF90] =	vst v4  }
0x707: {  	v4 =	vld [tilespmem:s23+$0x20]  }
0x708: {  	v7 =	vld [tilespmem:s23+$0xFFFFFFC0]  }
0x709: {  	v6 =	vld.idx.msk [tilespmem:v6+s3+$0x0], $0xffff  }
0x70a: {  	v8 =	vld.idx.msk [tilespmem:v5+s3+$0x0], $0xffff  }
0x70b: {  	v5 =	vld.idx.msk [tilespmem:v3+s3+$0x0], $0xffff  }
.Ltmp20:
0x70c: {  	v3 =	vld.idx.msk [tilespmem:v2+s3+$0x0], $0xffff;
	(pc) =	sbr.rel @p0 .LBB2_42-.Ltmp20, $4  }
0x70d: {  	v2 =	vld.idx.msk [tilespmem:v0+s3+$0x0], $0xffff  }
0x70e: {  	s21 =	sadd.s32 $0x80, s21;
	v0 =	vld.idx.msk [tilespmem:v1+s3+$0x0], $0xffff  }
0x70f: {  	v1 =	vld.idx.msk [tilespmem:v4+s3+$0x0], $0xffff;
	[tilespmem:s21+$0x0] =	vst v6  }
0x710: {  	s23 =	sadd.s32 $0x100, s23;
	v4 =	vld.idx.msk [tilespmem:v7+s3+$0x0], $0xffff;
	[tilespmem:s21+$0xFFFFFFA0] =	vst v8  }
0x711: {  	[tilespmem:s21+$0xFFFFFFB0] =	vst v5  }
0x712: {  	[tilespmem:s21+$0xFFFFFFC0] =	vst v3  }
0x713: {  	[tilespmem:s21+$0xFFFFFFD0] =	vst v2  }
0x714: {  	[tilespmem:s21+$0xFFFFFFE0] =	vst v0  }
0x715: {  	[tilespmem:s21+$0xFFFFFFF0] =	vst v1  }
0x716: {  	s22 =	simm.s32 $0x1C700;
	[tilespmem:s21+$0xFFFFFF90] =	vst v4  }
0x717: {  	[tilespmem:s22], [sflag:$0x2] =	stream.linear.gather [hbm4b:s11+s3], $0x80, $0x38;
	[tilespmem:$0x1D700] =	vst v63  }
0x718: {  	s22 =	sld [smem:$0x798];
	_ =	sdelay $0x1  }
0x719: {  	s23 =	simm.s32 $0x1C800  }
0x71a: {  	[tilespmem:s23], [sflag:$0x2] =	stream.linear.gather [hbm4b:s22+s3], $0x80, $0x38;
	[tilespmem:$0x1D700] =	vst v63  }
0x71b: {  	s23 =	sld [smem:$0x799];
	_ =	sdelay $0x1  }
0x71c: {  	s22 =	simm.s32 $0x1C900  }
0x71d: {  	[tilespmem:s22], [sflag:$0x2] =	stream.linear.gather [hbm4b:s23+s3], $0x80, $0x38;
	[tilespmem:$0x1D700] =	vst v63  }
0x71e: {  	s23 =	sld [smem:$0x79A];
	_ =	sdelay $0x1  }
0x71f: {  	s22 =	simm.s32 $0x1CA00  }
0x720: {  	[tilespmem:s22], [sflag:$0x2] =	stream.linear.gather [hbm4b:s23+s3], $0x80, $0x38;
	[tilespmem:$0x1D700] =	vst v63  }
0x721: {  	s23 =	sld [smem:$0x79B];
	_ =	sdelay $0x1  }
0x722: {  	s22 =	simm.s32 $0x1CB00  }
0x723: {  	[tilespmem:s22], [sflag:$0x2] =	stream.linear.gather [hbm4b:s23+s3], $0x80, $0x38;
	[tilespmem:$0x1D700] =	vst v63  }
0x724: {  	s23 =	sld [smem:$0x79C];
	_ =	sdelay $0x1  }
0x725: {  	s22 =	simm.s32 $0x1CC00  }
0x726: {  	[tilespmem:s22], [sflag:$0x2] =	stream.linear.gather [hbm4b:s23+s3], $0x80, $0x38;
	[tilespmem:$0x1D700] =	vst v63  }
0x727: {  	s23 =	sld [smem:$0x79D];
	_ =	sdelay $0x1  }
0x728: {  	s22 =	simm.s32 $0x1CD00  }
0x729: {  	[tilespmem:s22], [sflag:$0x2] =	stream.linear.gather [hbm4b:s23+s3], $0x80, $0x38;
	[tilespmem:$0x1D700] =	vst v63  }
0x72a: {  	s23 =	sld [smem:$0x79E];
	_ =	sdelay $0x1  }
0x72b: {  	s22 =	simm.s32 $0x1CE00  }
0x72c: {  	[tilespmem:s22], [sflag:$0x2] =	stream.linear.gather [hbm4b:s23+s3], $0x80, $0x38;
	[tilespmem:$0x1D700] =	vst v63  }
0x72d: {  	s23 =	sld [smem:$0x79F];
	_ =	sdelay $0x1  }
0x72e: {  	s22 =	simm.s32 $0x1CF00  }
0x72f: {  	[tilespmem:s22], [sflag:$0x2] =	stream.linear.gather [hbm4b:s23+s3], $0x80, $0x38;
	[tilespmem:$0x1D700] =	vst v63  }
0x730: {  	s23 =	sld [smem:$0x7A0];
	_ =	sdelay $0x1  }
0x731: {  	s22 =	simm.s32 $0x1D000  }
0x732: {  	[tilespmem:s22], [sflag:$0x2] =	stream.linear.gather [hbm4b:s23+s3], $0x80, $0x38;
	[tilespmem:$0x1D700] =	vst v63  }
0x733: {  	s23 =	sld [smem:$0x7A1];
	_ =	sdelay $0x1  }
0x734: {  	s22 =	simm.s32 $0x1D100  }
0x735: {  	[tilespmem:s22], [sflag:$0x2] =	stream.linear.gather [hbm4b:s23+s3], $0x80, $0x38;
	[tilespmem:$0x1D700] =	vst v63  }
0x736: {  	s23 =	sld [smem:$0x7A2];
	_ =	sdelay $0x1  }
0x737: {  	s22 =	simm.s32 $0x1D200  }
0x738: {  	[tilespmem:s22], [sflag:$0x2] =	stream.linear.gather [hbm4b:s23+s3], $0x80, $0x38;
	[tilespmem:$0x1D700] =	vst v63  }
0x739: {  	s23 =	sld [smem:$0x7A3];
	_ =	sdelay $0x1  }
0x73a: {  	s22 =	simm.s32 $0x1D300  }
0x73b: {  	[tilespmem:s22], [sflag:$0x2] =	stream.linear.gather [hbm4b:s23+s3], $0x80, $0x38;
	[tilespmem:$0x1D700] =	vst v63  }
0x73c: {  	s23 =	sld [smem:$0x7A4];
	_ =	sdelay $0x1  }
0x73d: {  	s22 =	simm.s32 $0x1D400  }
0x73e: {  	[tilespmem:s22], [sflag:$0x2] =	stream.linear.gather [hbm4b:s23+s3], $0x80, $0x38;
	[tilespmem:$0x1D700] =	vst v63  }
0x73f: {  	s23 =	sld [smem:$0x7A5];
	_ =	sdelay $0x1  }
0x740: {  	s22 =	simm.s32 $0x1D500  }
0x741: {  	[tilespmem:s22], [sflag:$0x2] =	stream.linear.gather [hbm4b:s23+s3], $0x80, $0x38;
	[tilespmem:$0x1D700] =	vst v63  }
0x742: {  	s23 =	sld [smem:$0x7A6];
	_ =	sdelay $0x1  }
0x743: {  	s22 =	simm.s32 $0x1D600  }
0x744: {  	[tilespmem:s22], [sflag:$0x2] =	stream.linear.gather [hbm4b:s23+s3], $0x80, $0x38;
	[tilespmem:$0x1D700] =	vst v63  }
0x745: {  	_ =	swait.ge [sflag:s20], $0x800  }
0x746: {  	[sflag:s20] =	ssyncset.done $0x0  }
0x747: {  	s23 =	simm.s32 $0x1C7F0;
	[sflag:s20] =	ssyncadd.s32 $0xFFFFF800  }
0x748: {  	v0 =	vld [tilespmem:s23+$0x0]  }
0x749: {  	v1 =	vld [tilespmem:s23+$0xFFFFFFA0]  }
0x74a: {  	v2 =	vld [tilespmem:s23+$0xFFFFFFB0]  }
0x74b: {  	v3 =	vld [tilespmem:s23+$0xFFFFFFC0]  }
0x74c: {  	v4 =	vld [tilespmem:s23+$0xFFFFFFD0]  }
0x74d: {  	v6 =	vld [tilespmem:s23+$0xFFFFFFE0]  }
0x74e: {  	v7 =	vld [tilespmem:s23+$0xFFFFFFF0]  }
0x74f: {  	v8 =	vld [tilespmem:s23+$0xFFFFFF90]  }
0x750: {  	v9 =	vld.idx.msk [tilespmem:v0+s3+$0x0], $0xffff  }
0x751: {  	v10 =	vld.idx.msk [tilespmem:v1+s3+$0x0], $0xffff  }
0x752: {  	v5 =	vld.idx.msk [tilespmem:v2+s3+$0x0], $0xffff  }
0x753: {  	v3 =	vld.idx.msk [tilespmem:v3+s3+$0x0], $0xffff  }
0x754: {  	v2 =	vld.idx.msk [tilespmem:v4+s3+$0x0], $0xffff  }
0x755: {  	s21 =	simm.s32 $0x1AF70;
	v0 =	vld.idx.msk [tilespmem:v6+s3+$0x0], $0xffff  }
0x756: {  	v1 =	vld.idx.msk [tilespmem:v7+s3+$0x0], $0xffff;
	[tilespmem:s21+$0x0] =	vst v9  }
0x757: {  	s22 =	simm.s32 $0x0;
	s23 =	simm.s32 $0x1C8F0;
	v4 =	vld.idx.msk [tilespmem:v8+s3+$0x0], $0xffff;
	[tilespmem:s21+$0xFFFFFFA0] =	vst v10  }
.LBB2_44:
0x758: {  	v6 =	vld [tilespmem:s23+$0x0];
	s22 =	sadd.s32 $0x8, s22;
	[tilespmem:s21+$0xFFFFFFB0] =	vst v5  }
0x759: {  	v5 =	vld [tilespmem:s23+$0xFFFFFFA0];
	p0 =	slt.u32 s22, $0x78;
	[tilespmem:s21+$0xFFFFFFC0] =	vst v3  }
0x75a: {  	v3 =	vld [tilespmem:s23+$0xFFFFFFB0];
	[tilespmem:s21+$0xFFFFFFD0] =	vst v2  }
0x75b: {  	v2 =	vld [tilespmem:s23+$0xFFFFFFC0];
	[tilespmem:s21+$0xFFFFFFE0] =	vst v0  }
0x75c: {  	v0 =	vld [tilespmem:s23+$0xFFFFFFD0];
	[tilespmem:s21+$0xFFFFFFF0] =	vst v1  }
0x75d: {  	v1 =	vld [tilespmem:s23+$0xFFFFFFE0];
	[tilespmem:s21+$0xFFFFFF90] =	vst v4  }
0x75e: {  	v4 =	vld [tilespmem:s23+$0xFFFFFFF0]  }
0x75f: {  	v7 =	vld [tilespmem:s23+$0xFFFFFF90]  }
0x760: {  	v6 =	vld.idx.msk [tilespmem:v6+s3+$0x0], $0xffff  }
0x761: {  	v8 =	vld.idx.msk [tilespmem:v5+s3+$0x0], $0xffff  }
0x762: {  	v5 =	vld.idx.msk [tilespmem:v3+s3+$0x0], $0xffff  }
.Ltmp21:
0x763: {  	v3 =	vld.idx.msk [tilespmem:v2+s3+$0x0], $0xffff;
	(pc) =	sbr.rel @p0 .LBB2_44-.Ltmp21, $4  }
0x764: {  	v2 =	vld.idx.msk [tilespmem:v0+s3+$0x0], $0xffff  }
0x765: {  	s21 =	sadd.s32 $0x80, s21;
	v0 =	vld.idx.msk [tilespmem:v1+s3+$0x0], $0xffff  }
0x766: {  	v1 =	vld.idx.msk [tilespmem:v4+s3+$0x0], $0xffff;
	[tilespmem:s21+$0x0] =	vst v6  }
0x767: {  	s23 =	sadd.s32 $0x100, s23;
	v4 =	vld.idx.msk [tilespmem:v7+s3+$0x0], $0xffff;
	[tilespmem:s21+$0xFFFFFFA0] =	vst v8  }
0x768: {  	[tilespmem:s21+$0xFFFFFFB0] =	vst v5  }
0x769: {  	[tilespmem:s21+$0xFFFFFFC0] =	vst v3  }
0x76a: {  	[tilespmem:s21+$0xFFFFFFD0] =	vst v2  }
0x76b: {  	[tilespmem:s21+$0xFFFFFFE0] =	vst v0  }
0x76c: {  	[tilespmem:s21+$0xFFFFFFF0] =	vst v1  }
0x76d: {  	s22 =	simm.s32 $0x1C780;
	[tilespmem:s21+$0xFFFFFF90] =	vst v4  }
0x76e: {  	[tilespmem:s22], [sflag:$0x3] =	stream.linear.gather [hbm4b:s12+s3], $0x80, $0x38;
	[tilespmem:$0x1D700] =	vst v63  }
0x76f: {  	s22 =	sld [smem:$0x789];
	_ =	sdelay $0x1  }
0x770: {  	s23 =	simm.s32 $0x1C880  }
0x771: {  	[tilespmem:s23], [sflag:$0x3] =	stream.linear.gather [hbm4b:s22+s3], $0x80, $0x38;
	[tilespmem:$0x1D700] =	vst v63  }
0x772: {  	s23 =	sld [smem:$0x78A];
	_ =	sdelay $0x1  }
0x773: {  	s22 =	simm.s32 $0x1C980  }
0x774: {  	[tilespmem:s22], [sflag:$0x3] =	stream.linear.gather [hbm4b:s23+s3], $0x80, $0x38;
	[tilespmem:$0x1D700] =	vst v63  }
0x775: {  	s23 =	sld [smem:$0x78B];
	_ =	sdelay $0x1  }
0x776: {  	s22 =	simm.s32 $0x1CA80  }
0x777: {  	[tilespmem:s22], [sflag:$0x3] =	stream.linear.gather [hbm4b:s23+s3], $0x80, $0x38;
	[tilespmem:$0x1D700] =	vst v63  }
0x778: {  	s23 =	sld [smem:$0x78C];
	_ =	sdelay $0x1  }
0x779: {  	s22 =	simm.s32 $0x1CB80  }
0x77a: {  	[tilespmem:s22], [sflag:$0x3] =	stream.linear.gather [hbm4b:s23+s3], $0x80, $0x38;
	[tilespmem:$0x1D700] =	vst v63  }
0x77b: {  	s22 =	sld [smem:$0x78D];
	_ =	sdelay $0x1  }
0x77c: {  	s23 =	sld [smem:$0x78E]  }
0x77d: {  	[tilespmem:s24], [sflag:$0x3] =	stream.linear.gather [hbm4b:s22+s3], $0x80, $0x38;
	[tilespmem:$0x1D700] =	vst v63  }
0x77e: {  	s22 =	sld [smem:$0x78F]  }
0x77f: {  	[tilespmem:s25], [sflag:$0x3] =	stream.linear.gather [hbm4b:s23+s3], $0x80, $0x38;
	[tilespmem:$0x1D700] =	vst v63  }
0x780: {  	s23 =	sld [smem:$0x790]  }
0x781: {  	[tilespmem:s26], [sflag:$0x3] =	stream.linear.gather [hbm4b:s22+s3], $0x80, $0x38;
	[tilespmem:$0x1D700] =	vst v63  }
0x782: {  	s22 =	sld [smem:$0x791]  }
0x783: {  	[tilespmem:s28], [sflag:$0x3] =	stream.linear.gather [hbm4b:s23+s3], $0x80, $0x38;
	[tilespmem:$0x1D700] =	vst v63  }
0x784: {  	s23 =	sld [smem:$0x792]  }
0x785: {  	[tilespmem:s29], [sflag:$0x3] =	stream.linear.gather [hbm4b:s22+s3], $0x80, $0x38;
	[tilespmem:$0x1D700] =	vst v63  }
0x786: {  	s22 =	sld [smem:$0x793]  }
0x787: {  	[tilespmem:s30], [sflag:$0x3] =	stream.linear.gather [hbm4b:s23+s3], $0x80, $0x38;
	[tilespmem:$0x1D700] =	vst v63  }
0x788: {  	s23 =	sld [smem:$0x794]  }
0x789: {  	[tilespmem:s31], [sflag:$0x3] =	stream.linear.gather [hbm4b:s22+s3], $0x80, $0x38;
	[tilespmem:$0x1D700] =	vst v63  }
0x78a: {  	s22 =	sld [smem:$0x795]  }
0x78b: {  	[tilespmem:s0], [sflag:$0x3] =	stream.linear.gather [hbm4b:s23+s3], $0x80, $0x38;
	[tilespmem:$0x1D700] =	vst v63  }
0x78c: {  	s23 =	sld [smem:$0x796]  }
0x78d: {  	[tilespmem:s2], [sflag:$0x3] =	stream.linear.gather [hbm4b:s22+s3], $0x80, $0x38;
	[tilespmem:$0x1D700] =	vst v63  }
0x78e: {  	s22 =	sld [smem:$0x797]  }
0x78f: {  	[tilespmem:s5], [sflag:$0x3] =	stream.linear.gather [hbm4b:s23+s3], $0x80, $0x38;
	[tilespmem:$0x1D700] =	vst v63  }
0x790: {  	_ = 	snop  }
0x791: {  	[tilespmem:s4], [sflag:$0x3] =	stream.linear.gather [hbm4b:s22+s3], $0x80, $0x38;
	[tilespmem:$0x1D700] =	vst v63  }
0x792: {  	_ =	swait.ge [sflag:s19], $0x800  }
0x793: {  	[sflag:s19] =	ssyncset.done $0x0  }
0x794: {  	s23 =	simm.s32 $0x1C740;
	[sflag:s19] =	ssyncadd.s32 $0xFFFFF800  }
0x795: {  	v0 =	vld [tilespmem:s23+$0x30]  }
0x796: {  	v1 =	vld [tilespmem:s23+$0xFFFFFFD0]  }
0x797: {  	v2 =	vld [tilespmem:s23+$0xFFFFFFE0]  }
0x798: {  	v3 =	vld [tilespmem:s23+$0xFFFFFFF0]  }
0x799: {  	v4 =	vld [tilespmem:s23+$0x0]  }
0x79a: {  	v6 =	vld [tilespmem:s23+$0x10]  }
0x79b: {  	v7 =	vld [tilespmem:s23+$0x20]  }
0x79c: {  	v8 =	vld [tilespmem:s23+$0xFFFFFFC0]  }
0x79d: {  	v9 =	vld.idx.msk [tilespmem:v0+s3+$0x0], $0xffff  }
0x79e: {  	v10 =	vld.idx.msk [tilespmem:v1+s3+$0x0], $0xffff  }
0x79f: {  	v5 =	vld.idx.msk [tilespmem:v2+s3+$0x0], $0xffff  }
0x7a0: {  	v3 =	vld.idx.msk [tilespmem:v3+s3+$0x0], $0xffff  }
0x7a1: {  	v2 =	vld.idx.msk [tilespmem:v4+s3+$0x0], $0xffff  }
0x7a2: {  	s21 =	simm.s32 $0x1B770;
	v0 =	vld.idx.msk [tilespmem:v6+s3+$0x0], $0xffff  }
0x7a3: {  	v1 =	vld.idx.msk [tilespmem:v7+s3+$0x0], $0xffff;
	[tilespmem:s21+$0x0] =	vst v9  }
0x7a4: {  	s22 =	simm.s32 $0x0;
	s23 =	simm.s32 $0x1C840;
	v4 =	vld.idx.msk [tilespmem:v8+s3+$0x0], $0xffff;
	[tilespmem:s21+$0xFFFFFFA0] =	vst v10  }
.LBB2_46:
0x7a5: {  	v6 =	vld [tilespmem:s23+$0x30];
	s22 =	sadd.s32 $0x8, s22;
	[tilespmem:s21+$0xFFFFFFB0] =	vst v5  }
0x7a6: {  	v5 =	vld [tilespmem:s23+$0xFFFFFFD0];
	p0 =	slt.u32 s22, $0x78;
	[tilespmem:s21+$0xFFFFFFC0] =	vst v3  }
0x7a7: {  	v3 =	vld [tilespmem:s23+$0xFFFFFFE0];
	[tilespmem:s21+$0xFFFFFFD0] =	vst v2  }
0x7a8: {  	v2 =	vld [tilespmem:s23+$0xFFFFFFF0];
	[tilespmem:s21+$0xFFFFFFE0] =	vst v0  }
0x7a9: {  	v0 =	vld [tilespmem:s23+$0x0];
	[tilespmem:s21+$0xFFFFFFF0] =	vst v1  }
0x7aa: {  	v1 =	vld [tilespmem:s23+$0x10];
	[tilespmem:s21+$0xFFFFFF90] =	vst v4  }
0x7ab: {  	v4 =	vld [tilespmem:s23+$0x20]  }
0x7ac: {  	v7 =	vld [tilespmem:s23+$0xFFFFFFC0]  }
0x7ad: {  	v6 =	vld.idx.msk [tilespmem:v6+s3+$0x0], $0xffff  }
0x7ae: {  	v8 =	vld.idx.msk [tilespmem:v5+s3+$0x0], $0xffff  }
0x7af: {  	v5 =	vld.idx.msk [tilespmem:v3+s3+$0x0], $0xffff  }
.Ltmp22:
0x7b0: {  	v3 =	vld.idx.msk [tilespmem:v2+s3+$0x0], $0xffff;
	(pc) =	sbr.rel @p0 .LBB2_46-.Ltmp22, $4  }
0x7b1: {  	v2 =	vld.idx.msk [tilespmem:v0+s3+$0x0], $0xffff  }
0x7b2: {  	s21 =	sadd.s32 $0x80, s21;
	v0 =	vld.idx.msk [tilespmem:v1+s3+$0x0], $0xffff  }
0x7b3: {  	v1 =	vld.idx.msk [tilespmem:v4+s3+$0x0], $0xffff;
	[tilespmem:s21+$0x0] =	vst v6  }
0x7b4: {  	s23 =	sadd.s32 $0x100, s23;
	v4 =	vld.idx.msk [tilespmem:v7+s3+$0x0], $0xffff;
	[tilespmem:s21+$0xFFFFFFA0] =	vst v8  }
0x7b5: {  	[tilespmem:s21+$0xFFFFFFB0] =	vst v5  }
0x7b6: {  	[tilespmem:s21+$0xFFFFFFC0] =	vst v3  }
0x7b7: {  	[tilespmem:s21+$0xFFFFFFD0] =	vst v2  }
0x7b8: {  	[tilespmem:s21+$0xFFFFFFE0] =	vst v0  }
0x7b9: {  	[tilespmem:s21+$0xFFFFFFF0] =	vst v1  }
0x7ba: {  	[tilespmem:s21+$0xFFFFFF90] =	vst v4  }
0x7bb: {  	_ =	swait.ge [sflag:s20], $0x800  }
0x7bc: {  	[sflag:s20] =	ssyncset.done $0x0  }
0x7bd: {  	s23 =	simm.s32 $0x1C7F0;
	[sflag:s20] =	ssyncadd.s32 $0xFFFFF800  }
0x7be: {  	v0 =	vld [tilespmem:s23+$0x0]  }
0x7bf: {  	v1 =	vld [tilespmem:s23+$0xFFFFFFA0]  }
0x7c0: {  	v2 =	vld [tilespmem:s23+$0xFFFFFFB0]  }
0x7c1: {  	v3 =	vld [tilespmem:s23+$0xFFFFFFC0]  }
0x7c2: {  	v4 =	vld [tilespmem:s23+$0xFFFFFFD0]  }
0x7c3: {  	v6 =	vld [tilespmem:s23+$0xFFFFFFE0]  }
0x7c4: {  	v7 =	vld [tilespmem:s23+$0xFFFFFFF0]  }
0x7c5: {  	v8 =	vld [tilespmem:s23+$0xFFFFFF90]  }
0x7c6: {  	v9 =	vld.idx.msk [tilespmem:v0+s3+$0x0], $0xffff  }
0x7c7: {  	v10 =	vld.idx.msk [tilespmem:v1+s3+$0x0], $0xffff  }
0x7c8: {  	v5 =	vld.idx.msk [tilespmem:v2+s3+$0x0], $0xffff  }
0x7c9: {  	v3 =	vld.idx.msk [tilespmem:v3+s3+$0x0], $0xffff  }
0x7ca: {  	v0 =	vld.idx.msk [tilespmem:v4+s3+$0x0], $0xffff  }
0x7cb: {  	s21 =	simm.s32 $0x1BF70;
	v1 =	vld.idx.msk [tilespmem:v6+s3+$0x0], $0xffff  }
0x7cc: {  	v2 =	vld.idx.msk [tilespmem:v7+s3+$0x0], $0xffff;
	[tilespmem:s21+$0x0] =	vst v9  }
0x7cd: {  	s22 =	simm.s32 $0x0;
	s23 =	simm.s32 $0x1C8F0;
	v4 =	vld.idx.msk [tilespmem:v8+s3+$0x0], $0xffff;
	[tilespmem:s21+$0xFFFFFFA0] =	vst v10  }
.LBB2_48:
0x7ce: {  	v6 =	vld [tilespmem:s23+$0x0];
	s22 =	sadd.s32 $0x8, s22;
	[tilespmem:s21+$0xFFFFFFB0] =	vst v5  }
0x7cf: {  	v5 =	vld [tilespmem:s23+$0xFFFFFFA0];
	p0 =	slt.u32 s22, $0x78;
	[tilespmem:s21+$0xFFFFFFC0] =	vst v3  }
0x7d0: {  	v3 =	vld [tilespmem:s23+$0xFFFFFFB0];
	[tilespmem:s21+$0xFFFFFFD0] =	vst v0  }
0x7d1: {  	v0 =	vld [tilespmem:s23+$0xFFFFFFC0];
	[tilespmem:s21+$0xFFFFFFE0] =	vst v1  }
0x7d2: {  	v1 =	vld [tilespmem:s23+$0xFFFFFFD0];
	[tilespmem:s21+$0xFFFFFFF0] =	vst v2  }
0x7d3: {  	v2 =	vld [tilespmem:s23+$0xFFFFFFE0];
	[tilespmem:s21+$0xFFFFFF90] =	vst v4  }
0x7d4: {  	v4 =	vld [tilespmem:s23+$0xFFFFFFF0]  }
0x7d5: {  	v7 =	vld [tilespmem:s23+$0xFFFFFF90]  }
0x7d6: {  	v6 =	vld.idx.msk [tilespmem:v6+s3+$0x0], $0xffff  }
0x7d7: {  	v8 =	vld.idx.msk [tilespmem:v5+s3+$0x0], $0xffff  }
0x7d8: {  	v5 =	vld.idx.msk [tilespmem:v3+s3+$0x0], $0xffff  }
.Ltmp23:
0x7d9: {  	v3 =	vld.idx.msk [tilespmem:v0+s3+$0x0], $0xffff;
	(pc) =	sbr.rel @p0 .LBB2_48-.Ltmp23, $4  }
0x7da: {  	v0 =	vld.idx.msk [tilespmem:v1+s3+$0x0], $0xffff  }
0x7db: {  	s21 =	sadd.s32 $0x80, s21;
	v1 =	vld.idx.msk [tilespmem:v2+s3+$0x0], $0xffff  }
0x7dc: {  	v2 =	vld.idx.msk [tilespmem:v4+s3+$0x0], $0xffff;
	[tilespmem:s21+$0x0] =	vst v6  }
0x7dd: {  	s23 =	sadd.s32 $0x100, s23;
	v4 =	vld.idx.msk [tilespmem:v7+s3+$0x0], $0xffff;
	[tilespmem:s21+$0xFFFFFFA0] =	vst v8  }
0x7de: {  	[tilespmem:s21+$0xFFFFFFB0] =	vst v5  }
0x7df: {  	[tilespmem:s21+$0xFFFFFFC0] =	vst v3  }
0x7e0: {  	[tilespmem:s21+$0xFFFFFFD0] =	vst v0  }
0x7e1: {  	[tilespmem:s21+$0xFFFFFFE0] =	vst v1  }
0x7e2: {  	[tilespmem:s21+$0xFFFFFFF0] =	vst v2  }
0x7e3: {  	[tilespmem:s21+$0xFFFFFF90] =	vst v4  }
0x7e4: {  	s22 =	simm.s32 $0x80;
	s23 =	simm.s32 $0x400;
	s21 =	rddreg [dreg:$0xa]  }
0x7e5: {  	[tilespmem:s3], [sflag:$0x1] =	stream.strided.gather [hbm4b:s21+s22], $0x18700, s23, s22, $0x38;
	[tilespmem:$0x1D700] =	vst v63  }
0x7e6: {  	s22 =	rddreg [dreg:$0x3];
	s23 =	simm.s32 $0x1C700  }
0x7e7: {  	[tilespmem:s23], [sflag:$0x2] =	stream.linear.gather [hbm4b:s22+s3], $0x80, $0x38;
	[tilespmem:$0x1D700] =	vst v63  }
0x7e8: {  	s22 =	rddreg [dreg:$0x1c];
	s23 =	simm.s32 $0x1C800  }
0x7e9: {  	[tilespmem:s23], [sflag:$0x2] =	stream.linear.gather [hbm4b:s22+s3], $0x80, $0x38;
	[tilespmem:$0x1D700] =	vst v63  }
0x7ea: {  	s22 =	rddreg [dreg:$0x1d];
	s23 =	simm.s32 $0x1C900  }
0x7eb: {  	[tilespmem:s23], [sflag:$0x2] =	stream.linear.gather [hbm4b:s22+s3], $0x80, $0x38;
	[tilespmem:$0x1D700] =	vst v63  }
0x7ec: {  	s22 =	rddreg [dreg:$0x1e];
	s23 =	simm.s32 $0x1CA00  }
0x7ed: {  	[tilespmem:s23], [sflag:$0x2] =	stream.linear.gather [hbm4b:s22+s3], $0x80, $0x38;
	[tilespmem:$0x1D700] =	vst v63  }
0x7ee: {  	s22 =	rddreg [dreg:$0x1f];
	s23 =	simm.s32 $0x1CB00  }
0x7ef: {  	[tilespmem:s23], [sflag:$0x2] =	stream.linear.gather [hbm4b:s22+s3], $0x80, $0x38;
	[tilespmem:$0x1D700] =	vst v63  }
0x7f0: {  	s22 =	sld [smem:$0x7F2];
	_ =	sdelay $0x1  }
0x7f1: {  	s23 =	simm.s32 $0x1CC00  }
0x7f2: {  	[tilespmem:s23], [sflag:$0x2] =	stream.linear.gather [hbm4b:s22+s3], $0x80, $0x38;
	[tilespmem:$0x1D700] =	vst v63  }
0x7f3: {  	s22 =	sld [smem:$0x7F3];
	_ =	sdelay $0x1  }
0x7f4: {  	s23 =	simm.s32 $0x1CD00  }
0x7f5: {  	[tilespmem:s23], [sflag:$0x2] =	stream.linear.gather [hbm4b:s22+s3], $0x80, $0x38;
	[tilespmem:$0x1D700] =	vst v63  }
0x7f6: {  	s22 =	sld [smem:$0x7F4];
	_ =	sdelay $0x1  }
0x7f7: {  	s23 =	simm.s32 $0x1CE00  }
0x7f8: {  	[tilespmem:s23], [sflag:$0x2] =	stream.linear.gather [hbm4b:s22+s3], $0x80, $0x38;
	[tilespmem:$0x1D700] =	vst v63  }
0x7f9: {  	s22 =	sld [smem:$0x7F5];
	_ =	sdelay $0x1  }
0x7fa: {  	s23 =	simm.s32 $0x1CF00  }
0x7fb: {  	[tilespmem:s23], [sflag:$0x2] =	stream.linear.gather [hbm4b:s22+s3], $0x80, $0x38;
	[tilespmem:$0x1D700] =	vst v63  }
0x7fc: {  	s22 =	sld [smem:$0x7F6];
	_ =	sdelay $0x1  }
0x7fd: {  	s23 =	simm.s32 $0x1D000  }
0x7fe: {  	[tilespmem:s23], [sflag:$0x2] =	stream.linear.gather [hbm4b:s22+s3], $0x80, $0x38;
	[tilespmem:$0x1D700] =	vst v63  }
0x7ff: {  	s22 =	sld [smem:$0x7F7];
	_ =	sdelay $0x1  }
0x800: {  	s23 =	simm.s32 $0x1D100  }
0x801: {  	[tilespmem:s23], [sflag:$0x2] =	stream.linear.gather [hbm4b:s22+s3], $0x80, $0x38;
	[tilespmem:$0x1D700] =	vst v63  }
0x802: {  	s22 =	sld [smem:$0x7F8];
	_ =	sdelay $0x1  }
0x803: {  	s23 =	simm.s32 $0x1D200  }
0x804: {  	[tilespmem:s23], [sflag:$0x2] =	stream.linear.gather [hbm4b:s22+s3], $0x80, $0x38;
	[tilespmem:$0x1D700] =	vst v63  }
0x805: {  	s22 =	sld [smem:$0x7F9];
	_ =	sdelay $0x1  }
0x806: {  	s23 =	simm.s32 $0x1D300  }
0x807: {  	[tilespmem:s23], [sflag:$0x2] =	stream.linear.gather [hbm4b:s22+s3], $0x80, $0x38;
	[tilespmem:$0x1D700] =	vst v63  }
0x808: {  	s22 =	sld [smem:$0x7FA];
	_ =	sdelay $0x1  }
0x809: {  	s23 =	simm.s32 $0x1D400  }
0x80a: {  	[tilespmem:s23], [sflag:$0x2] =	stream.linear.gather [hbm4b:s22+s3], $0x80, $0x38;
	[tilespmem:$0x1D700] =	vst v63  }
0x80b: {  	s22 =	sld [smem:$0x7FB];
	_ =	sdelay $0x1  }
0x80c: {  	s23 =	simm.s32 $0x1D500  }
0x80d: {  	[tilespmem:s23], [sflag:$0x2] =	stream.linear.gather [hbm4b:s22+s3], $0x80, $0x38;
	[tilespmem:$0x1D700] =	vst v63  }
0x80e: {  	s22 =	sld [smem:$0x7FC];
	_ =	sdelay $0x1  }
0x80f: {  	s23 =	simm.s32 $0x1D600  }
0x810: {  	[tilespmem:s23], [sflag:$0x2] =	stream.linear.gather [hbm4b:s22+s3], $0x80, $0x38;
	[tilespmem:$0x1D700] =	vst v63  }
0x811: {  	s22 =	simm.s32 $0x1  }
0x812: {  	_ =	swait.ge [sflag:s22], $0x18700  }
0x813: {  	[sflag:s22] =	ssyncset.done $0x0  }
0x814: {  	s23 =	simm.s32 $0x1C780;
	[sflag:s22] =	ssyncadd.s32 $0xFFFE7900  }
0x815: {  	[tilespmem:s23], [sflag:$0x3] =	stream.linear.gather [hbm4b:s13+s3], $0x80, $0x38;
	[tilespmem:$0x1D700] =	vst v63  }
0x816: {  	s23 =	sld [smem:$0x77A];
	_ =	sdelay $0x1  }
0x817: {  	s22 =	simm.s32 $0x1C880  }
0x818: {  	[tilespmem:s22], [sflag:$0x3] =	stream.linear.gather [hbm4b:s23+s3], $0x80, $0x38;
	[tilespmem:$0x1D700] =	vst v63  }
0x819: {  	s23 =	sld [smem:$0x77B];
	_ =	sdelay $0x1  }
0x81a: {  	s22 =	simm.s32 $0x1C980  }
0x81b: {  	[tilespmem:s22], [sflag:$0x3] =	stream.linear.gather [hbm4b:s23+s3], $0x80, $0x38;
	[tilespmem:$0x1D700] =	vst v63  }
0x81c: {  	s23 =	sld [smem:$0x77C];
	_ =	sdelay $0x1  }
0x81d: {  	s22 =	simm.s32 $0x1CA80  }
0x81e: {  	[tilespmem:s22], [sflag:$0x3] =	stream.linear.gather [hbm4b:s23+s3], $0x80, $0x38;
	[tilespmem:$0x1D700] =	vst v63  }
0x81f: {  	s23 =	sld [smem:$0x77D];
	_ =	sdelay $0x1  }
0x820: {  	s22 =	simm.s32 $0x1CB80  }
0x821: {  	[tilespmem:s22], [sflag:$0x3] =	stream.linear.gather [hbm4b:s23+s3], $0x80, $0x38;
	[tilespmem:$0x1D700] =	vst v63  }
0x822: {  	s22 =	sld [smem:$0x77E];
	_ =	sdelay $0x1  }
0x823: {  	s23 =	sld [smem:$0x77F]  }
0x824: {  	[tilespmem:s24], [sflag:$0x3] =	stream.linear.gather [hbm4b:s22+s3], $0x80, $0x38;
	[tilespmem:$0x1D700] =	vst v63  }
0x825: {  	s22 =	sld [smem:$0x780]  }
0x826: {  	[tilespmem:s25], [sflag:$0x3] =	stream.linear.gather [hbm4b:s23+s3], $0x80, $0x38;
	[tilespmem:$0x1D700] =	vst v63  }
0x827: {  	s23 =	sld [smem:$0x781]  }
0x828: {  	[tilespmem:s26], [sflag:$0x3] =	stream.linear.gather [hbm4b:s22+s3], $0x80, $0x38;
	[tilespmem:$0x1D700] =	vst v63  }
0x829: {  	s22 =	sld [smem:$0x782]  }
0x82a: {  	[tilespmem:s28], [sflag:$0x3] =	stream.linear.gather [hbm4b:s23+s3], $0x80, $0x38;
	[tilespmem:$0x1D700] =	vst v63  }
0x82b: {  	s23 =	sld [smem:$0x783]  }
0x82c: {  	[tilespmem:s29], [sflag:$0x3] =	stream.linear.gather [hbm4b:s22+s3], $0x80, $0x38;
	[tilespmem:$0x1D700] =	vst v63  }
0x82d: {  	s22 =	sld [smem:$0x784]  }
0x82e: {  	[tilespmem:s30], [sflag:$0x3] =	stream.linear.gather [hbm4b:s23+s3], $0x80, $0x38;
	[tilespmem:$0x1D700] =	vst v63  }
0x82f: {  	s23 =	sld [smem:$0x785]  }
0x830: {  	[tilespmem:s31], [sflag:$0x3] =	stream.linear.gather [hbm4b:s22+s3], $0x80, $0x38;
	[tilespmem:$0x1D700] =	vst v63  }
0x831: {  	s22 =	sld [smem:$0x786]  }
0x832: {  	[tilespmem:s0], [sflag:$0x3] =	stream.linear.gather [hbm4b:s23+s3], $0x80, $0x38;
	[tilespmem:$0x1D700] =	vst v63  }
0x833: {  	s23 =	sld [smem:$0x787]  }
0x834: {  	[tilespmem:s2], [sflag:$0x3] =	stream.linear.gather [hbm4b:s22+s3], $0x80, $0x38;
	[tilespmem:$0x1D700] =	vst v63  }
0x835: {  	s22 =	sld [smem:$0x788]  }
0x836: {  	[tilespmem:s5], [sflag:$0x3] =	stream.linear.gather [hbm4b:s23+s3], $0x80, $0x38;
	[tilespmem:$0x1D700] =	vst v63  }
0x837: {  	_ = 	snop  }
0x838: {  	[tilespmem:s4], [sflag:$0x3] =	stream.linear.gather [hbm4b:s22+s3], $0x80, $0x38;
	[tilespmem:$0x1D700] =	vst v63  }
0x839: {  	_ =	swait.ge [sflag:s19], $0x800  }
0x83a: {  	[sflag:s19] =	ssyncset.done $0x0  }
0x83b: {  	s23 =	simm.s32 $0x1C740;
	[sflag:s19] =	ssyncadd.s32 $0xFFFFF800  }
0x83c: {  	v0 =	vld [tilespmem:s23+$0x30]  }
0x83d: {  	v1 =	vld [tilespmem:s23+$0xFFFFFFD0]  }
0x83e: {  	v2 =	vld [tilespmem:s23+$0xFFFFFFE0]  }
0x83f: {  	v3 =	vld [tilespmem:s23+$0xFFFFFFF0]  }
0x840: {  	v5 =	vld [tilespmem:s23+$0x0]  }
0x841: {  	v6 =	vld [tilespmem:s23+$0x10]  }
0x842: {  	v7 =	vld [tilespmem:s23+$0x20]  }
0x843: {  	s21 =	simm.s32 $0x18740;
	v8 =	vld [tilespmem:s23+$0xFFFFFFC0]  }
0x844: {  	v11 =	vld [tilespmem:s21+$0x30]  }
0x845: {  	v14 =	vld [tilespmem:s21+$0xFFFFFFD0]  }
0x846: {  	v9 =	vld [tilespmem:s21+$0xFFFFFFE0]  }
0x847: {  	v10 =	vld.idx.msk [tilespmem:v0+s3+$0x0], $0xffff  }
0x848: {  	v12 =	vld.idx.msk [tilespmem:v1+s3+$0x0], $0xffff  }
0x849: {  	v4 =	vld.idx.msk [tilespmem:v2+s3+$0x0], $0xffff  }
0x84a: {  	v3 =	vld.idx.msk [tilespmem:v3+s3+$0x0], $0xffff  }
0x84b: {  	v13 =	vld.idx.msk [tilespmem:v8+s3+$0x0], $0xffff  }
0x84c: {  	v1 =	vld.idx.msk [tilespmem:v7+s3+$0x0], $0xffff  }
0x84d: {  	v7 =	vld [tilespmem:s21+$0xFFFFFFC0]  }
0x84e: {  	v2 =	vld.idx.msk [tilespmem:v5+s3+$0x0], $0xffff  }
0x84f: {  	v0 =	vld.idx.msk [tilespmem:v6+s3+$0x0], $0xffff  }
0x850: {  	v8 =	vld [tilespmem:s21+$0xFFFFFFF0]  }
0x851: {  	v6 =	vld [tilespmem:s21+$0x0];
	v10 =	vmul.f32 v11, v10  }
0x852: {  	v5 =	vld [tilespmem:s21+$0x10];
	v11 =	vmul.f32 v7, v13  }
0x853: {  	s22 =	simm.s32 $0x0;
	s23 =	simm.s32 $0x1C840;
	v7 =	vld [tilespmem:s21+$0x20];
	[tilespmem:s21+$0x30] =	vst v10;
	v10 =	vmul.f32 v14, v12  }
.LBB2_50:
0x854: {  	v12 =	vld [tilespmem:s23+$0x30];
	s22 =	sadd.s32 $0x8, s22;
	[tilespmem:s21+$0xFFFFFFC0] =	vst v11;
	v4 =	vmul.f32 v9, v4  }
0x855: {  	v9 =	vld [tilespmem:s23+$0xFFFFFFD0];
	p0 =	slt.u32 s22, $0x78;
	[tilespmem:s21+$0xFFFFFFD0] =	vst v10;
	v3 =	vmul.f32 v8, v3  }
0x856: {  	v8 =	vld [tilespmem:s23+$0xFFFFFFE0];
	[tilespmem:s21+$0xFFFFFFE0] =	vst v4;
	v2 =	vmul.f32 v6, v2  }
0x857: {  	v6 =	vld [tilespmem:s23+$0xFFFFFFF0];
	[tilespmem:s21+$0xFFFFFFF0] =	vst v3;
	v0 =	vmul.f32 v5, v0  }
0x858: {  	v5 =	vld [tilespmem:s23+$0x0];
	[tilespmem:s21+$0x0] =	vst v2;
	v1 =	vmul.f32 v7, v1  }
0x859: {  	v7 =	vld [tilespmem:s23+$0x10];
	[tilespmem:s21+$0x10] =	vst v0  }
0x85a: {  	v10 =	vld [tilespmem:s23+$0x20];
	[tilespmem:s21+$0x20] =	vst v1  }
0x85b: {  	v1 =	vld [tilespmem:s23+$0xFFFFFFC0]  }
0x85c: {  	s21 =	sadd.s32 $0x80, s21;
	v11 =	vld.idx.msk [tilespmem:v12+s3+$0x0], $0xffff  }
0x85d: {  	v12 =	vld [tilespmem:s21+$0x30]  }
0x85e: {  	v13 =	vld.idx.msk [tilespmem:v9+s3+$0x0], $0xffff  }
0x85f: {  	v4 =	vld.idx.msk [tilespmem:v8+s3+$0x0], $0xffff  }
0x860: {  	v3 =	vld.idx.msk [tilespmem:v6+s3+$0x0], $0xffff  }
0x861: {  	v2 =	vld.idx.msk [tilespmem:v5+s3+$0x0], $0xffff  }
0x862: {  	v0 =	vld.idx.msk [tilespmem:v7+s3+$0x0], $0xffff;
	v5 =	vmul.f32 v12, v11  }
0x863: {  	v7 =	vld.idx.msk [tilespmem:v1+s3+$0x0], $0xffff  }
0x864: {  	v1 =	vld.idx.msk [tilespmem:v10+s3+$0x0], $0xffff;
	[tilespmem:s21+$0x30] =	vst v5  }
0x865: {  	v5 =	vld [tilespmem:s21+$0xFFFFFFC0]  }
0x866: {  	v10 =	vld [tilespmem:s21+$0xFFFFFFD0]  }
.Ltmp24:
0x867: {  	v9 =	vld [tilespmem:s21+$0xFFFFFFE0];
	(pc) =	sbr.rel @p0 .LBB2_50-.Ltmp24, $4  }
0x868: {  	v8 =	vld [tilespmem:s21+$0xFFFFFFF0]  }
0x869: {  	v6 =	vld [tilespmem:s21+$0x0]  }
0x86a: {  	v11 =	vmul.f32 v5, v7;
	v5 =	vld [tilespmem:s21+$0x10]  }
0x86b: {  	s23 =	sadd.s32 $0x100, s23;
	v10 =	vmul.f32 v10, v13;
	v7 =	vld [tilespmem:s21+$0x20]  }
0x86c: {  	[tilespmem:s21+$0xFFFFFFC0] =	vst v11;
	v4 =	vmul.f32 v9, v4  }
0x86d: {  	[tilespmem:s21+$0xFFFFFFD0] =	vst v10;
	v3 =	vmul.f32 v8, v3  }
0x86e: {  	[tilespmem:s21+$0xFFFFFFE0] =	vst v4;
	v2 =	vmul.f32 v6, v2  }
0x86f: {  	[tilespmem:s21+$0xFFFFFFF0] =	vst v3;
	v0 =	vmul.f32 v5, v0  }
0x870: {  	[tilespmem:s21+$0x0] =	vst v2;
	v1 =	vmul.f32 v7, v1  }
0x871: {  	[tilespmem:s21+$0x10] =	vst v0  }
0x872: {  	s22 =	simm.s32 $0x1C700;
	[tilespmem:s21+$0x20] =	vst v1  }
0x873: {  	[tilespmem:s22], [sflag:$0x2] =	stream.linear.gather [hbm4b:s14+s3], $0x80, $0x38;
	[tilespmem:$0x1D700] =	vst v63  }
0x874: {  	s22 =	sld [smem:$0x76B];
	_ =	sdelay $0x1  }
0x875: {  	s23 =	simm.s32 $0x1C800  }
0x876: {  	[tilespmem:s23], [sflag:$0x2] =	stream.linear.gather [hbm4b:s22+s3], $0x80, $0x38;
	[tilespmem:$0x1D700] =	vst v63  }
0x877: {  	s23 =	sld [smem:$0x76C];
	_ =	sdelay $0x1  }
0x878: {  	s22 =	simm.s32 $0x1C900  }
0x879: {  	[tilespmem:s22], [sflag:$0x2] =	stream.linear.gather [hbm4b:s23+s3], $0x80, $0x38;
	[tilespmem:$0x1D700] =	vst v63  }
0x87a: {  	s23 =	sld [smem:$0x76D];
	_ =	sdelay $0x1  }
0x87b: {  	s22 =	simm.s32 $0x1CA00  }
0x87c: {  	[tilespmem:s22], [sflag:$0x2] =	stream.linear.gather [hbm4b:s23+s3], $0x80, $0x38;
	[tilespmem:$0x1D700] =	vst v63  }
0x87d: {  	s23 =	sld [smem:$0x76E];
	_ =	sdelay $0x1  }
0x87e: {  	s22 =	simm.s32 $0x1CB00  }
0x87f: {  	[tilespmem:s22], [sflag:$0x2] =	stream.linear.gather [hbm4b:s23+s3], $0x80, $0x38;
	[tilespmem:$0x1D700] =	vst v63  }
0x880: {  	s23 =	sld [smem:$0x76F];
	_ =	sdelay $0x1  }
0x881: {  	s22 =	simm.s32 $0x1CC00  }
0x882: {  	[tilespmem:s22], [sflag:$0x2] =	stream.linear.gather [hbm4b:s23+s3], $0x80, $0x38;
	[tilespmem:$0x1D700] =	vst v63  }
0x883: {  	s23 =	sld [smem:$0x770];
	_ =	sdelay $0x1  }
0x884: {  	s22 =	simm.s32 $0x1CD00  }
0x885: {  	[tilespmem:s22], [sflag:$0x2] =	stream.linear.gather [hbm4b:s23+s3], $0x80, $0x38;
	[tilespmem:$0x1D700] =	vst v63  }
0x886: {  	s23 =	sld [smem:$0x771];
	_ =	sdelay $0x1  }
0x887: {  	s22 =	simm.s32 $0x1CE00  }
0x888: {  	[tilespmem:s22], [sflag:$0x2] =	stream.linear.gather [hbm4b:s23+s3], $0x80, $0x38;
	[tilespmem:$0x1D700] =	vst v63  }
0x889: {  	s23 =	sld [smem:$0x772];
	_ =	sdelay $0x1  }
0x88a: {  	s22 =	simm.s32 $0x1CF00  }
0x88b: {  	[tilespmem:s22], [sflag:$0x2] =	stream.linear.gather [hbm4b:s23+s3], $0x80, $0x38;
	[tilespmem:$0x1D700] =	vst v63  }
0x88c: {  	s23 =	sld [smem:$0x773];
	_ =	sdelay $0x1  }
0x88d: {  	s22 =	simm.s32 $0x1D000  }
0x88e: {  	[tilespmem:s22], [sflag:$0x2] =	stream.linear.gather [hbm4b:s23+s3], $0x80, $0x38;
	[tilespmem:$0x1D700] =	vst v63  }
0x88f: {  	s23 =	sld [smem:$0x774];
	_ =	sdelay $0x1  }
0x890: {  	s22 =	simm.s32 $0x1D100  }
0x891: {  	[tilespmem:s22], [sflag:$0x2] =	stream.linear.gather [hbm4b:s23+s3], $0x80, $0x38;
	[tilespmem:$0x1D700] =	vst v63  }
0x892: {  	s23 =	sld [smem:$0x775];
	_ =	sdelay $0x1  }
0x893: {  	s22 =	simm.s32 $0x1D200  }
0x894: {  	[tilespmem:s22], [sflag:$0x2] =	stream.linear.gather [hbm4b:s23+s3], $0x80, $0x38;
	[tilespmem:$0x1D700] =	vst v63  }
0x895: {  	s23 =	sld [smem:$0x776];
	_ =	sdelay $0x1  }
0x896: {  	s22 =	simm.s32 $0x1D300  }
0x897: {  	[tilespmem:s22], [sflag:$0x2] =	stream.linear.gather [hbm4b:s23+s3], $0x80, $0x38;
	[tilespmem:$0x1D700] =	vst v63  }
0x898: {  	s23 =	sld [smem:$0x777];
	_ =	sdelay $0x1  }
0x899: {  	s22 =	simm.s32 $0x1D400  }
0x89a: {  	[tilespmem:s22], [sflag:$0x2] =	stream.linear.gather [hbm4b:s23+s3], $0x80, $0x38;
	[tilespmem:$0x1D700] =	vst v63  }
0x89b: {  	s23 =	sld [smem:$0x778];
	_ =	sdelay $0x1  }
0x89c: {  	s22 =	simm.s32 $0x1D500  }
0x89d: {  	[tilespmem:s22], [sflag:$0x2] =	stream.linear.gather [hbm4b:s23+s3], $0x80, $0x38;
	[tilespmem:$0x1D700] =	vst v63  }
0x89e: {  	s23 =	sld [smem:$0x779];
	_ =	sdelay $0x1  }
0x89f: {  	s22 =	simm.s32 $0x1D600  }
0x8a0: {  	[tilespmem:s22], [sflag:$0x2] =	stream.linear.gather [hbm4b:s23+s3], $0x80, $0x38;
	[tilespmem:$0x1D700] =	vst v63  }
0x8a1: {  	_ =	swait.ge [sflag:s20], $0x800  }
0x8a2: {  	[sflag:s20] =	ssyncset.done $0x0  }
0x8a3: {  	s23 =	simm.s32 $0x1C7F0;
	[sflag:s20] =	ssyncadd.s32 $0xFFFFF800  }
0x8a4: {  	v0 =	vld [tilespmem:s23+$0x0]  }
0x8a5: {  	v1 =	vld [tilespmem:s23+$0xFFFFFFA0]  }
0x8a6: {  	v2 =	vld [tilespmem:s23+$0xFFFFFFB0]  }
0x8a7: {  	v3 =	vld [tilespmem:s23+$0xFFFFFFC0]  }
0x8a8: {  	v5 =	vld [tilespmem:s23+$0xFFFFFFD0]  }
0x8a9: {  	v6 =	vld [tilespmem:s23+$0xFFFFFFE0]  }
0x8aa: {  	v7 =	vld [tilespmem:s23+$0xFFFFFFF0]  }
0x8ab: {  	s21 =	simm.s32 $0x18F70;
	v8 =	vld [tilespmem:s23+$0xFFFFFF90]  }
0x8ac: {  	v11 =	vld [tilespmem:s21+$0x0]  }
0x8ad: {  	v14 =	vld [tilespmem:s21+$0xFFFFFFA0]  }
0x8ae: {  	v9 =	vld [tilespmem:s21+$0xFFFFFFB0]  }
0x8af: {  	v10 =	vld.idx.msk [tilespmem:v0+s3+$0x0], $0xffff  }
0x8b0: {  	v12 =	vld.idx.msk [tilespmem:v1+s3+$0x0], $0xffff  }
0x8b1: {  	v4 =	vld.idx.msk [tilespmem:v2+s3+$0x0], $0xffff  }
0x8b2: {  	v3 =	vld.idx.msk [tilespmem:v3+s3+$0x0], $0xffff  }
0x8b3: {  	v13 =	vld.idx.msk [tilespmem:v8+s3+$0x0], $0xffff  }
0x8b4: {  	v1 =	vld.idx.msk [tilespmem:v7+s3+$0x0], $0xffff  }
0x8b5: {  	v7 =	vld [tilespmem:s21+$0xFFFFFF90]  }
0x8b6: {  	v2 =	vld.idx.msk [tilespmem:v5+s3+$0x0], $0xffff  }
0x8b7: {  	v0 =	vld.idx.msk [tilespmem:v6+s3+$0x0], $0xffff  }
0x8b8: {  	v8 =	vld [tilespmem:s21+$0xFFFFFFC0]  }
0x8b9: {  	v6 =	vld [tilespmem:s21+$0xFFFFFFD0];
	v10 =	vmul.f32 v11, v10  }
0x8ba: {  	v5 =	vld [tilespmem:s21+$0xFFFFFFE0];
	v11 =	vmul.f32 v7, v13  }
0x8bb: {  	s22 =	simm.s32 $0x0;
	s23 =	simm.s32 $0x1C8F0;
	v7 =	vld [tilespmem:s21+$0xFFFFFFF0];
	[tilespmem:s21+$0x0] =	vst v10;
	v10 =	vmul.f32 v14, v12  }
.LBB2_52:
0x8bc: {  	v12 =	vld [tilespmem:s23+$0x0];
	s22 =	sadd.s32 $0x8, s22;
	[tilespmem:s21+$0xFFFFFF90] =	vst v11;
	v4 =	vmul.f32 v9, v4  }
0x8bd: {  	v9 =	vld [tilespmem:s23+$0xFFFFFFA0];
	p0 =	slt.u32 s22, $0x78;
	[tilespmem:s21+$0xFFFFFFA0] =	vst v10;
	v3 =	vmul.f32 v8, v3  }
0x8be: {  	v8 =	vld [tilespmem:s23+$0xFFFFFFB0];
	[tilespmem:s21+$0xFFFFFFB0] =	vst v4;
	v2 =	vmul.f32 v6, v2  }
0x8bf: {  	v6 =	vld [tilespmem:s23+$0xFFFFFFC0];
	[tilespmem:s21+$0xFFFFFFC0] =	vst v3;
	v0 =	vmul.f32 v5, v0  }
0x8c0: {  	v5 =	vld [tilespmem:s23+$0xFFFFFFD0];
	[tilespmem:s21+$0xFFFFFFD0] =	vst v2;
	v1 =	vmul.f32 v7, v1  }
0x8c1: {  	v7 =	vld [tilespmem:s23+$0xFFFFFFE0];
	[tilespmem:s21+$0xFFFFFFE0] =	vst v0  }
0x8c2: {  	v10 =	vld [tilespmem:s23+$0xFFFFFFF0];
	[tilespmem:s21+$0xFFFFFFF0] =	vst v1  }
0x8c3: {  	v1 =	vld [tilespmem:s23+$0xFFFFFF90]  }
0x8c4: {  	s21 =	sadd.s32 $0x80, s21;
	v11 =	vld.idx.msk [tilespmem:v12+s3+$0x0], $0xffff  }
0x8c5: {  	v12 =	vld [tilespmem:s21+$0x0]  }
0x8c6: {  	v13 =	vld.idx.msk [tilespmem:v9+s3+$0x0], $0xffff  }
0x8c7: {  	v4 =	vld.idx.msk [tilespmem:v8+s3+$0x0], $0xffff  }
0x8c8: {  	v3 =	vld.idx.msk [tilespmem:v6+s3+$0x0], $0xffff  }
0x8c9: {  	v2 =	vld.idx.msk [tilespmem:v5+s3+$0x0], $0xffff  }
0x8ca: {  	v0 =	vld.idx.msk [tilespmem:v7+s3+$0x0], $0xffff;
	v5 =	vmul.f32 v12, v11  }
0x8cb: {  	v7 =	vld.idx.msk [tilespmem:v1+s3+$0x0], $0xffff  }
0x8cc: {  	v1 =	vld.idx.msk [tilespmem:v10+s3+$0x0], $0xffff;
	[tilespmem:s21+$0x0] =	vst v5  }
0x8cd: {  	v5 =	vld [tilespmem:s21+$0xFFFFFF90]  }
0x8ce: {  	v10 =	vld [tilespmem:s21+$0xFFFFFFA0]  }
.Ltmp25:
0x8cf: {  	v9 =	vld [tilespmem:s21+$0xFFFFFFB0];
	(pc) =	sbr.rel @p0 .LBB2_52-.Ltmp25, $4  }
0x8d0: {  	v8 =	vld [tilespmem:s21+$0xFFFFFFC0]  }
0x8d1: {  	v6 =	vld [tilespmem:s21+$0xFFFFFFD0]  }
0x8d2: {  	v11 =	vmul.f32 v5, v7;
	v5 =	vld [tilespmem:s21+$0xFFFFFFE0]  }
0x8d3: {  	s23 =	sadd.s32 $0x100, s23;
	v10 =	vmul.f32 v10, v13;
	v7 =	vld [tilespmem:s21+$0xFFFFFFF0]  }
0x8d4: {  	[tilespmem:s21+$0xFFFFFF90] =	vst v11;
	v4 =	vmul.f32 v9, v4  }
0x8d5: {  	[tilespmem:s21+$0xFFFFFFA0] =	vst v10;
	v3 =	vmul.f32 v8, v3  }
0x8d6: {  	[tilespmem:s21+$0xFFFFFFB0] =	vst v4;
	v2 =	vmul.f32 v6, v2  }
0x8d7: {  	[tilespmem:s21+$0xFFFFFFC0] =	vst v3;
	v0 =	vmul.f32 v5, v0  }
0x8d8: {  	[tilespmem:s21+$0xFFFFFFD0] =	vst v2;
	v1 =	vmul.f32 v7, v1  }
0x8d9: {  	[tilespmem:s21+$0xFFFFFFE0] =	vst v0  }
0x8da: {  	s22 =	simm.s32 $0x1C780;
	[tilespmem:s21+$0xFFFFFFF0] =	vst v1  }
0x8db: {  	[tilespmem:s22], [sflag:$0x3] =	stream.linear.gather [hbm4b:s15+s3], $0x80, $0x38;
	[tilespmem:$0x1D700] =	vst v63  }
0x8dc: {  	s22 =	sld [smem:$0x75C];
	_ =	sdelay $0x1  }
0x8dd: {  	s23 =	simm.s32 $0x1C880  }
0x8de: {  	[tilespmem:s23], [sflag:$0x3] =	stream.linear.gather [hbm4b:s22+s3], $0x80, $0x38;
	[tilespmem:$0x1D700] =	vst v63  }
0x8df: {  	s23 =	sld [smem:$0x75D];
	_ =	sdelay $0x1  }
0x8e0: {  	s22 =	simm.s32 $0x1C980  }
0x8e1: {  	[tilespmem:s22], [sflag:$0x3] =	stream.linear.gather [hbm4b:s23+s3], $0x80, $0x38;
	[tilespmem:$0x1D700] =	vst v63  }
0x8e2: {  	s23 =	sld [smem:$0x75E];
	_ =	sdelay $0x1  }
0x8e3: {  	s22 =	simm.s32 $0x1CA80  }
0x8e4: {  	[tilespmem:s22], [sflag:$0x3] =	stream.linear.gather [hbm4b:s23+s3], $0x80, $0x38;
	[tilespmem:$0x1D700] =	vst v63  }
0x8e5: {  	s23 =	sld [smem:$0x75F];
	_ =	sdelay $0x1  }
0x8e6: {  	s22 =	simm.s32 $0x1CB80  }
0x8e7: {  	[tilespmem:s22], [sflag:$0x3] =	stream.linear.gather [hbm4b:s23+s3], $0x80, $0x38;
	[tilespmem:$0x1D700] =	vst v63  }
0x8e8: {  	s22 =	sld [smem:$0x760];
	_ =	sdelay $0x1  }
0x8e9: {  	s23 =	sld [smem:$0x761]  }
0x8ea: {  	[tilespmem:s24], [sflag:$0x3] =	stream.linear.gather [hbm4b:s22+s3], $0x80, $0x38;
	[tilespmem:$0x1D700] =	vst v63  }
0x8eb: {  	s22 =	sld [smem:$0x762]  }
0x8ec: {  	[tilespmem:s25], [sflag:$0x3] =	stream.linear.gather [hbm4b:s23+s3], $0x80, $0x38;
	[tilespmem:$0x1D700] =	vst v63  }
0x8ed: {  	s23 =	sld [smem:$0x763]  }
0x8ee: {  	[tilespmem:s26], [sflag:$0x3] =	stream.linear.gather [hbm4b:s22+s3], $0x80, $0x38;
	[tilespmem:$0x1D700] =	vst v63  }
0x8ef: {  	s22 =	sld [smem:$0x764]  }
0x8f0: {  	[tilespmem:s28], [sflag:$0x3] =	stream.linear.gather [hbm4b:s23+s3], $0x80, $0x38;
	[tilespmem:$0x1D700] =	vst v63  }
0x8f1: {  	s23 =	sld [smem:$0x765]  }
0x8f2: {  	[tilespmem:s29], [sflag:$0x3] =	stream.linear.gather [hbm4b:s22+s3], $0x80, $0x38;
	[tilespmem:$0x1D700] =	vst v63  }
0x8f3: {  	s22 =	sld [smem:$0x766]  }
0x8f4: {  	[tilespmem:s30], [sflag:$0x3] =	stream.linear.gather [hbm4b:s23+s3], $0x80, $0x38;
	[tilespmem:$0x1D700] =	vst v63  }
0x8f5: {  	s23 =	sld [smem:$0x767]  }
0x8f6: {  	[tilespmem:s31], [sflag:$0x3] =	stream.linear.gather [hbm4b:s22+s3], $0x80, $0x38;
	[tilespmem:$0x1D700] =	vst v63  }
0x8f7: {  	s22 =	sld [smem:$0x768]  }
0x8f8: {  	[tilespmem:s0], [sflag:$0x3] =	stream.linear.gather [hbm4b:s23+s3], $0x80, $0x38;
	[tilespmem:$0x1D700] =	vst v63  }
0x8f9: {  	s23 =	sld [smem:$0x769]  }
0x8fa: {  	[tilespmem:s2], [sflag:$0x3] =	stream.linear.gather [hbm4b:s22+s3], $0x80, $0x38;
	[tilespmem:$0x1D700] =	vst v63  }
0x8fb: {  	s22 =	sld [smem:$0x76A]  }
0x8fc: {  	[tilespmem:s5], [sflag:$0x3] =	stream.linear.gather [hbm4b:s23+s3], $0x80, $0x38;
	[tilespmem:$0x1D700] =	vst v63  }
0x8fd: {  	_ = 	snop  }
0x8fe: {  	[tilespmem:s4], [sflag:$0x3] =	stream.linear.gather [hbm4b:s22+s3], $0x80, $0x38;
	[tilespmem:$0x1D700] =	vst v63  }
0x8ff: {  	_ =	swait.ge [sflag:s19], $0x800  }
0x900: {  	[sflag:s19] =	ssyncset.done $0x0  }
0x901: {  	s23 =	simm.s32 $0x1C740;
	[sflag:s19] =	ssyncadd.s32 $0xFFFFF800  }
0x902: {  	v0 =	vld [tilespmem:s23+$0x30]  }
0x903: {  	v1 =	vld [tilespmem:s23+$0xFFFFFFD0]  }
0x904: {  	v2 =	vld [tilespmem:s23+$0xFFFFFFE0]  }
0x905: {  	v3 =	vld [tilespmem:s23+$0xFFFFFFF0]  }
0x906: {  	v5 =	vld [tilespmem:s23+$0x0]  }
0x907: {  	v6 =	vld [tilespmem:s23+$0x10]  }
0x908: {  	v7 =	vld [tilespmem:s23+$0x20]  }
0x909: {  	s21 =	simm.s32 $0x19770;
	v8 =	vld [tilespmem:s23+$0xFFFFFFC0]  }
0x90a: {  	v11 =	vld [tilespmem:s21+$0x0]  }
0x90b: {  	v14 =	vld [tilespmem:s21+$0xFFFFFFA0]  }
0x90c: {  	v9 =	vld [tilespmem:s21+$0xFFFFFFB0]  }
0x90d: {  	v10 =	vld.idx.msk [tilespmem:v0+s3+$0x0], $0xffff  }
0x90e: {  	v12 =	vld.idx.msk [tilespmem:v1+s3+$0x0], $0xffff  }
0x90f: {  	v4 =	vld.idx.msk [tilespmem:v2+s3+$0x0], $0xffff  }
0x910: {  	v3 =	vld.idx.msk [tilespmem:v3+s3+$0x0], $0xffff  }
0x911: {  	v13 =	vld.idx.msk [tilespmem:v8+s3+$0x0], $0xffff  }
0x912: {  	v1 =	vld.idx.msk [tilespmem:v7+s3+$0x0], $0xffff  }
0x913: {  	v7 =	vld [tilespmem:s21+$0xFFFFFF90]  }
0x914: {  	v2 =	vld.idx.msk [tilespmem:v5+s3+$0x0], $0xffff  }
0x915: {  	v0 =	vld.idx.msk [tilespmem:v6+s3+$0x0], $0xffff  }
0x916: {  	v8 =	vld [tilespmem:s21+$0xFFFFFFC0]  }
0x917: {  	v6 =	vld [tilespmem:s21+$0xFFFFFFD0];
	v10 =	vmul.f32 v11, v10  }
0x918: {  	v5 =	vld [tilespmem:s21+$0xFFFFFFE0];
	v11 =	vmul.f32 v7, v13  }
0x919: {  	s22 =	simm.s32 $0x0;
	s23 =	simm.s32 $0x1C840;
	v7 =	vld [tilespmem:s21+$0xFFFFFFF0];
	[tilespmem:s21+$0x0] =	vst v10;
	v10 =	vmul.f32 v14, v12  }
.LBB2_54:
0x91a: {  	v12 =	vld [tilespmem:s23+$0x30];
	s22 =	sadd.s32 $0x8, s22;
	[tilespmem:s21+$0xFFFFFF90] =	vst v11;
	v4 =	vmul.f32 v9, v4  }
0x91b: {  	v9 =	vld [tilespmem:s23+$0xFFFFFFD0];
	p0 =	slt.u32 s22, $0x78;
	[tilespmem:s21+$0xFFFFFFA0] =	vst v10;
	v3 =	vmul.f32 v8, v3  }
0x91c: {  	v8 =	vld [tilespmem:s23+$0xFFFFFFE0];
	[tilespmem:s21+$0xFFFFFFB0] =	vst v4;
	v2 =	vmul.f32 v6, v2  }
0x91d: {  	v6 =	vld [tilespmem:s23+$0xFFFFFFF0];
	[tilespmem:s21+$0xFFFFFFC0] =	vst v3;
	v0 =	vmul.f32 v5, v0  }
0x91e: {  	v5 =	vld [tilespmem:s23+$0x0];
	[tilespmem:s21+$0xFFFFFFD0] =	vst v2;
	v1 =	vmul.f32 v7, v1  }
0x91f: {  	v7 =	vld [tilespmem:s23+$0x10];
	[tilespmem:s21+$0xFFFFFFE0] =	vst v0  }
0x920: {  	v10 =	vld [tilespmem:s23+$0x20];
	[tilespmem:s21+$0xFFFFFFF0] =	vst v1  }
0x921: {  	v1 =	vld [tilespmem:s23+$0xFFFFFFC0]  }
0x922: {  	s21 =	sadd.s32 $0x80, s21;
	v11 =	vld.idx.msk [tilespmem:v12+s3+$0x0], $0xffff  }
0x923: {  	v12 =	vld [tilespmem:s21+$0x0]  }
0x924: {  	v13 =	vld.idx.msk [tilespmem:v9+s3+$0x0], $0xffff  }
0x925: {  	v4 =	vld.idx.msk [tilespmem:v8+s3+$0x0], $0xffff  }
0x926: {  	v3 =	vld.idx.msk [tilespmem:v6+s3+$0x0], $0xffff  }
0x927: {  	v2 =	vld.idx.msk [tilespmem:v5+s3+$0x0], $0xffff  }
0x928: {  	v0 =	vld.idx.msk [tilespmem:v7+s3+$0x0], $0xffff;
	v5 =	vmul.f32 v12, v11  }
0x929: {  	v7 =	vld.idx.msk [tilespmem:v1+s3+$0x0], $0xffff  }
0x92a: {  	v1 =	vld.idx.msk [tilespmem:v10+s3+$0x0], $0xffff;
	[tilespmem:s21+$0x0] =	vst v5  }
0x92b: {  	v5 =	vld [tilespmem:s21+$0xFFFFFF90]  }
0x92c: {  	v10 =	vld [tilespmem:s21+$0xFFFFFFA0]  }
.Ltmp26:
0x92d: {  	v9 =	vld [tilespmem:s21+$0xFFFFFFB0];
	(pc) =	sbr.rel @p0 .LBB2_54-.Ltmp26, $4  }
0x92e: {  	v8 =	vld [tilespmem:s21+$0xFFFFFFC0]  }
0x92f: {  	v6 =	vld [tilespmem:s21+$0xFFFFFFD0]  }
0x930: {  	v11 =	vmul.f32 v5, v7;
	v5 =	vld [tilespmem:s21+$0xFFFFFFE0]  }
0x931: {  	s23 =	sadd.s32 $0x100, s23;
	v10 =	vmul.f32 v10, v13;
	v7 =	vld [tilespmem:s21+$0xFFFFFFF0]  }
0x932: {  	[tilespmem:s21+$0xFFFFFF90] =	vst v11;
	v4 =	vmul.f32 v9, v4  }
0x933: {  	[tilespmem:s21+$0xFFFFFFA0] =	vst v10;
	v3 =	vmul.f32 v8, v3  }
0x934: {  	[tilespmem:s21+$0xFFFFFFB0] =	vst v4;
	v2 =	vmul.f32 v6, v2  }
0x935: {  	[tilespmem:s21+$0xFFFFFFC0] =	vst v3;
	v0 =	vmul.f32 v5, v0  }
0x936: {  	[tilespmem:s21+$0xFFFFFFD0] =	vst v2;
	v1 =	vmul.f32 v7, v1  }
0x937: {  	[tilespmem:s21+$0xFFFFFFE0] =	vst v0  }
0x938: {  	s22 =	simm.s32 $0x1C700;
	[tilespmem:s21+$0xFFFFFFF0] =	vst v1  }
0x939: {  	[tilespmem:s22], [sflag:$0x2] =	stream.linear.gather [hbm4b:s16+s3], $0x80, $0x38;
	[tilespmem:$0x1D700] =	vst v63  }
0x93a: {  	s22 =	sld [smem:$0x74D];
	_ =	sdelay $0x1  }
0x93b: {  	s23 =	simm.s32 $0x1C800  }
0x93c: {  	[tilespmem:s23], [sflag:$0x2] =	stream.linear.gather [hbm4b:s22+s3], $0x80, $0x38;
	[tilespmem:$0x1D700] =	vst v63  }
0x93d: {  	s23 =	sld [smem:$0x74E];
	_ =	sdelay $0x1  }
0x93e: {  	s22 =	simm.s32 $0x1C900  }
0x93f: {  	[tilespmem:s22], [sflag:$0x2] =	stream.linear.gather [hbm4b:s23+s3], $0x80, $0x38;
	[tilespmem:$0x1D700] =	vst v63  }
0x940: {  	s23 =	sld [smem:$0x74F];
	_ =	sdelay $0x1  }
0x941: {  	s22 =	simm.s32 $0x1CA00  }
0x942: {  	[tilespmem:s22], [sflag:$0x2] =	stream.linear.gather [hbm4b:s23+s3], $0x80, $0x38;
	[tilespmem:$0x1D700] =	vst v63  }
0x943: {  	s23 =	sld [smem:$0x750];
	_ =	sdelay $0x1  }
0x944: {  	s22 =	simm.s32 $0x1CB00  }
0x945: {  	[tilespmem:s22], [sflag:$0x2] =	stream.linear.gather [hbm4b:s23+s3], $0x80, $0x38;
	[tilespmem:$0x1D700] =	vst v63  }
0x946: {  	s23 =	sld [smem:$0x751];
	_ =	sdelay $0x1  }
0x947: {  	s22 =	simm.s32 $0x1CC00  }
0x948: {  	[tilespmem:s22], [sflag:$0x2] =	stream.linear.gather [hbm4b:s23+s3], $0x80, $0x38;
	[tilespmem:$0x1D700] =	vst v63  }
0x949: {  	s23 =	sld [smem:$0x752];
	_ =	sdelay $0x1  }
0x94a: {  	s22 =	simm.s32 $0x1CD00  }
0x94b: {  	[tilespmem:s22], [sflag:$0x2] =	stream.linear.gather [hbm4b:s23+s3], $0x80, $0x38;
	[tilespmem:$0x1D700] =	vst v63  }
0x94c: {  	s23 =	sld [smem:$0x753];
	_ =	sdelay $0x1  }
0x94d: {  	s22 =	simm.s32 $0x1CE00  }
0x94e: {  	[tilespmem:s22], [sflag:$0x2] =	stream.linear.gather [hbm4b:s23+s3], $0x80, $0x38;
	[tilespmem:$0x1D700] =	vst v63  }
0x94f: {  	s23 =	sld [smem:$0x754];
	_ =	sdelay $0x1  }
0x950: {  	s22 =	simm.s32 $0x1CF00  }
0x951: {  	[tilespmem:s22], [sflag:$0x2] =	stream.linear.gather [hbm4b:s23+s3], $0x80, $0x38;
	[tilespmem:$0x1D700] =	vst v63  }
0x952: {  	s23 =	sld [smem:$0x755];
	_ =	sdelay $0x1  }
0x953: {  	s22 =	simm.s32 $0x1D000  }
0x954: {  	[tilespmem:s22], [sflag:$0x2] =	stream.linear.gather [hbm4b:s23+s3], $0x80, $0x38;
	[tilespmem:$0x1D700] =	vst v63  }
0x955: {  	s23 =	sld [smem:$0x756];
	_ =	sdelay $0x1  }
0x956: {  	s22 =	simm.s32 $0x1D100  }
0x957: {  	[tilespmem:s22], [sflag:$0x2] =	stream.linear.gather [hbm4b:s23+s3], $0x80, $0x38;
	[tilespmem:$0x1D700] =	vst v63  }
0x958: {  	s23 =	sld [smem:$0x757];
	_ =	sdelay $0x1  }
0x959: {  	s22 =	simm.s32 $0x1D200  }
0x95a: {  	[tilespmem:s22], [sflag:$0x2] =	stream.linear.gather [hbm4b:s23+s3], $0x80, $0x38;
	[tilespmem:$0x1D700] =	vst v63  }
0x95b: {  	s23 =	sld [smem:$0x758];
	_ =	sdelay $0x1  }
0x95c: {  	s22 =	simm.s32 $0x1D300  }
0x95d: {  	[tilespmem:s22], [sflag:$0x2] =	stream.linear.gather [hbm4b:s23+s3], $0x80, $0x38;
	[tilespmem:$0x1D700] =	vst v63  }
0x95e: {  	s23 =	sld [smem:$0x759];
	_ =	sdelay $0x1  }
0x95f: {  	s22 =	simm.s32 $0x1D400  }
0x960: {  	[tilespmem:s22], [sflag:$0x2] =	stream.linear.gather [hbm4b:s23+s3], $0x80, $0x38;
	[tilespmem:$0x1D700] =	vst v63  }
0x961: {  	s23 =	sld [smem:$0x75A];
	_ =	sdelay $0x1  }
0x962: {  	s22 =	simm.s32 $0x1D500  }
0x963: {  	[tilespmem:s22], [sflag:$0x2] =	stream.linear.gather [hbm4b:s23+s3], $0x80, $0x38;
	[tilespmem:$0x1D700] =	vst v63  }
0x964: {  	s23 =	sld [smem:$0x75B];
	_ =	sdelay $0x1  }
0x965: {  	s22 =	simm.s32 $0x1D600  }
0x966: {  	[tilespmem:s22], [sflag:$0x2] =	stream.linear.gather [hbm4b:s23+s3], $0x80, $0x38;
	[tilespmem:$0x1D700] =	vst v63  }
0x967: {  	_ =	swait.ge [sflag:s20], $0x800  }
0x968: {  	[sflag:s20] =	ssyncset.done $0x0  }
0x969: {  	s23 =	simm.s32 $0x1C7F0;
	[sflag:s20] =	ssyncadd.s32 $0xFFFFF800  }
0x96a: {  	v0 =	vld [tilespmem:s23+$0x0]  }
0x96b: {  	v1 =	vld [tilespmem:s23+$0xFFFFFFA0]  }
0x96c: {  	v2 =	vld [tilespmem:s23+$0xFFFFFFB0]  }
0x96d: {  	v3 =	vld [tilespmem:s23+$0xFFFFFFC0]  }
0x96e: {  	v5 =	vld [tilespmem:s23+$0xFFFFFFD0]  }
0x96f: {  	v6 =	vld [tilespmem:s23+$0xFFFFFFE0]  }
0x970: {  	v7 =	vld [tilespmem:s23+$0xFFFFFFF0]  }
0x971: {  	s21 =	simm.s32 $0x19F70;
	v8 =	vld [tilespmem:s23+$0xFFFFFF90]  }
0x972: {  	v11 =	vld [tilespmem:s21+$0x0]  }
0x973: {  	v14 =	vld [tilespmem:s21+$0xFFFFFFA0]  }
0x974: {  	v9 =	vld [tilespmem:s21+$0xFFFFFFB0]  }
0x975: {  	v10 =	vld.idx.msk [tilespmem:v0+s3+$0x0], $0xffff  }
0x976: {  	v12 =	vld.idx.msk [tilespmem:v1+s3+$0x0], $0xffff  }
0x977: {  	v4 =	vld.idx.msk [tilespmem:v2+s3+$0x0], $0xffff  }
0x978: {  	v3 =	vld.idx.msk [tilespmem:v3+s3+$0x0], $0xffff  }
0x979: {  	v13 =	vld.idx.msk [tilespmem:v8+s3+$0x0], $0xffff  }
0x97a: {  	v1 =	vld.idx.msk [tilespmem:v7+s3+$0x0], $0xffff  }
0x97b: {  	v7 =	vld [tilespmem:s21+$0xFFFFFF90]  }
0x97c: {  	v2 =	vld.idx.msk [tilespmem:v5+s3+$0x0], $0xffff  }
0x97d: {  	v0 =	vld.idx.msk [tilespmem:v6+s3+$0x0], $0xffff  }
0x97e: {  	v8 =	vld [tilespmem:s21+$0xFFFFFFC0]  }
0x97f: {  	v6 =	vld [tilespmem:s21+$0xFFFFFFD0];
	v10 =	vmul.f32 v11, v10  }
0x980: {  	v5 =	vld [tilespmem:s21+$0xFFFFFFE0];
	v11 =	vmul.f32 v7, v13  }
0x981: {  	s22 =	simm.s32 $0x0;
	s23 =	simm.s32 $0x1C8F0;
	v7 =	vld [tilespmem:s21+$0xFFFFFFF0];
	[tilespmem:s21+$0x0] =	vst v10;
	v10 =	vmul.f32 v14, v12  }
.LBB2_56:
0x982: {  	v12 =	vld [tilespmem:s23+$0x0];
	s22 =	sadd.s32 $0x8, s22;
	[tilespmem:s21+$0xFFFFFF90] =	vst v11;
	v4 =	vmul.f32 v9, v4  }
0x983: {  	v9 =	vld [tilespmem:s23+$0xFFFFFFA0];
	p0 =	slt.u32 s22, $0x78;
	[tilespmem:s21+$0xFFFFFFA0] =	vst v10;
	v3 =	vmul.f32 v8, v3  }
0x984: {  	v8 =	vld [tilespmem:s23+$0xFFFFFFB0];
	[tilespmem:s21+$0xFFFFFFB0] =	vst v4;
	v2 =	vmul.f32 v6, v2  }
0x985: {  	v6 =	vld [tilespmem:s23+$0xFFFFFFC0];
	[tilespmem:s21+$0xFFFFFFC0] =	vst v3;
	v0 =	vmul.f32 v5, v0  }
0x986: {  	v5 =	vld [tilespmem:s23+$0xFFFFFFD0];
	[tilespmem:s21+$0xFFFFFFD0] =	vst v2;
	v1 =	vmul.f32 v7, v1  }
0x987: {  	v7 =	vld [tilespmem:s23+$0xFFFFFFE0];
	[tilespmem:s21+$0xFFFFFFE0] =	vst v0  }
0x988: {  	v10 =	vld [tilespmem:s23+$0xFFFFFFF0];
	[tilespmem:s21+$0xFFFFFFF0] =	vst v1  }
0x989: {  	v1 =	vld [tilespmem:s23+$0xFFFFFF90]  }
0x98a: {  	s21 =	sadd.s32 $0x80, s21;
	v11 =	vld.idx.msk [tilespmem:v12+s3+$0x0], $0xffff  }
0x98b: {  	v12 =	vld [tilespmem:s21+$0x0]  }
0x98c: {  	v13 =	vld.idx.msk [tilespmem:v9+s3+$0x0], $0xffff  }
0x98d: {  	v4 =	vld.idx.msk [tilespmem:v8+s3+$0x0], $0xffff  }
0x98e: {  	v3 =	vld.idx.msk [tilespmem:v6+s3+$0x0], $0xffff  }
0x98f: {  	v2 =	vld.idx.msk [tilespmem:v5+s3+$0x0], $0xffff  }
0x990: {  	v0 =	vld.idx.msk [tilespmem:v7+s3+$0x0], $0xffff;
	v5 =	vmul.f32 v12, v11  }
0x991: {  	v7 =	vld.idx.msk [tilespmem:v1+s3+$0x0], $0xffff  }
0x992: {  	v1 =	vld.idx.msk [tilespmem:v10+s3+$0x0], $0xffff;
	[tilespmem:s21+$0x0] =	vst v5  }
0x993: {  	v5 =	vld [tilespmem:s21+$0xFFFFFF90]  }
0x994: {  	v10 =	vld [tilespmem:s21+$0xFFFFFFA0]  }
.Ltmp27:
0x995: {  	v9 =	vld [tilespmem:s21+$0xFFFFFFB0];
	(pc) =	sbr.rel @p0 .LBB2_56-.Ltmp27, $4  }
0x996: {  	v8 =	vld [tilespmem:s21+$0xFFFFFFC0]  }
0x997: {  	v6 =	vld [tilespmem:s21+$0xFFFFFFD0]  }
0x998: {  	v11 =	vmul.f32 v5, v7;
	v5 =	vld [tilespmem:s21+$0xFFFFFFE0]  }
0x999: {  	s23 =	sadd.s32 $0x100, s23;
	v10 =	vmul.f32 v10, v13;
	v7 =	vld [tilespmem:s21+$0xFFFFFFF0]  }
0x99a: {  	[tilespmem:s21+$0xFFFFFF90] =	vst v11;
	v4 =	vmul.f32 v9, v4  }
0x99b: {  	[tilespmem:s21+$0xFFFFFFA0] =	vst v10;
	v3 =	vmul.f32 v8, v3  }
0x99c: {  	[tilespmem:s21+$0xFFFFFFB0] =	vst v4;
	v2 =	vmul.f32 v6, v2  }
0x99d: {  	[tilespmem:s21+$0xFFFFFFC0] =	vst v3;
	v0 =	vmul.f32 v5, v0  }
0x99e: {  	[tilespmem:s21+$0xFFFFFFD0] =	vst v2;
	v1 =	vmul.f32 v7, v1  }
0x99f: {  	[tilespmem:s21+$0xFFFFFFE0] =	vst v0  }
0x9a0: {  	s22 =	simm.s32 $0x1C780;
	[tilespmem:s21+$0xFFFFFFF0] =	vst v1  }
0x9a1: {  	[tilespmem:s22], [sflag:$0x3] =	stream.linear.gather [hbm4b:s17+s3], $0x80, $0x38;
	[tilespmem:$0x1D700] =	vst v63  }
0x9a2: {  	s22 =	sld [smem:$0x73E];
	_ =	sdelay $0x1  }
0x9a3: {  	s23 =	simm.s32 $0x1C880  }
0x9a4: {  	[tilespmem:s23], [sflag:$0x3] =	stream.linear.gather [hbm4b:s22+s3], $0x80, $0x38;
	[tilespmem:$0x1D700] =	vst v63  }
0x9a5: {  	s23 =	sld [smem:$0x73F];
	_ =	sdelay $0x1  }
0x9a6: {  	s22 =	simm.s32 $0x1C980  }
0x9a7: {  	[tilespmem:s22], [sflag:$0x3] =	stream.linear.gather [hbm4b:s23+s3], $0x80, $0x38;
	[tilespmem:$0x1D700] =	vst v63  }
0x9a8: {  	s23 =	sld [smem:$0x740];
	_ =	sdelay $0x1  }
0x9a9: {  	s22 =	simm.s32 $0x1CA80  }
0x9aa: {  	[tilespmem:s22], [sflag:$0x3] =	stream.linear.gather [hbm4b:s23+s3], $0x80, $0x38;
	[tilespmem:$0x1D700] =	vst v63  }
0x9ab: {  	s23 =	sld [smem:$0x741];
	_ =	sdelay $0x1  }
0x9ac: {  	s22 =	simm.s32 $0x1CB80  }
0x9ad: {  	[tilespmem:s22], [sflag:$0x3] =	stream.linear.gather [hbm4b:s23+s3], $0x80, $0x38;
	[tilespmem:$0x1D700] =	vst v63  }
0x9ae: {  	s22 =	sld [smem:$0x742];
	_ =	sdelay $0x1  }
0x9af: {  	s23 =	sld [smem:$0x743]  }
0x9b0: {  	[tilespmem:s24], [sflag:$0x3] =	stream.linear.gather [hbm4b:s22+s3], $0x80, $0x38;
	[tilespmem:$0x1D700] =	vst v63  }
0x9b1: {  	s22 =	sld [smem:$0x744]  }
0x9b2: {  	[tilespmem:s25], [sflag:$0x3] =	stream.linear.gather [hbm4b:s23+s3], $0x80, $0x38;
	[tilespmem:$0x1D700] =	vst v63  }
0x9b3: {  	s23 =	sld [smem:$0x745]  }
0x9b4: {  	[tilespmem:s26], [sflag:$0x3] =	stream.linear.gather [hbm4b:s22+s3], $0x80, $0x38;
	[tilespmem:$0x1D700] =	vst v63  }
0x9b5: {  	s22 =	sld [smem:$0x746]  }
0x9b6: {  	[tilespmem:s28], [sflag:$0x3] =	stream.linear.gather [hbm4b:s23+s3], $0x80, $0x38;
	[tilespmem:$0x1D700] =	vst v63  }
0x9b7: {  	s23 =	sld [smem:$0x747]  }
0x9b8: {  	[tilespmem:s29], [sflag:$0x3] =	stream.linear.gather [hbm4b:s22+s3], $0x80, $0x38;
	[tilespmem:$0x1D700] =	vst v63  }
0x9b9: {  	s22 =	sld [smem:$0x748]  }
0x9ba: {  	[tilespmem:s30], [sflag:$0x3] =	stream.linear.gather [hbm4b:s23+s3], $0x80, $0x38;
	[tilespmem:$0x1D700] =	vst v63  }
0x9bb: {  	s23 =	sld [smem:$0x749]  }
0x9bc: {  	[tilespmem:s31], [sflag:$0x3] =	stream.linear.gather [hbm4b:s22+s3], $0x80, $0x38;
	[tilespmem:$0x1D700] =	vst v63  }
0x9bd: {  	s22 =	sld [smem:$0x74A]  }
0x9be: {  	[tilespmem:s0], [sflag:$0x3] =	stream.linear.gather [hbm4b:s23+s3], $0x80, $0x38;
	[tilespmem:$0x1D700] =	vst v63  }
0x9bf: {  	s23 =	sld [smem:$0x74B]  }
0x9c0: {  	[tilespmem:s2], [sflag:$0x3] =	stream.linear.gather [hbm4b:s22+s3], $0x80, $0x38;
	[tilespmem:$0x1D700] =	vst v63  }
0x9c1: {  	s22 =	sld [smem:$0x74C]  }
0x9c2: {  	[tilespmem:s5], [sflag:$0x3] =	stream.linear.gather [hbm4b:s23+s3], $0x80, $0x38;
	[tilespmem:$0x1D700] =	vst v63  }
0x9c3: {  	_ = 	snop  }
0x9c4: {  	[tilespmem:s4], [sflag:$0x3] =	stream.linear.gather [hbm4b:s22+s3], $0x80, $0x38;
	[tilespmem:$0x1D700] =	vst v63  }
0x9c5: {  	_ =	swait.ge [sflag:s19], $0x800  }
0x9c6: {  	[sflag:s19] =	ssyncset.done $0x0  }
0x9c7: {  	s23 =	simm.s32 $0x1C740;
	[sflag:s19] =	ssyncadd.s32 $0xFFFFF800  }
0x9c8: {  	v0 =	vld [tilespmem:s23+$0x30]  }
0x9c9: {  	v1 =	vld [tilespmem:s23+$0xFFFFFFD0]  }
0x9ca: {  	v2 =	vld [tilespmem:s23+$0xFFFFFFE0]  }
0x9cb: {  	v3 =	vld [tilespmem:s23+$0xFFFFFFF0]  }
0x9cc: {  	v5 =	vld [tilespmem:s23+$0x0]  }
0x9cd: {  	v6 =	vld [tilespmem:s23+$0x10]  }
0x9ce: {  	v7 =	vld [tilespmem:s23+$0x20]  }
0x9cf: {  	s21 =	simm.s32 $0x1A770;
	v8 =	vld [tilespmem:s23+$0xFFFFFFC0]  }
0x9d0: {  	v11 =	vld [tilespmem:s21+$0x0]  }
0x9d1: {  	v14 =	vld [tilespmem:s21+$0xFFFFFFA0]  }
0x9d2: {  	v9 =	vld [tilespmem:s21+$0xFFFFFFB0]  }
0x9d3: {  	v10 =	vld.idx.msk [tilespmem:v0+s3+$0x0], $0xffff  }
0x9d4: {  	v12 =	vld.idx.msk [tilespmem:v1+s3+$0x0], $0xffff  }
0x9d5: {  	v4 =	vld.idx.msk [tilespmem:v2+s3+$0x0], $0xffff  }
0x9d6: {  	v3 =	vld.idx.msk [tilespmem:v3+s3+$0x0], $0xffff  }
0x9d7: {  	v13 =	vld.idx.msk [tilespmem:v8+s3+$0x0], $0xffff  }
0x9d8: {  	v1 =	vld.idx.msk [tilespmem:v7+s3+$0x0], $0xffff  }
0x9d9: {  	v7 =	vld [tilespmem:s21+$0xFFFFFF90]  }
0x9da: {  	v2 =	vld.idx.msk [tilespmem:v5+s3+$0x0], $0xffff  }
0x9db: {  	v0 =	vld.idx.msk [tilespmem:v6+s3+$0x0], $0xffff  }
0x9dc: {  	v8 =	vld [tilespmem:s21+$0xFFFFFFC0]  }
0x9dd: {  	v6 =	vld [tilespmem:s21+$0xFFFFFFD0];
	v10 =	vmul.f32 v11, v10  }
0x9de: {  	v5 =	vld [tilespmem:s21+$0xFFFFFFE0];
	v11 =	vmul.f32 v7, v13  }
0x9df: {  	s22 =	simm.s32 $0x0;
	s23 =	simm.s32 $0x1C840;
	v7 =	vld [tilespmem:s21+$0xFFFFFFF0];
	[tilespmem:s21+$0x0] =	vst v10;
	v10 =	vmul.f32 v14, v12  }
.LBB2_58:
0x9e0: {  	v12 =	vld [tilespmem:s23+$0x30];
	s22 =	sadd.s32 $0x8, s22;
	[tilespmem:s21+$0xFFFFFF90] =	vst v11;
	v4 =	vmul.f32 v9, v4  }
0x9e1: {  	v9 =	vld [tilespmem:s23+$0xFFFFFFD0];
	p0 =	slt.u32 s22, $0x78;
	[tilespmem:s21+$0xFFFFFFA0] =	vst v10;
	v3 =	vmul.f32 v8, v3  }
0x9e2: {  	v8 =	vld [tilespmem:s23+$0xFFFFFFE0];
	[tilespmem:s21+$0xFFFFFFB0] =	vst v4;
	v2 =	vmul.f32 v6, v2  }
0x9e3: {  	v6 =	vld [tilespmem:s23+$0xFFFFFFF0];
	[tilespmem:s21+$0xFFFFFFC0] =	vst v3;
	v0 =	vmul.f32 v5, v0  }
0x9e4: {  	v5 =	vld [tilespmem:s23+$0x0];
	[tilespmem:s21+$0xFFFFFFD0] =	vst v2;
	v1 =	vmul.f32 v7, v1  }
0x9e5: {  	v7 =	vld [tilespmem:s23+$0x10];
	[tilespmem:s21+$0xFFFFFFE0] =	vst v0  }
0x9e6: {  	v10 =	vld [tilespmem:s23+$0x20];
	[tilespmem:s21+$0xFFFFFFF0] =	vst v1  }
0x9e7: {  	v1 =	vld [tilespmem:s23+$0xFFFFFFC0]  }
0x9e8: {  	s21 =	sadd.s32 $0x80, s21;
	v11 =	vld.idx.msk [tilespmem:v12+s3+$0x0], $0xffff  }
0x9e9: {  	v12 =	vld [tilespmem:s21+$0x0]  }
0x9ea: {  	v13 =	vld.idx.msk [tilespmem:v9+s3+$0x0], $0xffff  }
0x9eb: {  	v4 =	vld.idx.msk [tilespmem:v8+s3+$0x0], $0xffff  }
0x9ec: {  	v3 =	vld.idx.msk [tilespmem:v6+s3+$0x0], $0xffff  }
0x9ed: {  	v2 =	vld.idx.msk [tilespmem:v5+s3+$0x0], $0xffff  }
0x9ee: {  	v0 =	vld.idx.msk [tilespmem:v7+s3+$0x0], $0xffff;
	v5 =	vmul.f32 v12, v11  }
0x9ef: {  	v7 =	vld.idx.msk [tilespmem:v1+s3+$0x0], $0xffff  }
0x9f0: {  	v1 =	vld.idx.msk [tilespmem:v10+s3+$0x0], $0xffff;
	[tilespmem:s21+$0x0] =	vst v5  }
0x9f1: {  	v5 =	vld [tilespmem:s21+$0xFFFFFF90]  }
0x9f2: {  	v10 =	vld [tilespmem:s21+$0xFFFFFFA0]  }
.Ltmp28:
0x9f3: {  	v9 =	vld [tilespmem:s21+$0xFFFFFFB0];
	(pc) =	sbr.rel @p0 .LBB2_58-.Ltmp28, $4  }
0x9f4: {  	v8 =	vld [tilespmem:s21+$0xFFFFFFC0]  }
0x9f5: {  	v6 =	vld [tilespmem:s21+$0xFFFFFFD0]  }
0x9f6: {  	v11 =	vmul.f32 v5, v7;
	v5 =	vld [tilespmem:s21+$0xFFFFFFE0]  }
0x9f7: {  	s23 =	sadd.s32 $0x100, s23;
	v10 =	vmul.f32 v10, v13;
	v7 =	vld [tilespmem:s21+$0xFFFFFFF0]  }
0x9f8: {  	[tilespmem:s21+$0xFFFFFF90] =	vst v11;
	v4 =	vmul.f32 v9, v4  }
0x9f9: {  	[tilespmem:s21+$0xFFFFFFA0] =	vst v10;
	v3 =	vmul.f32 v8, v3  }
0x9fa: {  	[tilespmem:s21+$0xFFFFFFB0] =	vst v4;
	v2 =	vmul.f32 v6, v2  }
0x9fb: {  	[tilespmem:s21+$0xFFFFFFC0] =	vst v3;
	v0 =	vmul.f32 v5, v0  }
0x9fc: {  	[tilespmem:s21+$0xFFFFFFD0] =	vst v2;
	v1 =	vmul.f32 v7, v1  }
0x9fd: {  	[tilespmem:s21+$0xFFFFFFE0] =	vst v0  }
0x9fe: {  	s22 =	simm.s32 $0x1C700;
	[tilespmem:s21+$0xFFFFFFF0] =	vst v1  }
0x9ff: {  	[tilespmem:s22], [sflag:$0x2] =	stream.linear.gather [hbm4b:s18+s3], $0x80, $0x38;
	[tilespmem:$0x1D700] =	vst v63  }
0xa00: {  	s22 =	sld [smem:$0x72F];
	_ =	sdelay $0x1  }
0xa01: {  	s23 =	simm.s32 $0x1C800  }
0xa02: {  	[tilespmem:s23], [sflag:$0x2] =	stream.linear.gather [hbm4b:s22+s3], $0x80, $0x38;
	[tilespmem:$0x1D700] =	vst v63  }
0xa03: {  	s23 =	sld [smem:$0x730];
	_ =	sdelay $0x1  }
0xa04: {  	s22 =	simm.s32 $0x1C900  }
0xa05: {  	[tilespmem:s22], [sflag:$0x2] =	stream.linear.gather [hbm4b:s23+s3], $0x80, $0x38;
	[tilespmem:$0x1D700] =	vst v63  }
0xa06: {  	s23 =	sld [smem:$0x731];
	_ =	sdelay $0x1  }
0xa07: {  	s22 =	simm.s32 $0x1CA00  }
0xa08: {  	[tilespmem:s22], [sflag:$0x2] =	stream.linear.gather [hbm4b:s23+s3], $0x80, $0x38;
	[tilespmem:$0x1D700] =	vst v63  }
0xa09: {  	s23 =	sld [smem:$0x732];
	_ =	sdelay $0x1  }
0xa0a: {  	s22 =	simm.s32 $0x1CB00  }
0xa0b: {  	[tilespmem:s22], [sflag:$0x2] =	stream.linear.gather [hbm4b:s23+s3], $0x80, $0x38;
	[tilespmem:$0x1D700] =	vst v63  }
0xa0c: {  	s23 =	sld [smem:$0x733];
	_ =	sdelay $0x1  }
0xa0d: {  	s22 =	simm.s32 $0x1CC00  }
0xa0e: {  	[tilespmem:s22], [sflag:$0x2] =	stream.linear.gather [hbm4b:s23+s3], $0x80, $0x38;
	[tilespmem:$0x1D700] =	vst v63  }
0xa0f: {  	s23 =	sld [smem:$0x734];
	_ =	sdelay $0x1  }
0xa10: {  	s22 =	simm.s32 $0x1CD00  }
0xa11: {  	[tilespmem:s22], [sflag:$0x2] =	stream.linear.gather [hbm4b:s23+s3], $0x80, $0x38;
	[tilespmem:$0x1D700] =	vst v63  }
0xa12: {  	s23 =	sld [smem:$0x735];
	_ =	sdelay $0x1  }
0xa13: {  	s22 =	simm.s32 $0x1CE00  }
0xa14: {  	[tilespmem:s22], [sflag:$0x2] =	stream.linear.gather [hbm4b:s23+s3], $0x80, $0x38;
	[tilespmem:$0x1D700] =	vst v63  }
0xa15: {  	s23 =	sld [smem:$0x736];
	_ =	sdelay $0x1  }
0xa16: {  	s22 =	simm.s32 $0x1CF00  }
0xa17: {  	[tilespmem:s22], [sflag:$0x2] =	stream.linear.gather [hbm4b:s23+s3], $0x80, $0x38;
	[tilespmem:$0x1D700] =	vst v63  }
0xa18: {  	s23 =	sld [smem:$0x737];
	_ =	sdelay $0x1  }
0xa19: {  	s22 =	simm.s32 $0x1D000  }
0xa1a: {  	[tilespmem:s22], [sflag:$0x2] =	stream.linear.gather [hbm4b:s23+s3], $0x80, $0x38;
	[tilespmem:$0x1D700] =	vst v63  }
0xa1b: {  	s23 =	sld [smem:$0x738];
	_ =	sdelay $0x1  }
0xa1c: {  	s22 =	simm.s32 $0x1D100  }
0xa1d: {  	[tilespmem:s22], [sflag:$0x2] =	stream.linear.gather [hbm4b:s23+s3], $0x80, $0x38;
	[tilespmem:$0x1D700] =	vst v63  }
0xa1e: {  	s23 =	sld [smem:$0x739];
	_ =	sdelay $0x1  }
0xa1f: {  	s22 =	simm.s32 $0x1D200  }
0xa20: {  	[tilespmem:s22], [sflag:$0x2] =	stream.linear.gather [hbm4b:s23+s3], $0x80, $0x38;
	[tilespmem:$0x1D700] =	vst v63  }
0xa21: {  	s23 =	sld [smem:$0x73A];
	_ =	sdelay $0x1  }
0xa22: {  	s22 =	simm.s32 $0x1D300  }
0xa23: {  	[tilespmem:s22], [sflag:$0x2] =	stream.linear.gather [hbm4b:s23+s3], $0x80, $0x38;
	[tilespmem:$0x1D700] =	vst v63  }
0xa24: {  	s23 =	sld [smem:$0x73B];
	_ =	sdelay $0x1  }
0xa25: {  	s22 =	simm.s32 $0x1D400  }
0xa26: {  	[tilespmem:s22], [sflag:$0x2] =	stream.linear.gather [hbm4b:s23+s3], $0x80, $0x38;
	[tilespmem:$0x1D700] =	vst v63  }
0xa27: {  	s23 =	sld [smem:$0x73C];
	_ =	sdelay $0x1  }
0xa28: {  	s22 =	simm.s32 $0x1D500  }
0xa29: {  	[tilespmem:s22], [sflag:$0x2] =	stream.linear.gather [hbm4b:s23+s3], $0x80, $0x38;
	[tilespmem:$0x1D700] =	vst v63  }
0xa2a: {  	s23 =	sld [smem:$0x73D];
	_ =	sdelay $0x1  }
0xa2b: {  	s22 =	simm.s32 $0x1D600  }
0xa2c: {  	[tilespmem:s22], [sflag:$0x2] =	stream.linear.gather [hbm4b:s23+s3], $0x80, $0x38;
	[tilespmem:$0x1D700] =	vst v63  }
0xa2d: {  	_ =	swait.ge [sflag:s20], $0x800  }
0xa2e: {  	[sflag:s20] =	ssyncset.done $0x0  }
0xa2f: {  	s23 =	simm.s32 $0x1C7F0;
	[sflag:s20] =	ssyncadd.s32 $0xFFFFF800  }
0xa30: {  	v0 =	vld [tilespmem:s23+$0x0]  }
0xa31: {  	v1 =	vld [tilespmem:s23+$0xFFFFFFA0]  }
0xa32: {  	v2 =	vld [tilespmem:s23+$0xFFFFFFB0]  }
0xa33: {  	v3 =	vld [tilespmem:s23+$0xFFFFFFC0]  }
0xa34: {  	v5 =	vld [tilespmem:s23+$0xFFFFFFD0]  }
0xa35: {  	v6 =	vld [tilespmem:s23+$0xFFFFFFE0]  }
0xa36: {  	v7 =	vld [tilespmem:s23+$0xFFFFFFF0]  }
0xa37: {  	s21 =	simm.s32 $0x1AF70;
	v8 =	vld [tilespmem:s23+$0xFFFFFF90]  }
0xa38: {  	v11 =	vld [tilespmem:s21+$0x0]  }
0xa39: {  	v14 =	vld [tilespmem:s21+$0xFFFFFFA0]  }
0xa3a: {  	v9 =	vld [tilespmem:s21+$0xFFFFFFB0]  }
0xa3b: {  	v10 =	vld.idx.msk [tilespmem:v0+s3+$0x0], $0xffff  }
0xa3c: {  	v12 =	vld.idx.msk [tilespmem:v1+s3+$0x0], $0xffff  }
0xa3d: {  	v4 =	vld.idx.msk [tilespmem:v2+s3+$0x0], $0xffff  }
0xa3e: {  	v3 =	vld.idx.msk [tilespmem:v3+s3+$0x0], $0xffff  }
0xa3f: {  	v13 =	vld.idx.msk [tilespmem:v8+s3+$0x0], $0xffff  }
0xa40: {  	v1 =	vld.idx.msk [tilespmem:v7+s3+$0x0], $0xffff  }
0xa41: {  	v7 =	vld [tilespmem:s21+$0xFFFFFF90]  }
0xa42: {  	v2 =	vld.idx.msk [tilespmem:v5+s3+$0x0], $0xffff  }
0xa43: {  	v0 =	vld.idx.msk [tilespmem:v6+s3+$0x0], $0xffff  }
0xa44: {  	v8 =	vld [tilespmem:s21+$0xFFFFFFC0]  }
0xa45: {  	v6 =	vld [tilespmem:s21+$0xFFFFFFD0];
	v10 =	vmul.f32 v11, v10  }
0xa46: {  	v5 =	vld [tilespmem:s21+$0xFFFFFFE0];
	v11 =	vmul.f32 v7, v13  }
0xa47: {  	s22 =	simm.s32 $0x0;
	s23 =	simm.s32 $0x1C8F0;
	v7 =	vld [tilespmem:s21+$0xFFFFFFF0];
	[tilespmem:s21+$0x0] =	vst v10;
	v10 =	vmul.f32 v14, v12  }
.LBB2_60:
0xa48: {  	v12 =	vld [tilespmem:s23+$0x0];
	s22 =	sadd.s32 $0x8, s22;
	[tilespmem:s21+$0xFFFFFF90] =	vst v11;
	v4 =	vmul.f32 v9, v4  }
0xa49: {  	v9 =	vld [tilespmem:s23+$0xFFFFFFA0];
	p0 =	slt.u32 s22, $0x78;
	[tilespmem:s21+$0xFFFFFFA0] =	vst v10;
	v3 =	vmul.f32 v8, v3  }
0xa4a: {  	v8 =	vld [tilespmem:s23+$0xFFFFFFB0];
	[tilespmem:s21+$0xFFFFFFB0] =	vst v4;
	v2 =	vmul.f32 v6, v2  }
0xa4b: {  	v6 =	vld [tilespmem:s23+$0xFFFFFFC0];
	[tilespmem:s21+$0xFFFFFFC0] =	vst v3;
	v0 =	vmul.f32 v5, v0  }
0xa4c: {  	v5 =	vld [tilespmem:s23+$0xFFFFFFD0];
	[tilespmem:s21+$0xFFFFFFD0] =	vst v2;
	v1 =	vmul.f32 v7, v1  }
0xa4d: {  	v7 =	vld [tilespmem:s23+$0xFFFFFFE0];
	[tilespmem:s21+$0xFFFFFFE0] =	vst v0  }
0xa4e: {  	v10 =	vld [tilespmem:s23+$0xFFFFFFF0];
	[tilespmem:s21+$0xFFFFFFF0] =	vst v1  }
0xa4f: {  	v1 =	vld [tilespmem:s23+$0xFFFFFF90]  }
0xa50: {  	s21 =	sadd.s32 $0x80, s21;
	v11 =	vld.idx.msk [tilespmem:v12+s3+$0x0], $0xffff  }
0xa51: {  	v12 =	vld [tilespmem:s21+$0x0]  }
0xa52: {  	v13 =	vld.idx.msk [tilespmem:v9+s3+$0x0], $0xffff  }
0xa53: {  	v4 =	vld.idx.msk [tilespmem:v8+s3+$0x0], $0xffff  }
0xa54: {  	v3 =	vld.idx.msk [tilespmem:v6+s3+$0x0], $0xffff  }
0xa55: {  	v2 =	vld.idx.msk [tilespmem:v5+s3+$0x0], $0xffff  }
0xa56: {  	v0 =	vld.idx.msk [tilespmem:v7+s3+$0x0], $0xffff;
	v5 =	vmul.f32 v12, v11  }
0xa57: {  	v7 =	vld.idx.msk [tilespmem:v1+s3+$0x0], $0xffff  }
0xa58: {  	v1 =	vld.idx.msk [tilespmem:v10+s3+$0x0], $0xffff;
	[tilespmem:s21+$0x0] =	vst v5  }
0xa59: {  	v5 =	vld [tilespmem:s21+$0xFFFFFF90]  }
0xa5a: {  	v10 =	vld [tilespmem:s21+$0xFFFFFFA0]  }
.Ltmp29:
0xa5b: {  	v9 =	vld [tilespmem:s21+$0xFFFFFFB0];
	(pc) =	sbr.rel @p0 .LBB2_60-.Ltmp29, $4  }
0xa5c: {  	v8 =	vld [tilespmem:s21+$0xFFFFFFC0]  }
0xa5d: {  	v6 =	vld [tilespmem:s21+$0xFFFFFFD0]  }
0xa5e: {  	v11 =	vmul.f32 v5, v7;
	v5 =	vld [tilespmem:s21+$0xFFFFFFE0]  }
0xa5f: {  	s23 =	sadd.s32 $0x100, s23;
	v10 =	vmul.f32 v10, v13;
	v7 =	vld [tilespmem:s21+$0xFFFFFFF0]  }
0xa60: {  	[tilespmem:s21+$0xFFFFFF90] =	vst v11;
	v4 =	vmul.f32 v9, v4  }
0xa61: {  	[tilespmem:s21+$0xFFFFFFA0] =	vst v10;
	v3 =	vmul.f32 v8, v3  }
0xa62: {  	[tilespmem:s21+$0xFFFFFFB0] =	vst v4;
	v2 =	vmul.f32 v6, v2  }
0xa63: {  	[tilespmem:s21+$0xFFFFFFC0] =	vst v3;
	v0 =	vmul.f32 v5, v0  }
0xa64: {  	[tilespmem:s21+$0xFFFFFFD0] =	vst v2;
	v1 =	vmul.f32 v7, v1  }
0xa65: {  	[tilespmem:s21+$0xFFFFFFE0] =	vst v0  }
0xa66: {  	s22 =	simm.s32 $0x1C780;
	[tilespmem:s21+$0xFFFFFFF0] =	vst v1  }
0xa67: {  	[tilespmem:s22], [sflag:$0x3] =	stream.linear.gather [hbm4b:s1+s3], $0x80, $0x38;
	[tilespmem:$0x1D700] =	vst v63  }
0xa68: {  	s22 =	sld [smem:$0x720];
	_ =	sdelay $0x1  }
0xa69: {  	s23 =	simm.s32 $0x1C880  }
0xa6a: {  	[tilespmem:s23], [sflag:$0x3] =	stream.linear.gather [hbm4b:s22+s3], $0x80, $0x38;
	[tilespmem:$0x1D700] =	vst v63  }
0xa6b: {  	s23 =	sld [smem:$0x721];
	_ =	sdelay $0x1  }
0xa6c: {  	s22 =	simm.s32 $0x1C980  }
0xa6d: {  	[tilespmem:s22], [sflag:$0x3] =	stream.linear.gather [hbm4b:s23+s3], $0x80, $0x38;
	[tilespmem:$0x1D700] =	vst v63  }
0xa6e: {  	s23 =	sld [smem:$0x722];
	_ =	sdelay $0x1  }
0xa6f: {  	s22 =	simm.s32 $0x1CA80  }
0xa70: {  	[tilespmem:s22], [sflag:$0x3] =	stream.linear.gather [hbm4b:s23+s3], $0x80, $0x38;
	[tilespmem:$0x1D700] =	vst v63  }
0xa71: {  	s23 =	sld [smem:$0x723];
	_ =	sdelay $0x1  }
0xa72: {  	s22 =	simm.s32 $0x1CB80  }
0xa73: {  	[tilespmem:s22], [sflag:$0x3] =	stream.linear.gather [hbm4b:s23+s3], $0x80, $0x38;
	[tilespmem:$0x1D700] =	vst v63  }
0xa74: {  	s22 =	sld [smem:$0x724];
	_ =	sdelay $0x1  }
0xa75: {  	s23 =	sld [smem:$0x725]  }
0xa76: {  	[tilespmem:s24], [sflag:$0x3] =	stream.linear.gather [hbm4b:s22+s3], $0x80, $0x38;
	[tilespmem:$0x1D700] =	vst v63  }
0xa77: {  	s24 =	sld [smem:$0x726]  }
0xa78: {  	[tilespmem:s25], [sflag:$0x3] =	stream.linear.gather [hbm4b:s23+s3], $0x80, $0x38;
	[tilespmem:$0x1D700] =	vst v63  }
0xa79: {  	s25 =	sld [smem:$0x727]  }
0xa7a: {  	[tilespmem:s26], [sflag:$0x3] =	stream.linear.gather [hbm4b:s24+s3], $0x80, $0x38;
	[tilespmem:$0x1D700] =	vst v63  }
0xa7b: {  	s22 =	sld [smem:$0x728]  }
0xa7c: {  	[tilespmem:s28], [sflag:$0x3] =	stream.linear.gather [hbm4b:s25+s3], $0x80, $0x38;
	[tilespmem:$0x1D700] =	vst v63  }
0xa7d: {  	s23 =	sld [smem:$0x729]  }
0xa7e: {  	[tilespmem:s29], [sflag:$0x3] =	stream.linear.gather [hbm4b:s22+s3], $0x80, $0x38;
	[tilespmem:$0x1D700] =	vst v63  }
0xa7f: {  	s24 =	sld [smem:$0x72A]  }
0xa80: {  	[tilespmem:s30], [sflag:$0x3] =	stream.linear.gather [hbm4b:s23+s3], $0x80, $0x38;
	[tilespmem:$0x1D700] =	vst v63  }
0xa81: {  	s25 =	sld [smem:$0x72B]  }
0xa82: {  	[tilespmem:s31], [sflag:$0x3] =	stream.linear.gather [hbm4b:s24+s3], $0x80, $0x38;
	[tilespmem:$0x1D700] =	vst v63  }
0xa83: {  	s22 =	sld [smem:$0x72C]  }
0xa84: {  	[tilespmem:s0], [sflag:$0x3] =	stream.linear.gather [hbm4b:s25+s3], $0x80, $0x38;
	[tilespmem:$0x1D700] =	vst v63  }
0xa85: {  	s23 =	sld [smem:$0x72D]  }
0xa86: {  	[tilespmem:s2], [sflag:$0x3] =	stream.linear.gather [hbm4b:s22+s3], $0x80, $0x38;
	[tilespmem:$0x1D700] =	vst v63  }
0xa87: {  	s24 =	sld [smem:$0x72E]  }
0xa88: {  	[tilespmem:s5], [sflag:$0x3] =	stream.linear.gather [hbm4b:s23+s3], $0x80, $0x38;
	[tilespmem:$0x1D700] =	vst v63  }
0xa89: {  	_ = 	snop  }
0xa8a: {  	[tilespmem:s4], [sflag:$0x3] =	stream.linear.gather [hbm4b:s24+s3], $0x80, $0x38;
	[tilespmem:$0x1D700] =	vst v63  }
0xa8b: {  	_ =	swait.ge [sflag:s19], $0x800  }
0xa8c: {  	[sflag:s19] =	ssyncset.done $0x0  }
0xa8d: {  	s25 =	simm.s32 $0x1C740;
	[sflag:s19] =	ssyncadd.s32 $0xFFFFF800  }
0xa8e: {  	v0 =	vld [tilespmem:s25+$0x30]  }
0xa8f: {  	v1 =	vld [tilespmem:s25+$0xFFFFFFD0]  }
0xa90: {  	v2 =	vld [tilespmem:s25+$0xFFFFFFE0]  }
0xa91: {  	v3 =	vld [tilespmem:s25+$0xFFFFFFF0]  }
0xa92: {  	v5 =	vld [tilespmem:s25+$0x0]  }
0xa93: {  	v6 =	vld [tilespmem:s25+$0x10]  }
0xa94: {  	v7 =	vld [tilespmem:s25+$0x20]  }
0xa95: {  	s21 =	simm.s32 $0x1B770;
	v8 =	vld [tilespmem:s25+$0xFFFFFFC0]  }
0xa96: {  	v11 =	vld [tilespmem:s21+$0x0]  }
0xa97: {  	v14 =	vld [tilespmem:s21+$0xFFFFFFA0]  }
0xa98: {  	v9 =	vld [tilespmem:s21+$0xFFFFFFB0]  }
0xa99: {  	v10 =	vld.idx.msk [tilespmem:v0+s3+$0x0], $0xffff  }
0xa9a: {  	v12 =	vld.idx.msk [tilespmem:v1+s3+$0x0], $0xffff  }
0xa9b: {  	v4 =	vld.idx.msk [tilespmem:v2+s3+$0x0], $0xffff  }
0xa9c: {  	v3 =	vld.idx.msk [tilespmem:v3+s3+$0x0], $0xffff  }
0xa9d: {  	v13 =	vld.idx.msk [tilespmem:v8+s3+$0x0], $0xffff  }
0xa9e: {  	v1 =	vld.idx.msk [tilespmem:v7+s3+$0x0], $0xffff  }
0xa9f: {  	v7 =	vld [tilespmem:s21+$0xFFFFFF90]  }
0xaa0: {  	v2 =	vld.idx.msk [tilespmem:v5+s3+$0x0], $0xffff  }
0xaa1: {  	v0 =	vld.idx.msk [tilespmem:v6+s3+$0x0], $0xffff  }
0xaa2: {  	v8 =	vld [tilespmem:s21+$0xFFFFFFC0]  }
0xaa3: {  	v6 =	vld [tilespmem:s21+$0xFFFFFFD0];
	v10 =	vmul.f32 v11, v10  }
0xaa4: {  	v5 =	vld [tilespmem:s21+$0xFFFFFFE0];
	v11 =	vmul.f32 v7, v13  }
0xaa5: {  	s22 =	simm.s32 $0x0;
	s23 =	simm.s32 $0x1C840;
	v7 =	vld [tilespmem:s21+$0xFFFFFFF0];
	[tilespmem:s21+$0x0] =	vst v10;
	v10 =	vmul.f32 v14, v12  }
.LBB2_62:
0xaa6: {  	v12 =	vld [tilespmem:s23+$0x30];
	s22 =	sadd.s32 $0x8, s22;
	[tilespmem:s21+$0xFFFFFF90] =	vst v11;
	v4 =	vmul.f32 v9, v4  }
0xaa7: {  	v9 =	vld [tilespmem:s23+$0xFFFFFFD0];
	p0 =	slt.u32 s22, $0x78;
	[tilespmem:s21+$0xFFFFFFA0] =	vst v10;
	v3 =	vmul.f32 v8, v3  }
0xaa8: {  	v8 =	vld [tilespmem:s23+$0xFFFFFFE0];
	[tilespmem:s21+$0xFFFFFFB0] =	vst v4;
	v2 =	vmul.f32 v6, v2  }
0xaa9: {  	v6 =	vld [tilespmem:s23+$0xFFFFFFF0];
	[tilespmem:s21+$0xFFFFFFC0] =	vst v3;
	v0 =	vmul.f32 v5, v0  }
0xaaa: {  	v5 =	vld [tilespmem:s23+$0x0];
	[tilespmem:s21+$0xFFFFFFD0] =	vst v2;
	v1 =	vmul.f32 v7, v1  }
0xaab: {  	v7 =	vld [tilespmem:s23+$0x10];
	[tilespmem:s21+$0xFFFFFFE0] =	vst v0  }
0xaac: {  	v10 =	vld [tilespmem:s23+$0x20];
	[tilespmem:s21+$0xFFFFFFF0] =	vst v1  }
0xaad: {  	v1 =	vld [tilespmem:s23+$0xFFFFFFC0]  }
0xaae: {  	s21 =	sadd.s32 $0x80, s21;
	v11 =	vld.idx.msk [tilespmem:v12+s3+$0x0], $0xffff  }
0xaaf: {  	v12 =	vld [tilespmem:s21+$0x0]  }
0xab0: {  	v13 =	vld.idx.msk [tilespmem:v9+s3+$0x0], $0xffff  }
0xab1: {  	v4 =	vld.idx.msk [tilespmem:v8+s3+$0x0], $0xffff  }
0xab2: {  	v3 =	vld.idx.msk [tilespmem:v6+s3+$0x0], $0xffff  }
0xab3: {  	v2 =	vld.idx.msk [tilespmem:v5+s3+$0x0], $0xffff  }
0xab4: {  	v0 =	vld.idx.msk [tilespmem:v7+s3+$0x0], $0xffff;
	v5 =	vmul.f32 v12, v11  }
0xab5: {  	v7 =	vld.idx.msk [tilespmem:v1+s3+$0x0], $0xffff  }
0xab6: {  	v1 =	vld.idx.msk [tilespmem:v10+s3+$0x0], $0xffff;
	[tilespmem:s21+$0x0] =	vst v5  }
0xab7: {  	v5 =	vld [tilespmem:s21+$0xFFFFFF90]  }
0xab8: {  	v10 =	vld [tilespmem:s21+$0xFFFFFFA0]  }
.Ltmp30:
0xab9: {  	v9 =	vld [tilespmem:s21+$0xFFFFFFB0];
	(pc) =	sbr.rel @p0 .LBB2_62-.Ltmp30, $4  }
0xaba: {  	v8 =	vld [tilespmem:s21+$0xFFFFFFC0]  }
0xabb: {  	v6 =	vld [tilespmem:s21+$0xFFFFFFD0]  }
0xabc: {  	v11 =	vmul.f32 v5, v7;
	v5 =	vld [tilespmem:s21+$0xFFFFFFE0]  }
0xabd: {  	s23 =	sadd.s32 $0x100, s23;
	v10 =	vmul.f32 v10, v13;
	v7 =	vld [tilespmem:s21+$0xFFFFFFF0]  }
0xabe: {  	[tilespmem:s21+$0xFFFFFF90] =	vst v11;
	v4 =	vmul.f32 v9, v4  }
0xabf: {  	[tilespmem:s21+$0xFFFFFFA0] =	vst v10;
	v3 =	vmul.f32 v8, v3  }
0xac0: {  	[tilespmem:s21+$0xFFFFFFB0] =	vst v4;
	v2 =	vmul.f32 v6, v2  }
0xac1: {  	[tilespmem:s21+$0xFFFFFFC0] =	vst v3;
	v0 =	vmul.f32 v5, v0  }
0xac2: {  	[tilespmem:s21+$0xFFFFFFD0] =	vst v2;
	v1 =	vmul.f32 v7, v1  }
0xac3: {  	[tilespmem:s21+$0xFFFFFFE0] =	vst v0  }
0xac4: {  	[tilespmem:s21+$0xFFFFFFF0] =	vst v1  }
0xac5: {  	_ =	swait.ge [sflag:s20], $0x800  }
0xac6: {  	[sflag:s20] =	ssyncset.done $0x0  }
0xac7: {  	s25 =	simm.s32 $0x1C7F0;
	[sflag:s20] =	ssyncadd.s32 $0xFFFFF800  }
0xac8: {  	v0 =	vld [tilespmem:s25+$0x0]  }
0xac9: {  	v1 =	vld [tilespmem:s25+$0xFFFFFFA0]  }
0xaca: {  	v2 =	vld [tilespmem:s25+$0xFFFFFFB0]  }
0xacb: {  	v3 =	vld [tilespmem:s25+$0xFFFFFFC0]  }
0xacc: {  	v5 =	vld [tilespmem:s25+$0xFFFFFFD0]  }
0xacd: {  	v6 =	vld [tilespmem:s25+$0xFFFFFFE0]  }
0xace: {  	v7 =	vld [tilespmem:s25+$0xFFFFFFF0]  }
0xacf: {  	s21 =	simm.s32 $0x1BF70;
	v8 =	vld [tilespmem:s25+$0xFFFFFF90]  }
0xad0: {  	v11 =	vld [tilespmem:s21+$0x0]  }
0xad1: {  	v14 =	vld [tilespmem:s21+$0xFFFFFFA0]  }
0xad2: {  	v9 =	vld [tilespmem:s21+$0xFFFFFFB0]  }
0xad3: {  	v10 =	vld.idx.msk [tilespmem:v0+s3+$0x0], $0xffff  }
0xad4: {  	v12 =	vld.idx.msk [tilespmem:v1+s3+$0x0], $0xffff  }
0xad5: {  	v4 =	vld.idx.msk [tilespmem:v2+s3+$0x0], $0xffff  }
0xad6: {  	v3 =	vld.idx.msk [tilespmem:v3+s3+$0x0], $0xffff  }
0xad7: {  	v13 =	vld.idx.msk [tilespmem:v8+s3+$0x0], $0xffff  }
0xad8: {  	v1 =	vld.idx.msk [tilespmem:v7+s3+$0x0], $0xffff  }
0xad9: {  	v7 =	vld [tilespmem:s21+$0xFFFFFF90]  }
0xada: {  	v2 =	vld.idx.msk [tilespmem:v5+s3+$0x0], $0xffff  }
0xadb: {  	v0 =	vld.idx.msk [tilespmem:v6+s3+$0x0], $0xffff  }
0xadc: {  	v8 =	vld [tilespmem:s21+$0xFFFFFFC0]  }
0xadd: {  	v6 =	vld [tilespmem:s21+$0xFFFFFFD0];
	v10 =	vmul.f32 v11, v10  }
0xade: {  	v5 =	vld [tilespmem:s21+$0xFFFFFFE0];
	v11 =	vmul.f32 v7, v13  }
0xadf: {  	s22 =	simm.s32 $0x0;
	s23 =	simm.s32 $0x1C8F0;
	v7 =	vld [tilespmem:s21+$0xFFFFFFF0];
	[tilespmem:s21+$0x0] =	vst v10;
	v10 =	vmul.f32 v14, v12  }
.LBB2_64:
0xae0: {  	v12 =	vld [tilespmem:s23+$0x0];
	s22 =	sadd.s32 $0x8, s22;
	[tilespmem:s21+$0xFFFFFF90] =	vst v11;
	v4 =	vmul.f32 v9, v4  }
0xae1: {  	v9 =	vld [tilespmem:s23+$0xFFFFFFA0];
	p0 =	slt.u32 s22, $0x78;
	[tilespmem:s21+$0xFFFFFFA0] =	vst v10;
	v3 =	vmul.f32 v8, v3  }
0xae2: {  	v8 =	vld [tilespmem:s23+$0xFFFFFFB0];
	[tilespmem:s21+$0xFFFFFFB0] =	vst v4;
	v2 =	vmul.f32 v6, v2  }
0xae3: {  	v6 =	vld [tilespmem:s23+$0xFFFFFFC0];
	[tilespmem:s21+$0xFFFFFFC0] =	vst v3;
	v0 =	vmul.f32 v5, v0  }
0xae4: {  	v5 =	vld [tilespmem:s23+$0xFFFFFFD0];
	[tilespmem:s21+$0xFFFFFFD0] =	vst v2;
	v1 =	vmul.f32 v7, v1  }
0xae5: {  	v7 =	vld [tilespmem:s23+$0xFFFFFFE0];
	[tilespmem:s21+$0xFFFFFFE0] =	vst v0  }
0xae6: {  	v10 =	vld [tilespmem:s23+$0xFFFFFFF0];
	[tilespmem:s21+$0xFFFFFFF0] =	vst v1  }
0xae7: {  	v1 =	vld [tilespmem:s23+$0xFFFFFF90]  }
0xae8: {  	s21 =	sadd.s32 $0x80, s21;
	v11 =	vld.idx.msk [tilespmem:v12+s3+$0x0], $0xffff  }
0xae9: {  	v12 =	vld [tilespmem:s21+$0x0]  }
0xaea: {  	v13 =	vld.idx.msk [tilespmem:v9+s3+$0x0], $0xffff  }
0xaeb: {  	v4 =	vld.idx.msk [tilespmem:v8+s3+$0x0], $0xffff  }
0xaec: {  	v3 =	vld.idx.msk [tilespmem:v6+s3+$0x0], $0xffff  }
0xaed: {  	v2 =	vld.idx.msk [tilespmem:v5+s3+$0x0], $0xffff  }
0xaee: {  	v0 =	vld.idx.msk [tilespmem:v7+s3+$0x0], $0xffff;
	v5 =	vmul.f32 v12, v11  }
0xaef: {  	v7 =	vld.idx.msk [tilespmem:v1+s3+$0x0], $0xffff  }
0xaf0: {  	v1 =	vld.idx.msk [tilespmem:v10+s3+$0x0], $0xffff;
	[tilespmem:s21+$0x0] =	vst v5  }
0xaf1: {  	v5 =	vld [tilespmem:s21+$0xFFFFFF90]  }
0xaf2: {  	v10 =	vld [tilespmem:s21+$0xFFFFFFA0]  }
.Ltmp31:
0xaf3: {  	v9 =	vld [tilespmem:s21+$0xFFFFFFB0];
	(pc) =	sbr.rel @p0 .LBB2_64-.Ltmp31, $4  }
0xaf4: {  	v8 =	vld [tilespmem:s21+$0xFFFFFFC0]  }
0xaf5: {  	v6 =	vld [tilespmem:s21+$0xFFFFFFD0]  }
0xaf6: {  	v11 =	vmul.f32 v5, v7;
	v5 =	vld [tilespmem:s21+$0xFFFFFFE0]  }
0xaf7: {  	s23 =	sadd.s32 $0x100, s23;
	v10 =	vmul.f32 v10, v13;
	v7 =	vld [tilespmem:s21+$0xFFFFFFF0]  }
0xaf8: {  	[tilespmem:s21+$0xFFFFFF90] =	vst v11;
	v4 =	vmul.f32 v9, v4  }
0xaf9: {  	[tilespmem:s21+$0xFFFFFFA0] =	vst v10;
	v3 =	vmul.f32 v8, v3  }
0xafa: {  	[tilespmem:s21+$0xFFFFFFB0] =	vst v4;
	v2 =	vmul.f32 v6, v2  }
0xafb: {  	[tilespmem:s21+$0xFFFFFFC0] =	vst v3;
	v0 =	vmul.f32 v5, v0  }
0xafc: {  	[tilespmem:s21+$0xFFFFFFD0] =	vst v2;
	v1 =	vmul.f32 v7, v1  }
0xafd: {  	[tilespmem:s21+$0xFFFFFFE0] =	vst v0  }
0xafe: {  	s22 =	simm.s32 $0x80;
	[tilespmem:s21+$0xFFFFFFF0] =	vst v1  }
0xaff: {  	s23 =	simm.s32 $0x400;
	s24 =	simm.s32 $0x18700;
	s21 =	rddreg [dreg:$0xb]  }
0xb00: {  	[hbm4b:s21+s22] =	stream.strided.scatter [tilespmem:s24], [sflag:$0x4], $0x4000, s23, s22, $0x38;
	[tilespmem:$0x1D700] =	vst v63  }
0xb01: {  	s24 =	simm.s32 $0x4  }
0xb02: {  	_ =	swait.ge [sflag:s24], $0x4000  }
0xb03: {  	s25 =	sld [smem:$0x7FD];
	_ =	sdelay $0x2  }
0xb04: {  	s21 =	rddreg [dreg:$0xc];
	s25 =	sadd.s32 $0x1, s25  }
0xb05: {  	p0 =	sne.s32 s25, s21  }
.Ltmp32:
0xb06: {  	_ = 	snop;
	(pc) =	sbr.rel @p0 .LBB2_1-.Ltmp32, $4  }
0xb07: {  	_ = 	snop  }
0xb08: {  	[sflag:s24] =	ssyncset.done $0x0  }
0xb09: {  	[sflag:s24] =	ssyncadd.s32 $0xFFFFC000  }
0xb0a: {  	s24 =	simm.s32 $0x1CC80;
	[smem:$0x7FD] =	sst s25;
	s25 =	simm.s32 $0x1CD80  }
0xb0b: {  	_ =	sfence.sel $0x180000  }
0xb0c: {  	[bflag:$0x0] =	sbarrier.arrive $0xFFFF  }
0xb0d: {  	_ =	strace $0x90000047  }
0xb0e: {  	s0 =	stileid.u32;
	[bflag:$0x2] =	sbarrier.arrive $0xFFFF  }
0xb0f: {  	p0 =	sne.s32 s0, $0x0;
	s0 =	rddreg [dreg:$0x4]  }
0xb10: {  	s0 =	sadd.s32 @!p0 $0x100000, s0  }
0xb11: {  	[sflag:s0] =	ssyncadd.tile.s32 @!p0 $0x1;
	_ =	shalt  }
.Lfunc_end2:
_tile_overlayer_lowered:
.L_overlay_start_2:
0xb12: {  	(tag) =	ssettag $0x2  }
0xb13: {  	s0 =	rddreg [dreg:$0x0];
	s2 =	stileid.u32  }
0xb14: {  	s1 =	rddreg [dreg:$0x1];
	p0 =	sne.s32 s2, $0x0  }
0xb15: {  	s3 =	rddreg [dreg:$0x2];
	[bflag:$0x3] =	sbarrier.arrive $0xFFFF;
	s2 =	simm.s32 @!p0 $0x1C05  }
0xb16: {  	[timem:s3], [sflag:s2] =	dma.local @!p0 [hbm:s0], s1  }
0xb17: {  	s0 =	simm.s32 @!p0 $0x5  }
0xb18: {  	_ =	swait.ge @!p0 [sflag:s0], s1  }
0xb19: {  	s1 =	ssub.s32 @!p0 $0x0, s1;
	[sflag:s0] =	ssyncset.done @!p0 $0x0  }
0xb1a: {  	[sflag:s0] =	ssyncadd.s32 @!p0 s1  }
0xb1b: {  	[bflag:$0x3] =	sbarrier.arrive $0xFFFF  }
0xb1c: {  	_ =	shalt  }

</sc_bundles>
